<compile_context>
chip_gen: v7x
topology: tpu7x:2x2x1
jax: 0.10.2.dev20260603
libtpu: 0.0.44.dev20260713+nightly
codegen_flags: <defaults>
</compile_context>

<pallas_src>
import dataclasses
import functools

import jax
import jax.numpy as jnp
from jax import lax
from jax.experimental import pallas as pl
from jax.experimental.pallas import tpu as pltpu
from jax.experimental.pallas import tpu_sc as plsc

N = 10000
E = 160000
NC = 2
NS = 16
LANES = 16
RB = 1000

DR = 80


def _sc_mesh():
    return plsc.VectorSubcoreMesh(
        core_axis_name="c", subcore_axis_name="s", num_cores=NC, num_subcores=NS
    )


def _sc_params():
    cp = pltpu.CompilerParams()
    if "needs_layout_passes" in pltpu.CompilerParams.__dataclass_fields__:
        cp = dataclasses.replace(cp, needs_layout_passes=False)
    return cp




def _deg(dst):
    epw = E // (NC * NS)
    full = (epw // LANES) * LANES
    buf = full + LANES

    @functools.partial(
        pl.kernel,
        out_type=jax.ShapeDtypeStruct((NC * NS, DR, 128), jnp.float32),
        mesh=_sc_mesh(),
        scratch_types=[
            pltpu.VMEM((buf,), jnp.int32),
            pltpu.VMEM((DR, 128), jnp.float32),
        ],
        compiler_params=_sc_params(),
    )
    def k(dst_hbm, out_hbm, idx_v, part_v):
        ci = lax.axis_index("c")
        si = lax.axis_index("s")
        wid = si * NC + ci
        zeros = jnp.zeros((16,), jnp.float32)
        ones = jnp.ones((16,), jnp.float32)
        iota16 = lax.iota(jnp.int32, 16)

        @pl.loop(0, DR)
        def _(i):
            @pl.loop(0, 128, step=16)
            def _(j):
                part_v[i, pl.ds(j, 16)] = zeros

        pltpu.sync_copy(dst_hbm.at[pl.ds(wid * epw, epw)], idx_v.at[pl.ds(0, epw)])

        def bump(j, mask):
            v = idx_v[pl.ds(j, 16)]
            r = lax.shift_right_logical(v, 7)
            c = lax.bitwise_and(v, 127)
            plsc.addupdate_scatter(part_v, [r, c], ones, mask=mask)

        @pl.loop(0, full, step=16)
        def _(j):
            bump(j, iota16 < 16)

        bump(full, iota16 < (epw - full))

        pltpu.sync_copy(part_v, out_hbm.at[wid])

    return k(dst)




def _dis(parts):

    def body(p_ref, o_ref):
        o_ref[...] = lax.rsqrt(jnp.sum(p_ref[...], axis=0) + 1.0)

    return pl.pallas_call(
        body,
        out_shape=jax.ShapeDtypeStruct(parts.shape[1:], jnp.float32),
    )(parts)


def _mm(h, w, dis_col, cout):
    kin = h.shape[1]

    def body(h_ref, w_ref, d_ref, o_ref):
        acc = lax.dot_general(
            h_ref[...], w_ref[...], (((1,), (0,)), ((), ())),
            preferred_element_type=jnp.float32,
            precision=lax.Precision.DEFAULT,
        )
        o_ref[...] = acc * d_ref[...]

    return pl.pallas_call(
        body,
        grid=(N // RB, cout),
        in_specs=[
            pl.BlockSpec((RB, kin), lambda i, c: (i, 0)),
            pl.BlockSpec((kin, 128), lambda i, c: (0, c)),
            pl.BlockSpec((RB, 1), lambda i, c: (i, 0)),
        ],
        out_specs=pl.BlockSpec((RB, 128), lambda i, c: (c * (N // RB) + i, 0)),
        out_shape=jax.ShapeDtypeStruct((cout * N, 128), jnp.float32),
    )(h, w, dis_col)


def _mmact(raw3, b2d, w, dis_col, cout):
    cin = raw3.shape[0]
    kin = cin * 128

    def body(r_ref, b_ref, w_ref, d_ref, o_ref, h_sc):
        d = d_ref[...]

        @pl.when(pl.program_id(1) == 0)
        def _():
            for ci in range(cin):
                h_sc[:, ci * 128:(ci + 1) * 128] = jnp.maximum(
                    r_ref[ci] * d + b_ref[:, ci * 128:(ci + 1) * 128], 0.0
                )

        o_ref[...] = lax.dot_general(
            h_sc[...], w_ref[...], (((1,), (0,)), ((), ())),
            preferred_element_type=jnp.float32,
            precision=lax.Precision.DEFAULT,
        ) * d

    return pl.pallas_call(
        body,
        grid=(N // RB, cout),
        in_specs=[
            pl.BlockSpec((cin, RB, 128), lambda i, c: (0, i, 0)),
            pl.BlockSpec((1, kin), lambda i, c: (0, 0)),
            pl.BlockSpec((kin, 128), lambda i, c: (0, c)),
            pl.BlockSpec((RB, 1), lambda i, c: (i, 0)),
        ],
        out_specs=pl.BlockSpec((RB, 128), lambda i, c: (c * (N // RB) + i, 0)),
        out_shape=jax.ShapeDtypeStruct((cout * N, 128), jnp.float32),
        scratch_shapes=[pltpu.VMEM((RB, kin), jnp.float32)],
    )(raw3, b2d, w, dis_col)


def _act(raw, b2d, dis_col, cout):

    def body(r_ref, b_ref, d_ref, o_ref):
        o_ref[...] = jnp.maximum(r_ref[...] * d_ref[...] + b_ref[...], 0.0)

    return pl.pallas_call(
        body,
        grid=(N // RB, cout),
        in_specs=[
            pl.BlockSpec((RB, 128), lambda i, c: (c * (N // RB) + i, 0)),
            pl.BlockSpec((1, 128), lambda i, c: (0, c)),
            pl.BlockSpec((RB, 1), lambda i, c: (i, 0)),
        ],
        out_specs=pl.BlockSpec((RB, 128), lambda i, c: (i, c)),
        out_shape=jax.ShapeDtypeStruct((N, cout * 128), jnp.float32),
    )(raw, b2d, dis_col)



W_EDGES = 160
NWU = 60


def _agg(g, src, dst, cout):
    cpc = cout // NC

    @functools.partial(
        pl.kernel,
        out_type=jax.ShapeDtypeStruct((cout * N, 128), jnp.float32),
        mesh=_sc_mesh(),
        scratch_types=(
            [pltpu.VMEM((W_EDGES,), jnp.int32)] * 4
            + [pltpu.VMEM((W_EDGES,), jnp.int32)] * 4
            + [pltpu.VMEM((W_EDGES, 128), jnp.float32)] * 2
            + [pltpu.VMEM_SHARED((N, 128), jnp.float32)]
            + [pltpu.SemaphoreType.DMA] * 6
        ),
        compiler_params=_sc_params(),
    )
    def k(g_hbm, src_hbm, dst_hbm, out_hbm, s0, s1, s2, s3, d0, d1, d2, d3,
          r0, r1, acc_sh, i0, i1, i2, i3, gs0, gs1):
        ci = lax.axis_index("c")
        si = lax.axis_index("s")
        s_v, d_v = (s0, s1, s2, s3), (d0, d1, d2, d3)
        isems = (i0, i1, i2, i3)
        rows_v, gsems = (r0, r1), (gs0, gs1)
        nsl = 624
        nw = jnp.where(si < 8, 63, 62)
        base_e = jnp.where(si < 8, si * 63, 504 + (si - 8) * 62) * W_EDGES

        def prefetch(j, sl):
            e0 = base_e + j * W_EDGES
            pltpu.async_copy(src_hbm.at[pl.ds(e0, W_EDGES)], s_v[sl], isems[sl])
            pltpu.async_copy(dst_hbm.at[pl.ds(e0, W_EDGES)], d_v[sl], isems[sl])

        def launch(sl, row0, rb):
            pltpu.make_async_copy(
                src_hbm.at[pl.ds(0, W_EDGES)], s_v[sl], isems[sl]
            ).wait()
            pltpu.make_async_copy(
                dst_hbm.at[pl.ds(0, W_EDGES)], d_v[sl], isems[sl]
            ).wait()

            @pl.loop(0, W_EDGES, step=16)
            def _(t):
                s_v[sl][pl.ds(t, 16)] = s_v[sl][pl.ds(t, 16)] + row0

            pltpu.async_copy(g_hbm.at[s_v[sl]], rows_v[rb], gsems[rb])

        def complete(sl, rb):
            pltpu.make_async_copy(
                g_hbm.at[pl.ds(0, W_EDGES)], rows_v[rb], gsems[rb]
            ).wait()
            pltpu.sync_copy(rows_v[rb], acc_sh.at[d_v[sl]], add=True)

        for cc in range(cpc):
            c = ci * cpc + cc
            row0 = c * N

            @pl.when(si == 0)
            def _():
                pltpu.sync_copy(g_hbm.at[pl.ds(row0, 640)], acc_sh.at[pl.ds(0, 640)])

            @pl.when(si > 0)
            def _():
                off = 16 + si * nsl
                pltpu.sync_copy(
                    g_hbm.at[pl.ds(row0 + off, nsl)], acc_sh.at[pl.ds(off, nsl)]
                )

            plsc.subcore_barrier()

            prefetch(jnp.int32(0), 0)
            prefetch(jnp.int32(1), 1)
            launch(0, row0, 0)

            @pl.loop(0, NWU, step=4)
            def _(w):
                for b in range(4):
                    jj = w + b
                    prefetch(jj + 2, (b + 2) % 4)
                    launch((b + 1) % 4, row0, (b + 1) % 2)
                    complete(b, b % 2)

            @pl.when(62 < nw)
            def _():
                prefetch(jnp.int32(62), 2)

            launch(1, row0, 1)
            complete(0, 0)

            @pl.when(62 < nw)
            def _():
                launch(2, row0, 0)

            complete(1, 1)

            @pl.when(62 < nw)
            def _():
                complete(2, 0)

            plsc.subcore_barrier()

            @pl.when(si == 0)
            def _():
                pltpu.sync_copy(acc_sh.at[pl.ds(0, 640)], out_hbm.at[pl.ds(row0, 640)])

            @pl.when(si > 0)
            def _():
                off = 16 + si * nsl
                pltpu.sync_copy(
                    acc_sh.at[pl.ds(off, nsl)], out_hbm.at[pl.ds(row0 + off, nsl)]
                )

            plsc.subcore_barrier()

    return k(g, src, dst)




def kernel(x, edge_index, W1, b1, W2, b2, W3, b3):
    ei = edge_index.astype(jnp.int32)
    src, dst = ei[0], ei[1]

    parts = _deg(dst)
    dis2d = _dis(parts)
    dis_col = dis2d.reshape(DR * 128)[:N].reshape(N, 1)

    g = _mm(x, W1, dis_col, 4)
    raw = _agg(g, src, dst, 4)
    g = _mmact(raw.reshape(4, N, 128), b1.reshape(1, 512), W2, dis_col, 4)
    raw = _agg(g, src, dst, 4)
    g = _mmact(raw.reshape(4, N, 128), b2.reshape(1, 512), W3, dis_col, 2)
    raw = _agg(g, src, dst, 2)
    return _act(raw, b3.reshape(1, 256), dis_col, 2)

# --- scband reference (transcript-rebuilt; emitter-appended) ---
"""Pipeline reference for scband-graph-encoder-24189255811477 (READ-ONLY COPY).

The authoritative reference and input builder live on the scoring server;
editing this copy changes nothing except your own understanding.
"""

import jax, jax.numpy as jnp
import numpy as np

N_NODES = 10000
N_EDGES = 160000
IN_CH = 256
OUT_CH = 256
HID = 2 * OUT_CH


def setup_inputs(seed: int = 0) -> dict:
    key = jax.random.key(seed)
    ks = jax.random.split(key, 8)
    x = jax.random.normal(ks[0], (N_NODES, IN_CH), dtype=jnp.float32)
    edge_index = jax.random.randint(ks[1], (2, N_EDGES), 0, N_NODES, dtype=jnp.int64)
    # GCNConv weights: glorot-style init, biases zero (as in torch_geometric defaults)
    def glorot(k, shape):
        fan_in, fan_out = shape[0], shape[1]
        lim = jnp.sqrt(6.0 / (fan_in + fan_out))
        return jax.random.uniform(k, shape, minval=-lim, maxval=lim, dtype=jnp.float32)
    W1 = glorot(ks[2], (IN_CH, HID))
    b1 = jnp.zeros((HID,), dtype=jnp.float32)
    W2 = glorot(ks[3], (HID, HID))
    b2 = jnp.zeros((HID,), dtype=jnp.float32)
    W3 = glorot(ks[4], (HID, OUT_CH))
    b3 = jnp.zeros((OUT_CH,), dtype=jnp.float32)
    return {"x": x, "edge_index": edge_index, "W1": W1, "b1": b1, "W2": W2, "b2": b2, "W3": W3, "b3": b3}


def _gcn_conv(x, src, dst, deg_inv_sqrt, W, b):
    # h = X W, then symmetric-normalized scatter-add aggregation, then bias
    h = x @ W
    norm = deg_inv_sqrt[src] * deg_inv_sqrt[dst]
    msg = h[src] * norm[:, None]
    out = jnp.zeros((x.shape[0], h.shape[1]), dtype=h.dtype).at[dst].add(msg)
    return out + b


def reference(x, edge_index, W1, b1, W2, b2, W3, b3):
    n = x.shape[0]
    loop = jnp.arange(n, dtype=edge_index.dtype)
    src = jnp.concatenate([edge_index[0], loop])
    dst = jnp.concatenate([edge_index[1], loop])
    deg = jnp.zeros((n,), dtype=jnp.float32).at[dst].add(1.0)
    deg_inv_sqrt = 1.0 / jnp.sqrt(jnp.clip(deg, 1.0))
    h = _gcn_conv(x, src, dst, deg_inv_sqrt, W1, b1)
    h = jax.nn.relu(h)
    h = _gcn_conv(h, src, dst, deg_inv_sqrt, W2, b2)
    h = jax.nn.relu(h)
    h = _gcn_conv(h, src, dst, deg_inv_sqrt, W3, b3)
    h = jax.nn.relu(h)
    return h

if __name__ == "__main__":
    import jax
    _d = setup_inputs()
    print(jax.jit(kernel)(*tuple(_d.values())))

</pallas_src>

<mosaic_0001>
#map = affine_map<(d0, d1) -> (0, 0)>
#map1 = affine_map<(d0, d1) -> (0)>
module attributes {stable_mosaic.version = 14 : i64} {
  func.func @k(%arg0: i32, %arg1: i32, %arg2: memref<40000x128xf32, #tpu.memory_space<hbm>>, %arg3: memref<160000xi32, #tpu.memory_space<hbm>>, %arg4: memref<160000xi32, #tpu.memory_space<hbm>>, %arg5: memref<40000x128xf32, #tpu.memory_space<hbm>>, %arg6: memref<160xi32, #tpu.memory_space<vmem>>, %arg7: memref<160xi32, #tpu.memory_space<vmem>>, %arg8: memref<160xi32, #tpu.memory_space<vmem>>, %arg9: memref<160xi32, #tpu.memory_space<vmem>>, %arg10: memref<160xi32, #tpu.memory_space<vmem>>, %arg11: memref<160xi32, #tpu.memory_space<vmem>>, %arg12: memref<160xi32, #tpu.memory_space<vmem>>, %arg13: memref<160xi32, #tpu.memory_space<vmem>>, %arg14: memref<160x128xf32, #tpu.memory_space<vmem>>, %arg15: memref<160x128xf32, #tpu.memory_space<vmem>>, %arg16: memref<10000x128xf32, #tpu.memory_space<vmem_shared>>, %arg17: memref<!tpu.dma_semaphore, #tpu.memory_space<semaphore_mem>>, %arg18: memref<!tpu.dma_semaphore, #tpu.memory_space<semaphore_mem>>, %arg19: memref<!tpu.dma_semaphore, #tpu.memory_space<semaphore_mem>>, %arg20: memref<!tpu.dma_semaphore, #tpu.memory_space<semaphore_mem>>, %arg21: memref<!tpu.dma_semaphore, #tpu.memory_space<semaphore_mem>>, %arg22: memref<!tpu.dma_semaphore, #tpu.memory_space<semaphore_mem>>) attributes {dimension_semantics = [#tpu.dimension_semantics<core_parallel>, #tpu.dimension_semantics<subcore_parallel>], iteration_bounds = array<i64: 2, 16>, scalar_prefetch = 0 : i64, scratch_operands = 17 : i64, tpu.core_type = #tpu.core_type<sc_vector_subcore>, window_params = [{transform_indices = #map}, {transform_indices = #map1}, {transform_indices = #map1}, {transform_indices = #map}]} {
    %lt3A = arith.constant 8 : i32
    %lt3A_0 = arith.cmpi slt, %arg1, %lt3A : i32
    %jit3A = arith.constant 63 : i32
    %jit3A_1 = arith.constant 62 : i32
    %select_n3A = arith.select %lt3A_0, %jit3A, %jit3A_1 : i32
    %lt3A_2 = arith.constant 8 : i32
    %lt3A_3 = arith.cmpi slt, %arg1, %lt3A_2 : i32
    %mul3A = arith.constant 63 : i32
    %mul3A_4 = arith.muli %arg1, %mul3A : i32
    %sub3A = arith.constant 8 : i32
    %sub3A_5 = arith.subi %arg1, %sub3A : i32
    %mul3A_6 = arith.constant 62 : i32
    %mul3A_7 = arith.muli %sub3A_5, %mul3A_6 : i32
    %add3A = arith.constant 504 : i32
    %add3A_8 = arith.addi %add3A, %mul3A_7 : i32
    %select_n3A_9 = arith.select %lt3A_3, %mul3A_4, %add3A_8 : i32
    %mul3A_10 = arith.constant 160 : i32
    %mul3A_11 = arith.muli %select_n3A_9, %mul3A_10 : i32
    %mul3A_12 = arith.constant 2 : i32
    %mul3A_13 = arith.muli %arg0, %mul3A_12 : i32
    %add3A_14 = arith.constant 0 : i32
    %add3A_15 = arith.addi %mul3A_13, %add3A_14 : i32
    %mul3A_16 = arith.constant 10000 : i32
    %mul3A_17 = arith.muli %add3A_15, %mul3A_16 : i32
    %eq3A = arith.constant 0 : i32
    %eq3A_18 = arith.cmpi eq, %arg1, %eq3A : i32
    %convert_element_type3A = arith.extui %eq3A_18 : i1 to i32
    %cond3A = arith.constant 0 : i32
    %cond3A_19 = arith.cmpi ne, %convert_element_type3A, %cond3A : i32
    scf.if %cond3A_19 {
      "tpu.region"() ({
        %run_scoped3A = tpu.sem_alloc : memref<!tpu.dma_semaphore, #tpu.memory_space<semaphore_mem>>
        %dma_start3A_222 = arith.constant 0 : i32
        %dma_start3A_223 = arith.constant 0 : i32
        %dma_start3A_224 = tpu.memref_slice %arg16[%dma_start3A_222, %dma_start3A_223] : memref<10000x128xf32, #tpu.memory_space<vmem_shared>> -> memref<640x128xf32, #tpu.memory_space<vmem_shared>>
        %dma_start3A_225 = arith.constant 0 : i32
        %dma_start3A_226 = tpu.memref_slice %arg2[%mul3A_17, %dma_start3A_225] : memref<40000x128xf32, #tpu.memory_space<hbm>> -> memref<640x128xf32, #tpu.memory_space<hbm>>
        tpu.enqueue_dma source(%dma_start3A_226 : memref<640x128xf32, #tpu.memory_space<hbm>>) target(%dma_start3A_224 : memref<640x128xf32, #tpu.memory_space<vmem_shared>>) target_semaphore(%run_scoped3A : memref<!tpu.dma_semaphore, #tpu.memory_space<semaphore_mem>>)
        %dma_wait3A_227 = arith.constant 0 : i32
        %dma_wait3A_228 = arith.constant 0 : i32
        %dma_wait3A_229 = tpu.memref_slice %arg16[%dma_wait3A_227, %dma_wait3A_228] : memref<10000x128xf32, #tpu.memory_space<vmem_shared>> -> memref<640x128xf32, #tpu.memory_space<vmem_shared>>
        %dma_wait3A_230 = arith.constant 0 : i32
        %dma_wait3A_231 = tpu.memref_slice %arg2[%mul3A_17, %dma_wait3A_230] : memref<40000x128xf32, #tpu.memory_space<hbm>> -> memref<640x128xf32, #tpu.memory_space<hbm>>
        tpu.wait_dma2 semaphore(%run_scoped3A : memref<!tpu.dma_semaphore, #tpu.memory_space<semaphore_mem>>) src(%dma_wait3A_231 : memref<640x128xf32, #tpu.memory_space<hbm>>) dst(%dma_wait3A_229 : memref<640x128xf32, #tpu.memory_space<vmem_shared>>)
        tpu.yield
      }) : () -> ()
    } else {
    }
    %gt3A = arith.constant 0 : i32
    %gt3A_20 = arith.cmpi sgt, %arg1, %gt3A : i32
    %convert_element_type3A_21 = arith.extui %gt3A_20 : i1 to i32
    %cond3A_22 = arith.constant 0 : i32
    %cond3A_23 = arith.cmpi ne, %convert_element_type3A_21, %cond3A_22 : i32
    scf.if %cond3A_23 {
      %mul3A_222 = arith.constant 624 : i32
      %mul3A_223 = arith.muli %arg1, %mul3A_222 : i32
      %add3A_224 = arith.constant 16 : i32
      %add3A_225 = arith.addi %add3A_224, %mul3A_223 : i32
      %add3A_226 = arith.addi %mul3A_17, %add3A_225 : i32
      "tpu.region"() ({
        %run_scoped3A = tpu.sem_alloc : memref<!tpu.dma_semaphore, #tpu.memory_space<semaphore_mem>>
        %dma_start3A_227 = arith.constant 0 : i32
        %dma_start3A_228 = tpu.memref_slice %arg16[%add3A_225, %dma_start3A_227] : memref<10000x128xf32, #tpu.memory_space<vmem_shared>> -> memref<624x128xf32, #tpu.memory_space<vmem_shared>>
        %dma_start3A_229 = arith.constant 0 : i32
        %dma_start3A_230 = tpu.memref_slice %arg2[%add3A_226, %dma_start3A_229] : memref<40000x128xf32, #tpu.memory_space<hbm>> -> memref<624x128xf32, #tpu.memory_space<hbm>>
        tpu.enqueue_dma source(%dma_start3A_230 : memref<624x128xf32, #tpu.memory_space<hbm>>) target(%dma_start3A_228 : memref<624x128xf32, #tpu.memory_space<vmem_shared>>) target_semaphore(%run_scoped3A : memref<!tpu.dma_semaphore, #tpu.memory_space<semaphore_mem>>)
        %dma_wait3A_231 = arith.constant 0 : i32
        %dma_wait3A_232 = tpu.memref_slice %arg16[%add3A_225, %dma_wait3A_231] : memref<10000x128xf32, #tpu.memory_space<vmem_shared>> -> memref<624x128xf32, #tpu.memory_space<vmem_shared>>
        %dma_wait3A_233 = arith.constant 0 : i32
        %dma_wait3A_234 = tpu.memref_slice %arg2[%add3A_226, %dma_wait3A_233] : memref<40000x128xf32, #tpu.memory_space<hbm>> -> memref<624x128xf32, #tpu.memory_space<hbm>>
        tpu.wait_dma2 semaphore(%run_scoped3A : memref<!tpu.dma_semaphore, #tpu.memory_space<semaphore_mem>>) src(%dma_wait3A_234 : memref<624x128xf32, #tpu.memory_space<hbm>>) dst(%dma_wait3A_232 : memref<624x128xf32, #tpu.memory_space<vmem_shared>>)
        tpu.yield
      }) : () -> ()
    } else {
    }
    %barrier3A = arith.constant 0 : index
    tpu.barrier barrier_id(%barrier3A)
    %mul3A_24 = arith.constant 0 : i32
    %mul3A_25 = arith.constant 160 : i32
    %mul3A_26 = arith.muli %mul3A_24, %mul3A_25 : i32
    %add3A_27 = arith.addi %mul3A_11, %mul3A_26 : i32
    %dma_start3A = tpu.memref_slice %arg3[%add3A_27] : memref<160000xi32, #tpu.memory_space<hbm>> -> memref<160xi32, #tpu.memory_space<hbm>>
    %dma_start3A_28 = tpu.memref_slice %arg3[%add3A_27] : memref<160000xi32, #tpu.memory_space<hbm>> -> memref<160xi32, #tpu.memory_space<hbm>>
    tpu.enqueue_dma source(%dma_start3A_28 : memref<160xi32, #tpu.memory_space<hbm>>) target(%arg6 : memref<160xi32, #tpu.memory_space<vmem>>) target_semaphore(%arg17 : memref<!tpu.dma_semaphore, #tpu.memory_space<semaphore_mem>>)
    %dma_start3A_29 = tpu.memref_slice %arg4[%add3A_27] : memref<160000xi32, #tpu.memory_space<hbm>> -> memref<160xi32, #tpu.memory_space<hbm>>
    %dma_start3A_30 = tpu.memref_slice %arg4[%add3A_27] : memref<160000xi32, #tpu.memory_space<hbm>> -> memref<160xi32, #tpu.memory_space<hbm>>
    tpu.enqueue_dma source(%dma_start3A_30 : memref<160xi32, #tpu.memory_space<hbm>>) target(%arg10 : memref<160xi32, #tpu.memory_space<vmem>>) target_semaphore(%arg17 : memref<!tpu.dma_semaphore, #tpu.memory_space<semaphore_mem>>)
    %mul3A_31 = arith.constant 1 : i32
    %mul3A_32 = arith.constant 160 : i32
    %mul3A_33 = arith.muli %mul3A_31, %mul3A_32 : i32
    %add3A_34 = arith.addi %mul3A_11, %mul3A_33 : i32
    %dma_start3A_35 = tpu.memref_slice %arg3[%add3A_34] : memref<160000xi32, #tpu.memory_space<hbm>> -> memref<160xi32, #tpu.memory_space<hbm>>
    %dma_start3A_36 = tpu.memref_slice %arg3[%add3A_34] : memref<160000xi32, #tpu.memory_space<hbm>> -> memref<160xi32, #tpu.memory_space<hbm>>
    tpu.enqueue_dma source(%dma_start3A_36 : memref<160xi32, #tpu.memory_space<hbm>>) target(%arg7 : memref<160xi32, #tpu.memory_space<vmem>>) target_semaphore(%arg18 : memref<!tpu.dma_semaphore, #tpu.memory_space<semaphore_mem>>)
    %dma_start3A_37 = tpu.memref_slice %arg4[%add3A_34] : memref<160000xi32, #tpu.memory_space<hbm>> -> memref<160xi32, #tpu.memory_space<hbm>>
    %dma_start3A_38 = tpu.memref_slice %arg4[%add3A_34] : memref<160000xi32, #tpu.memory_space<hbm>> -> memref<160xi32, #tpu.memory_space<hbm>>
    tpu.enqueue_dma source(%dma_start3A_38 : memref<160xi32, #tpu.memory_space<hbm>>) target(%arg11 : memref<160xi32, #tpu.memory_space<vmem>>) target_semaphore(%arg18 : memref<!tpu.dma_semaphore, #tpu.memory_space<semaphore_mem>>)
    %dma_wait3A = arith.constant 0 : i32
    %dma_wait3A_39 = tpu.memref_slice %arg3[%dma_wait3A] : memref<160000xi32, #tpu.memory_space<hbm>> -> memref<160xi32, #tpu.memory_space<hbm>>
    %dma_wait3A_40 = arith.constant 0 : i32
    %dma_wait3A_41 = tpu.memref_slice %arg3[%dma_wait3A_40] : memref<160000xi32, #tpu.memory_space<hbm>> -> memref<160xi32, #tpu.memory_space<hbm>>
    tpu.wait_dma2 semaphore(%arg17 : memref<!tpu.dma_semaphore, #tpu.memory_space<semaphore_mem>>) src(%dma_wait3A_41 : memref<160xi32, #tpu.memory_space<hbm>>) dst(%arg6 : memref<160xi32, #tpu.memory_space<vmem>>)
    %dma_wait3A_42 = arith.constant 0 : i32
    %dma_wait3A_43 = tpu.memref_slice %arg4[%dma_wait3A_42] : memref<160000xi32, #tpu.memory_space<hbm>> -> memref<160xi32, #tpu.memory_space<hbm>>
    %dma_wait3A_44 = arith.constant 0 : i32
    %dma_wait3A_45 = tpu.memref_slice %arg4[%dma_wait3A_44] : memref<160000xi32, #tpu.memory_space<hbm>> -> memref<160xi32, #tpu.memory_space<hbm>>
    tpu.wait_dma2 semaphore(%arg17 : memref<!tpu.dma_semaphore, #tpu.memory_space<semaphore_mem>>) src(%dma_wait3A_45 : memref<160xi32, #tpu.memory_space<hbm>>) dst(%arg10 : memref<160xi32, #tpu.memory_space<vmem>>)
    %scan3A = arith.constant 0 : i32
    %scan3A_46 = arith.constant 10 : i32
    %scan3A_47 = arith.addi %scan3A, %scan3A_46 : i32
    %scan3A_48 = arith.constant 1 : i32
    scf.for %scan3A_222 = %scan3A to %scan3A_47 step %scan3A_48  : i32 {
      %mul3A_223 = arith.constant 16 : i32
      %mul3A_224 = arith.muli %scan3A_222, %mul3A_223 : i32
      %add3A_225 = arith.constant 0 : i32
      %add3A_226 = arith.addi %add3A_225, %mul3A_224 : i32
      %get3A = arith.index_cast %add3A_226 : i32 to index
      %get3A_227 = tpu.vector_load %arg6[%get3A] {strides = array<i32>} : memref<160xi32, #tpu.memory_space<vmem>>, vector<16xi32>,
      %add3A_228 = vector.broadcast %mul3A_17 : i32 to vector<16xi32>
      %add3A_229 = arith.addi %get3A_227, %add3A_228 : vector<16xi32>
      %swap3A = arith.index_cast %add3A_226 : i32 to index
      %swap3A_230 = tpu.vector_load %arg6[%swap3A] {strides = array<i32>} : memref<160xi32, #tpu.memory_space<vmem>>, vector<16xi32>,
      tpu.vector_store %arg6[%swap3A], %add3A_229 {strides = array<i32>} : memref<160xi32, #tpu.memory_space<vmem>>, vector<16xi32>,
    }
    %scan3A_49 = arith.constant 10 : i32
    %dma_start3A_50 = arith.constant 0 : i32
    %dma_start3A_51 = arith.constant 0 : i32
    %dma_start3A_52 = tpu.memref_slice %arg2[%dma_start3A_50, %dma_start3A_51] : memref<40000x128xf32, #tpu.memory_space<hbm>> -> memref<40000x128xf32, #tpu.memory_space<hbm>>
    tpu.enqueue_indirect_dma source(%dma_start3A_52 : memref<40000x128xf32, #tpu.memory_space<hbm>>) target(%arg14 : memref<160x128xf32, #tpu.memory_space<vmem>>) offsets(%arg6 : memref<160xi32, #tpu.memory_space<vmem>>) semaphore(%arg21 : memref<!tpu.dma_semaphore, #tpu.memory_space<semaphore_mem>>)
    %scan3A_53 = arith.constant 0 : i32
    %scan3A_54 = arith.constant 15 : i32
    %scan3A_55 = arith.addi %scan3A_53, %scan3A_54 : i32
    %scan3A_56 = arith.constant 1 : i32
    scf.for %scan3A_222 = %scan3A_53 to %scan3A_55 step %scan3A_56  : i32 {
      %mul3A_223 = arith.constant 4 : i32
      %mul3A_224 = arith.muli %scan3A_222, %mul3A_223 : i32
      %add3A_225 = arith.constant 0 : i32
      %add3A_226 = arith.addi %add3A_225, %mul3A_224 : i32
      %add3A_227 = arith.constant 0 : i32
      %add3A_228 = arith.addi %add3A_226, %add3A_227 : i32
      %add3A_229 = arith.constant 2 : i32
      %add3A_230 = arith.addi %add3A_228, %add3A_229 : i32
      %mul3A_231 = arith.constant 160 : i32
      %mul3A_232 = arith.muli %add3A_230, %mul3A_231 : i32
      %add3A_233 = arith.addi %mul3A_11, %mul3A_232 : i32
      %dma_start3A_234 = tpu.memref_slice %arg3[%add3A_233] : memref<160000xi32, #tpu.memory_space<hbm>> -> memref<160xi32, #tpu.memory_space<hbm>>
      %dma_start3A_235 = tpu.memref_slice %arg3[%add3A_233] : memref<160000xi32, #tpu.memory_space<hbm>> -> memref<160xi32, #tpu.memory_space<hbm>>
      tpu.enqueue_dma source(%dma_start3A_235 : memref<160xi32, #tpu.memory_space<hbm>>) target(%arg8 : memref<160xi32, #tpu.memory_space<vmem>>) target_semaphore(%arg19 : memref<!tpu.dma_semaphore, #tpu.memory_space<semaphore_mem>>)
      %dma_start3A_236 = tpu.memref_slice %arg4[%add3A_233] : memref<160000xi32, #tpu.memory_space<hbm>> -> memref<160xi32, #tpu.memory_space<hbm>>
      %dma_start3A_237 = tpu.memref_slice %arg4[%add3A_233] : memref<160000xi32, #tpu.memory_space<hbm>> -> memref<160xi32, #tpu.memory_space<hbm>>
      tpu.enqueue_dma source(%dma_start3A_237 : memref<160xi32, #tpu.memory_space<hbm>>) target(%arg12 : memref<160xi32, #tpu.memory_space<vmem>>) target_semaphore(%arg19 : memref<!tpu.dma_semaphore, #tpu.memory_space<semaphore_mem>>)
      %dma_wait3A_238 = arith.constant 0 : i32
      %dma_wait3A_239 = tpu.memref_slice %arg3[%dma_wait3A_238] : memref<160000xi32, #tpu.memory_space<hbm>> -> memref<160xi32, #tpu.memory_space<hbm>>
      %dma_wait3A_240 = arith.constant 0 : i32
      %dma_wait3A_241 = tpu.memref_slice %arg3[%dma_wait3A_240] : memref<160000xi32, #tpu.memory_space<hbm>> -> memref<160xi32, #tpu.memory_space<hbm>>
      tpu.wait_dma2 semaphore(%arg18 : memref<!tpu.dma_semaphore, #tpu.memory_space<semaphore_mem>>) src(%dma_wait3A_241 : memref<160xi32, #tpu.memory_space<hbm>>) dst(%arg7 : memref<160xi32, #tpu.memory_space<vmem>>)
      %dma_wait3A_242 = arith.constant 0 : i32
      %dma_wait3A_243 = tpu.memref_slice %arg4[%dma_wait3A_242] : memref<160000xi32, #tpu.memory_space<hbm>> -> memref<160xi32, #tpu.memory_space<hbm>>
      %dma_wait3A_244 = arith.constant 0 : i32
      %dma_wait3A_245 = tpu.memref_slice %arg4[%dma_wait3A_244] : memref<160000xi32, #tpu.memory_space<hbm>> -> memref<160xi32, #tpu.memory_space<hbm>>
      tpu.wait_dma2 semaphore(%arg18 : memref<!tpu.dma_semaphore, #tpu.memory_space<semaphore_mem>>) src(%dma_wait3A_245 : memref<160xi32, #tpu.memory_space<hbm>>) dst(%arg11 : memref<160xi32, #tpu.memory_space<vmem>>)
      %scan3A_246 = arith.constant 0 : i32
      %scan3A_247 = arith.constant 10 : i32
      %scan3A_248 = arith.addi %scan3A_246, %scan3A_247 : i32
      %scan3A_249 = arith.constant 1 : i32
      scf.for %scan3A_359 = %scan3A_246 to %scan3A_248 step %scan3A_249  : i32 {
        %mul3A_360 = arith.constant 16 : i32
        %mul3A_361 = arith.muli %scan3A_359, %mul3A_360 : i32
        %add3A_362 = arith.constant 0 : i32
        %add3A_363 = arith.addi %add3A_362, %mul3A_361 : i32
        %get3A = arith.index_cast %add3A_363 : i32 to index
        %get3A_364 = tpu.vector_load %arg7[%get3A] {strides = array<i32>} : memref<160xi32, #tpu.memory_space<vmem>>, vector<16xi32>,
        %add3A_365 = vector.broadcast %mul3A_17 : i32 to vector<16xi32>
        %add3A_366 = arith.addi %get3A_364, %add3A_365 : vector<16xi32>
        %swap3A = arith.index_cast %add3A_363 : i32 to index
        %swap3A_367 = tpu.vector_load %arg7[%swap3A] {strides = array<i32>} : memref<160xi32, #tpu.memory_space<vmem>>, vector<16xi32>,
        tpu.vector_store %arg7[%swap3A], %add3A_366 {strides = array<i32>} : memref<160xi32, #tpu.memory_space<vmem>>, vector<16xi32>,
      }
      %scan3A_250 = arith.constant 10 : i32
      %dma_start3A_251 = arith.constant 0 : i32
      %dma_start3A_252 = arith.constant 0 : i32
      %dma_start3A_253 = tpu.memref_slice %arg2[%dma_start3A_251, %dma_start3A_252] : memref<40000x128xf32, #tpu.memory_space<hbm>> -> memref<40000x128xf32, #tpu.memory_space<hbm>>
      tpu.enqueue_indirect_dma source(%dma_start3A_253 : memref<40000x128xf32, #tpu.memory_space<hbm>>) target(%arg15 : memref<160x128xf32, #tpu.memory_space<vmem>>) offsets(%arg7 : memref<160xi32, #tpu.memory_space<vmem>>) semaphore(%arg22 : memref<!tpu.dma_semaphore, #tpu.memory_space<semaphore_mem>>)
      %dma_wait3A_254 = arith.constant 0 : i32
      %dma_wait3A_255 = arith.constant 0 : i32
      %dma_wait3A_256 = tpu.memref_slice %arg2[%dma_wait3A_254, %dma_wait3A_255] : memref<40000x128xf32, #tpu.memory_space<hbm>> -> memref<160x128xf32, #tpu.memory_space<hbm>>
      %dma_wait3A_257 = arith.constant 0 : i32
      %dma_wait3A_258 = arith.constant 0 : i32
      %dma_wait3A_259 = tpu.memref_slice %arg2[%dma_wait3A_257, %dma_wait3A_258] : memref<40000x128xf32, #tpu.memory_space<hbm>> -> memref<160x128xf32, #tpu.memory_space<hbm>>
      tpu.wait_dma2 semaphore(%arg21 : memref<!tpu.dma_semaphore, #tpu.memory_space<semaphore_mem>>) src(%dma_wait3A_259 : memref<160x128xf32, #tpu.memory_space<hbm>>) dst(%arg14 : memref<160x128xf32, #tpu.memory_space<vmem>>)
      "tpu.region"() ({
        %run_scoped3A = tpu.sem_alloc : memref<!tpu.dma_semaphore, #tpu.memory_space<semaphore_mem>>
        %dma_start3A_359 = arith.constant 0 : i32
        %dma_start3A_360 = arith.constant 0 : i32
        %dma_start3A_361 = tpu.memref_slice %arg16[%dma_start3A_359, %dma_start3A_360] : memref<10000x128xf32, #tpu.memory_space<vmem_shared>> -> memref<10000x128xf32, #tpu.memory_space<vmem_shared>>
        tpu.enqueue_indirect_dma source(%arg14 : memref<160x128xf32, #tpu.memory_space<vmem>>) target(%dma_start3A_361 : memref<10000x128xf32, #tpu.memory_space<vmem_shared>>) offsets(%arg10 : memref<160xi32, #tpu.memory_space<vmem>>) semaphore(%run_scoped3A : memref<!tpu.dma_semaphore, #tpu.memory_space<semaphore_mem>>) {add = true}
        %dma_wait3A_362 = arith.constant 0 : i32
        %dma_wait3A_363 = arith.constant 0 : i32
        %dma_wait3A_364 = tpu.memref_slice %arg16[%dma_wait3A_362, %dma_wait3A_363] : memref<10000x128xf32, #tpu.memory_space<vmem_shared>> -> memref<10000x128xf32, #tpu.memory_space<vmem_shared>>
        tpu.wait_indirect_dma semaphore(%run_scoped3A : memref<!tpu.dma_semaphore, #tpu.memory_space<semaphore_mem>>) src(%arg14 : memref<160x128xf32, #tpu.memory_space<vmem>>) dst(%dma_wait3A_364 : memref<10000x128xf32, #tpu.memory_space<vmem_shared>>)
        tpu.yield
      }) : () -> ()
      %add3A_260 = arith.constant 1 : i32
      %add3A_261 = arith.addi %add3A_226, %add3A_260 : i32
      %add3A_262 = arith.constant 2 : i32
      %add3A_263 = arith.addi %add3A_261, %add3A_262 : i32
      %mul3A_264 = arith.constant 160 : i32
      %mul3A_265 = arith.muli %add3A_263, %mul3A_264 : i32
      %add3A_266 = arith.addi %mul3A_11, %mul3A_265 : i32
      %dma_start3A_267 = tpu.memref_slice %arg3[%add3A_266] : memref<160000xi32, #tpu.memory_space<hbm>> -> memref<160xi32, #tpu.memory_space<hbm>>
      %dma_start3A_268 = tpu.memref_slice %arg3[%add3A_266] : memref<160000xi32, #tpu.memory_space<hbm>> -> memref<160xi32, #tpu.memory_space<hbm>>
      tpu.enqueue_dma source(%dma_start3A_268 : memref<160xi32, #tpu.memory_space<hbm>>) target(%arg9 : memref<160xi32, #tpu.memory_space<vmem>>) target_semaphore(%arg20 : memref<!tpu.dma_semaphore, #tpu.memory_space<semaphore_mem>>)
      %dma_start3A_269 = tpu.memref_slice %arg4[%add3A_266] : memref<160000xi32, #tpu.memory_space<hbm>> -> memref<160xi32, #tpu.memory_space<hbm>>
      %dma_start3A_270 = tpu.memref_slice %arg4[%add3A_266] : memref<160000xi32, #tpu.memory_space<hbm>> -> memref<160xi32, #tpu.memory_space<hbm>>
      tpu.enqueue_dma source(%dma_start3A_270 : memref<160xi32, #tpu.memory_space<hbm>>) target(%arg13 : memref<160xi32, #tpu.memory_space<vmem>>) target_semaphore(%arg20 : memref<!tpu.dma_semaphore, #tpu.memory_space<semaphore_mem>>)
      %dma_wait3A_271 = arith.constant 0 : i32
      %dma_wait3A_272 = tpu.memref_slice %arg3[%dma_wait3A_271] : memref<160000xi32, #tpu.memory_space<hbm>> -> memref<160xi32, #tpu.memory_space<hbm>>
      %dma_wait3A_273 = arith.constant 0 : i32
      %dma_wait3A_274 = tpu.memref_slice %arg3[%dma_wait3A_273] : memref<160000xi32, #tpu.memory_space<hbm>> -> memref<160xi32, #tpu.memory_space<hbm>>
      tpu.wait_dma2 semaphore(%arg19 : memref<!tpu.dma_semaphore, #tpu.memory_space<semaphore_mem>>) src(%dma_wait3A_274 : memref<160xi32, #tpu.memory_space<hbm>>) dst(%arg8 : memref<160xi32, #tpu.memory_space<vmem>>)
      %dma_wait3A_275 = arith.constant 0 : i32
      %dma_wait3A_276 = tpu.memref_slice %arg4[%dma_wait3A_275] : memref<160000xi32, #tpu.memory_space<hbm>> -> memref<160xi32, #tpu.memory_space<hbm>>
      %dma_wait3A_277 = arith.constant 0 : i32
      %dma_wait3A_278 = tpu.memref_slice %arg4[%dma_wait3A_277] : memref<160000xi32, #tpu.memory_space<hbm>> -> memref<160xi32, #tpu.memory_space<hbm>>
      tpu.wait_dma2 semaphore(%arg19 : memref<!tpu.dma_semaphore, #tpu.memory_space<semaphore_mem>>) src(%dma_wait3A_278 : memref<160xi32, #tpu.memory_space<hbm>>) dst(%arg12 : memref<160xi32, #tpu.memory_space<vmem>>)
      %scan3A_279 = arith.constant 0 : i32
      %scan3A_280 = arith.constant 10 : i32
      %scan3A_281 = arith.addi %scan3A_279, %scan3A_280 : i32
      %scan3A_282 = arith.constant 1 : i32
      scf.for %scan3A_359 = %scan3A_279 to %scan3A_281 step %scan3A_282  : i32 {
        %mul3A_360 = arith.constant 16 : i32
        %mul3A_361 = arith.muli %scan3A_359, %mul3A_360 : i32
        %add3A_362 = arith.constant 0 : i32
        %add3A_363 = arith.addi %add3A_362, %mul3A_361 : i32
        %get3A = arith.index_cast %add3A_363 : i32 to index
        %get3A_364 = tpu.vector_load %arg8[%get3A] {strides = array<i32>} : memref<160xi32, #tpu.memory_space<vmem>>, vector<16xi32>,
        %add3A_365 = vector.broadcast %mul3A_17 : i32 to vector<16xi32>
        %add3A_366 = arith.addi %get3A_364, %add3A_365 : vector<16xi32>
        %swap3A = arith.index_cast %add3A_363 : i32 to index
        %swap3A_367 = tpu.vector_load %arg8[%swap3A] {strides = array<i32>} : memref<160xi32, #tpu.memory_space<vmem>>, vector<16xi32>,
        tpu.vector_store %arg8[%swap3A], %add3A_366 {strides = array<i32>} : memref<160xi32, #tpu.memory_space<vmem>>, vector<16xi32>,
      }
      %scan3A_283 = arith.constant 10 : i32
      %dma_start3A_284 = arith.constant 0 : i32
      %dma_start3A_285 = arith.constant 0 : i32
      %dma_start3A_286 = tpu.memref_slice %arg2[%dma_start3A_284, %dma_start3A_285] : memref<40000x128xf32, #tpu.memory_space<hbm>> -> memref<40000x128xf32, #tpu.memory_space<hbm>>
      tpu.enqueue_indirect_dma source(%dma_start3A_286 : memref<40000x128xf32, #tpu.memory_space<hbm>>) target(%arg14 : memref<160x128xf32, #tpu.memory_space<vmem>>) offsets(%arg8 : memref<160xi32, #tpu.memory_space<vmem>>) semaphore(%arg21 : memref<!tpu.dma_semaphore, #tpu.memory_space<semaphore_mem>>)
      %dma_wait3A_287 = arith.constant 0 : i32
      %dma_wait3A_288 = arith.constant 0 : i32
      %dma_wait3A_289 = tpu.memref_slice %arg2[%dma_wait3A_287, %dma_wait3A_288] : memref<40000x128xf32, #tpu.memory_space<hbm>> -> memref<160x128xf32, #tpu.memory_space<hbm>>
      %dma_wait3A_290 = arith.constant 0 : i32
      %dma_wait3A_291 = arith.constant 0 : i32
      %dma_wait3A_292 = tpu.memref_slice %arg2[%dma_wait3A_290, %dma_wait3A_291] : memref<40000x128xf32, #tpu.memory_space<hbm>> -> memref<160x128xf32, #tpu.memory_space<hbm>>
      tpu.wait_dma2 semaphore(%arg22 : memref<!tpu.dma_semaphore, #tpu.memory_space<semaphore_mem>>) src(%dma_wait3A_292 : memref<160x128xf32, #tpu.memory_space<hbm>>) dst(%arg15 : memref<160x128xf32, #tpu.memory_space<vmem>>)
      "tpu.region"() ({
        %run_scoped3A = tpu.sem_alloc : memref<!tpu.dma_semaphore, #tpu.memory_space<semaphore_mem>>
        %dma_start3A_359 = arith.constant 0 : i32
        %dma_start3A_360 = arith.constant 0 : i32
        %dma_start3A_361 = tpu.memref_slice %arg16[%dma_start3A_359, %dma_start3A_360] : memref<10000x128xf32, #tpu.memory_space<vmem_shared>> -> memref<10000x128xf32, #tpu.memory_space<vmem_shared>>
        tpu.enqueue_indirect_dma source(%arg15 : memref<160x128xf32, #tpu.memory_space<vmem>>) target(%dma_start3A_361 : memref<10000x128xf32, #tpu.memory_space<vmem_shared>>) offsets(%arg11 : memref<160xi32, #tpu.memory_space<vmem>>) semaphore(%run_scoped3A : memref<!tpu.dma_semaphore, #tpu.memory_space<semaphore_mem>>) {add = true}
        %dma_wait3A_362 = arith.constant 0 : i32
        %dma_wait3A_363 = arith.constant 0 : i32
        %dma_wait3A_364 = tpu.memref_slice %arg16[%dma_wait3A_362, %dma_wait3A_363] : memref<10000x128xf32, #tpu.memory_space<vmem_shared>> -> memref<10000x128xf32, #tpu.memory_space<vmem_shared>>
        tpu.wait_indirect_dma semaphore(%run_scoped3A : memref<!tpu.dma_semaphore, #tpu.memory_space<semaphore_mem>>) src(%arg15 : memref<160x128xf32, #tpu.memory_space<vmem>>) dst(%dma_wait3A_364 : memref<10000x128xf32, #tpu.memory_space<vmem_shared>>)
        tpu.yield
      }) : () -> ()
      %add3A_293 = arith.constant 2 : i32
      %add3A_294 = arith.addi %add3A_226, %add3A_293 : i32
      %add3A_295 = arith.constant 2 : i32
      %add3A_296 = arith.addi %add3A_294, %add3A_295 : i32
      %mul3A_297 = arith.constant 160 : i32
      %mul3A_298 = arith.muli %add3A_296, %mul3A_297 : i32
      %add3A_299 = arith.addi %mul3A_11, %mul3A_298 : i32
      %dma_start3A_300 = tpu.memref_slice %arg3[%add3A_299] : memref<160000xi32, #tpu.memory_space<hbm>> -> memref<160xi32, #tpu.memory_space<hbm>>
      %dma_start3A_301 = tpu.memref_slice %arg3[%add3A_299] : memref<160000xi32, #tpu.memory_space<hbm>> -> memref<160xi32, #tpu.memory_space<hbm>>
      tpu.enqueue_dma source(%dma_start3A_301 : memref<160xi32, #tpu.memory_space<hbm>>) target(%arg6 : memref<160xi32, #tpu.memory_space<vmem>>) target_semaphore(%arg17 : memref<!tpu.dma_semaphore, #tpu.memory_space<semaphore_mem>>)
      %dma_start3A_302 = tpu.memref_slice %arg4[%add3A_299] : memref<160000xi32, #tpu.memory_space<hbm>> -> memref<160xi32, #tpu.memory_space<hbm>>
      %dma_start3A_303 = tpu.memref_slice %arg4[%add3A_299] : memref<160000xi32, #tpu.memory_space<hbm>> -> memref<160xi32, #tpu.memory_space<hbm>>
      tpu.enqueue_dma source(%dma_start3A_303 : memref<160xi32, #tpu.memory_space<hbm>>) target(%arg10 : memref<160xi32, #tpu.memory_space<vmem>>) target_semaphore(%arg17 : memref<!tpu.dma_semaphore, #tpu.memory_space<semaphore_mem>>)
      %dma_wait3A_304 = arith.constant 0 : i32
      %dma_wait3A_305 = tpu.memref_slice %arg3[%dma_wait3A_304] : memref<160000xi32, #tpu.memory_space<hbm>> -> memref<160xi32, #tpu.memory_space<hbm>>
      %dma_wait3A_306 = arith.constant 0 : i32
      %dma_wait3A_307 = tpu.memref_slice %arg3[%dma_wait3A_306] : memref<160000xi32, #tpu.memory_space<hbm>> -> memref<160xi32, #tpu.memory_space<hbm>>
      tpu.wait_dma2 semaphore(%arg20 : memref<!tpu.dma_semaphore, #tpu.memory_space<semaphore_mem>>) src(%dma_wait3A_307 : memref<160xi32, #tpu.memory_space<hbm>>) dst(%arg9 : memref<160xi32, #tpu.memory_space<vmem>>)
      %dma_wait3A_308 = arith.constant 0 : i32
      %dma_wait3A_309 = tpu.memref_slice %arg4[%dma_wait3A_308] : memref<160000xi32, #tpu.memory_space<hbm>> -> memref<160xi32, #tpu.memory_space<hbm>>
      %dma_wait3A_310 = arith.constant 0 : i32
      %dma_wait3A_311 = tpu.memref_slice %arg4[%dma_wait3A_310] : memref<160000xi32, #tpu.memory_space<hbm>> -> memref<160xi32, #tpu.memory_space<hbm>>
      tpu.wait_dma2 semaphore(%arg20 : memref<!tpu.dma_semaphore, #tpu.memory_space<semaphore_mem>>) src(%dma_wait3A_311 : memref<160xi32, #tpu.memory_space<hbm>>) dst(%arg13 : memref<160xi32, #tpu.memory_space<vmem>>)
      %scan3A_312 = arith.constant 0 : i32
      %scan3A_313 = arith.constant 10 : i32
      %scan3A_314 = arith.addi %scan3A_312, %scan3A_313 : i32
      %scan3A_315 = arith.constant 1 : i32
      scf.for %scan3A_359 = %scan3A_312 to %scan3A_314 step %scan3A_315  : i32 {
        %mul3A_360 = arith.constant 16 : i32
        %mul3A_361 = arith.muli %scan3A_359, %mul3A_360 : i32
        %add3A_362 = arith.constant 0 : i32
        %add3A_363 = arith.addi %add3A_362, %mul3A_361 : i32
        %get3A = arith.index_cast %add3A_363 : i32 to index
        %get3A_364 = tpu.vector_load %arg9[%get3A] {strides = array<i32>} : memref<160xi32, #tpu.memory_space<vmem>>, vector<16xi32>,
        %add3A_365 = vector.broadcast %mul3A_17 : i32 to vector<16xi32>
        %add3A_366 = arith.addi %get3A_364, %add3A_365 : vector<16xi32>
        %swap3A = arith.index_cast %add3A_363 : i32 to index
        %swap3A_367 = tpu.vector_load %arg9[%swap3A] {strides = array<i32>} : memref<160xi32, #tpu.memory_space<vmem>>, vector<16xi32>,
        tpu.vector_store %arg9[%swap3A], %add3A_366 {strides = array<i32>} : memref<160xi32, #tpu.memory_space<vmem>>, vector<16xi32>,
      }
      %scan3A_316 = arith.constant 10 : i32
      %dma_start3A_317 = arith.constant 0 : i32
      %dma_start3A_318 = arith.constant 0 : i32
      %dma_start3A_319 = tpu.memref_slice %arg2[%dma_start3A_317, %dma_start3A_318] : memref<40000x128xf32, #tpu.memory_space<hbm>> -> memref<40000x128xf32, #tpu.memory_space<hbm>>
      tpu.enqueue_indirect_dma source(%dma_start3A_319 : memref<40000x128xf32, #tpu.memory_space<hbm>>) target(%arg15 : memref<160x128xf32, #tpu.memory_space<vmem>>) offsets(%arg9 : memref<160xi32, #tpu.memory_space<vmem>>) semaphore(%arg22 : memref<!tpu.dma_semaphore, #tpu.memory_space<semaphore_mem>>)
      %dma_wait3A_320 = arith.constant 0 : i32
      %dma_wait3A_321 = arith.constant 0 : i32
      %dma_wait3A_322 = tpu.memref_slice %arg2[%dma_wait3A_320, %dma_wait3A_321] : memref<40000x128xf32, #tpu.memory_space<hbm>> -> memref<160x128xf32, #tpu.memory_space<hbm>>
      %dma_wait3A_323 = arith.constant 0 : i32
      %dma_wait3A_324 = arith.constant 0 : i32
      %dma_wait3A_325 = tpu.memref_slice %arg2[%dma_wait3A_323, %dma_wait3A_324] : memref<40000x128xf32, #tpu.memory_space<hbm>> -> memref<160x128xf32, #tpu.memory_space<hbm>>
      tpu.wait_dma2 semaphore(%arg21 : memref<!tpu.dma_semaphore, #tpu.memory_space<semaphore_mem>>) src(%dma_wait3A_325 : memref<160x128xf32, #tpu.memory_space<hbm>>) dst(%arg14 : memref<160x128xf32, #tpu.memory_space<vmem>>)
      "tpu.region"() ({
        %run_scoped3A = tpu.sem_alloc : memref<!tpu.dma_semaphore, #tpu.memory_space<semaphore_mem>>
        %dma_start3A_359 = arith.constant 0 : i32
        %dma_start3A_360 = arith.constant 0 : i32
        %dma_start3A_361 = tpu.memref_slice %arg16[%dma_start3A_359, %dma_start3A_360] : memref<10000x128xf32, #tpu.memory_space<vmem_shared>> -> memref<10000x128xf32, #tpu.memory_space<vmem_shared>>
        tpu.enqueue_indirect_dma source(%arg14 : memref<160x128xf32, #tpu.memory_space<vmem>>) target(%dma_start3A_361 : memref<10000x128xf32, #tpu.memory_space<vmem_shared>>) offsets(%arg12 : memref<160xi32, #tpu.memory_space<vmem>>) semaphore(%run_scoped3A : memref<!tpu.dma_semaphore, #tpu.memory_space<semaphore_mem>>) {add = true}
        %dma_wait3A_362 = arith.constant 0 : i32
        %dma_wait3A_363 = arith.constant 0 : i32
        %dma_wait3A_364 = tpu.memref_slice %arg16[%dma_wait3A_362, %dma_wait3A_363] : memref<10000x128xf32, #tpu.memory_space<vmem_shared>> -> memref<10000x128xf32, #tpu.memory_space<vmem_shared>>
        tpu.wait_indirect_dma semaphore(%run_scoped3A : memref<!tpu.dma_semaphore, #tpu.memory_space<semaphore_mem>>) src(%arg14 : memref<160x128xf32, #tpu.memory_space<vmem>>) dst(%dma_wait3A_364 : memref<10000x128xf32, #tpu.memory_space<vmem_shared>>)
        tpu.yield
      }) : () -> ()
      %add3A_326 = arith.constant 3 : i32
      %add3A_327 = arith.addi %add3A_226, %add3A_326 : i32
      %add3A_328 = arith.constant 2 : i32
      %add3A_329 = arith.addi %add3A_327, %add3A_328 : i32
      %mul3A_330 = arith.constant 160 : i32
      %mul3A_331 = arith.muli %add3A_329, %mul3A_330 : i32
      %add3A_332 = arith.addi %mul3A_11, %mul3A_331 : i32
      %dma_start3A_333 = tpu.memref_slice %arg3[%add3A_332] : memref<160000xi32, #tpu.memory_space<hbm>> -> memref<160xi32, #tpu.memory_space<hbm>>
      %dma_start3A_334 = tpu.memref_slice %arg3[%add3A_332] : memref<160000xi32, #tpu.memory_space<hbm>> -> memref<160xi32, #tpu.memory_space<hbm>>
      tpu.enqueue_dma source(%dma_start3A_334 : memref<160xi32, #tpu.memory_space<hbm>>) target(%arg7 : memref<160xi32, #tpu.memory_space<vmem>>) target_semaphore(%arg18 : memref<!tpu.dma_semaphore, #tpu.memory_space<semaphore_mem>>)
      %dma_start3A_335 = tpu.memref_slice %arg4[%add3A_332] : memref<160000xi32, #tpu.memory_space<hbm>> -> memref<160xi32, #tpu.memory_space<hbm>>
      %dma_start3A_336 = tpu.memref_slice %arg4[%add3A_332] : memref<160000xi32, #tpu.memory_space<hbm>> -> memref<160xi32, #tpu.memory_space<hbm>>
      tpu.enqueue_dma source(%dma_start3A_336 : memref<160xi32, #tpu.memory_space<hbm>>) target(%arg11 : memref<160xi32, #tpu.memory_space<vmem>>) target_semaphore(%arg18 : memref<!tpu.dma_semaphore, #tpu.memory_space<semaphore_mem>>)
      %dma_wait3A_337 = arith.constant 0 : i32
      %dma_wait3A_338 = tpu.memref_slice %arg3[%dma_wait3A_337] : memref<160000xi32, #tpu.memory_space<hbm>> -> memref<160xi32, #tpu.memory_space<hbm>>
      %dma_wait3A_339 = arith.constant 0 : i32
      %dma_wait3A_340 = tpu.memref_slice %arg3[%dma_wait3A_339] : memref<160000xi32, #tpu.memory_space<hbm>> -> memref<160xi32, #tpu.memory_space<hbm>>
      tpu.wait_dma2 semaphore(%arg17 : memref<!tpu.dma_semaphore, #tpu.memory_space<semaphore_mem>>) src(%dma_wait3A_340 : memref<160xi32, #tpu.memory_space<hbm>>) dst(%arg6 : memref<160xi32, #tpu.memory_space<vmem>>)
      %dma_wait3A_341 = arith.constant 0 : i32
      %dma_wait3A_342 = tpu.memref_slice %arg4[%dma_wait3A_341] : memref<160000xi32, #tpu.memory_space<hbm>> -> memref<160xi32, #tpu.memory_space<hbm>>
      %dma_wait3A_343 = arith.constant 0 : i32
      %dma_wait3A_344 = tpu.memref_slice %arg4[%dma_wait3A_343] : memref<160000xi32, #tpu.memory_space<hbm>> -> memref<160xi32, #tpu.memory_space<hbm>>
      tpu.wait_dma2 semaphore(%arg17 : memref<!tpu.dma_semaphore, #tpu.memory_space<semaphore_mem>>) src(%dma_wait3A_344 : memref<160xi32, #tpu.memory_space<hbm>>) dst(%arg10 : memref<160xi32, #tpu.memory_space<vmem>>)
      %scan3A_345 = arith.constant 0 : i32
      %scan3A_346 = arith.constant 10 : i32
      %scan3A_347 = arith.addi %scan3A_345, %scan3A_346 : i32
      %scan3A_348 = arith.constant 1 : i32
      scf.for %scan3A_359 = %scan3A_345 to %scan3A_347 step %scan3A_348  : i32 {
        %mul3A_360 = arith.constant 16 : i32
        %mul3A_361 = arith.muli %scan3A_359, %mul3A_360 : i32
        %add3A_362 = arith.constant 0 : i32
        %add3A_363 = arith.addi %add3A_362, %mul3A_361 : i32
        %get3A = arith.index_cast %add3A_363 : i32 to index
        %get3A_364 = tpu.vector_load %arg6[%get3A] {strides = array<i32>} : memref<160xi32, #tpu.memory_space<vmem>>, vector<16xi32>,
        %add3A_365 = vector.broadcast %mul3A_17 : i32 to vector<16xi32>
        %add3A_366 = arith.addi %get3A_364, %add3A_365 : vector<16xi32>
        %swap3A = arith.index_cast %add3A_363 : i32 to index
        %swap3A_367 = tpu.vector_load %arg6[%swap3A] {strides = array<i32>} : memref<160xi32, #tpu.memory_space<vmem>>, vector<16xi32>,
        tpu.vector_store %arg6[%swap3A], %add3A_366 {strides = array<i32>} : memref<160xi32, #tpu.memory_space<vmem>>, vector<16xi32>,
      }
      %scan3A_349 = arith.constant 10 : i32
      %dma_start3A_350 = arith.constant 0 : i32
      %dma_start3A_351 = arith.constant 0 : i32
      %dma_start3A_352 = tpu.memref_slice %arg2[%dma_start3A_350, %dma_start3A_351] : memref<40000x128xf32, #tpu.memory_space<hbm>> -> memref<40000x128xf32, #tpu.memory_space<hbm>>
      tpu.enqueue_indirect_dma source(%dma_start3A_352 : memref<40000x128xf32, #tpu.memory_space<hbm>>) target(%arg14 : memref<160x128xf32, #tpu.memory_space<vmem>>) offsets(%arg6 : memref<160xi32, #tpu.memory_space<vmem>>) semaphore(%arg21 : memref<!tpu.dma_semaphore, #tpu.memory_space<semaphore_mem>>)
      %dma_wait3A_353 = arith.constant 0 : i32
      %dma_wait3A_354 = arith.constant 0 : i32
      %dma_wait3A_355 = tpu.memref_slice %arg2[%dma_wait3A_353, %dma_wait3A_354] : memref<40000x128xf32, #tpu.memory_space<hbm>> -> memref<160x128xf32, #tpu.memory_space<hbm>>
      %dma_wait3A_356 = arith.constant 0 : i32
      %dma_wait3A_357 = arith.constant 0 : i32
      %dma_wait3A_358 = tpu.memref_slice %arg2[%dma_wait3A_356, %dma_wait3A_357] : memref<40000x128xf32, #tpu.memory_space<hbm>> -> memref<160x128xf32, #tpu.memory_space<hbm>>
      tpu.wait_dma2 semaphore(%arg22 : memref<!tpu.dma_semaphore, #tpu.memory_space<semaphore_mem>>) src(%dma_wait3A_358 : memref<160x128xf32, #tpu.memory_space<hbm>>) dst(%arg15 : memref<160x128xf32, #tpu.memory_space<vmem>>)
      "tpu.region"() ({
        %run_scoped3A = tpu.sem_alloc : memref<!tpu.dma_semaphore, #tpu.memory_space<semaphore_mem>>
        %dma_start3A_359 = arith.constant 0 : i32
        %dma_start3A_360 = arith.constant 0 : i32
        %dma_start3A_361 = tpu.memref_slice %arg16[%dma_start3A_359, %dma_start3A_360] : memref<10000x128xf32, #tpu.memory_space<vmem_shared>> -> memref<10000x128xf32, #tpu.memory_space<vmem_shared>>
        tpu.enqueue_indirect_dma source(%arg15 : memref<160x128xf32, #tpu.memory_space<vmem>>) target(%dma_start3A_361 : memref<10000x128xf32, #tpu.memory_space<vmem_shared>>) offsets(%arg13 : memref<160xi32, #tpu.memory_space<vmem>>) semaphore(%run_scoped3A : memref<!tpu.dma_semaphore, #tpu.memory_space<semaphore_mem>>) {add = true}
        %dma_wait3A_362 = arith.constant 0 : i32
        %dma_wait3A_363 = arith.constant 0 : i32
        %dma_wait3A_364 = tpu.memref_slice %arg16[%dma_wait3A_362, %dma_wait3A_363] : memref<10000x128xf32, #tpu.memory_space<vmem_shared>> -> memref<10000x128xf32, #tpu.memory_space<vmem_shared>>
        tpu.wait_indirect_dma semaphore(%run_scoped3A : memref<!tpu.dma_semaphore, #tpu.memory_space<semaphore_mem>>) src(%arg15 : memref<160x128xf32, #tpu.memory_space<vmem>>) dst(%dma_wait3A_364 : memref<10000x128xf32, #tpu.memory_space<vmem_shared>>)
        tpu.yield
      }) : () -> ()
    }
    %scan3A_57 = arith.constant 15 : i32
    %gt3A_58 = arith.constant 62 : i32
    %gt3A_59 = arith.cmpi sgt, %select_n3A, %gt3A_58 : i32
    %convert_element_type3A_60 = arith.extui %gt3A_59 : i1 to i32
    %cond3A_61 = arith.constant 0 : i32
    %cond3A_62 = arith.cmpi ne, %convert_element_type3A_60, %cond3A_61 : i32
    scf.if %cond3A_62 {
      %mul3A_222 = arith.constant 62 : i32
      %mul3A_223 = arith.constant 160 : i32
      %mul3A_224 = arith.muli %mul3A_222, %mul3A_223 : i32
      %add3A_225 = arith.addi %mul3A_11, %mul3A_224 : i32
      %dma_start3A_226 = tpu.memref_slice %arg3[%add3A_225] : memref<160000xi32, #tpu.memory_space<hbm>> -> memref<160xi32, #tpu.memory_space<hbm>>
      %dma_start3A_227 = tpu.memref_slice %arg3[%add3A_225] : memref<160000xi32, #tpu.memory_space<hbm>> -> memref<160xi32, #tpu.memory_space<hbm>>
      tpu.enqueue_dma source(%dma_start3A_227 : memref<160xi32, #tpu.memory_space<hbm>>) target(%arg8 : memref<160xi32, #tpu.memory_space<vmem>>) target_semaphore(%arg19 : memref<!tpu.dma_semaphore, #tpu.memory_space<semaphore_mem>>)
      %dma_start3A_228 = tpu.memref_slice %arg4[%add3A_225] : memref<160000xi32, #tpu.memory_space<hbm>> -> memref<160xi32, #tpu.memory_space<hbm>>
      %dma_start3A_229 = tpu.memref_slice %arg4[%add3A_225] : memref<160000xi32, #tpu.memory_space<hbm>> -> memref<160xi32, #tpu.memory_space<hbm>>
      tpu.enqueue_dma source(%dma_start3A_229 : memref<160xi32, #tpu.memory_space<hbm>>) target(%arg12 : memref<160xi32, #tpu.memory_space<vmem>>) target_semaphore(%arg19 : memref<!tpu.dma_semaphore, #tpu.memory_space<semaphore_mem>>)
    } else {
    }
    %dma_wait3A_63 = arith.constant 0 : i32
    %dma_wait3A_64 = tpu.memref_slice %arg3[%dma_wait3A_63] : memref<160000xi32, #tpu.memory_space<hbm>> -> memref<160xi32, #tpu.memory_space<hbm>>
    %dma_wait3A_65 = arith.constant 0 : i32
    %dma_wait3A_66 = tpu.memref_slice %arg3[%dma_wait3A_65] : memref<160000xi32, #tpu.memory_space<hbm>> -> memref<160xi32, #tpu.memory_space<hbm>>
    tpu.wait_dma2 semaphore(%arg18 : memref<!tpu.dma_semaphore, #tpu.memory_space<semaphore_mem>>) src(%dma_wait3A_66 : memref<160xi32, #tpu.memory_space<hbm>>) dst(%arg7 : memref<160xi32, #tpu.memory_space<vmem>>)
    %dma_wait3A_67 = arith.constant 0 : i32
    %dma_wait3A_68 = tpu.memref_slice %arg4[%dma_wait3A_67] : memref<160000xi32, #tpu.memory_space<hbm>> -> memref<160xi32, #tpu.memory_space<hbm>>
    %dma_wait3A_69 = arith.constant 0 : i32
    %dma_wait3A_70 = tpu.memref_slice %arg4[%dma_wait3A_69] : memref<160000xi32, #tpu.memory_space<hbm>> -> memref<160xi32, #tpu.memory_space<hbm>>
    tpu.wait_dma2 semaphore(%arg18 : memref<!tpu.dma_semaphore, #tpu.memory_space<semaphore_mem>>) src(%dma_wait3A_70 : memref<160xi32, #tpu.memory_space<hbm>>) dst(%arg11 : memref<160xi32, #tpu.memory_space<vmem>>)
    %scan3A_71 = arith.constant 0 : i32
    %scan3A_72 = arith.constant 10 : i32
    %scan3A_73 = arith.addi %scan3A_71, %scan3A_72 : i32
    %scan3A_74 = arith.constant 1 : i32
    scf.for %scan3A_222 = %scan3A_71 to %scan3A_73 step %scan3A_74  : i32 {
      %mul3A_223 = arith.constant 16 : i32
      %mul3A_224 = arith.muli %scan3A_222, %mul3A_223 : i32
      %add3A_225 = arith.constant 0 : i32
      %add3A_226 = arith.addi %add3A_225, %mul3A_224 : i32
      %get3A = arith.index_cast %add3A_226 : i32 to index
      %get3A_227 = tpu.vector_load %arg7[%get3A] {strides = array<i32>} : memref<160xi32, #tpu.memory_space<vmem>>, vector<16xi32>,
      %add3A_228 = vector.broadcast %mul3A_17 : i32 to vector<16xi32>
      %add3A_229 = arith.addi %get3A_227, %add3A_228 : vector<16xi32>
      %swap3A = arith.index_cast %add3A_226 : i32 to index
      %swap3A_230 = tpu.vector_load %arg7[%swap3A] {strides = array<i32>} : memref<160xi32, #tpu.memory_space<vmem>>, vector<16xi32>,
      tpu.vector_store %arg7[%swap3A], %add3A_229 {strides = array<i32>} : memref<160xi32, #tpu.memory_space<vmem>>, vector<16xi32>,
    }
    %scan3A_75 = arith.constant 10 : i32
    %dma_start3A_76 = arith.constant 0 : i32
    %dma_start3A_77 = arith.constant 0 : i32
    %dma_start3A_78 = tpu.memref_slice %arg2[%dma_start3A_76, %dma_start3A_77] : memref<40000x128xf32, #tpu.memory_space<hbm>> -> memref<40000x128xf32, #tpu.memory_space<hbm>>
    tpu.enqueue_indirect_dma source(%dma_start3A_78 : memref<40000x128xf32, #tpu.memory_space<hbm>>) target(%arg15 : memref<160x128xf32, #tpu.memory_space<vmem>>) offsets(%arg7 : memref<160xi32, #tpu.memory_space<vmem>>) semaphore(%arg22 : memref<!tpu.dma_semaphore, #tpu.memory_space<semaphore_mem>>)
    %dma_wait3A_79 = arith.constant 0 : i32
    %dma_wait3A_80 = arith.constant 0 : i32
    %dma_wait3A_81 = tpu.memref_slice %arg2[%dma_wait3A_79, %dma_wait3A_80] : memref<40000x128xf32, #tpu.memory_space<hbm>> -> memref<160x128xf32, #tpu.memory_space<hbm>>
    %dma_wait3A_82 = arith.constant 0 : i32
    %dma_wait3A_83 = arith.constant 0 : i32
    %dma_wait3A_84 = tpu.memref_slice %arg2[%dma_wait3A_82, %dma_wait3A_83] : memref<40000x128xf32, #tpu.memory_space<hbm>> -> memref<160x128xf32, #tpu.memory_space<hbm>>
    tpu.wait_dma2 semaphore(%arg21 : memref<!tpu.dma_semaphore, #tpu.memory_space<semaphore_mem>>) src(%dma_wait3A_84 : memref<160x128xf32, #tpu.memory_space<hbm>>) dst(%arg14 : memref<160x128xf32, #tpu.memory_space<vmem>>)
    "tpu.region"() ({
      %run_scoped3A = tpu.sem_alloc : memref<!tpu.dma_semaphore, #tpu.memory_space<semaphore_mem>>
      %dma_start3A_222 = arith.constant 0 : i32
      %dma_start3A_223 = arith.constant 0 : i32
      %dma_start3A_224 = tpu.memref_slice %arg16[%dma_start3A_222, %dma_start3A_223] : memref<10000x128xf32, #tpu.memory_space<vmem_shared>> -> memref<10000x128xf32, #tpu.memory_space<vmem_shared>>
      tpu.enqueue_indirect_dma source(%arg14 : memref<160x128xf32, #tpu.memory_space<vmem>>) target(%dma_start3A_224 : memref<10000x128xf32, #tpu.memory_space<vmem_shared>>) offsets(%arg10 : memref<160xi32, #tpu.memory_space<vmem>>) semaphore(%run_scoped3A : memref<!tpu.dma_semaphore, #tpu.memory_space<semaphore_mem>>) {add = true}
      %dma_wait3A_225 = arith.constant 0 : i32
      %dma_wait3A_226 = arith.constant 0 : i32
      %dma_wait3A_227 = tpu.memref_slice %arg16[%dma_wait3A_225, %dma_wait3A_226] : memref<10000x128xf32, #tpu.memory_space<vmem_shared>> -> memref<10000x128xf32, #tpu.memory_space<vmem_shared>>
      tpu.wait_indirect_dma semaphore(%run_scoped3A : memref<!tpu.dma_semaphore, #tpu.memory_space<semaphore_mem>>) src(%arg14 : memref<160x128xf32, #tpu.memory_space<vmem>>) dst(%dma_wait3A_227 : memref<10000x128xf32, #tpu.memory_space<vmem_shared>>)
      tpu.yield
    }) : () -> ()
    %gt3A_85 = arith.constant 62 : i32
    %gt3A_86 = arith.cmpi sgt, %select_n3A, %gt3A_85 : i32
    %convert_element_type3A_87 = arith.extui %gt3A_86 : i1 to i32
    %cond3A_88 = arith.constant 0 : i32
    %cond3A_89 = arith.cmpi ne, %convert_element_type3A_87, %cond3A_88 : i32
    scf.if %cond3A_89 {
      %dma_wait3A_222 = arith.constant 0 : i32
      %dma_wait3A_223 = tpu.memref_slice %arg3[%dma_wait3A_222] : memref<160000xi32, #tpu.memory_space<hbm>> -> memref<160xi32, #tpu.memory_space<hbm>>
      %dma_wait3A_224 = arith.constant 0 : i32
      %dma_wait3A_225 = tpu.memref_slice %arg3[%dma_wait3A_224] : memref<160000xi32, #tpu.memory_space<hbm>> -> memref<160xi32, #tpu.memory_space<hbm>>
      tpu.wait_dma2 semaphore(%arg19 : memref<!tpu.dma_semaphore, #tpu.memory_space<semaphore_mem>>) src(%dma_wait3A_225 : memref<160xi32, #tpu.memory_space<hbm>>) dst(%arg8 : memref<160xi32, #tpu.memory_space<vmem>>)
      %dma_wait3A_226 = arith.constant 0 : i32
      %dma_wait3A_227 = tpu.memref_slice %arg4[%dma_wait3A_226] : memref<160000xi32, #tpu.memory_space<hbm>> -> memref<160xi32, #tpu.memory_space<hbm>>
      %dma_wait3A_228 = arith.constant 0 : i32
      %dma_wait3A_229 = tpu.memref_slice %arg4[%dma_wait3A_228] : memref<160000xi32, #tpu.memory_space<hbm>> -> memref<160xi32, #tpu.memory_space<hbm>>
      tpu.wait_dma2 semaphore(%arg19 : memref<!tpu.dma_semaphore, #tpu.memory_space<semaphore_mem>>) src(%dma_wait3A_229 : memref<160xi32, #tpu.memory_space<hbm>>) dst(%arg12 : memref<160xi32, #tpu.memory_space<vmem>>)
      %scan3A_230 = arith.constant 0 : i32
      %scan3A_231 = arith.constant 10 : i32
      %scan3A_232 = arith.addi %scan3A_230, %scan3A_231 : i32
      %scan3A_233 = arith.constant 1 : i32
      scf.for %scan3A_238 = %scan3A_230 to %scan3A_232 step %scan3A_233  : i32 {
        %mul3A_239 = arith.constant 16 : i32
        %mul3A_240 = arith.muli %scan3A_238, %mul3A_239 : i32
        %add3A_241 = arith.constant 0 : i32
        %add3A_242 = arith.addi %add3A_241, %mul3A_240 : i32
        %get3A = arith.index_cast %add3A_242 : i32 to index
        %get3A_243 = tpu.vector_load %arg8[%get3A] {strides = array<i32>} : memref<160xi32, #tpu.memory_space<vmem>>, vector<16xi32>,
        %add3A_244 = vector.broadcast %mul3A_17 : i32 to vector<16xi32>
        %add3A_245 = arith.addi %get3A_243, %add3A_244 : vector<16xi32>
        %swap3A = arith.index_cast %add3A_242 : i32 to index
        %swap3A_246 = tpu.vector_load %arg8[%swap3A] {strides = array<i32>} : memref<160xi32, #tpu.memory_space<vmem>>, vector<16xi32>,
        tpu.vector_store %arg8[%swap3A], %add3A_245 {strides = array<i32>} : memref<160xi32, #tpu.memory_space<vmem>>, vector<16xi32>,
      }
      %scan3A_234 = arith.constant 10 : i32
      %dma_start3A_235 = arith.constant 0 : i32
      %dma_start3A_236 = arith.constant 0 : i32
      %dma_start3A_237 = tpu.memref_slice %arg2[%dma_start3A_235, %dma_start3A_236] : memref<40000x128xf32, #tpu.memory_space<hbm>> -> memref<40000x128xf32, #tpu.memory_space<hbm>>
      tpu.enqueue_indirect_dma source(%dma_start3A_237 : memref<40000x128xf32, #tpu.memory_space<hbm>>) target(%arg14 : memref<160x128xf32, #tpu.memory_space<vmem>>) offsets(%arg8 : memref<160xi32, #tpu.memory_space<vmem>>) semaphore(%arg21 : memref<!tpu.dma_semaphore, #tpu.memory_space<semaphore_mem>>)
    } else {
    }
    %dma_wait3A_90 = arith.constant 0 : i32
    %dma_wait3A_91 = arith.constant 0 : i32
    %dma_wait3A_92 = tpu.memref_slice %arg2[%dma_wait3A_90, %dma_wait3A_91] : memref<40000x128xf32, #tpu.memory_space<hbm>> -> memref<160x128xf32, #tpu.memory_space<hbm>>
    %dma_wait3A_93 = arith.constant 0 : i32
    %dma_wait3A_94 = arith.constant 0 : i32
    %dma_wait3A_95 = tpu.memref_slice %arg2[%dma_wait3A_93, %dma_wait3A_94] : memref<40000x128xf32, #tpu.memory_space<hbm>> -> memref<160x128xf32, #tpu.memory_space<hbm>>
    tpu.wait_dma2 semaphore(%arg22 : memref<!tpu.dma_semaphore, #tpu.memory_space<semaphore_mem>>) src(%dma_wait3A_95 : memref<160x128xf32, #tpu.memory_space<hbm>>) dst(%arg15 : memref<160x128xf32, #tpu.memory_space<vmem>>)
    "tpu.region"() ({
      %run_scoped3A = tpu.sem_alloc : memref<!tpu.dma_semaphore, #tpu.memory_space<semaphore_mem>>
      %dma_start3A_222 = arith.constant 0 : i32
      %dma_start3A_223 = arith.constant 0 : i32
      %dma_start3A_224 = tpu.memref_slice %arg16[%dma_start3A_222, %dma_start3A_223] : memref<10000x128xf32, #tpu.memory_space<vmem_shared>> -> memref<10000x128xf32, #tpu.memory_space<vmem_shared>>
      tpu.enqueue_indirect_dma source(%arg15 : memref<160x128xf32, #tpu.memory_space<vmem>>) target(%dma_start3A_224 : memref<10000x128xf32, #tpu.memory_space<vmem_shared>>) offsets(%arg11 : memref<160xi32, #tpu.memory_space<vmem>>) semaphore(%run_scoped3A : memref<!tpu.dma_semaphore, #tpu.memory_space<semaphore_mem>>) {add = true}
      %dma_wait3A_225 = arith.constant 0 : i32
      %dma_wait3A_226 = arith.constant 0 : i32
      %dma_wait3A_227 = tpu.memref_slice %arg16[%dma_wait3A_225, %dma_wait3A_226] : memref<10000x128xf32, #tpu.memory_space<vmem_shared>> -> memref<10000x128xf32, #tpu.memory_space<vmem_shared>>
      tpu.wait_indirect_dma semaphore(%run_scoped3A : memref<!tpu.dma_semaphore, #tpu.memory_space<semaphore_mem>>) src(%arg15 : memref<160x128xf32, #tpu.memory_space<vmem>>) dst(%dma_wait3A_227 : memref<10000x128xf32, #tpu.memory_space<vmem_shared>>)
      tpu.yield
    }) : () -> ()
    %gt3A_96 = arith.constant 62 : i32
    %gt3A_97 = arith.cmpi sgt, %select_n3A, %gt3A_96 : i32
    %convert_element_type3A_98 = arith.extui %gt3A_97 : i1 to i32
    %cond3A_99 = arith.constant 0 : i32
    %cond3A_100 = arith.cmpi ne, %convert_element_type3A_98, %cond3A_99 : i32
    scf.if %cond3A_100 {
      %dma_wait3A_222 = arith.constant 0 : i32
      %dma_wait3A_223 = arith.constant 0 : i32
      %dma_wait3A_224 = tpu.memref_slice %arg2[%dma_wait3A_222, %dma_wait3A_223] : memref<40000x128xf32, #tpu.memory_space<hbm>> -> memref<160x128xf32, #tpu.memory_space<hbm>>
      %dma_wait3A_225 = arith.constant 0 : i32
      %dma_wait3A_226 = arith.constant 0 : i32
      %dma_wait3A_227 = tpu.memref_slice %arg2[%dma_wait3A_225, %dma_wait3A_226] : memref<40000x128xf32, #tpu.memory_space<hbm>> -> memref<160x128xf32, #tpu.memory_space<hbm>>
      tpu.wait_dma2 semaphore(%arg21 : memref<!tpu.dma_semaphore, #tpu.memory_space<semaphore_mem>>) src(%dma_wait3A_227 : memref<160x128xf32, #tpu.memory_space<hbm>>) dst(%arg14 : memref<160x128xf32, #tpu.memory_space<vmem>>)
      "tpu.region"() ({
        %run_scoped3A = tpu.sem_alloc : memref<!tpu.dma_semaphore, #tpu.memory_space<semaphore_mem>>
        %dma_start3A_228 = arith.constant 0 : i32
        %dma_start3A_229 = arith.constant 0 : i32
        %dma_start3A_230 = tpu.memref_slice %arg16[%dma_start3A_228, %dma_start3A_229] : memref<10000x128xf32, #tpu.memory_space<vmem_shared>> -> memref<10000x128xf32, #tpu.memory_space<vmem_shared>>
        tpu.enqueue_indirect_dma source(%arg14 : memref<160x128xf32, #tpu.memory_space<vmem>>) target(%dma_start3A_230 : memref<10000x128xf32, #tpu.memory_space<vmem_shared>>) offsets(%arg12 : memref<160xi32, #tpu.memory_space<vmem>>) semaphore(%run_scoped3A : memref<!tpu.dma_semaphore, #tpu.memory_space<semaphore_mem>>) {add = true}
        %dma_wait3A_231 = arith.constant 0 : i32
        %dma_wait3A_232 = arith.constant 0 : i32
        %dma_wait3A_233 = tpu.memref_slice %arg16[%dma_wait3A_231, %dma_wait3A_232] : memref<10000x128xf32, #tpu.memory_space<vmem_shared>> -> memref<10000x128xf32, #tpu.memory_space<vmem_shared>>
        tpu.wait_indirect_dma semaphore(%run_scoped3A : memref<!tpu.dma_semaphore, #tpu.memory_space<semaphore_mem>>) src(%arg14 : memref<160x128xf32, #tpu.memory_space<vmem>>) dst(%dma_wait3A_233 : memref<10000x128xf32, #tpu.memory_space<vmem_shared>>)
        tpu.yield
      }) : () -> ()
    } else {
    }
    %barrier3A_101 = arith.constant 0 : index
    tpu.barrier barrier_id(%barrier3A_101)
    %eq3A_102 = arith.constant 0 : i32
    %eq3A_103 = arith.cmpi eq, %arg1, %eq3A_102 : i32
    %convert_element_type3A_104 = arith.extui %eq3A_103 : i1 to i32
    %cond3A_105 = arith.constant 0 : i32
    %cond3A_106 = arith.cmpi ne, %convert_element_type3A_104, %cond3A_105 : i32
    scf.if %cond3A_106 {
      "tpu.region"() ({
        %run_scoped3A = tpu.sem_alloc : memref<!tpu.dma_semaphore, #tpu.memory_space<semaphore_mem>>
        %dma_start3A_222 = arith.constant 0 : i32
        %dma_start3A_223 = tpu.memref_slice %arg5[%mul3A_17, %dma_start3A_222] : memref<40000x128xf32, #tpu.memory_space<hbm>> -> memref<640x128xf32, #tpu.memory_space<hbm>>
        %dma_start3A_224 = arith.constant 0 : i32
        %dma_start3A_225 = arith.constant 0 : i32
        %dma_start3A_226 = tpu.memref_slice %arg16[%dma_start3A_224, %dma_start3A_225] : memref<10000x128xf32, #tpu.memory_space<vmem_shared>> -> memref<640x128xf32, #tpu.memory_space<vmem_shared>>
        tpu.enqueue_dma source(%dma_start3A_226 : memref<640x128xf32, #tpu.memory_space<vmem_shared>>) target(%dma_start3A_223 : memref<640x128xf32, #tpu.memory_space<hbm>>) target_semaphore(%run_scoped3A : memref<!tpu.dma_semaphore, #tpu.memory_space<semaphore_mem>>)
        %dma_wait3A_227 = arith.constant 0 : i32
        %dma_wait3A_228 = tpu.memref_slice %arg5[%mul3A_17, %dma_wait3A_227] : memref<40000x128xf32, #tpu.memory_space<hbm>> -> memref<640x128xf32, #tpu.memory_space<hbm>>
        %dma_wait3A_229 = arith.constant 0 : i32
        %dma_wait3A_230 = arith.constant 0 : i32
        %dma_wait3A_231 = tpu.memref_slice %arg16[%dma_wait3A_229, %dma_wait3A_230] : memref<10000x128xf32, #tpu.memory_space<vmem_shared>> -> memref<640x128xf32, #tpu.memory_space<vmem_shared>>
        tpu.wait_dma2 semaphore(%run_scoped3A : memref<!tpu.dma_semaphore, #tpu.memory_space<semaphore_mem>>) src(%dma_wait3A_231 : memref<640x128xf32, #tpu.memory_space<vmem_shared>>) dst(%dma_wait3A_228 : memref<640x128xf32, #tpu.memory_space<hbm>>)
        tpu.yield
      }) : () -> ()
    } else {
    }
    %gt3A_107 = arith.constant 0 : i32
    %gt3A_108 = arith.cmpi sgt, %arg1, %gt3A_107 : i32
    %convert_element_type3A_109 = arith.extui %gt3A_108 : i1 to i32
    %cond3A_110 = arith.constant 0 : i32
    %cond3A_111 = arith.cmpi ne, %convert_element_type3A_109, %cond3A_110 : i32
    scf.if %cond3A_111 {
      %mul3A_222 = arith.constant 624 : i32
      %mul3A_223 = arith.muli %arg1, %mul3A_222 : i32
      %add3A_224 = arith.constant 16 : i32
      %add3A_225 = arith.addi %add3A_224, %mul3A_223 : i32
      %add3A_226 = arith.addi %mul3A_17, %add3A_225 : i32
      "tpu.region"() ({
        %run_scoped3A = tpu.sem_alloc : memref<!tpu.dma_semaphore, #tpu.memory_space<semaphore_mem>>
        %dma_start3A_227 = arith.constant 0 : i32
        %dma_start3A_228 = tpu.memref_slice %arg5[%add3A_226, %dma_start3A_227] : memref<40000x128xf32, #tpu.memory_space<hbm>> -> memref<624x128xf32, #tpu.memory_space<hbm>>
        %dma_start3A_229 = arith.constant 0 : i32
        %dma_start3A_230 = tpu.memref_slice %arg16[%add3A_225, %dma_start3A_229] : memref<10000x128xf32, #tpu.memory_space<vmem_shared>> -> memref<624x128xf32, #tpu.memory_space<vmem_shared>>
        tpu.enqueue_dma source(%dma_start3A_230 : memref<624x128xf32, #tpu.memory_space<vmem_shared>>) target(%dma_start3A_228 : memref<624x128xf32, #tpu.memory_space<hbm>>) target_semaphore(%run_scoped3A : memref<!tpu.dma_semaphore, #tpu.memory_space<semaphore_mem>>)
        %dma_wait3A_231 = arith.constant 0 : i32
        %dma_wait3A_232 = tpu.memref_slice %arg5[%add3A_226, %dma_wait3A_231] : memref<40000x128xf32, #tpu.memory_space<hbm>> -> memref<624x128xf32, #tpu.memory_space<hbm>>
        %dma_wait3A_233 = arith.constant 0 : i32
        %dma_wait3A_234 = tpu.memref_slice %arg16[%add3A_225, %dma_wait3A_233] : memref<10000x128xf32, #tpu.memory_space<vmem_shared>> -> memref<624x128xf32, #tpu.memory_space<vmem_shared>>
        tpu.wait_dma2 semaphore(%run_scoped3A : memref<!tpu.dma_semaphore, #tpu.memory_space<semaphore_mem>>) src(%dma_wait3A_234 : memref<624x128xf32, #tpu.memory_space<vmem_shared>>) dst(%dma_wait3A_232 : memref<624x128xf32, #tpu.memory_space<hbm>>)
        tpu.yield
      }) : () -> ()
    } else {
    }
    %barrier3A_112 = arith.constant 0 : index
    tpu.barrier barrier_id(%barrier3A_112)
    %mul3A_113 = arith.constant 2 : i32
    %mul3A_114 = arith.muli %arg0, %mul3A_113 : i32
    %add3A_115 = arith.constant 1 : i32
    %add3A_116 = arith.addi %mul3A_114, %add3A_115 : i32
    %mul3A_117 = arith.constant 10000 : i32
    %mul3A_118 = arith.muli %add3A_116, %mul3A_117 : i32
    %eq3A_119 = arith.constant 0 : i32
    %eq3A_120 = arith.cmpi eq, %arg1, %eq3A_119 : i32
    %convert_element_type3A_121 = arith.extui %eq3A_120 : i1 to i32
    %cond3A_122 = arith.constant 0 : i32
    %cond3A_123 = arith.cmpi ne, %convert_element_type3A_121, %cond3A_122 : i32
    scf.if %cond3A_123 {
      "tpu.region"() ({
        %run_scoped3A = tpu.sem_alloc : memref<!tpu.dma_semaphore, #tpu.memory_space<semaphore_mem>>
        %dma_start3A_222 = arith.constant 0 : i32
        %dma_start3A_223 = arith.constant 0 : i32
        %dma_start3A_224 = tpu.memref_slice %arg16[%dma_start3A_222, %dma_start3A_223] : memref<10000x128xf32, #tpu.memory_space<vmem_shared>> -> memref<640x128xf32, #tpu.memory_space<vmem_shared>>
        %dma_start3A_225 = arith.constant 0 : i32
        %dma_start3A_226 = tpu.memref_slice %arg2[%mul3A_118, %dma_start3A_225] : memref<40000x128xf32, #tpu.memory_space<hbm>> -> memref<640x128xf32, #tpu.memory_space<hbm>>
        tpu.enqueue_dma source(%dma_start3A_226 : memref<640x128xf32, #tpu.memory_space<hbm>>) target(%dma_start3A_224 : memref<640x128xf32, #tpu.memory_space<vmem_shared>>) target_semaphore(%run_scoped3A : memref<!tpu.dma_semaphore, #tpu.memory_space<semaphore_mem>>)
        %dma_wait3A_227 = arith.constant 0 : i32
        %dma_wait3A_228 = arith.constant 0 : i32
        %dma_wait3A_229 = tpu.memref_slice %arg16[%dma_wait3A_227, %dma_wait3A_228] : memref<10000x128xf32, #tpu.memory_space<vmem_shared>> -> memref<640x128xf32, #tpu.memory_space<vmem_shared>>
        %dma_wait3A_230 = arith.constant 0 : i32
        %dma_wait3A_231 = tpu.memref_slice %arg2[%mul3A_118, %dma_wait3A_230] : memref<40000x128xf32, #tpu.memory_space<hbm>> -> memref<640x128xf32, #tpu.memory_space<hbm>>
        tpu.wait_dma2 semaphore(%run_scoped3A : memref<!tpu.dma_semaphore, #tpu.memory_space<semaphore_mem>>) src(%dma_wait3A_231 : memref<640x128xf32, #tpu.memory_space<hbm>>) dst(%dma_wait3A_229 : memref<640x128xf32, #tpu.memory_space<vmem_shared>>)
        tpu.yield
      }) : () -> ()
    } else {
    }
    %gt3A_124 = arith.constant 0 : i32
    %gt3A_125 = arith.cmpi sgt, %arg1, %gt3A_124 : i32
    %convert_element_type3A_126 = arith.extui %gt3A_125 : i1 to i32
    %cond3A_127 = arith.constant 0 : i32
    %cond3A_128 = arith.cmpi ne, %convert_element_type3A_126, %cond3A_127 : i32
    scf.if %cond3A_128 {
      %mul3A_222 = arith.constant 624 : i32
      %mul3A_223 = arith.muli %arg1, %mul3A_222 : i32
      %add3A_224 = arith.constant 16 : i32
      %add3A_225 = arith.addi %add3A_224, %mul3A_223 : i32
      %add3A_226 = arith.addi %mul3A_118, %add3A_225 : i32
      "tpu.region"() ({
        %run_scoped3A = tpu.sem_alloc : memref<!tpu.dma_semaphore, #tpu.memory_space<semaphore_mem>>
        %dma_start3A_227 = arith.constant 0 : i32
        %dma_start3A_228 = tpu.memref_slice %arg16[%add3A_225, %dma_start3A_227] : memref<10000x128xf32, #tpu.memory_space<vmem_shared>> -> memref<624x128xf32, #tpu.memory_space<vmem_shared>>
        %dma_start3A_229 = arith.constant 0 : i32
        %dma_start3A_230 = tpu.memref_slice %arg2[%add3A_226, %dma_start3A_229] : memref<40000x128xf32, #tpu.memory_space<hbm>> -> memref<624x128xf32, #tpu.memory_space<hbm>>
        tpu.enqueue_dma source(%dma_start3A_230 : memref<624x128xf32, #tpu.memory_space<hbm>>) target(%dma_start3A_228 : memref<624x128xf32, #tpu.memory_space<vmem_shared>>) target_semaphore(%run_scoped3A : memref<!tpu.dma_semaphore, #tpu.memory_space<semaphore_mem>>)
        %dma_wait3A_231 = arith.constant 0 : i32
        %dma_wait3A_232 = tpu.memref_slice %arg16[%add3A_225, %dma_wait3A_231] : memref<10000x128xf32, #tpu.memory_space<vmem_shared>> -> memref<624x128xf32, #tpu.memory_space<vmem_shared>>
        %dma_wait3A_233 = arith.constant 0 : i32
        %dma_wait3A_234 = tpu.memref_slice %arg2[%add3A_226, %dma_wait3A_233] : memref<40000x128xf32, #tpu.memory_space<hbm>> -> memref<624x128xf32, #tpu.memory_space<hbm>>
        tpu.wait_dma2 semaphore(%run_scoped3A : memref<!tpu.dma_semaphore, #tpu.memory_space<semaphore_mem>>) src(%dma_wait3A_234 : memref<624x128xf32, #tpu.memory_space<hbm>>) dst(%dma_wait3A_232 : memref<624x128xf32, #tpu.memory_space<vmem_shared>>)
        tpu.yield
      }) : () -> ()
    } else {
    }
    %barrier3A_129 = arith.constant 0 : index
    tpu.barrier barrier_id(%barrier3A_129)
    %mul3A_130 = arith.constant 0 : i32
    %mul3A_131 = arith.constant 160 : i32
    %mul3A_132 = arith.muli %mul3A_130, %mul3A_131 : i32
    %add3A_133 = arith.addi %mul3A_11, %mul3A_132 : i32
    %dma_start3A_134 = tpu.memref_slice %arg3[%add3A_133] : memref<160000xi32, #tpu.memory_space<hbm>> -> memref<160xi32, #tpu.memory_space<hbm>>
    %dma_start3A_135 = tpu.memref_slice %arg3[%add3A_133] : memref<160000xi32, #tpu.memory_space<hbm>> -> memref<160xi32, #tpu.memory_space<hbm>>
    tpu.enqueue_dma source(%dma_start3A_135 : memref<160xi32, #tpu.memory_space<hbm>>) target(%arg6 : memref<160xi32, #tpu.memory_space<vmem>>) target_semaphore(%arg17 : memref<!tpu.dma_semaphore, #tpu.memory_space<semaphore_mem>>)
    %dma_start3A_136 = tpu.memref_slice %arg4[%add3A_133] : memref<160000xi32, #tpu.memory_space<hbm>> -> memref<160xi32, #tpu.memory_space<hbm>>
    %dma_start3A_137 = tpu.memref_slice %arg4[%add3A_133] : memref<160000xi32, #tpu.memory_space<hbm>> -> memref<160xi32, #tpu.memory_space<hbm>>
    tpu.enqueue_dma source(%dma_start3A_137 : memref<160xi32, #tpu.memory_space<hbm>>) target(%arg10 : memref<160xi32, #tpu.memory_space<vmem>>) target_semaphore(%arg17 : memref<!tpu.dma_semaphore, #tpu.memory_space<semaphore_mem>>)
    %mul3A_138 = arith.constant 1 : i32
    %mul3A_139 = arith.constant 160 : i32
    %mul3A_140 = arith.muli %mul3A_138, %mul3A_139 : i32
    %add3A_141 = arith.addi %mul3A_11, %mul3A_140 : i32
    %dma_start3A_142 = tpu.memref_slice %arg3[%add3A_141] : memref<160000xi32, #tpu.memory_space<hbm>> -> memref<160xi32, #tpu.memory_space<hbm>>
    %dma_start3A_143 = tpu.memref_slice %arg3[%add3A_141] : memref<160000xi32, #tpu.memory_space<hbm>> -> memref<160xi32, #tpu.memory_space<hbm>>
    tpu.enqueue_dma source(%dma_start3A_143 : memref<160xi32, #tpu.memory_space<hbm>>) target(%arg7 : memref<160xi32, #tpu.memory_space<vmem>>) target_semaphore(%arg18 : memref<!tpu.dma_semaphore, #tpu.memory_space<semaphore_mem>>)
    %dma_start3A_144 = tpu.memref_slice %arg4[%add3A_141] : memref<160000xi32, #tpu.memory_space<hbm>> -> memref<160xi32, #tpu.memory_space<hbm>>
    %dma_start3A_145 = tpu.memref_slice %arg4[%add3A_141] : memref<160000xi32, #tpu.memory_space<hbm>> -> memref<160xi32, #tpu.memory_space<hbm>>
    tpu.enqueue_dma source(%dma_start3A_145 : memref<160xi32, #tpu.memory_space<hbm>>) target(%arg11 : memref<160xi32, #tpu.memory_space<vmem>>) target_semaphore(%arg18 : memref<!tpu.dma_semaphore, #tpu.memory_space<semaphore_mem>>)
    %dma_wait3A_146 = arith.constant 0 : i32
    %dma_wait3A_147 = tpu.memref_slice %arg3[%dma_wait3A_146] : memref<160000xi32, #tpu.memory_space<hbm>> -> memref<160xi32, #tpu.memory_space<hbm>>
    %dma_wait3A_148 = arith.constant 0 : i32
    %dma_wait3A_149 = tpu.memref_slice %arg3[%dma_wait3A_148] : memref<160000xi32, #tpu.memory_space<hbm>> -> memref<160xi32, #tpu.memory_space<hbm>>
    tpu.wait_dma2 semaphore(%arg17 : memref<!tpu.dma_semaphore, #tpu.memory_space<semaphore_mem>>) src(%dma_wait3A_149 : memref<160xi32, #tpu.memory_space<hbm>>) dst(%arg6 : memref<160xi32, #tpu.memory_space<vmem>>)
    %dma_wait3A_150 = arith.constant 0 : i32
    %dma_wait3A_151 = tpu.memref_slice %arg4[%dma_wait3A_150] : memref<160000xi32, #tpu.memory_space<hbm>> -> memref<160xi32, #tpu.memory_space<hbm>>
    %dma_wait3A_152 = arith.constant 0 : i32
    %dma_wait3A_153 = tpu.memref_slice %arg4[%dma_wait3A_152] : memref<160000xi32, #tpu.memory_space<hbm>> -> memref<160xi32, #tpu.memory_space<hbm>>
    tpu.wait_dma2 semaphore(%arg17 : memref<!tpu.dma_semaphore, #tpu.memory_space<semaphore_mem>>) src(%dma_wait3A_153 : memref<160xi32, #tpu.memory_space<hbm>>) dst(%arg10 : memref<160xi32, #tpu.memory_space<vmem>>)
    %scan3A_154 = arith.constant 0 : i32
    %scan3A_155 = arith.constant 10 : i32
    %scan3A_156 = arith.addi %scan3A_154, %scan3A_155 : i32
    %scan3A_157 = arith.constant 1 : i32
    scf.for %scan3A_222 = %scan3A_154 to %scan3A_156 step %scan3A_157  : i32 {
      %mul3A_223 = arith.constant 16 : i32
      %mul3A_224 = arith.muli %scan3A_222, %mul3A_223 : i32
      %add3A_225 = arith.constant 0 : i32
      %add3A_226 = arith.addi %add3A_225, %mul3A_224 : i32
      %get3A = arith.index_cast %add3A_226 : i32 to index
      %get3A_227 = tpu.vector_load %arg6[%get3A] {strides = array<i32>} : memref<160xi32, #tpu.memory_space<vmem>>, vector<16xi32>,
      %add3A_228 = vector.broadcast %mul3A_118 : i32 to vector<16xi32>
      %add3A_229 = arith.addi %get3A_227, %add3A_228 : vector<16xi32>
      %swap3A = arith.index_cast %add3A_226 : i32 to index
      %swap3A_230 = tpu.vector_load %arg6[%swap3A] {strides = array<i32>} : memref<160xi32, #tpu.memory_space<vmem>>, vector<16xi32>,
      tpu.vector_store %arg6[%swap3A], %add3A_229 {strides = array<i32>} : memref<160xi32, #tpu.memory_space<vmem>>, vector<16xi32>,
    }
    %scan3A_158 = arith.constant 10 : i32
    %dma_start3A_159 = arith.constant 0 : i32
    %dma_start3A_160 = arith.constant 0 : i32
    %dma_start3A_161 = tpu.memref_slice %arg2[%dma_start3A_159, %dma_start3A_160] : memref<40000x128xf32, #tpu.memory_space<hbm>> -> memref<40000x128xf32, #tpu.memory_space<hbm>>
    tpu.enqueue_indirect_dma source(%dma_start3A_161 : memref<40000x128xf32, #tpu.memory_space<hbm>>) target(%arg14 : memref<160x128xf32, #tpu.memory_space<vmem>>) offsets(%arg6 : memref<160xi32, #tpu.memory_space<vmem>>) semaphore(%arg21 : memref<!tpu.dma_semaphore, #tpu.memory_space<semaphore_mem>>)
    %scan3A_162 = arith.constant 0 : i32
    %scan3A_163 = arith.constant 15 : i32
    %scan3A_164 = arith.addi %scan3A_162, %scan3A_163 : i32
    %scan3A_165 = arith.constant 1 : i32
    scf.for %scan3A_222 = %scan3A_162 to %scan3A_164 step %scan3A_165  : i32 {
      %mul3A_223 = arith.constant 4 : i32
      %mul3A_224 = arith.muli %scan3A_222, %mul3A_223 : i32
      %add3A_225 = arith.constant 0 : i32
      %add3A_226 = arith.addi %add3A_225, %mul3A_224 : i32
      %add3A_227 = arith.constant 0 : i32
      %add3A_228 = arith.addi %add3A_226, %add3A_227 : i32
      %add3A_229 = arith.constant 2 : i32
      %add3A_230 = arith.addi %add3A_228, %add3A_229 : i32
      %mul3A_231 = arith.constant 160 : i32
      %mul3A_232 = arith.muli %add3A_230, %mul3A_231 : i32
      %add3A_233 = arith.addi %mul3A_11, %mul3A_232 : i32
      %dma_start3A_234 = tpu.memref_slice %arg3[%add3A_233] : memref<160000xi32, #tpu.memory_space<hbm>> -> memref<160xi32, #tpu.memory_space<hbm>>
      %dma_start3A_235 = tpu.memref_slice %arg3[%add3A_233] : memref<160000xi32, #tpu.memory_space<hbm>> -> memref<160xi32, #tpu.memory_space<hbm>>
      tpu.enqueue_dma source(%dma_start3A_235 : memref<160xi32, #tpu.memory_space<hbm>>) target(%arg8 : memref<160xi32, #tpu.memory_space<vmem>>) target_semaphore(%arg19 : memref<!tpu.dma_semaphore, #tpu.memory_space<semaphore_mem>>)
      %dma_start3A_236 = tpu.memref_slice %arg4[%add3A_233] : memref<160000xi32, #tpu.memory_space<hbm>> -> memref<160xi32, #tpu.memory_space<hbm>>
      %dma_start3A_237 = tpu.memref_slice %arg4[%add3A_233] : memref<160000xi32, #tpu.memory_space<hbm>> -> memref<160xi32, #tpu.memory_space<hbm>>
      tpu.enqueue_dma source(%dma_start3A_237 : memref<160xi32, #tpu.memory_space<hbm>>) target(%arg12 : memref<160xi32, #tpu.memory_space<vmem>>) target_semaphore(%arg19 : memref<!tpu.dma_semaphore, #tpu.memory_space<semaphore_mem>>)
      %dma_wait3A_238 = arith.constant 0 : i32
      %dma_wait3A_239 = tpu.memref_slice %arg3[%dma_wait3A_238] : memref<160000xi32, #tpu.memory_space<hbm>> -> memref<160xi32, #tpu.memory_space<hbm>>
      %dma_wait3A_240 = arith.constant 0 : i32
      %dma_wait3A_241 = tpu.memref_slice %arg3[%dma_wait3A_240] : memref<160000xi32, #tpu.memory_space<hbm>> -> memref<160xi32, #tpu.memory_space<hbm>>
      tpu.wait_dma2 semaphore(%arg18 : memref<!tpu.dma_semaphore, #tpu.memory_space<semaphore_mem>>) src(%dma_wait3A_241 : memref<160xi32, #tpu.memory_space<hbm>>) dst(%arg7 : memref<160xi32, #tpu.memory_space<vmem>>)
      %dma_wait3A_242 = arith.constant 0 : i32
      %dma_wait3A_243 = tpu.memref_slice %arg4[%dma_wait3A_242] : memref<160000xi32, #tpu.memory_space<hbm>> -> memref<160xi32, #tpu.memory_space<hbm>>
      %dma_wait3A_244 = arith.constant 0 : i32
      %dma_wait3A_245 = tpu.memref_slice %arg4[%dma_wait3A_244] : memref<160000xi32, #tpu.memory_space<hbm>> -> memref<160xi32, #tpu.memory_space<hbm>>
      tpu.wait_dma2 semaphore(%arg18 : memref<!tpu.dma_semaphore, #tpu.memory_space<semaphore_mem>>) src(%dma_wait3A_245 : memref<160xi32, #tpu.memory_space<hbm>>) dst(%arg11 : memref<160xi32, #tpu.memory_space<vmem>>)
      %scan3A_246 = arith.constant 0 : i32
      %scan3A_247 = arith.constant 10 : i32
      %scan3A_248 = arith.addi %scan3A_246, %scan3A_247 : i32
      %scan3A_249 = arith.constant 1 : i32
      scf.for %scan3A_359 = %scan3A_246 to %scan3A_248 step %scan3A_249  : i32 {
        %mul3A_360 = arith.constant 16 : i32
        %mul3A_361 = arith.muli %scan3A_359, %mul3A_360 : i32
        %add3A_362 = arith.constant 0 : i32
        %add3A_363 = arith.addi %add3A_362, %mul3A_361 : i32
        %get3A = arith.index_cast %add3A_363 : i32 to index
        %get3A_364 = tpu.vector_load %arg7[%get3A] {strides = array<i32>} : memref<160xi32, #tpu.memory_space<vmem>>, vector<16xi32>,
        %add3A_365 = vector.broadcast %mul3A_118 : i32 to vector<16xi32>
        %add3A_366 = arith.addi %get3A_364, %add3A_365 : vector<16xi32>
        %swap3A = arith.index_cast %add3A_363 : i32 to index
        %swap3A_367 = tpu.vector_load %arg7[%swap3A] {strides = array<i32>} : memref<160xi32, #tpu.memory_space<vmem>>, vector<16xi32>,
        tpu.vector_store %arg7[%swap3A], %add3A_366 {strides = array<i32>} : memref<160xi32, #tpu.memory_space<vmem>>, vector<16xi32>,
      }
      %scan3A_250 = arith.constant 10 : i32
      %dma_start3A_251 = arith.constant 0 : i32
      %dma_start3A_252 = arith.constant 0 : i32
      %dma_start3A_253 = tpu.memref_slice %arg2[%dma_start3A_251, %dma_start3A_252] : memref<40000x128xf32, #tpu.memory_space<hbm>> -> memref<40000x128xf32, #tpu.memory_space<hbm>>
      tpu.enqueue_indirect_dma source(%dma_start3A_253 : memref<40000x128xf32, #tpu.memory_space<hbm>>) target(%arg15 : memref<160x128xf32, #tpu.memory_space<vmem>>) offsets(%arg7 : memref<160xi32, #tpu.memory_space<vmem>>) semaphore(%arg22 : memref<!tpu.dma_semaphore, #tpu.memory_space<semaphore_mem>>)
      %dma_wait3A_254 = arith.constant 0 : i32
      %dma_wait3A_255 = arith.constant 0 : i32
      %dma_wait3A_256 = tpu.memref_slice %arg2[%dma_wait3A_254, %dma_wait3A_255] : memref<40000x128xf32, #tpu.memory_space<hbm>> -> memref<160x128xf32, #tpu.memory_space<hbm>>
      %dma_wait3A_257 = arith.constant 0 : i32
      %dma_wait3A_258 = arith.constant 0 : i32
      %dma_wait3A_259 = tpu.memref_slice %arg2[%dma_wait3A_257, %dma_wait3A_258] : memref<40000x128xf32, #tpu.memory_space<hbm>> -> memref<160x128xf32, #tpu.memory_space<hbm>>
      tpu.wait_dma2 semaphore(%arg21 : memref<!tpu.dma_semaphore, #tpu.memory_space<semaphore_mem>>) src(%dma_wait3A_259 : memref<160x128xf32, #tpu.memory_space<hbm>>) dst(%arg14 : memref<160x128xf32, #tpu.memory_space<vmem>>)
      "tpu.region"() ({
        %run_scoped3A = tpu.sem_alloc : memref<!tpu.dma_semaphore, #tpu.memory_space<semaphore_mem>>
        %dma_start3A_359 = arith.constant 0 : i32
        %dma_start3A_360 = arith.constant 0 : i32
        %dma_start3A_361 = tpu.memref_slice %arg16[%dma_start3A_359, %dma_start3A_360] : memref<10000x128xf32, #tpu.memory_space<vmem_shared>> -> memref<10000x128xf32, #tpu.memory_space<vmem_shared>>
        tpu.enqueue_indirect_dma source(%arg14 : memref<160x128xf32, #tpu.memory_space<vmem>>) target(%dma_start3A_361 : memref<10000x128xf32, #tpu.memory_space<vmem_shared>>) offsets(%arg10 : memref<160xi32, #tpu.memory_space<vmem>>) semaphore(%run_scoped3A : memref<!tpu.dma_semaphore, #tpu.memory_space<semaphore_mem>>) {add = true}
        %dma_wait3A_362 = arith.constant 0 : i32
        %dma_wait3A_363 = arith.constant 0 : i32
        %dma_wait3A_364 = tpu.memref_slice %arg16[%dma_wait3A_362, %dma_wait3A_363] : memref<10000x128xf32, #tpu.memory_space<vmem_shared>> -> memref<10000x128xf32, #tpu.memory_space<vmem_shared>>
        tpu.wait_indirect_dma semaphore(%run_scoped3A : memref<!tpu.dma_semaphore, #tpu.memory_space<semaphore_mem>>) src(%arg14 : memref<160x128xf32, #tpu.memory_space<vmem>>) dst(%dma_wait3A_364 : memref<10000x128xf32, #tpu.memory_space<vmem_shared>>)
        tpu.yield
      }) : () -> ()
      %add3A_260 = arith.constant 1 : i32
      %add3A_261 = arith.addi %add3A_226, %add3A_260 : i32
      %add3A_262 = arith.constant 2 : i32
      %add3A_263 = arith.addi %add3A_261, %add3A_262 : i32
      %mul3A_264 = arith.constant 160 : i32
      %mul3A_265 = arith.muli %add3A_263, %mul3A_264 : i32
      %add3A_266 = arith.addi %mul3A_11, %mul3A_265 : i32
      %dma_start3A_267 = tpu.memref_slice %arg3[%add3A_266] : memref<160000xi32, #tpu.memory_space<hbm>> -> memref<160xi32, #tpu.memory_space<hbm>>
      %dma_start3A_268 = tpu.memref_slice %arg3[%add3A_266] : memref<160000xi32, #tpu.memory_space<hbm>> -> memref<160xi32, #tpu.memory_space<hbm>>
      tpu.enqueue_dma source(%dma_start3A_268 : memref<160xi32, #tpu.memory_space<hbm>>) target(%arg9 : memref<160xi32, #tpu.memory_space<vmem>>) target_semaphore(%arg20 : memref<!tpu.dma_semaphore, #tpu.memory_space<semaphore_mem>>)
      %dma_start3A_269 = tpu.memref_slice %arg4[%add3A_266] : memref<160000xi32, #tpu.memory_space<hbm>> -> memref<160xi32, #tpu.memory_space<hbm>>
      %dma_start3A_270 = tpu.memref_slice %arg4[%add3A_266] : memref<160000xi32, #tpu.memory_space<hbm>> -> memref<160xi32, #tpu.memory_space<hbm>>
      tpu.enqueue_dma source(%dma_start3A_270 : memref<160xi32, #tpu.memory_space<hbm>>) target(%arg13 : memref<160xi32, #tpu.memory_space<vmem>>) target_semaphore(%arg20 : memref<!tpu.dma_semaphore, #tpu.memory_space<semaphore_mem>>)
      %dma_wait3A_271 = arith.constant 0 : i32
      %dma_wait3A_272 = tpu.memref_slice %arg3[%dma_wait3A_271] : memref<160000xi32, #tpu.memory_space<hbm>> -> memref<160xi32, #tpu.memory_space<hbm>>
      %dma_wait3A_273 = arith.constant 0 : i32
      %dma_wait3A_274 = tpu.memref_slice %arg3[%dma_wait3A_273] : memref<160000xi32, #tpu.memory_space<hbm>> -> memref<160xi32, #tpu.memory_space<hbm>>
      tpu.wait_dma2 semaphore(%arg19 : memref<!tpu.dma_semaphore, #tpu.memory_space<semaphore_mem>>) src(%dma_wait3A_274 : memref<160xi32, #tpu.memory_space<hbm>>) dst(%arg8 : memref<160xi32, #tpu.memory_space<vmem>>)
      %dma_wait3A_275 = arith.constant 0 : i32
      %dma_wait3A_276 = tpu.memref_slice %arg4[%dma_wait3A_275] : memref<160000xi32, #tpu.memory_space<hbm>> -> memref<160xi32, #tpu.memory_space<hbm>>
      %dma_wait3A_277 = arith.constant 0 : i32
      %dma_wait3A_278 = tpu.memref_slice %arg4[%dma_wait3A_277] : memref<160000xi32, #tpu.memory_space<hbm>> -> memref<160xi32, #tpu.memory_space<hbm>>
      tpu.wait_dma2 semaphore(%arg19 : memref<!tpu.dma_semaphore, #tpu.memory_space<semaphore_mem>>) src(%dma_wait3A_278 : memref<160xi32, #tpu.memory_space<hbm>>) dst(%arg12 : memref<160xi32, #tpu.memory_space<vmem>>)
      %scan3A_279 = arith.constant 0 : i32
      %scan3A_280 = arith.constant 10 : i32
      %scan3A_281 = arith.addi %scan3A_279, %scan3A_280 : i32
      %scan3A_282 = arith.constant 1 : i32
      scf.for %scan3A_359 = %scan3A_279 to %scan3A_281 step %scan3A_282  : i32 {
        %mul3A_360 = arith.constant 16 : i32
        %mul3A_361 = arith.muli %scan3A_359, %mul3A_360 : i32
        %add3A_362 = arith.constant 0 : i32
        %add3A_363 = arith.addi %add3A_362, %mul3A_361 : i32
        %get3A = arith.index_cast %add3A_363 : i32 to index
        %get3A_364 = tpu.vector_load %arg8[%get3A] {strides = array<i32>} : memref<160xi32, #tpu.memory_space<vmem>>, vector<16xi32>,
        %add3A_365 = vector.broadcast %mul3A_118 : i32 to vector<16xi32>
        %add3A_366 = arith.addi %get3A_364, %add3A_365 : vector<16xi32>
        %swap3A = arith.index_cast %add3A_363 : i32 to index
        %swap3A_367 = tpu.vector_load %arg8[%swap3A] {strides = array<i32>} : memref<160xi32, #tpu.memory_space<vmem>>, vector<16xi32>,
        tpu.vector_store %arg8[%swap3A], %add3A_366 {strides = array<i32>} : memref<160xi32, #tpu.memory_space<vmem>>, vector<16xi32>,
      }
      %scan3A_283 = arith.constant 10 : i32
      %dma_start3A_284 = arith.constant 0 : i32
      %dma_start3A_285 = arith.constant 0 : i32
      %dma_start3A_286 = tpu.memref_slice %arg2[%dma_start3A_284, %dma_start3A_285] : memref<40000x128xf32, #tpu.memory_space<hbm>> -> memref<40000x128xf32, #tpu.memory_space<hbm>>
      tpu.enqueue_indirect_dma source(%dma_start3A_286 : memref<40000x128xf32, #tpu.memory_space<hbm>>) target(%arg14 : memref<160x128xf32, #tpu.memory_space<vmem>>) offsets(%arg8 : memref<160xi32, #tpu.memory_space<vmem>>) semaphore(%arg21 : memref<!tpu.dma_semaphore, #tpu.memory_space<semaphore_mem>>)
      %dma_wait3A_287 = arith.constant 0 : i32
      %dma_wait3A_288 = arith.constant 0 : i32
      %dma_wait3A_289 = tpu.memref_slice %arg2[%dma_wait3A_287, %dma_wait3A_288] : memref<40000x128xf32, #tpu.memory_space<hbm>> -> memref<160x128xf32, #tpu.memory_space<hbm>>
      %dma_wait3A_290 = arith.constant 0 : i32
      %dma_wait3A_291 = arith.constant 0 : i32
      %dma_wait3A_292 = tpu.memref_slice %arg2[%dma_wait3A_290, %dma_wait3A_291] : memref<40000x128xf32, #tpu.memory_space<hbm>> -> memref<160x128xf32, #tpu.memory_space<hbm>>
      tpu.wait_dma2 semaphore(%arg22 : memref<!tpu.dma_semaphore, #tpu.memory_space<semaphore_mem>>) src(%dma_wait3A_292 : memref<160x128xf32, #tpu.memory_space<hbm>>) dst(%arg15 : memref<160x128xf32, #tpu.memory_space<vmem>>)
      "tpu.region"() ({
        %run_scoped3A = tpu.sem_alloc : memref<!tpu.dma_semaphore, #tpu.memory_space<semaphore_mem>>
        %dma_start3A_359 = arith.constant 0 : i32
        %dma_start3A_360 = arith.constant 0 : i32
        %dma_start3A_361 = tpu.memref_slice %arg16[%dma_start3A_359, %dma_start3A_360] : memref<10000x128xf32, #tpu.memory_space<vmem_shared>> -> memref<10000x128xf32, #tpu.memory_space<vmem_shared>>
        tpu.enqueue_indirect_dma source(%arg15 : memref<160x128xf32, #tpu.memory_space<vmem>>) target(%dma_start3A_361 : memref<10000x128xf32, #tpu.memory_space<vmem_shared>>) offsets(%arg11 : memref<160xi32, #tpu.memory_space<vmem>>) semaphore(%run_scoped3A : memref<!tpu.dma_semaphore, #tpu.memory_space<semaphore_mem>>) {add = true}
        %dma_wait3A_362 = arith.constant 0 : i32
        %dma_wait3A_363 = arith.constant 0 : i32
        %dma_wait3A_364 = tpu.memref_slice %arg16[%dma_wait3A_362, %dma_wait3A_363] : memref<10000x128xf32, #tpu.memory_space<vmem_shared>> -> memref<10000x128xf32, #tpu.memory_space<vmem_shared>>
        tpu.wait_indirect_dma semaphore(%run_scoped3A : memref<!tpu.dma_semaphore, #tpu.memory_space<semaphore_mem>>) src(%arg15 : memref<160x128xf32, #tpu.memory_space<vmem>>) dst(%dma_wait3A_364 : memref<10000x128xf32, #tpu.memory_space<vmem_shared>>)
        tpu.yield
      }) : () -> ()
      %add3A_293 = arith.constant 2 : i32
      %add3A_294 = arith.addi %add3A_226, %add3A_293 : i32
      %add3A_295 = arith.constant 2 : i32
      %add3A_296 = arith.addi %add3A_294, %add3A_295 : i32
      %mul3A_297 = arith.constant 160 : i32
      %mul3A_298 = arith.muli %add3A_296, %mul3A_297 : i32
      %add3A_299 = arith.addi %mul3A_11, %mul3A_298 : i32
      %dma_start3A_300 = tpu.memref_slice %arg3[%add3A_299] : memref<160000xi32, #tpu.memory_space<hbm>> -> memref<160xi32, #tpu.memory_space<hbm>>
      %dma_start3A_301 = tpu.memref_slice %arg3[%add3A_299] : memref<160000xi32, #tpu.memory_space<hbm>> -> memref<160xi32, #tpu.memory_space<hbm>>
      tpu.enqueue_dma source(%dma_start3A_301 : memref<160xi32, #tpu.memory_space<hbm>>) target(%arg6 : memref<160xi32, #tpu.memory_space<vmem>>) target_semaphore(%arg17 : memref<!tpu.dma_semaphore, #tpu.memory_space<semaphore_mem>>)
      %dma_start3A_302 = tpu.memref_slice %arg4[%add3A_299] : memref<160000xi32, #tpu.memory_space<hbm>> -> memref<160xi32, #tpu.memory_space<hbm>>
      %dma_start3A_303 = tpu.memref_slice %arg4[%add3A_299] : memref<160000xi32, #tpu.memory_space<hbm>> -> memref<160xi32, #tpu.memory_space<hbm>>
      tpu.enqueue_dma source(%dma_start3A_303 : memref<160xi32, #tpu.memory_space<hbm>>) target(%arg10 : memref<160xi32, #tpu.memory_space<vmem>>) target_semaphore(%arg17 : memref<!tpu.dma_semaphore, #tpu.memory_space<semaphore_mem>>)
      %dma_wait3A_304 = arith.constant 0 : i32
      %dma_wait3A_305 = tpu.memref_slice %arg3[%dma_wait3A_304] : memref<160000xi32, #tpu.memory_space<hbm>> -> memref<160xi32, #tpu.memory_space<hbm>>
      %dma_wait3A_306 = arith.constant 0 : i32
      %dma_wait3A_307 = tpu.memref_slice %arg3[%dma_wait3A_306] : memref<160000xi32, #tpu.memory_space<hbm>> -> memref<160xi32, #tpu.memory_space<hbm>>
      tpu.wait_dma2 semaphore(%arg20 : memref<!tpu.dma_semaphore, #tpu.memory_space<semaphore_mem>>) src(%dma_wait3A_307 : memref<160xi32, #tpu.memory_space<hbm>>) dst(%arg9 : memref<160xi32, #tpu.memory_space<vmem>>)
      %dma_wait3A_308 = arith.constant 0 : i32
      %dma_wait3A_309 = tpu.memref_slice %arg4[%dma_wait3A_308] : memref<160000xi32, #tpu.memory_space<hbm>> -> memref<160xi32, #tpu.memory_space<hbm>>
      %dma_wait3A_310 = arith.constant 0 : i32
      %dma_wait3A_311 = tpu.memref_slice %arg4[%dma_wait3A_310] : memref<160000xi32, #tpu.memory_space<hbm>> -> memref<160xi32, #tpu.memory_space<hbm>>
      tpu.wait_dma2 semaphore(%arg20 : memref<!tpu.dma_semaphore, #tpu.memory_space<semaphore_mem>>) src(%dma_wait3A_311 : memref<160xi32, #tpu.memory_space<hbm>>) dst(%arg13 : memref<160xi32, #tpu.memory_space<vmem>>)
      %scan3A_312 = arith.constant 0 : i32
      %scan3A_313 = arith.constant 10 : i32
      %scan3A_314 = arith.addi %scan3A_312, %scan3A_313 : i32
      %scan3A_315 = arith.constant 1 : i32
      scf.for %scan3A_359 = %scan3A_312 to %scan3A_314 step %scan3A_315  : i32 {
        %mul3A_360 = arith.constant 16 : i32
        %mul3A_361 = arith.muli %scan3A_359, %mul3A_360 : i32
        %add3A_362 = arith.constant 0 : i32
        %add3A_363 = arith.addi %add3A_362, %mul3A_361 : i32
        %get3A = arith.index_cast %add3A_363 : i32 to index
        %get3A_364 = tpu.vector_load %arg9[%get3A] {strides = array<i32>} : memref<160xi32, #tpu.memory_space<vmem>>, vector<16xi32>,
        %add3A_365 = vector.broadcast %mul3A_118 : i32 to vector<16xi32>
        %add3A_366 = arith.addi %get3A_364, %add3A_365 : vector<16xi32>
        %swap3A = arith.index_cast %add3A_363 : i32 to index
        %swap3A_367 = tpu.vector_load %arg9[%swap3A] {strides = array<i32>} : memref<160xi32, #tpu.memory_space<vmem>>, vector<16xi32>,
        tpu.vector_store %arg9[%swap3A], %add3A_366 {strides = array<i32>} : memref<160xi32, #tpu.memory_space<vmem>>, vector<16xi32>,
      }
      %scan3A_316 = arith.constant 10 : i32
      %dma_start3A_317 = arith.constant 0 : i32
      %dma_start3A_318 = arith.constant 0 : i32
      %dma_start3A_319 = tpu.memref_slice %arg2[%dma_start3A_317, %dma_start3A_318] : memref<40000x128xf32, #tpu.memory_space<hbm>> -> memref<40000x128xf32, #tpu.memory_space<hbm>>
      tpu.enqueue_indirect_dma source(%dma_start3A_319 : memref<40000x128xf32, #tpu.memory_space<hbm>>) target(%arg15 : memref<160x128xf32, #tpu.memory_space<vmem>>) offsets(%arg9 : memref<160xi32, #tpu.memory_space<vmem>>) semaphore(%arg22 : memref<!tpu.dma_semaphore, #tpu.memory_space<semaphore_mem>>)
      %dma_wait3A_320 = arith.constant 0 : i32
      %dma_wait3A_321 = arith.constant 0 : i32
      %dma_wait3A_322 = tpu.memref_slice %arg2[%dma_wait3A_320, %dma_wait3A_321] : memref<40000x128xf32, #tpu.memory_space<hbm>> -> memref<160x128xf32, #tpu.memory_space<hbm>>
      %dma_wait3A_323 = arith.constant 0 : i32
      %dma_wait3A_324 = arith.constant 0 : i32
      %dma_wait3A_325 = tpu.memref_slice %arg2[%dma_wait3A_323, %dma_wait3A_324] : memref<40000x128xf32, #tpu.memory_space<hbm>> -> memref<160x128xf32, #tpu.memory_space<hbm>>
      tpu.wait_dma2 semaphore(%arg21 : memref<!tpu.dma_semaphore, #tpu.memory_space<semaphore_mem>>) src(%dma_wait3A_325 : memref<160x128xf32, #tpu.memory_space<hbm>>) dst(%arg14 : memref<160x128xf32, #tpu.memory_space<vmem>>)
      "tpu.region"() ({
        %run_scoped3A = tpu.sem_alloc : memref<!tpu.dma_semaphore, #tpu.memory_space<semaphore_mem>>
        %dma_start3A_359 = arith.constant 0 : i32
        %dma_start3A_360 = arith.constant 0 : i32
        %dma_start3A_361 = tpu.memref_slice %arg16[%dma_start3A_359, %dma_start3A_360] : memref<10000x128xf32, #tpu.memory_space<vmem_shared>> -> memref<10000x128xf32, #tpu.memory_space<vmem_shared>>
        tpu.enqueue_indirect_dma source(%arg14 : memref<160x128xf32, #tpu.memory_space<vmem>>) target(%dma_start3A_361 : memref<10000x128xf32, #tpu.memory_space<vmem_shared>>) offsets(%arg12 : memref<160xi32, #tpu.memory_space<vmem>>) semaphore(%run_scoped3A : memref<!tpu.dma_semaphore, #tpu.memory_space<semaphore_mem>>) {add = true}
        %dma_wait3A_362 = arith.constant 0 : i32
        %dma_wait3A_363 = arith.constant 0 : i32
        %dma_wait3A_364 = tpu.memref_slice %arg16[%dma_wait3A_362, %dma_wait3A_363] : memref<10000x128xf32, #tpu.memory_space<vmem_shared>> -> memref<10000x128xf32, #tpu.memory_space<vmem_shared>>
        tpu.wait_indirect_dma semaphore(%run_scoped3A : memref<!tpu.dma_semaphore, #tpu.memory_space<semaphore_mem>>) src(%arg14 : memref<160x128xf32, #tpu.memory_space<vmem>>) dst(%dma_wait3A_364 : memref<10000x128xf32, #tpu.memory_space<vmem_shared>>)
        tpu.yield
      }) : () -> ()
      %add3A_326 = arith.constant 3 : i32
      %add3A_327 = arith.addi %add3A_226, %add3A_326 : i32
      %add3A_328 = arith.constant 2 : i32
      %add3A_329 = arith.addi %add3A_327, %add3A_328 : i32
      %mul3A_330 = arith.constant 160 : i32
      %mul3A_331 = arith.muli %add3A_329, %mul3A_330 : i32
      %add3A_332 = arith.addi %mul3A_11, %mul3A_331 : i32
      %dma_start3A_333 = tpu.memref_slice %arg3[%add3A_332] : memref<160000xi32, #tpu.memory_space<hbm>> -> memref<160xi32, #tpu.memory_space<hbm>>
      %dma_start3A_334 = tpu.memref_slice %arg3[%add3A_332] : memref<160000xi32, #tpu.memory_space<hbm>> -> memref<160xi32, #tpu.memory_space<hbm>>
      tpu.enqueue_dma source(%dma_start3A_334 : memref<160xi32, #tpu.memory_space<hbm>>) target(%arg7 : memref<160xi32, #tpu.memory_space<vmem>>) target_semaphore(%arg18 : memref<!tpu.dma_semaphore, #tpu.memory_space<semaphore_mem>>)
      %dma_start3A_335 = tpu.memref_slice %arg4[%add3A_332] : memref<160000xi32, #tpu.memory_space<hbm>> -> memref<160xi32, #tpu.memory_space<hbm>>
      %dma_start3A_336 = tpu.memref_slice %arg4[%add3A_332] : memref<160000xi32, #tpu.memory_space<hbm>> -> memref<160xi32, #tpu.memory_space<hbm>>
      tpu.enqueue_dma source(%dma_start3A_336 : memref<160xi32, #tpu.memory_space<hbm>>) target(%arg11 : memref<160xi32, #tpu.memory_space<vmem>>) target_semaphore(%arg18 : memref<!tpu.dma_semaphore, #tpu.memory_space<semaphore_mem>>)
      %dma_wait3A_337 = arith.constant 0 : i32
      %dma_wait3A_338 = tpu.memref_slice %arg3[%dma_wait3A_337] : memref<160000xi32, #tpu.memory_space<hbm>> -> memref<160xi32, #tpu.memory_space<hbm>>
      %dma_wait3A_339 = arith.constant 0 : i32
      %dma_wait3A_340 = tpu.memref_slice %arg3[%dma_wait3A_339] : memref<160000xi32, #tpu.memory_space<hbm>> -> memref<160xi32, #tpu.memory_space<hbm>>
      tpu.wait_dma2 semaphore(%arg17 : memref<!tpu.dma_semaphore, #tpu.memory_space<semaphore_mem>>) src(%dma_wait3A_340 : memref<160xi32, #tpu.memory_space<hbm>>) dst(%arg6 : memref<160xi32, #tpu.memory_space<vmem>>)
      %dma_wait3A_341 = arith.constant 0 : i32
      %dma_wait3A_342 = tpu.memref_slice %arg4[%dma_wait3A_341] : memref<160000xi32, #tpu.memory_space<hbm>> -> memref<160xi32, #tpu.memory_space<hbm>>
      %dma_wait3A_343 = arith.constant 0 : i32
      %dma_wait3A_344 = tpu.memref_slice %arg4[%dma_wait3A_343] : memref<160000xi32, #tpu.memory_space<hbm>> -> memref<160xi32, #tpu.memory_space<hbm>>
      tpu.wait_dma2 semaphore(%arg17 : memref<!tpu.dma_semaphore, #tpu.memory_space<semaphore_mem>>) src(%dma_wait3A_344 : memref<160xi32, #tpu.memory_space<hbm>>) dst(%arg10 : memref<160xi32, #tpu.memory_space<vmem>>)
      %scan3A_345 = arith.constant 0 : i32
      %scan3A_346 = arith.constant 10 : i32
      %scan3A_347 = arith.addi %scan3A_345, %scan3A_346 : i32
      %scan3A_348 = arith.constant 1 : i32
      scf.for %scan3A_359 = %scan3A_345 to %scan3A_347 step %scan3A_348  : i32 {
        %mul3A_360 = arith.constant 16 : i32
        %mul3A_361 = arith.muli %scan3A_359, %mul3A_360 : i32
        %add3A_362 = arith.constant 0 : i32
        %add3A_363 = arith.addi %add3A_362, %mul3A_361 : i32
        %get3A = arith.index_cast %add3A_363 : i32 to index
        %get3A_364 = tpu.vector_load %arg6[%get3A] {strides = array<i32>} : memref<160xi32, #tpu.memory_space<vmem>>, vector<16xi32>,
        %add3A_365 = vector.broadcast %mul3A_118 : i32 to vector<16xi32>
        %add3A_366 = arith.addi %get3A_364, %add3A_365 : vector<16xi32>
        %swap3A = arith.index_cast %add3A_363 : i32 to index
        %swap3A_367 = tpu.vector_load %arg6[%swap3A] {strides = array<i32>} : memref<160xi32, #tpu.memory_space<vmem>>, vector<16xi32>,
        tpu.vector_store %arg6[%swap3A], %add3A_366 {strides = array<i32>} : memref<160xi32, #tpu.memory_space<vmem>>, vector<16xi32>,
      }
      %scan3A_349 = arith.constant 10 : i32
      %dma_start3A_350 = arith.constant 0 : i32
      %dma_start3A_351 = arith.constant 0 : i32
      %dma_start3A_352 = tpu.memref_slice %arg2[%dma_start3A_350, %dma_start3A_351] : memref<40000x128xf32, #tpu.memory_space<hbm>> -> memref<40000x128xf32, #tpu.memory_space<hbm>>
      tpu.enqueue_indirect_dma source(%dma_start3A_352 : memref<40000x128xf32, #tpu.memory_space<hbm>>) target(%arg14 : memref<160x128xf32, #tpu.memory_space<vmem>>) offsets(%arg6 : memref<160xi32, #tpu.memory_space<vmem>>) semaphore(%arg21 : memref<!tpu.dma_semaphore, #tpu.memory_space<semaphore_mem>>)
      %dma_wait3A_353 = arith.constant 0 : i32
      %dma_wait3A_354 = arith.constant 0 : i32
      %dma_wait3A_355 = tpu.memref_slice %arg2[%dma_wait3A_353, %dma_wait3A_354] : memref<40000x128xf32, #tpu.memory_space<hbm>> -> memref<160x128xf32, #tpu.memory_space<hbm>>
      %dma_wait3A_356 = arith.constant 0 : i32
      %dma_wait3A_357 = arith.constant 0 : i32
      %dma_wait3A_358 = tpu.memref_slice %arg2[%dma_wait3A_356, %dma_wait3A_357] : memref<40000x128xf32, #tpu.memory_space<hbm>> -> memref<160x128xf32, #tpu.memory_space<hbm>>
      tpu.wait_dma2 semaphore(%arg22 : memref<!tpu.dma_semaphore, #tpu.memory_space<semaphore_mem>>) src(%dma_wait3A_358 : memref<160x128xf32, #tpu.memory_space<hbm>>) dst(%arg15 : memref<160x128xf32, #tpu.memory_space<vmem>>)
      "tpu.region"() ({
        %run_scoped3A = tpu.sem_alloc : memref<!tpu.dma_semaphore, #tpu.memory_space<semaphore_mem>>
        %dma_start3A_359 = arith.constant 0 : i32
        %dma_start3A_360 = arith.constant 0 : i32
        %dma_start3A_361 = tpu.memref_slice %arg16[%dma_start3A_359, %dma_start3A_360] : memref<10000x128xf32, #tpu.memory_space<vmem_shared>> -> memref<10000x128xf32, #tpu.memory_space<vmem_shared>>
        tpu.enqueue_indirect_dma source(%arg15 : memref<160x128xf32, #tpu.memory_space<vmem>>) target(%dma_start3A_361 : memref<10000x128xf32, #tpu.memory_space<vmem_shared>>) offsets(%arg13 : memref<160xi32, #tpu.memory_space<vmem>>) semaphore(%run_scoped3A : memref<!tpu.dma_semaphore, #tpu.memory_space<semaphore_mem>>) {add = true}
        %dma_wait3A_362 = arith.constant 0 : i32
        %dma_wait3A_363 = arith.constant 0 : i32
        %dma_wait3A_364 = tpu.memref_slice %arg16[%dma_wait3A_362, %dma_wait3A_363] : memref<10000x128xf32, #tpu.memory_space<vmem_shared>> -> memref<10000x128xf32, #tpu.memory_space<vmem_shared>>
        tpu.wait_indirect_dma semaphore(%run_scoped3A : memref<!tpu.dma_semaphore, #tpu.memory_space<semaphore_mem>>) src(%arg15 : memref<160x128xf32, #tpu.memory_space<vmem>>) dst(%dma_wait3A_364 : memref<10000x128xf32, #tpu.memory_space<vmem_shared>>)
        tpu.yield
      }) : () -> ()
    }
    %scan3A_166 = arith.constant 15 : i32
    %gt3A_167 = arith.constant 62 : i32
    %gt3A_168 = arith.cmpi sgt, %select_n3A, %gt3A_167 : i32
    %convert_element_type3A_169 = arith.extui %gt3A_168 : i1 to i32
    %cond3A_170 = arith.constant 0 : i32
    %cond3A_171 = arith.cmpi ne, %convert_element_type3A_169, %cond3A_170 : i32
    scf.if %cond3A_171 {
      %mul3A_222 = arith.constant 62 : i32
      %mul3A_223 = arith.constant 160 : i32
      %mul3A_224 = arith.muli %mul3A_222, %mul3A_223 : i32
      %add3A_225 = arith.addi %mul3A_11, %mul3A_224 : i32
      %dma_start3A_226 = tpu.memref_slice %arg3[%add3A_225] : memref<160000xi32, #tpu.memory_space<hbm>> -> memref<160xi32, #tpu.memory_space<hbm>>
      %dma_start3A_227 = tpu.memref_slice %arg3[%add3A_225] : memref<160000xi32, #tpu.memory_space<hbm>> -> memref<160xi32, #tpu.memory_space<hbm>>
      tpu.enqueue_dma source(%dma_start3A_227 : memref<160xi32, #tpu.memory_space<hbm>>) target(%arg8 : memref<160xi32, #tpu.memory_space<vmem>>) target_semaphore(%arg19 : memref<!tpu.dma_semaphore, #tpu.memory_space<semaphore_mem>>)
      %dma_start3A_228 = tpu.memref_slice %arg4[%add3A_225] : memref<160000xi32, #tpu.memory_space<hbm>> -> memref<160xi32, #tpu.memory_space<hbm>>
      %dma_start3A_229 = tpu.memref_slice %arg4[%add3A_225] : memref<160000xi32, #tpu.memory_space<hbm>> -> memref<160xi32, #tpu.memory_space<hbm>>
      tpu.enqueue_dma source(%dma_start3A_229 : memref<160xi32, #tpu.memory_space<hbm>>) target(%arg12 : memref<160xi32, #tpu.memory_space<vmem>>) target_semaphore(%arg19 : memref<!tpu.dma_semaphore, #tpu.memory_space<semaphore_mem>>)
    } else {
    }
    %dma_wait3A_172 = arith.constant 0 : i32
    %dma_wait3A_173 = tpu.memref_slice %arg3[%dma_wait3A_172] : memref<160000xi32, #tpu.memory_space<hbm>> -> memref<160xi32, #tpu.memory_space<hbm>>
    %dma_wait3A_174 = arith.constant 0 : i32
    %dma_wait3A_175 = tpu.memref_slice %arg3[%dma_wait3A_174] : memref<160000xi32, #tpu.memory_space<hbm>> -> memref<160xi32, #tpu.memory_space<hbm>>
    tpu.wait_dma2 semaphore(%arg18 : memref<!tpu.dma_semaphore, #tpu.memory_space<semaphore_mem>>) src(%dma_wait3A_175 : memref<160xi32, #tpu.memory_space<hbm>>) dst(%arg7 : memref<160xi32, #tpu.memory_space<vmem>>)
    %dma_wait3A_176 = arith.constant 0 : i32
    %dma_wait3A_177 = tpu.memref_slice %arg4[%dma_wait3A_176] : memref<160000xi32, #tpu.memory_space<hbm>> -> memref<160xi32, #tpu.memory_space<hbm>>
    %dma_wait3A_178 = arith.constant 0 : i32
    %dma_wait3A_179 = tpu.memref_slice %arg4[%dma_wait3A_178] : memref<160000xi32, #tpu.memory_space<hbm>> -> memref<160xi32, #tpu.memory_space<hbm>>
    tpu.wait_dma2 semaphore(%arg18 : memref<!tpu.dma_semaphore, #tpu.memory_space<semaphore_mem>>) src(%dma_wait3A_179 : memref<160xi32, #tpu.memory_space<hbm>>) dst(%arg11 : memref<160xi32, #tpu.memory_space<vmem>>)
    %scan3A_180 = arith.constant 0 : i32
    %scan3A_181 = arith.constant 10 : i32
    %scan3A_182 = arith.addi %scan3A_180, %scan3A_181 : i32
    %scan3A_183 = arith.constant 1 : i32
    scf.for %scan3A_222 = %scan3A_180 to %scan3A_182 step %scan3A_183  : i32 {
      %mul3A_223 = arith.constant 16 : i32
      %mul3A_224 = arith.muli %scan3A_222, %mul3A_223 : i32
      %add3A_225 = arith.constant 0 : i32
      %add3A_226 = arith.addi %add3A_225, %mul3A_224 : i32
      %get3A = arith.index_cast %add3A_226 : i32 to index
      %get3A_227 = tpu.vector_load %arg7[%get3A] {strides = array<i32>} : memref<160xi32, #tpu.memory_space<vmem>>, vector<16xi32>,
      %add3A_228 = vector.broadcast %mul3A_118 : i32 to vector<16xi32>
      %add3A_229 = arith.addi %get3A_227, %add3A_228 : vector<16xi32>
      %swap3A = arith.index_cast %add3A_226 : i32 to index
      %swap3A_230 = tpu.vector_load %arg7[%swap3A] {strides = array<i32>} : memref<160xi32, #tpu.memory_space<vmem>>, vector<16xi32>,
      tpu.vector_store %arg7[%swap3A], %add3A_229 {strides = array<i32>} : memref<160xi32, #tpu.memory_space<vmem>>, vector<16xi32>,
    }
    %scan3A_184 = arith.constant 10 : i32
    %dma_start3A_185 = arith.constant 0 : i32
    %dma_start3A_186 = arith.constant 0 : i32
    %dma_start3A_187 = tpu.memref_slice %arg2[%dma_start3A_185, %dma_start3A_186] : memref<40000x128xf32, #tpu.memory_space<hbm>> -> memref<40000x128xf32, #tpu.memory_space<hbm>>
    tpu.enqueue_indirect_dma source(%dma_start3A_187 : memref<40000x128xf32, #tpu.memory_space<hbm>>) target(%arg15 : memref<160x128xf32, #tpu.memory_space<vmem>>) offsets(%arg7 : memref<160xi32, #tpu.memory_space<vmem>>) semaphore(%arg22 : memref<!tpu.dma_semaphore, #tpu.memory_space<semaphore_mem>>)
    %dma_wait3A_188 = arith.constant 0 : i32
    %dma_wait3A_189 = arith.constant 0 : i32
    %dma_wait3A_190 = tpu.memref_slice %arg2[%dma_wait3A_188, %dma_wait3A_189] : memref<40000x128xf32, #tpu.memory_space<hbm>> -> memref<160x128xf32, #tpu.memory_space<hbm>>
    %dma_wait3A_191 = arith.constant 0 : i32
    %dma_wait3A_192 = arith.constant 0 : i32
    %dma_wait3A_193 = tpu.memref_slice %arg2[%dma_wait3A_191, %dma_wait3A_192] : memref<40000x128xf32, #tpu.memory_space<hbm>> -> memref<160x128xf32, #tpu.memory_space<hbm>>
    tpu.wait_dma2 semaphore(%arg21 : memref<!tpu.dma_semaphore, #tpu.memory_space<semaphore_mem>>) src(%dma_wait3A_193 : memref<160x128xf32, #tpu.memory_space<hbm>>) dst(%arg14 : memref<160x128xf32, #tpu.memory_space<vmem>>)
    "tpu.region"() ({
      %run_scoped3A = tpu.sem_alloc : memref<!tpu.dma_semaphore, #tpu.memory_space<semaphore_mem>>
      %dma_start3A_222 = arith.constant 0 : i32
      %dma_start3A_223 = arith.constant 0 : i32
      %dma_start3A_224 = tpu.memref_slice %arg16[%dma_start3A_222, %dma_start3A_223] : memref<10000x128xf32, #tpu.memory_space<vmem_shared>> -> memref<10000x128xf32, #tpu.memory_space<vmem_shared>>
      tpu.enqueue_indirect_dma source(%arg14 : memref<160x128xf32, #tpu.memory_space<vmem>>) target(%dma_start3A_224 : memref<10000x128xf32, #tpu.memory_space<vmem_shared>>) offsets(%arg10 : memref<160xi32, #tpu.memory_space<vmem>>) semaphore(%run_scoped3A : memref<!tpu.dma_semaphore, #tpu.memory_space<semaphore_mem>>) {add = true}
      %dma_wait3A_225 = arith.constant 0 : i32
      %dma_wait3A_226 = arith.constant 0 : i32
      %dma_wait3A_227 = tpu.memref_slice %arg16[%dma_wait3A_225, %dma_wait3A_226] : memref<10000x128xf32, #tpu.memory_space<vmem_shared>> -> memref<10000x128xf32, #tpu.memory_space<vmem_shared>>
      tpu.wait_indirect_dma semaphore(%run_scoped3A : memref<!tpu.dma_semaphore, #tpu.memory_space<semaphore_mem>>) src(%arg14 : memref<160x128xf32, #tpu.memory_space<vmem>>) dst(%dma_wait3A_227 : memref<10000x128xf32, #tpu.memory_space<vmem_shared>>)
      tpu.yield
    }) : () -> ()
    %gt3A_194 = arith.constant 62 : i32
    %gt3A_195 = arith.cmpi sgt, %select_n3A, %gt3A_194 : i32
    %convert_element_type3A_196 = arith.extui %gt3A_195 : i1 to i32
    %cond3A_197 = arith.constant 0 : i32
    %cond3A_198 = arith.cmpi ne, %convert_element_type3A_196, %cond3A_197 : i32
    scf.if %cond3A_198 {
      %dma_wait3A_222 = arith.constant 0 : i32
      %dma_wait3A_223 = tpu.memref_slice %arg3[%dma_wait3A_222] : memref<160000xi32, #tpu.memory_space<hbm>> -> memref<160xi32, #tpu.memory_space<hbm>>
      %dma_wait3A_224 = arith.constant 0 : i32
      %dma_wait3A_225 = tpu.memref_slice %arg3[%dma_wait3A_224] : memref<160000xi32, #tpu.memory_space<hbm>> -> memref<160xi32, #tpu.memory_space<hbm>>
      tpu.wait_dma2 semaphore(%arg19 : memref<!tpu.dma_semaphore, #tpu.memory_space<semaphore_mem>>) src(%dma_wait3A_225 : memref<160xi32, #tpu.memory_space<hbm>>) dst(%arg8 : memref<160xi32, #tpu.memory_space<vmem>>)
      %dma_wait3A_226 = arith.constant 0 : i32
      %dma_wait3A_227 = tpu.memref_slice %arg4[%dma_wait3A_226] : memref<160000xi32, #tpu.memory_space<hbm>> -> memref<160xi32, #tpu.memory_space<hbm>>
      %dma_wait3A_228 = arith.constant 0 : i32
      %dma_wait3A_229 = tpu.memref_slice %arg4[%dma_wait3A_228] : memref<160000xi32, #tpu.memory_space<hbm>> -> memref<160xi32, #tpu.memory_space<hbm>>
      tpu.wait_dma2 semaphore(%arg19 : memref<!tpu.dma_semaphore, #tpu.memory_space<semaphore_mem>>) src(%dma_wait3A_229 : memref<160xi32, #tpu.memory_space<hbm>>) dst(%arg12 : memref<160xi32, #tpu.memory_space<vmem>>)
      %scan3A_230 = arith.constant 0 : i32
      %scan3A_231 = arith.constant 10 : i32
      %scan3A_232 = arith.addi %scan3A_230, %scan3A_231 : i32
      %scan3A_233 = arith.constant 1 : i32
      scf.for %scan3A_238 = %scan3A_230 to %scan3A_232 step %scan3A_233  : i32 {
        %mul3A_239 = arith.constant 16 : i32
        %mul3A_240 = arith.muli %scan3A_238, %mul3A_239 : i32
        %add3A_241 = arith.constant 0 : i32
        %add3A_242 = arith.addi %add3A_241, %mul3A_240 : i32
        %get3A = arith.index_cast %add3A_242 : i32 to index
        %get3A_243 = tpu.vector_load %arg8[%get3A] {strides = array<i32>} : memref<160xi32, #tpu.memory_space<vmem>>, vector<16xi32>,
        %add3A_244 = vector.broadcast %mul3A_118 : i32 to vector<16xi32>
        %add3A_245 = arith.addi %get3A_243, %add3A_244 : vector<16xi32>
        %swap3A = arith.index_cast %add3A_242 : i32 to index
        %swap3A_246 = tpu.vector_load %arg8[%swap3A] {strides = array<i32>} : memref<160xi32, #tpu.memory_space<vmem>>, vector<16xi32>,
        tpu.vector_store %arg8[%swap3A], %add3A_245 {strides = array<i32>} : memref<160xi32, #tpu.memory_space<vmem>>, vector<16xi32>,
      }
      %scan3A_234 = arith.constant 10 : i32
      %dma_start3A_235 = arith.constant 0 : i32
      %dma_start3A_236 = arith.constant 0 : i32
      %dma_start3A_237 = tpu.memref_slice %arg2[%dma_start3A_235, %dma_start3A_236] : memref<40000x128xf32, #tpu.memory_space<hbm>> -> memref<40000x128xf32, #tpu.memory_space<hbm>>
      tpu.enqueue_indirect_dma source(%dma_start3A_237 : memref<40000x128xf32, #tpu.memory_space<hbm>>) target(%arg14 : memref<160x128xf32, #tpu.memory_space<vmem>>) offsets(%arg8 : memref<160xi32, #tpu.memory_space<vmem>>) semaphore(%arg21 : memref<!tpu.dma_semaphore, #tpu.memory_space<semaphore_mem>>)
    } else {
    }
    %dma_wait3A_199 = arith.constant 0 : i32
    %dma_wait3A_200 = arith.constant 0 : i32
    %dma_wait3A_201 = tpu.memref_slice %arg2[%dma_wait3A_199, %dma_wait3A_200] : memref<40000x128xf32, #tpu.memory_space<hbm>> -> memref<160x128xf32, #tpu.memory_space<hbm>>
    %dma_wait3A_202 = arith.constant 0 : i32
    %dma_wait3A_203 = arith.constant 0 : i32
    %dma_wait3A_204 = tpu.memref_slice %arg2[%dma_wait3A_202, %dma_wait3A_203] : memref<40000x128xf32, #tpu.memory_space<hbm>> -> memref<160x128xf32, #tpu.memory_space<hbm>>
    tpu.wait_dma2 semaphore(%arg22 : memref<!tpu.dma_semaphore, #tpu.memory_space<semaphore_mem>>) src(%dma_wait3A_204 : memref<160x128xf32, #tpu.memory_space<hbm>>) dst(%arg15 : memref<160x128xf32, #tpu.memory_space<vmem>>)
    "tpu.region"() ({
      %run_scoped3A = tpu.sem_alloc : memref<!tpu.dma_semaphore, #tpu.memory_space<semaphore_mem>>
      %dma_start3A_222 = arith.constant 0 : i32
      %dma_start3A_223 = arith.constant 0 : i32
      %dma_start3A_224 = tpu.memref_slice %arg16[%dma_start3A_222, %dma_start3A_223] : memref<10000x128xf32, #tpu.memory_space<vmem_shared>> -> memref<10000x128xf32, #tpu.memory_space<vmem_shared>>
      tpu.enqueue_indirect_dma source(%arg15 : memref<160x128xf32, #tpu.memory_space<vmem>>) target(%dma_start3A_224 : memref<10000x128xf32, #tpu.memory_space<vmem_shared>>) offsets(%arg11 : memref<160xi32, #tpu.memory_space<vmem>>) semaphore(%run_scoped3A : memref<!tpu.dma_semaphore, #tpu.memory_space<semaphore_mem>>) {add = true}
      %dma_wait3A_225 = arith.constant 0 : i32
      %dma_wait3A_226 = arith.constant 0 : i32
      %dma_wait3A_227 = tpu.memref_slice %arg16[%dma_wait3A_225, %dma_wait3A_226] : memref<10000x128xf32, #tpu.memory_space<vmem_shared>> -> memref<10000x128xf32, #tpu.memory_space<vmem_shared>>
      tpu.wait_indirect_dma semaphore(%run_scoped3A : memref<!tpu.dma_semaphore, #tpu.memory_space<semaphore_mem>>) src(%arg15 : memref<160x128xf32, #tpu.memory_space<vmem>>) dst(%dma_wait3A_227 : memref<10000x128xf32, #tpu.memory_space<vmem_shared>>)
      tpu.yield
    }) : () -> ()
    %gt3A_205 = arith.constant 62 : i32
    %gt3A_206 = arith.cmpi sgt, %select_n3A, %gt3A_205 : i32
    %convert_element_type3A_207 = arith.extui %gt3A_206 : i1 to i32
    %cond3A_208 = arith.constant 0 : i32
    %cond3A_209 = arith.cmpi ne, %convert_element_type3A_207, %cond3A_208 : i32
    scf.if %cond3A_209 {
      %dma_wait3A_222 = arith.constant 0 : i32
      %dma_wait3A_223 = arith.constant 0 : i32
      %dma_wait3A_224 = tpu.memref_slice %arg2[%dma_wait3A_222, %dma_wait3A_223] : memref<40000x128xf32, #tpu.memory_space<hbm>> -> memref<160x128xf32, #tpu.memory_space<hbm>>
      %dma_wait3A_225 = arith.constant 0 : i32
      %dma_wait3A_226 = arith.constant 0 : i32
      %dma_wait3A_227 = tpu.memref_slice %arg2[%dma_wait3A_225, %dma_wait3A_226] : memref<40000x128xf32, #tpu.memory_space<hbm>> -> memref<160x128xf32, #tpu.memory_space<hbm>>
      tpu.wait_dma2 semaphore(%arg21 : memref<!tpu.dma_semaphore, #tpu.memory_space<semaphore_mem>>) src(%dma_wait3A_227 : memref<160x128xf32, #tpu.memory_space<hbm>>) dst(%arg14 : memref<160x128xf32, #tpu.memory_space<vmem>>)
      "tpu.region"() ({
        %run_scoped3A = tpu.sem_alloc : memref<!tpu.dma_semaphore, #tpu.memory_space<semaphore_mem>>
        %dma_start3A_228 = arith.constant 0 : i32
        %dma_start3A_229 = arith.constant 0 : i32
        %dma_start3A_230 = tpu.memref_slice %arg16[%dma_start3A_228, %dma_start3A_229] : memref<10000x128xf32, #tpu.memory_space<vmem_shared>> -> memref<10000x128xf32, #tpu.memory_space<vmem_shared>>
        tpu.enqueue_indirect_dma source(%arg14 : memref<160x128xf32, #tpu.memory_space<vmem>>) target(%dma_start3A_230 : memref<10000x128xf32, #tpu.memory_space<vmem_shared>>) offsets(%arg12 : memref<160xi32, #tpu.memory_space<vmem>>) semaphore(%run_scoped3A : memref<!tpu.dma_semaphore, #tpu.memory_space<semaphore_mem>>) {add = true}
        %dma_wait3A_231 = arith.constant 0 : i32
        %dma_wait3A_232 = arith.constant 0 : i32
        %dma_wait3A_233 = tpu.memref_slice %arg16[%dma_wait3A_231, %dma_wait3A_232] : memref<10000x128xf32, #tpu.memory_space<vmem_shared>> -> memref<10000x128xf32, #tpu.memory_space<vmem_shared>>
        tpu.wait_indirect_dma semaphore(%run_scoped3A : memref<!tpu.dma_semaphore, #tpu.memory_space<semaphore_mem>>) src(%arg14 : memref<160x128xf32, #tpu.memory_space<vmem>>) dst(%dma_wait3A_233 : memref<10000x128xf32, #tpu.memory_space<vmem_shared>>)
        tpu.yield
      }) : () -> ()
    } else {
    }
    %barrier3A_210 = arith.constant 0 : index
    tpu.barrier barrier_id(%barrier3A_210)
    %eq3A_211 = arith.constant 0 : i32
    %eq3A_212 = arith.cmpi eq, %arg1, %eq3A_211 : i32
    %convert_element_type3A_213 = arith.extui %eq3A_212 : i1 to i32
    %cond3A_214 = arith.constant 0 : i32
    %cond3A_215 = arith.cmpi ne, %convert_element_type3A_213, %cond3A_214 : i32
    scf.if %cond3A_215 {
      "tpu.region"() ({
        %run_scoped3A = tpu.sem_alloc : memref<!tpu.dma_semaphore, #tpu.memory_space<semaphore_mem>>
        %dma_start3A_222 = arith.constant 0 : i32
        %dma_start3A_223 = tpu.memref_slice %arg5[%mul3A_118, %dma_start3A_222] : memref<40000x128xf32, #tpu.memory_space<hbm>> -> memref<640x128xf32, #tpu.memory_space<hbm>>
        %dma_start3A_224 = arith.constant 0 : i32
        %dma_start3A_225 = arith.constant 0 : i32
        %dma_start3A_226 = tpu.memref_slice %arg16[%dma_start3A_224, %dma_start3A_225] : memref<10000x128xf32, #tpu.memory_space<vmem_shared>> -> memref<640x128xf32, #tpu.memory_space<vmem_shared>>
        tpu.enqueue_dma source(%dma_start3A_226 : memref<640x128xf32, #tpu.memory_space<vmem_shared>>) target(%dma_start3A_223 : memref<640x128xf32, #tpu.memory_space<hbm>>) target_semaphore(%run_scoped3A : memref<!tpu.dma_semaphore, #tpu.memory_space<semaphore_mem>>)
        %dma_wait3A_227 = arith.constant 0 : i32
        %dma_wait3A_228 = tpu.memref_slice %arg5[%mul3A_118, %dma_wait3A_227] : memref<40000x128xf32, #tpu.memory_space<hbm>> -> memref<640x128xf32, #tpu.memory_space<hbm>>
        %dma_wait3A_229 = arith.constant 0 : i32
        %dma_wait3A_230 = arith.constant 0 : i32
        %dma_wait3A_231 = tpu.memref_slice %arg16[%dma_wait3A_229, %dma_wait3A_230] : memref<10000x128xf32, #tpu.memory_space<vmem_shared>> -> memref<640x128xf32, #tpu.memory_space<vmem_shared>>
        tpu.wait_dma2 semaphore(%run_scoped3A : memref<!tpu.dma_semaphore, #tpu.memory_space<semaphore_mem>>) src(%dma_wait3A_231 : memref<640x128xf32, #tpu.memory_space<vmem_shared>>) dst(%dma_wait3A_228 : memref<640x128xf32, #tpu.memory_space<hbm>>)
        tpu.yield
      }) : () -> ()
    } else {
    }
    %gt3A_216 = arith.constant 0 : i32
    %gt3A_217 = arith.cmpi sgt, %arg1, %gt3A_216 : i32
    %convert_element_type3A_218 = arith.extui %gt3A_217 : i1 to i32
    %cond3A_219 = arith.constant 0 : i32
    %cond3A_220 = arith.cmpi ne, %convert_element_type3A_218, %cond3A_219 : i32
    scf.if %cond3A_220 {
      %mul3A_222 = arith.constant 624 : i32
      %mul3A_223 = arith.muli %arg1, %mul3A_222 : i32
      %add3A_224 = arith.constant 16 : i32
      %add3A_225 = arith.addi %add3A_224, %mul3A_223 : i32
      %add3A_226 = arith.addi %mul3A_118, %add3A_225 : i32
      "tpu.region"() ({
        %run_scoped3A = tpu.sem_alloc : memref<!tpu.dma_semaphore, #tpu.memory_space<semaphore_mem>>
        %dma_start3A_227 = arith.constant 0 : i32
        %dma_start3A_228 = tpu.memref_slice %arg5[%add3A_226, %dma_start3A_227] : memref<40000x128xf32, #tpu.memory_space<hbm>> -> memref<624x128xf32, #tpu.memory_space<hbm>>
        %dma_start3A_229 = arith.constant 0 : i32
        %dma_start3A_230 = tpu.memref_slice %arg16[%add3A_225, %dma_start3A_229] : memref<10000x128xf32, #tpu.memory_space<vmem_shared>> -> memref<624x128xf32, #tpu.memory_space<vmem_shared>>
        tpu.enqueue_dma source(%dma_start3A_230 : memref<624x128xf32, #tpu.memory_space<vmem_shared>>) target(%dma_start3A_228 : memref<624x128xf32, #tpu.memory_space<hbm>>) target_semaphore(%run_scoped3A : memref<!tpu.dma_semaphore, #tpu.memory_space<semaphore_mem>>)
        %dma_wait3A_231 = arith.constant 0 : i32
        %dma_wait3A_232 = tpu.memref_slice %arg5[%add3A_226, %dma_wait3A_231] : memref<40000x128xf32, #tpu.memory_space<hbm>> -> memref<624x128xf32, #tpu.memory_space<hbm>>
        %dma_wait3A_233 = arith.constant 0 : i32
        %dma_wait3A_234 = tpu.memref_slice %arg16[%add3A_225, %dma_wait3A_233] : memref<10000x128xf32, #tpu.memory_space<vmem_shared>> -> memref<624x128xf32, #tpu.memory_space<vmem_shared>>
        tpu.wait_dma2 semaphore(%run_scoped3A : memref<!tpu.dma_semaphore, #tpu.memory_space<semaphore_mem>>) src(%dma_wait3A_234 : memref<624x128xf32, #tpu.memory_space<vmem_shared>>) dst(%dma_wait3A_232 : memref<624x128xf32, #tpu.memory_space<hbm>>)
        tpu.yield
      }) : () -> ()
    } else {
    }
    %barrier3A_221 = arith.constant 0 : index
    tpu.barrier barrier_id(%barrier3A_221)
    return
  }
}

#map = affine_map<(d0, d1) -> (0, 0)>
#map1 = affine_map<(d0, d1) -> (0)>
module attributes {stable_mosaic.version = 14 : i64} {
  func.func @k(%arg0: i32, %arg1: i32, %arg2: memref<40000x128xf32, #tpu.memory_space<hbm>>, %arg3: memref<160000xi32, #tpu.memory_space<hbm>>, %arg4: memref<160000xi32, #tpu.memory_space<hbm>>, %arg5: memref<40000x128xf32, #tpu.memory_space<hbm>>, %arg6: memref<160xi32, #tpu.memory_space<vmem>>, %arg7: memref<160xi32, #tpu.memory_space<vmem>>, %arg8: memref<160xi32, #tpu.memory_space<vmem>>, %arg9: memref<160xi32, #tpu.memory_space<vmem>>, %arg10: memref<160xi32, #tpu.memory_space<vmem>>, %arg11: memref<160xi32, #tpu.memory_space<vmem>>, %arg12: memref<160xi32, #tpu.memory_space<vmem>>, %arg13: memref<160xi32, #tpu.memory_space<vmem>>, %arg14: memref<160x128xf32, #tpu.memory_space<vmem>>, %arg15: memref<160x128xf32, #tpu.memory_space<vmem>>, %arg16: memref<10000x128xf32, #tpu.memory_space<vmem_shared>>, %arg17: memref<!tpu.dma_semaphore, #tpu.memory_space<semaphore_mem>>, %arg18: memref<!tpu.dma_semaphore, #tpu.memory_space<semaphore_mem>>, %arg19: memref<!tpu.dma_semaphore, #tpu.memory_space<semaphore_mem>>, %arg20: memref<!tpu.dma_semaphore, #tpu.memory_space<semaphore_mem>>, %arg21: memref<!tpu.dma_semaphore, #tpu.memory_space<semaphore_mem>>, %arg22: memref<!tpu.dma_semaphore, #tpu.memory_space<semaphore_mem>>) attributes {dimension_semantics = [#tpu.dimension_semantics<core_parallel>, #tpu.dimension_semantics<subcore_parallel>], iteration_bounds = array<i64: 2, 16>, scalar_prefetch = 0 : i64, scratch_operands = 17 : i64, tpu.core_type = #tpu.core_type<sc_vector_subcore>, window_params = [{transform_indices = #map}, {transform_indices = #map1}, {transform_indices = #map1}, {transform_indices = #map}]} {
    %lt3A = arith.constant 8 : i32
    %lt3A_0 = arith.cmpi slt, %arg1, %lt3A : i32
    %jit3A = arith.constant 63 : i32
    %jit3A_1 = arith.constant 62 : i32
    %select_n3A = arith.select %lt3A_0, %jit3A, %jit3A_1 : i32
    %lt3A_2 = arith.constant 8 : i32
    %lt3A_3 = arith.cmpi slt, %arg1, %lt3A_2 : i32
    %mul3A = arith.constant 63 : i32
    %mul3A_4 = arith.muli %arg1, %mul3A : i32
    %sub3A = arith.constant 8 : i32
    %sub3A_5 = arith.subi %arg1, %sub3A : i32
    %mul3A_6 = arith.constant 62 : i32
    %mul3A_7 = arith.muli %sub3A_5, %mul3A_6 : i32
    %add3A = arith.constant 504 : i32
    %add3A_8 = arith.addi %add3A, %mul3A_7 : i32
    %select_n3A_9 = arith.select %lt3A_3, %mul3A_4, %add3A_8 : i32
    %mul3A_10 = arith.constant 160 : i32
    %mul3A_11 = arith.muli %select_n3A_9, %mul3A_10 : i32
    %mul3A_12 = arith.constant 2 : i32
    %mul3A_13 = arith.muli %arg0, %mul3A_12 : i32
    %add3A_14 = arith.constant 0 : i32
    %add3A_15 = arith.addi %mul3A_13, %add3A_14 : i32
    %mul3A_16 = arith.constant 10000 : i32
    %mul3A_17 = arith.muli %add3A_15, %mul3A_16 : i32
    %eq3A = arith.constant 0 : i32
    %eq3A_18 = arith.cmpi eq, %arg1, %eq3A : i32
    %convert_element_type3A = arith.extui %eq3A_18 : i1 to i32
    %cond3A = arith.constant 0 : i32
    %cond3A_19 = arith.cmpi ne, %convert_element_type3A, %cond3A : i32
    scf.if %cond3A_19 {
      "tpu.region"() ({
        %run_scoped3A = tpu.sem_alloc : memref<!tpu.dma_semaphore, #tpu.memory_space<semaphore_mem>>
        %dma_start3A_222 = arith.constant 0 : i32
        %dma_start3A_223 = arith.constant 0 : i32
        %dma_start3A_224 = tpu.memref_slice %arg16[%dma_start3A_222, %dma_start3A_223] : memref<10000x128xf32, #tpu.memory_space<vmem_shared>> -> memref<640x128xf32, #tpu.memory_space<vmem_shared>>
        %dma_start3A_225 = arith.constant 0 : i32
        %dma_start3A_226 = tpu.memref_slice %arg2[%mul3A_17, %dma_start3A_225] : memref<40000x128xf32, #tpu.memory_space<hbm>> -> memref<640x128xf32, #tpu.memory_space<hbm>>
        tpu.enqueue_dma source(%dma_start3A_226 : memref<640x128xf32, #tpu.memory_space<hbm>>) target(%dma_start3A_224 : memref<640x128xf32, #tpu.memory_space<vmem_shared>>) target_semaphore(%run_scoped3A : memref<!tpu.dma_semaphore, #tpu.memory_space<semaphore_mem>>)
        %dma_wait3A_227 = arith.constant 0 : i32
        %dma_wait3A_228 = arith.constant 0 : i32
        %dma_wait3A_229 = tpu.memref_slice %arg16[%dma_wait3A_227, %dma_wait3A_228] : memref<10000x128xf32, #tpu.memory_space<vmem_shared>> -> memref<640x128xf32, #tpu.memory_space<vmem_shared>>
        %dma_wait3A_230 = arith.constant 0 : i32
        %dma_wait3A_231 = tpu.memref_slice %arg2[%mul3A_17, %dma_wait3A_230] : memref<40000x128xf32, #tpu.memory_space<hbm>> -> memref<640x128xf32, #tpu.memory_space<hbm>>
        tpu.wait_dma2 semaphore(%run_scoped3A : memref<!tpu.dma_semaphore, #tpu.memory_space<semaphore_mem>>) src(%dma_wait3A_231 : memref<640x128xf32, #tpu.memory_space<hbm>>) dst(%dma_wait3A_229 : memref<640x128xf32, #tpu.memory_space<vmem_shared>>)
        tpu.yield
      }) : () -> ()
    } else {
    }
    %gt3A = arith.constant 0 : i32
    %gt3A_20 = arith.cmpi sgt, %arg1, %gt3A : i32
    %convert_element_type3A_21 = arith.extui %gt3A_20 : i1 to i32
    %cond3A_22 = arith.constant 0 : i32
    %cond3A_23 = arith.cmpi ne, %convert_element_type3A_21, %cond3A_22 : i32
    scf.if %cond3A_23 {
      %mul3A_222 = arith.constant 624 : i32
      %mul3A_223 = arith.muli %arg1, %mul3A_222 : i32
      %add3A_224 = arith.constant 16 : i32
      %add3A_225 = arith.addi %add3A_224, %mul3A_223 : i32
      %add3A_226 = arith.addi %mul3A_17, %add3A_225 : i32
      "tpu.region"() ({
        %run_scoped3A = tpu.sem_alloc : memref<!tpu.dma_semaphore, #tpu.memory_space<semaphore_mem>>
        %dma_start3A_227 = arith.constant 0 : i32
        %dma_start3A_228 = tpu.memref_slice %arg16[%add3A_225, %dma_start3A_227] : memref<10000x128xf32, #tpu.memory_space<vmem_shared>> -> memref<624x128xf32, #tpu.memory_space<vmem_shared>>
        %dma_start3A_229 = arith.constant 0 : i32
        %dma_start3A_230 = tpu.memref_slice %arg2[%add3A_226, %dma_start3A_229] : memref<40000x128xf32, #tpu.memory_space<hbm>> -> memref<624x128xf32, #tpu.memory_space<hbm>>
        tpu.enqueue_dma source(%dma_start3A_230 : memref<624x128xf32, #tpu.memory_space<hbm>>) target(%dma_start3A_228 : memref<624x128xf32, #tpu.memory_space<vmem_shared>>) target_semaphore(%run_scoped3A : memref<!tpu.dma_semaphore, #tpu.memory_space<semaphore_mem>>)
        %dma_wait3A_231 = arith.constant 0 : i32
        %dma_wait3A_232 = tpu.memref_slice %arg16[%add3A_225, %dma_wait3A_231] : memref<10000x128xf32, #tpu.memory_space<vmem_shared>> -> memref<624x128xf32, #tpu.memory_space<vmem_shared>>
        %dma_wait3A_233 = arith.constant 0 : i32
        %dma_wait3A_234 = tpu.memref_slice %arg2[%add3A_226, %dma_wait3A_233] : memref<40000x128xf32, #tpu.memory_space<hbm>> -> memref<624x128xf32, #tpu.memory_space<hbm>>
        tpu.wait_dma2 semaphore(%run_scoped3A : memref<!tpu.dma_semaphore, #tpu.memory_space<semaphore_mem>>) src(%dma_wait3A_234 : memref<624x128xf32, #tpu.memory_space<hbm>>) dst(%dma_wait3A_232 : memref<624x128xf32, #tpu.memory_space<vmem_shared>>)
        tpu.yield
      }) : () -> ()
    } else {
    }
    %barrier3A = arith.constant 0 : index
    tpu.barrier barrier_id(%barrier3A)
    %mul3A_24 = arith.constant 0 : i32
    %mul3A_25 = arith.constant 160 : i32
    %mul3A_26 = arith.muli %mul3A_24, %mul3A_25 : i32
    %add3A_27 = arith.addi %mul3A_11, %mul3A_26 : i32
    %dma_start3A = tpu.memref_slice %arg3[%add3A_27] : memref<160000xi32, #tpu.memory_space<hbm>> -> memref<160xi32, #tpu.memory_space<hbm>>
    %dma_start3A_28 = tpu.memref_slice %arg3[%add3A_27] : memref<160000xi32, #tpu.memory_space<hbm>> -> memref<160xi32, #tpu.memory_space<hbm>>
    tpu.enqueue_dma source(%dma_start3A_28 : memref<160xi32, #tpu.memory_space<hbm>>) target(%arg6 : memref<160xi32, #tpu.memory_space<vmem>>) target_semaphore(%arg17 : memref<!tpu.dma_semaphore, #tpu.memory_space<semaphore_mem>>)
    %dma_start3A_29 = tpu.memref_slice %arg4[%add3A_27] : memref<160000xi32, #tpu.memory_space<hbm>> -> memref<160xi32, #tpu.memory_space<hbm>>
    %dma_start3A_30 = tpu.memref_slice %arg4[%add3A_27] : memref<160000xi32, #tpu.memory_space<hbm>> -> memref<160xi32, #tpu.memory_space<hbm>>
    tpu.enqueue_dma source(%dma_start3A_30 : memref<160xi32, #tpu.memory_space<hbm>>) target(%arg10 : memref<160xi32, #tpu.memory_space<vmem>>) target_semaphore(%arg17 : memref<!tpu.dma_semaphore, #tpu.memory_space<semaphore_mem>>)
    %mul3A_31 = arith.constant 1 : i32
    %mul3A_32 = arith.constant 160 : i32
    %mul3A_33 = arith.muli %mul3A_31, %mul3A_32 : i32
    %add3A_34 = arith.addi %mul3A_11, %mul3A_33 : i32
    %dma_start3A_35 = tpu.memref_slice %arg3[%add3A_34] : memref<160000xi32, #tpu.memory_space<hbm>> -> memref<160xi32, #tpu.memory_space<hbm>>
    %dma_start3A_36 = tpu.memref_slice %arg3[%add3A_34] : memref<160000xi32, #tpu.memory_space<hbm>> -> memref<160xi32, #tpu.memory_space<hbm>>
    tpu.enqueue_dma source(%dma_start3A_36 : memref<160xi32, #tpu.memory_space<hbm>>) target(%arg7 : memref<160xi32, #tpu.memory_space<vmem>>) target_semaphore(%arg18 : memref<!tpu.dma_semaphore, #tpu.memory_space<semaphore_mem>>)
    %dma_start3A_37 = tpu.memref_slice %arg4[%add3A_34] : memref<160000xi32, #tpu.memory_space<hbm>> -> memref<160xi32, #tpu.memory_space<hbm>>
    %dma_start3A_38 = tpu.memref_slice %arg4[%add3A_34] : memref<160000xi32, #tpu.memory_space<hbm>> -> memref<160xi32, #tpu.memory_space<hbm>>
    tpu.enqueue_dma source(%dma_start3A_38 : memref<160xi32, #tpu.memory_space<hbm>>) target(%arg11 : memref<160xi32, #tpu.memory_space<vmem>>) target_semaphore(%arg18 : memref<!tpu.dma_semaphore, #tpu.memory_space<semaphore_mem>>)
    %dma_wait3A = arith.constant 0 : i32
    %dma_wait3A_39 = tpu.memref_slice %arg3[%dma_wait3A] : memref<160000xi32, #tpu.memory_space<hbm>> -> memref<160xi32, #tpu.memory_space<hbm>>
    %dma_wait3A_40 = arith.constant 0 : i32
    %dma_wait3A_41 = tpu.memref_slice %arg3[%dma_wait3A_40] : memref<160000xi32, #tpu.memory_space<hbm>> -> memref<160xi32, #tpu.memory_space<hbm>>
    tpu.wait_dma2 semaphore(%arg17 : memref<!tpu.dma_semaphore, #tpu.memory_space<semaphore_mem>>) src(%dma_wait3A_41 : memref<160xi32, #tpu.memory_space<hbm>>) dst(%arg6 : memref<160xi32, #tpu.memory_space<vmem>>)
    %dma_wait3A_42 = arith.constant 0 : i32
    %dma_wait3A_43 = tpu.memref_slice %arg4[%dma_wait3A_42] : memref<160000xi32, #tpu.memory_space<hbm>> -> memref<160xi32, #tpu.memory_space<hbm>>
    %dma_wait3A_44 = arith.constant 0 : i32
    %dma_wait3A_45 = tpu.memref_slice %arg4[%dma_wait3A_44] : memref<160000xi32, #tpu.memory_space<hbm>> -> memref<160xi32, #tpu.memory_space<hbm>>
    tpu.wait_dma2 semaphore(%arg17 : memref<!tpu.dma_semaphore, #tpu.memory_space<semaphore_mem>>) src(%dma_wait3A_45 : memref<160xi32, #tpu.memory_space<hbm>>) dst(%arg10 : memref<160xi32, #tpu.memory_space<vmem>>)
    %scan3A = arith.constant 0 : i32
    %scan3A_46 = arith.constant 10 : i32
    %scan3A_47 = arith.addi %scan3A, %scan3A_46 : i32
    %scan3A_48 = arith.constant 1 : i32
    scf.for %scan3A_222 = %scan3A to %scan3A_47 step %scan3A_48  : i32 {
      %mul3A_223 = arith.constant 16 : i32
      %mul3A_224 = arith.muli %scan3A_222, %mul3A_223 : i32
      %add3A_225 = arith.constant 0 : i32
      %add3A_226 = arith.addi %add3A_225, %mul3A_224 : i32
      %get3A = arith.index_cast %add3A_226 : i32 to index
      %get3A_227 = tpu.vector_load %arg6[%get3A] {strides = array<i32>} : memref<160xi32, #tpu.memory_space<vmem>>, vector<16xi32>,
      %add3A_228 = vector.broadcast %mul3A_17 : i32 to vector<16xi32>
      %add3A_229 = arith.addi %get3A_227, %add3A_228 : vector<16xi32>
      %swap3A = arith.index_cast %add3A_226 : i32 to index
      %swap3A_230 = tpu.vector_load %arg6[%swap3A] {strides = array<i32>} : memref<160xi32, #tpu.memory_space<vmem>>, vector<16xi32>,
      tpu.vector_store %arg6[%swap3A], %add3A_229 {strides = array<i32>} : memref<160xi32, #tpu.memory_space<vmem>>, vector<16xi32>,
    }
    %scan3A_49 = arith.constant 10 : i32
    %dma_start3A_50 = arith.constant 0 : i32
    %dma_start3A_51 = arith.constant 0 : i32
    %dma_start3A_52 = tpu.memref_slice %arg2[%dma_start3A_50, %dma_start3A_51] : memref<40000x128xf32, #tpu.memory_space<hbm>> -> memref<40000x128xf32, #tpu.memory_space<hbm>>
    tpu.enqueue_indirect_dma source(%dma_start3A_52 : memref<40000x128xf32, #tpu.memory_space<hbm>>) target(%arg14 : memref<160x128xf32, #tpu.memory_space<vmem>>) offsets(%arg6 : memref<160xi32, #tpu.memory_space<vmem>>) semaphore(%arg21 : memref<!tpu.dma_semaphore, #tpu.memory_space<semaphore_mem>>)
    %scan3A_53 = arith.constant 0 : i32
    %scan3A_54 = arith.constant 15 : i32
    %scan3A_55 = arith.addi %scan3A_53, %scan3A_54 : i32
    %scan3A_56 = arith.constant 1 : i32
    scf.for %scan3A_222 = %scan3A_53 to %scan3A_55 step %scan3A_56  : i32 {
      %mul3A_223 = arith.constant 4 : i32
      %mul3A_224 = arith.muli %scan3A_222, %mul3A_223 : i32
      %add3A_225 = arith.constant 0 : i32
      %add3A_226 = arith.addi %add3A_225, %mul3A_224 : i32
      %add3A_227 = arith.constant 0 : i32
      %add3A_228 = arith.addi %add3A_226, %add3A_227 : i32
      %add3A_229 = arith.constant 2 : i32
      %add3A_230 = arith.addi %add3A_228, %add3A_229 : i32
      %mul3A_231 = arith.constant 160 : i32
      %mul3A_232 = arith.muli %add3A_230, %mul3A_231 : i32
      %add3A_233 = arith.addi %mul3A_11, %mul3A_232 : i32
      %dma_start3A_234 = tpu.memref_slice %arg3[%add3A_233] : memref<160000xi32, #tpu.memory_space<hbm>> -> memref<160xi32, #tpu.memory_space<hbm>>
      %dma_start3A_235 = tpu.memref_slice %arg3[%add3A_233] : memref<160000xi32, #tpu.memory_space<hbm>> -> memref<160xi32, #tpu.memory_space<hbm>>
      tpu.enqueue_dma source(%dma_start3A_235 : memref<160xi32, #tpu.memory_space<hbm>>) target(%arg8 : memref<160xi32, #tpu.memory_space<vmem>>) target_semaphore(%arg19 : memref<!tpu.dma_semaphore, #tpu.memory_space<semaphore_mem>>)
      %dma_start3A_236 = tpu.memref_slice %arg4[%add3A_233] : memref<160000xi32, #tpu.memory_space<hbm>> -> memref<160xi32, #tpu.memory_space<hbm>>
      %dma_start3A_237 = tpu.memref_slice %arg4[%add3A_233] : memref<160000xi32, #tpu.memory_space<hbm>> -> memref<160xi32, #tpu.memory_space<hbm>>
      tpu.enqueue_dma source(%dma_start3A_237 : memref<160xi32, #tpu.memory_space<hbm>>) target(%arg12 : memref<160xi32, #tpu.memory_space<vmem>>) target_semaphore(%arg19 : memref<!tpu.dma_semaphore, #tpu.memory_space<semaphore_mem>>)
      %dma_wait3A_238 = arith.constant 0 : i32
      %dma_wait3A_239 = tpu.memref_slice %arg3[%dma_wait3A_238] : memref<160000xi32, #tpu.memory_space<hbm>> -> memref<160xi32, #tpu.memory_space<hbm>>
      %dma_wait3A_240 = arith.constant 0 : i32
      %dma_wait3A_241 = tpu.memref_slice %arg3[%dma_wait3A_240] : memref<160000xi32, #tpu.memory_space<hbm>> -> memref<160xi32, #tpu.memory_space<hbm>>
      tpu.wait_dma2 semaphore(%arg18 : memref<!tpu.dma_semaphore, #tpu.memory_space<semaphore_mem>>) src(%dma_wait3A_241 : memref<160xi32, #tpu.memory_space<hbm>>) dst(%arg7 : memref<160xi32, #tpu.memory_space<vmem>>)
      %dma_wait3A_242 = arith.constant 0 : i32
      %dma_wait3A_243 = tpu.memref_slice %arg4[%dma_wait3A_242] : memref<160000xi32, #tpu.memory_space<hbm>> -> memref<160xi32, #tpu.memory_space<hbm>>
      %dma_wait3A_244 = arith.constant 0 : i32
      %dma_wait3A_245 = tpu.memref_slice %arg4[%dma_wait3A_244] : memref<160000xi32, #tpu.memory_space<hbm>> -> memref<160xi32, #tpu.memory_space<hbm>>
      tpu.wait_dma2 semaphore(%arg18 : memref<!tpu.dma_semaphore, #tpu.memory_space<semaphore_mem>>) src(%dma_wait3A_245 : memref<160xi32, #tpu.memory_space<hbm>>) dst(%arg11 : memref<160xi32, #tpu.memory_space<vmem>>)
      %scan3A_246 = arith.constant 0 : i32
      %scan3A_247 = arith.constant 10 : i32
      %scan3A_248 = arith.addi %scan3A_246, %scan3A_247 : i32
      %scan3A_249 = arith.constant 1 : i32
      scf.for %scan3A_359 = %scan3A_246 to %scan3A_248 step %scan3A_249  : i32 {
        %mul3A_360 = arith.constant 16 : i32
        %mul3A_361 = arith.muli %scan3A_359, %mul3A_360 : i32
        %add3A_362 = arith.constant 0 : i32
        %add3A_363 = arith.addi %add3A_362, %mul3A_361 : i32
        %get3A = arith.index_cast %add3A_363 : i32 to index
        %get3A_364 = tpu.vector_load %arg7[%get3A] {strides = array<i32>} : memref<160xi32, #tpu.memory_space<vmem>>, vector<16xi32>,
        %add3A_365 = vector.broadcast %mul3A_17 : i32 to vector<16xi32>
        %add3A_366 = arith.addi %get3A_364, %add3A_365 : vector<16xi32>
        %swap3A = arith.index_cast %add3A_363 : i32 to index
        %swap3A_367 = tpu.vector_load %arg7[%swap3A] {strides = array<i32>} : memref<160xi32, #tpu.memory_space<vmem>>, vector<16xi32>,
        tpu.vector_store %arg7[%swap3A], %add3A_366 {strides = array<i32>} : memref<160xi32, #tpu.memory_space<vmem>>, vector<16xi32>,
      }
      %scan3A_250 = arith.constant 10 : i32
      %dma_start3A_251 = arith.constant 0 : i32
      %dma_start3A_252 = arith.constant 0 : i32
      %dma_start3A_253 = tpu.memref_slice %arg2[%dma_start3A_251, %dma_start3A_252] : memref<40000x128xf32, #tpu.memory_space<hbm>> -> memref<40000x128xf32, #tpu.memory_space<hbm>>
      tpu.enqueue_indirect_dma source(%dma_start3A_253 : memref<40000x128xf32, #tpu.memory_space<hbm>>) target(%arg15 : memref<160x128xf32, #tpu.memory_space<vmem>>) offsets(%arg7 : memref<160xi32, #tpu.memory_space<vmem>>) semaphore(%arg22 : memref<!tpu.dma_semaphore, #tpu.memory_space<semaphore_mem>>)
      %dma_wait3A_254 = arith.constant 0 : i32
      %dma_wait3A_255 = arith.constant 0 : i32
      %dma_wait3A_256 = tpu.memref_slice %arg2[%dma_wait3A_254, %dma_wait3A_255] : memref<40000x128xf32, #tpu.memory_space<hbm>> -> memref<160x128xf32, #tpu.memory_space<hbm>>
      %dma_wait3A_257 = arith.constant 0 : i32
      %dma_wait3A_258 = arith.constant 0 : i32
      %dma_wait3A_259 = tpu.memref_slice %arg2[%dma_wait3A_257, %dma_wait3A_258] : memref<40000x128xf32, #tpu.memory_space<hbm>> -> memref<160x128xf32, #tpu.memory_space<hbm>>
      tpu.wait_dma2 semaphore(%arg21 : memref<!tpu.dma_semaphore, #tpu.memory_space<semaphore_mem>>) src(%dma_wait3A_259 : memref<160x128xf32, #tpu.memory_space<hbm>>) dst(%arg14 : memref<160x128xf32, #tpu.memory_space<vmem>>)
      "tpu.region"() ({
        %run_scoped3A = tpu.sem_alloc : memref<!tpu.dma_semaphore, #tpu.memory_space<semaphore_mem>>
        %dma_start3A_359 = arith.constant 0 : i32
        %dma_start3A_360 = arith.constant 0 : i32
        %dma_start3A_361 = tpu.memref_slice %arg16[%dma_start3A_359, %dma_start3A_360] : memref<10000x128xf32, #tpu.memory_space<vmem_shared>> -> memref<10000x128xf32, #tpu.memory_space<vmem_shared>>
        tpu.enqueue_indirect_dma source(%arg14 : memref<160x128xf32, #tpu.memory_space<vmem>>) target(%dma_start3A_361 : memref<10000x128xf32, #tpu.memory_space<vmem_shared>>) offsets(%arg10 : memref<160xi32, #tpu.memory_space<vmem>>) semaphore(%run_scoped3A : memref<!tpu.dma_semaphore, #tpu.memory_space<semaphore_mem>>) {add = true}
        %dma_wait3A_362 = arith.constant 0 : i32
        %dma_wait3A_363 = arith.constant 0 : i32
        %dma_wait3A_364 = tpu.memref_slice %arg16[%dma_wait3A_362, %dma_wait3A_363] : memref<10000x128xf32, #tpu.memory_space<vmem_shared>> -> memref<10000x128xf32, #tpu.memory_space<vmem_shared>>
        tpu.wait_indirect_dma semaphore(%run_scoped3A : memref<!tpu.dma_semaphore, #tpu.memory_space<semaphore_mem>>) src(%arg14 : memref<160x128xf32, #tpu.memory_space<vmem>>) dst(%dma_wait3A_364 : memref<10000x128xf32, #tpu.memory_space<vmem_shared>>)
        tpu.yield
      }) : () -> ()
      %add3A_260 = arith.constant 1 : i32
      %add3A_261 = arith.addi %add3A_226, %add3A_260 : i32
      %add3A_262 = arith.constant 2 : i32
      %add3A_263 = arith.addi %add3A_261, %add3A_262 : i32
      %mul3A_264 = arith.constant 160 : i32
      %mul3A_265 = arith.muli %add3A_263, %mul3A_264 : i32
      %add3A_266 = arith.addi %mul3A_11, %mul3A_265 : i32
      %dma_start3A_267 = tpu.memref_slice %arg3[%add3A_266] : memref<160000xi32, #tpu.memory_space<hbm>> -> memref<160xi32, #tpu.memory_space<hbm>>
      %dma_start3A_268 = tpu.memref_slice %arg3[%add3A_266] : memref<160000xi32, #tpu.memory_space<hbm>> -> memref<160xi32, #tpu.memory_space<hbm>>
      tpu.enqueue_dma source(%dma_start3A_268 : memref<160xi32, #tpu.memory_space<hbm>>) target(%arg9 : memref<160xi32, #tpu.memory_space<vmem>>) target_semaphore(%arg20 : memref<!tpu.dma_semaphore, #tpu.memory_space<semaphore_mem>>)
      %dma_start3A_269 = tpu.memref_slice %arg4[%add3A_266] : memref<160000xi32, #tpu.memory_space<hbm>> -> memref<160xi32, #tpu.memory_space<hbm>>
      %dma_start3A_270 = tpu.memref_slice %arg4[%add3A_266] : memref<160000xi32, #tpu.memory_space<hbm>> -> memref<160xi32, #tpu.memory_space<hbm>>
      tpu.enqueue_dma source(%dma_start3A_270 : memref<160xi32, #tpu.memory_space<hbm>>) target(%arg13 : memref<160xi32, #tpu.memory_space<vmem>>) target_semaphore(%arg20 : memref<!tpu.dma_semaphore, #tpu.memory_space<semaphore_mem>>)
      %dma_wait3A_271 = arith.constant 0 : i32
      %dma_wait3A_272 = tpu.memref_slice %arg3[%dma_wait3A_271] : memref<160000xi32, #tpu.memory_space<hbm>> -> memref<160xi32, #tpu.memory_space<hbm>>
      %dma_wait3A_273 = arith.constant 0 : i32
      %dma_wait3A_274 = tpu.memref_slice %arg3[%dma_wait3A_273] : memref<160000xi32, #tpu.memory_space<hbm>> -> memref<160xi32, #tpu.memory_space<hbm>>
      tpu.wait_dma2 semaphore(%arg19 : memref<!tpu.dma_semaphore, #tpu.memory_space<semaphore_mem>>) src(%dma_wait3A_274 : memref<160xi32, #tpu.memory_space<hbm>>) dst(%arg8 : memref<160xi32, #tpu.memory_space<vmem>>)
      %dma_wait3A_275 = arith.constant 0 : i32
      %dma_wait3A_276 = tpu.memref_slice %arg4[%dma_wait3A_275] : memref<160000xi32, #tpu.memory_space<hbm>> -> memref<160xi32, #tpu.memory_space<hbm>>
      %dma_wait3A_277 = arith.constant 0 : i32
      %dma_wait3A_278 = tpu.memref_slice %arg4[%dma_wait3A_277] : memref<160000xi32, #tpu.memory_space<hbm>> -> memref<160xi32, #tpu.memory_space<hbm>>
      tpu.wait_dma2 semaphore(%arg19 : memref<!tpu.dma_semaphore, #tpu.memory_space<semaphore_mem>>) src(%dma_wait3A_278 : memref<160xi32, #tpu.memory_space<hbm>>) dst(%arg12 : memref<160xi32, #tpu.memory_space<vmem>>)
      %scan3A_279 = arith.constant 0 : i32
      %scan3A_280 = arith.constant 10 : i32
      %scan3A_281 = arith.addi %scan3A_279, %scan3A_280 : i32
      %scan3A_282 = arith.constant 1 : i32
      scf.for %scan3A_359 = %scan3A_279 to %scan3A_281 step %scan3A_282  : i32 {
        %mul3A_360 = arith.constant 16 : i32
        %mul3A_361 = arith.muli %scan3A_359, %mul3A_360 : i32
        %add3A_362 = arith.constant 0 : i32
        %add3A_363 = arith.addi %add3A_362, %mul3A_361 : i32
        %get3A = arith.index_cast %add3A_363 : i32 to index
        %get3A_364 = tpu.vector_load %arg8[%get3A] {strides = array<i32>} : memref<160xi32, #tpu.memory_space<vmem>>, vector<16xi32>,
        %add3A_365 = vector.broadcast %mul3A_17 : i32 to vector<16xi32>
        %add3A_366 = arith.addi %get3A_364, %add3A_365 : vector<16xi32>
        %swap3A = arith.index_cast %add3A_363 : i32 to index
        %swap3A_367 = tpu.vector_load %arg8[%swap3A] {strides = array<i32>} : memref<160xi32, #tpu.memory_space<vmem>>, vector<16xi32>,
        tpu.vector_store %arg8[%swap3A], %add3A_366 {strides = array<i32>} : memref<160xi32, #tpu.memory_space<vmem>>, vector<16xi32>,
      }
      %scan3A_283 = arith.constant 10 : i32
      %dma_start3A_284 = arith.constant 0 : i32
      %dma_start3A_285 = arith.constant 0 : i32
      %dma_start3A_286 = tpu.memref_slice %arg2[%dma_start3A_284, %dma_start3A_285] : memref<40000x128xf32, #tpu.memory_space<hbm>> -> memref<40000x128xf32, #tpu.memory_space<hbm>>
      tpu.enqueue_indirect_dma source(%dma_start3A_286 : memref<40000x128xf32, #tpu.memory_space<hbm>>) target(%arg14 : memref<160x128xf32, #tpu.memory_space<vmem>>) offsets(%arg8 : memref<160xi32, #tpu.memory_space<vmem>>) semaphore(%arg21 : memref<!tpu.dma_semaphore, #tpu.memory_space<semaphore_mem>>)
      %dma_wait3A_287 = arith.constant 0 : i32
      %dma_wait3A_288 = arith.constant 0 : i32
      %dma_wait3A_289 = tpu.memref_slice %arg2[%dma_wait3A_287, %dma_wait3A_288] : memref<40000x128xf32, #tpu.memory_space<hbm>> -> memref<160x128xf32, #tpu.memory_space<hbm>>
      %dma_wait3A_290 = arith.constant 0 : i32
      %dma_wait3A_291 = arith.constant 0 : i32
      %dma_wait3A_292 = tpu.memref_slice %arg2[%dma_wait3A_290, %dma_wait3A_291] : memref<40000x128xf32, #tpu.memory_space<hbm>> -> memref<160x128xf32, #tpu.memory_space<hbm>>
      tpu.wait_dma2 semaphore(%arg22 : memref<!tpu.dma_semaphore, #tpu.memory_space<semaphore_mem>>) src(%dma_wait3A_292 : memref<160x128xf32, #tpu.memory_space<hbm>>) dst(%arg15 : memref<160x128xf32, #tpu.memory_space<vmem>>)
      "tpu.region"() ({
        %run_scoped3A = tpu.sem_alloc : memref<!tpu.dma_semaphore, #tpu.memory_space<semaphore_mem>>
        %dma_start3A_359 = arith.constant 0 : i32
        %dma_start3A_360 = arith.constant 0 : i32
        %dma_start3A_361 = tpu.memref_slice %arg16[%dma_start3A_359, %dma_start3A_360] : memref<10000x128xf32, #tpu.memory_space<vmem_shared>> -> memref<10000x128xf32, #tpu.memory_space<vmem_shared>>
        tpu.enqueue_indirect_dma source(%arg15 : memref<160x128xf32, #tpu.memory_space<vmem>>) target(%dma_start3A_361 : memref<10000x128xf32, #tpu.memory_space<vmem_shared>>) offsets(%arg11 : memref<160xi32, #tpu.memory_space<vmem>>) semaphore(%run_scoped3A : memref<!tpu.dma_semaphore, #tpu.memory_space<semaphore_mem>>) {add = true}
        %dma_wait3A_362 = arith.constant 0 : i32
        %dma_wait3A_363 = arith.constant 0 : i32
        %dma_wait3A_364 = tpu.memref_slice %arg16[%dma_wait3A_362, %dma_wait3A_363] : memref<10000x128xf32, #tpu.memory_space<vmem_shared>> -> memref<10000x128xf32, #tpu.memory_space<vmem_shared>>
        tpu.wait_indirect_dma semaphore(%run_scoped3A : memref<!tpu.dma_semaphore, #tpu.memory_space<semaphore_mem>>) src(%arg15 : memref<160x128xf32, #tpu.memory_space<vmem>>) dst(%dma_wait3A_364 : memref<10000x128xf32, #tpu.memory_space<vmem_shared>>)
        tpu.yield
      }) : () -> ()
      %add3A_293 = arith.constant 2 : i32
      %add3A_294 = arith.addi %add3A_226, %add3A_293 : i32
      %add3A_295 = arith.constant 2 : i32
      %add3A_296 = arith.addi %add3A_294, %add3A_295 : i32
      %mul3A_297 = arith.constant 160 : i32
      %mul3A_298 = arith.muli %add3A_296, %mul3A_297 : i32
      %add3A_299 = arith.addi %mul3A_11, %mul3A_298 : i32
      %dma_start3A_300 = tpu.memref_slice %arg3[%add3A_299] : memref<160000xi32, #tpu.memory_space<hbm>> -> memref<160xi32, #tpu.memory_space<hbm>>
      %dma_start3A_301 = tpu.memref_slice %arg3[%add3A_299] : memref<160000xi32, #tpu.memory_space<hbm>> -> memref<160xi32, #tpu.memory_space<hbm>>
      tpu.enqueue_dma source(%dma_start3A_301 : memref<160xi32, #tpu.memory_space<hbm>>) target(%arg6 : memref<160xi32, #tpu.memory_space<vmem>>) target_semaphore(%arg17 : memref<!tpu.dma_semaphore, #tpu.memory_space<semaphore_mem>>)
      %dma_start3A_302 = tpu.memref_slice %arg4[%add3A_299] : memref<160000xi32, #tpu.memory_space<hbm>> -> memref<160xi32, #tpu.memory_space<hbm>>
      %dma_start3A_303 = tpu.memref_slice %arg4[%add3A_299] : memref<160000xi32, #tpu.memory_space<hbm>> -> memref<160xi32, #tpu.memory_space<hbm>>
      tpu.enqueue_dma source(%dma_start3A_303 : memref<160xi32, #tpu.memory_space<hbm>>) target(%arg10 : memref<160xi32, #tpu.memory_space<vmem>>) target_semaphore(%arg17 : memref<!tpu.dma_semaphore, #tpu.memory_space<semaphore_mem>>)
      %dma_wait3A_304 = arith.constant 0 : i32
      %dma_wait3A_305 = tpu.memref_slice %arg3[%dma_wait3A_304] : memref<160000xi32, #tpu.memory_space<hbm>> -> memref<160xi32, #tpu.memory_space<hbm>>
      %dma_wait3A_306 = arith.constant 0 : i32
      %dma_wait3A_307 = tpu.memref_slice %arg3[%dma_wait3A_306] : memref<160000xi32, #tpu.memory_space<hbm>> -> memref<160xi32, #tpu.memory_space<hbm>>
      tpu.wait_dma2 semaphore(%arg20 : memref<!tpu.dma_semaphore, #tpu.memory_space<semaphore_mem>>) src(%dma_wait3A_307 : memref<160xi32, #tpu.memory_space<hbm>>) dst(%arg9 : memref<160xi32, #tpu.memory_space<vmem>>)
      %dma_wait3A_308 = arith.constant 0 : i32
      %dma_wait3A_309 = tpu.memref_slice %arg4[%dma_wait3A_308] : memref<160000xi32, #tpu.memory_space<hbm>> -> memref<160xi32, #tpu.memory_space<hbm>>
      %dma_wait3A_310 = arith.constant 0 : i32
      %dma_wait3A_311 = tpu.memref_slice %arg4[%dma_wait3A_310] : memref<160000xi32, #tpu.memory_space<hbm>> -> memref<160xi32, #tpu.memory_space<hbm>>
      tpu.wait_dma2 semaphore(%arg20 : memref<!tpu.dma_semaphore, #tpu.memory_space<semaphore_mem>>) src(%dma_wait3A_311 : memref<160xi32, #tpu.memory_space<hbm>>) dst(%arg13 : memref<160xi32, #tpu.memory_space<vmem>>)
      %scan3A_312 = arith.constant 0 : i32
      %scan3A_313 = arith.constant 10 : i32
      %scan3A_314 = arith.addi %scan3A_312, %scan3A_313 : i32
      %scan3A_315 = arith.constant 1 : i32
      scf.for %scan3A_359 = %scan3A_312 to %scan3A_314 step %scan3A_315  : i32 {
        %mul3A_360 = arith.constant 16 : i32
        %mul3A_361 = arith.muli %scan3A_359, %mul3A_360 : i32
        %add3A_362 = arith.constant 0 : i32
        %add3A_363 = arith.addi %add3A_362, %mul3A_361 : i32
        %get3A = arith.index_cast %add3A_363 : i32 to index
        %get3A_364 = tpu.vector_load %arg9[%get3A] {strides = array<i32>} : memref<160xi32, #tpu.memory_space<vmem>>, vector<16xi32>,
        %add3A_365 = vector.broadcast %mul3A_17 : i32 to vector<16xi32>
        %add3A_366 = arith.addi %get3A_364, %add3A_365 : vector<16xi32>
        %swap3A = arith.index_cast %add3A_363 : i32 to index
        %swap3A_367 = tpu.vector_load %arg9[%swap3A] {strides = array<i32>} : memref<160xi32, #tpu.memory_space<vmem>>, vector<16xi32>,
        tpu.vector_store %arg9[%swap3A], %add3A_366 {strides = array<i32>} : memref<160xi32, #tpu.memory_space<vmem>>, vector<16xi32>,
      }
      %scan3A_316 = arith.constant 10 : i32
      %dma_start3A_317 = arith.constant 0 : i32
      %dma_start3A_318 = arith.constant 0 : i32
      %dma_start3A_319 = tpu.memref_slice %arg2[%dma_start3A_317, %dma_start3A_318] : memref<40000x128xf32, #tpu.memory_space<hbm>> -> memref<40000x128xf32, #tpu.memory_space<hbm>>
      tpu.enqueue_indirect_dma source(%dma_start3A_319 : memref<40000x128xf32, #tpu.memory_space<hbm>>) target(%arg15 : memref<160x128xf32, #tpu.memory_space<vmem>>) offsets(%arg9 : memref<160xi32, #tpu.memory_space<vmem>>) semaphore(%arg22 : memref<!tpu.dma_semaphore, #tpu.memory_space<semaphore_mem>>)
      %dma_wait3A_320 = arith.constant 0 : i32
      %dma_wait3A_321 = arith.constant 0 : i32
      %dma_wait3A_322 = tpu.memref_slice %arg2[%dma_wait3A_320, %dma_wait3A_321] : memref<40000x128xf32, #tpu.memory_space<hbm>> -> memref<160x128xf32, #tpu.memory_space<hbm>>
      %dma_wait3A_323 = arith.constant 0 : i32
      %dma_wait3A_324 = arith.constant 0 : i32
      %dma_wait3A_325 = tpu.memref_slice %arg2[%dma_wait3A_323, %dma_wait3A_324] : memref<40000x128xf32, #tpu.memory_space<hbm>> -> memref<160x128xf32, #tpu.memory_space<hbm>>
      tpu.wait_dma2 semaphore(%arg21 : memref<!tpu.dma_semaphore, #tpu.memory_space<semaphore_mem>>) src(%dma_wait3A_325 : memref<160x128xf32, #tpu.memory_space<hbm>>) dst(%arg14 : memref<160x128xf32, #tpu.memory_space<vmem>>)
      "tpu.region"() ({
        %run_scoped3A = tpu.sem_alloc : memref<!tpu.dma_semaphore, #tpu.memory_space<semaphore_mem>>
        %dma_start3A_359 = arith.constant 0 : i32
        %dma_start3A_360 = arith.constant 0 : i32
        %dma_start3A_361 = tpu.memref_slice %arg16[%dma_start3A_359, %dma_start3A_360] : memref<10000x128xf32, #tpu.memory_space<vmem_shared>> -> memref<10000x128xf32, #tpu.memory_space<vmem_shared>>
        tpu.enqueue_indirect_dma source(%arg14 : memref<160x128xf32, #tpu.memory_space<vmem>>) target(%dma_start3A_361 : memref<10000x128xf32, #tpu.memory_space<vmem_shared>>) offsets(%arg12 : memref<160xi32, #tpu.memory_space<vmem>>) semaphore(%run_scoped3A : memref<!tpu.dma_semaphore, #tpu.memory_space<semaphore_mem>>) {add = true}
        %dma_wait3A_362 = arith.constant 0 : i32
        %dma_wait3A_363 = arith.constant 0 : i32
        %dma_wait3A_364 = tpu.memref_slice %arg16[%dma_wait3A_362, %dma_wait3A_363] : memref<10000x128xf32, #tpu.memory_space<vmem_shared>> -> memref<10000x128xf32, #tpu.memory_space<vmem_shared>>
        tpu.wait_indirect_dma semaphore(%run_scoped3A : memref<!tpu.dma_semaphore, #tpu.memory_space<semaphore_mem>>) src(%arg14 : memref<160x128xf32, #tpu.memory_space<vmem>>) dst(%dma_wait3A_364 : memref<10000x128xf32, #tpu.memory_space<vmem_shared>>)
        tpu.yield
      }) : () -> ()
      %add3A_326 = arith.constant 3 : i32
      %add3A_327 = arith.addi %add3A_226, %add3A_326 : i32
      %add3A_328 = arith.constant 2 : i32
      %add3A_329 = arith.addi %add3A_327, %add3A_328 : i32
      %mul3A_330 = arith.constant 160 : i32
      %mul3A_331 = arith.muli %add3A_329, %mul3A_330 : i32
      %add3A_332 = arith.addi %mul3A_11, %mul3A_331 : i32
      %dma_start3A_333 = tpu.memref_slice %arg3[%add3A_332] : memref<160000xi32, #tpu.memory_space<hbm>> -> memref<160xi32, #tpu.memory_space<hbm>>
      %dma_start3A_334 = tpu.memref_slice %arg3[%add3A_332] : memref<160000xi32, #tpu.memory_space<hbm>> -> memref<160xi32, #tpu.memory_space<hbm>>
      tpu.enqueue_dma source(%dma_start3A_334 : memref<160xi32, #tpu.memory_space<hbm>>) target(%arg7 : memref<160xi32, #tpu.memory_space<vmem>>) target_semaphore(%arg18 : memref<!tpu.dma_semaphore, #tpu.memory_space<semaphore_mem>>)
      %dma_start3A_335 = tpu.memref_slice %arg4[%add3A_332] : memref<160000xi32, #tpu.memory_space<hbm>> -> memref<160xi32, #tpu.memory_space<hbm>>
      %dma_start3A_336 = tpu.memref_slice %arg4[%add3A_332] : memref<160000xi32, #tpu.memory_space<hbm>> -> memref<160xi32, #tpu.memory_space<hbm>>
      tpu.enqueue_dma source(%dma_start3A_336 : memref<160xi32, #tpu.memory_space<hbm>>) target(%arg11 : memref<160xi32, #tpu.memory_space<vmem>>) target_semaphore(%arg18 : memref<!tpu.dma_semaphore, #tpu.memory_space<semaphore_mem>>)
      %dma_wait3A_337 = arith.constant 0 : i32
      %dma_wait3A_338 = tpu.memref_slice %arg3[%dma_wait3A_337] : memref<160000xi32, #tpu.memory_space<hbm>> -> memref<160xi32, #tpu.memory_space<hbm>>
      %dma_wait3A_339 = arith.constant 0 : i32
      %dma_wait3A_340 = tpu.memref_slice %arg3[%dma_wait3A_339] : memref<160000xi32, #tpu.memory_space<hbm>> -> memref<160xi32, #tpu.memory_space<hbm>>
      tpu.wait_dma2 semaphore(%arg17 : memref<!tpu.dma_semaphore, #tpu.memory_space<semaphore_mem>>) src(%dma_wait3A_340 : memref<160xi32, #tpu.memory_space<hbm>>) dst(%arg6 : memref<160xi32, #tpu.memory_space<vmem>>)
      %dma_wait3A_341 = arith.constant 0 : i32
      %dma_wait3A_342 = tpu.memref_slice %arg4[%dma_wait3A_341] : memref<160000xi32, #tpu.memory_space<hbm>> -> memref<160xi32, #tpu.memory_space<hbm>>
      %dma_wait3A_343 = arith.constant 0 : i32
      %dma_wait3A_344 = tpu.memref_slice %arg4[%dma_wait3A_343] : memref<160000xi32, #tpu.memory_space<hbm>> -> memref<160xi32, #tpu.memory_space<hbm>>
      tpu.wait_dma2 semaphore(%arg17 : memref<!tpu.dma_semaphore, #tpu.memory_space<semaphore_mem>>) src(%dma_wait3A_344 : memref<160xi32, #tpu.memory_space<hbm>>) dst(%arg10 : memref<160xi32, #tpu.memory_space<vmem>>)
      %scan3A_345 = arith.constant 0 : i32
      %scan3A_346 = arith.constant 10 : i32
      %scan3A_347 = arith.addi %scan3A_345, %scan3A_346 : i32
      %scan3A_348 = arith.constant 1 : i32
      scf.for %scan3A_359 = %scan3A_345 to %scan3A_347 step %scan3A_348  : i32 {
        %mul3A_360 = arith.constant 16 : i32
        %mul3A_361 = arith.muli %scan3A_359, %mul3A_360 : i32
        %add3A_362 = arith.constant 0 : i32
        %add3A_363 = arith.addi %add3A_362, %mul3A_361 : i32
        %get3A = arith.index_cast %add3A_363 : i32 to index
        %get3A_364 = tpu.vector_load %arg6[%get3A] {strides = array<i32>} : memref<160xi32, #tpu.memory_space<vmem>>, vector<16xi32>,
        %add3A_365 = vector.broadcast %mul3A_17 : i32 to vector<16xi32>
        %add3A_366 = arith.addi %get3A_364, %add3A_365 : vector<16xi32>
        %swap3A = arith.index_cast %add3A_363 : i32 to index
        %swap3A_367 = tpu.vector_load %arg6[%swap3A] {strides = array<i32>} : memref<160xi32, #tpu.memory_space<vmem>>, vector<16xi32>,
        tpu.vector_store %arg6[%swap3A], %add3A_366 {strides = array<i32>} : memref<160xi32, #tpu.memory_space<vmem>>, vector<16xi32>,
      }
      %scan3A_349 = arith.constant 10 : i32
      %dma_start3A_350 = arith.constant 0 : i32
      %dma_start3A_351 = arith.constant 0 : i32
      %dma_start3A_352 = tpu.memref_slice %arg2[%dma_start3A_350, %dma_start3A_351] : memref<40000x128xf32, #tpu.memory_space<hbm>> -> memref<40000x128xf32, #tpu.memory_space<hbm>>
      tpu.enqueue_indirect_dma source(%dma_start3A_352 : memref<40000x128xf32, #tpu.memory_space<hbm>>) target(%arg14 : memref<160x128xf32, #tpu.memory_space<vmem>>) offsets(%arg6 : memref<160xi32, #tpu.memory_space<vmem>>) semaphore(%arg21 : memref<!tpu.dma_semaphore, #tpu.memory_space<semaphore_mem>>)
      %dma_wait3A_353 = arith.constant 0 : i32
      %dma_wait3A_354 = arith.constant 0 : i32
      %dma_wait3A_355 = tpu.memref_slice %arg2[%dma_wait3A_353, %dma_wait3A_354] : memref<40000x128xf32, #tpu.memory_space<hbm>> -> memref<160x128xf32, #tpu.memory_space<hbm>>
      %dma_wait3A_356 = arith.constant 0 : i32
      %dma_wait3A_357 = arith.constant 0 : i32
      %dma_wait3A_358 = tpu.memref_slice %arg2[%dma_wait3A_356, %dma_wait3A_357] : memref<40000x128xf32, #tpu.memory_space<hbm>> -> memref<160x128xf32, #tpu.memory_space<hbm>>
      tpu.wait_dma2 semaphore(%arg22 : memref<!tpu.dma_semaphore, #tpu.memory_space<semaphore_mem>>) src(%dma_wait3A_358 : memref<160x128xf32, #tpu.memory_space<hbm>>) dst(%arg15 : memref<160x128xf32, #tpu.memory_space<vmem>>)
      "tpu.region"() ({
        %run_scoped3A = tpu.sem_alloc : memref<!tpu.dma_semaphore, #tpu.memory_space<semaphore_mem>>
        %dma_start3A_359 = arith.constant 0 : i32
        %dma_start3A_360 = arith.constant 0 : i32
        %dma_start3A_361 = tpu.memref_slice %arg16[%dma_start3A_359, %dma_start3A_360] : memref<10000x128xf32, #tpu.memory_space<vmem_shared>> -> memref<10000x128xf32, #tpu.memory_space<vmem_shared>>
        tpu.enqueue_indirect_dma source(%arg15 : memref<160x128xf32, #tpu.memory_space<vmem>>) target(%dma_start3A_361 : memref<10000x128xf32, #tpu.memory_space<vmem_shared>>) offsets(%arg13 : memref<160xi32, #tpu.memory_space<vmem>>) semaphore(%run_scoped3A : memref<!tpu.dma_semaphore, #tpu.memory_space<semaphore_mem>>) {add = true}
        %dma_wait3A_362 = arith.constant 0 : i32
        %dma_wait3A_363 = arith.constant 0 : i32
        %dma_wait3A_364 = tpu.memref_slice %arg16[%dma_wait3A_362, %dma_wait3A_363] : memref<10000x128xf32, #tpu.memory_space<vmem_shared>> -> memref<10000x128xf32, #tpu.memory_space<vmem_shared>>
        tpu.wait_indirect_dma semaphore(%run_scoped3A : memref<!tpu.dma_semaphore, #tpu.memory_space<semaphore_mem>>) src(%arg15 : memref<160x128xf32, #tpu.memory_space<vmem>>) dst(%dma_wait3A_364 : memref<10000x128xf32, #tpu.memory_space<vmem_shared>>)
        tpu.yield
      }) : () -> ()
    }
    %scan3A_57 = arith.constant 15 : i32
    %gt3A_58 = arith.constant 62 : i32
    %gt3A_59 = arith.cmpi sgt, %select_n3A, %gt3A_58 : i32
    %convert_element_type3A_60 = arith.extui %gt3A_59 : i1 to i32
    %cond3A_61 = arith.constant 0 : i32
    %cond3A_62 = arith.cmpi ne, %convert_element_type3A_60, %cond3A_61 : i32
    scf.if %cond3A_62 {
      %mul3A_222 = arith.constant 62 : i32
      %mul3A_223 = arith.constant 160 : i32
      %mul3A_224 = arith.muli %mul3A_222, %mul3A_223 : i32
      %add3A_225 = arith.addi %mul3A_11, %mul3A_224 : i32
      %dma_start3A_226 = tpu.memref_slice %arg3[%add3A_225] : memref<160000xi32, #tpu.memory_space<hbm>> -> memref<160xi32, #tpu.memory_space<hbm>>
      %dma_start3A_227 = tpu.memref_slice %arg3[%add3A_225] : memref<160000xi32, #tpu.memory_space<hbm>> -> memref<160xi32, #tpu.memory_space<hbm>>
      tpu.enqueue_dma source(%dma_start3A_227 : memref<160xi32, #tpu.memory_space<hbm>>) target(%arg8 : memref<160xi32, #tpu.memory_space<vmem>>) target_semaphore(%arg19 : memref<!tpu.dma_semaphore, #tpu.memory_space<semaphore_mem>>)
      %dma_start3A_228 = tpu.memref_slice %arg4[%add3A_225] : memref<160000xi32, #tpu.memory_space<hbm>> -> memref<160xi32, #tpu.memory_space<hbm>>
      %dma_start3A_229 = tpu.memref_slice %arg4[%add3A_225] : memref<160000xi32, #tpu.memory_space<hbm>> -> memref<160xi32, #tpu.memory_space<hbm>>
      tpu.enqueue_dma source(%dma_start3A_229 : memref<160xi32, #tpu.memory_space<hbm>>) target(%arg12 : memref<160xi32, #tpu.memory_space<vmem>>) target_semaphore(%arg19 : memref<!tpu.dma_semaphore, #tpu.memory_space<semaphore_mem>>)
    } else {
    }
    %dma_wait3A_63 = arith.constant 0 : i32
    %dma_wait3A_64 = tpu.memref_slice %arg3[%dma_wait3A_63] : memref<160000xi32, #tpu.memory_space<hbm>> -> memref<160xi32, #tpu.memory_space<hbm>>
    %dma_wait3A_65 = arith.constant 0 : i32
    %dma_wait3A_66 = tpu.memref_slice %arg3[%dma_wait3A_65] : memref<160000xi32, #tpu.memory_space<hbm>> -> memref<160xi32, #tpu.memory_space<hbm>>
    tpu.wait_dma2 semaphore(%arg18 : memref<!tpu.dma_semaphore, #tpu.memory_space<semaphore_mem>>) src(%dma_wait3A_66 : memref<160xi32, #tpu.memory_space<hbm>>) dst(%arg7 : memref<160xi32, #tpu.memory_space<vmem>>)
    %dma_wait3A_67 = arith.constant 0 : i32
    %dma_wait3A_68 = tpu.memref_slice %arg4[%dma_wait3A_67] : memref<160000xi32, #tpu.memory_space<hbm>> -> memref<160xi32, #tpu.memory_space<hbm>>
    %dma_wait3A_69 = arith.constant 0 : i32
    %dma_wait3A_70 = tpu.memref_slice %arg4[%dma_wait3A_69] : memref<160000xi32, #tpu.memory_space<hbm>> -> memref<160xi32, #tpu.memory_space<hbm>>
    tpu.wait_dma2 semaphore(%arg18 : memref<!tpu.dma_semaphore, #tpu.memory_space<semaphore_mem>>) src(%dma_wait3A_70 : memref<160xi32, #tpu.memory_space<hbm>>) dst(%arg11 : memref<160xi32, #tpu.memory_space<vmem>>)
    %scan3A_71 = arith.constant 0 : i32
    %scan3A_72 = arith.constant 10 : i32
    %scan3A_73 = arith.addi %scan3A_71, %scan3A_72 : i32
    %scan3A_74 = arith.constant 1 : i32
    scf.for %scan3A_222 = %scan3A_71 to %scan3A_73 step %scan3A_74  : i32 {
      %mul3A_223 = arith.constant 16 : i32
      %mul3A_224 = arith.muli %scan3A_222, %mul3A_223 : i32
      %add3A_225 = arith.constant 0 : i32
      %add3A_226 = arith.addi %add3A_225, %mul3A_224 : i32
      %get3A = arith.index_cast %add3A_226 : i32 to index
      %get3A_227 = tpu.vector_load %arg7[%get3A] {strides = array<i32>} : memref<160xi32, #tpu.memory_space<vmem>>, vector<16xi32>,
      %add3A_228 = vector.broadcast %mul3A_17 : i32 to vector<16xi32>
      %add3A_229 = arith.addi %get3A_227, %add3A_228 : vector<16xi32>
      %swap3A = arith.index_cast %add3A_226 : i32 to index
      %swap3A_230 = tpu.vector_load %arg7[%swap3A] {strides = array<i32>} : memref<160xi32, #tpu.memory_space<vmem>>, vector<16xi32>,
      tpu.vector_store %arg7[%swap3A], %add3A_229 {strides = array<i32>} : memref<160xi32, #tpu.memory_space<vmem>>, vector<16xi32>,
    }
    %scan3A_75 = arith.constant 10 : i32
    %dma_start3A_76 = arith.constant 0 : i32
    %dma_start3A_77 = arith.constant 0 : i32
    %dma_start3A_78 = tpu.memref_slice %arg2[%dma_start3A_76, %dma_start3A_77] : memref<40000x128xf32, #tpu.memory_space<hbm>> -> memref<40000x128xf32, #tpu.memory_space<hbm>>
    tpu.enqueue_indirect_dma source(%dma_start3A_78 : memref<40000x128xf32, #tpu.memory_space<hbm>>) target(%arg15 : memref<160x128xf32, #tpu.memory_space<vmem>>) offsets(%arg7 : memref<160xi32, #tpu.memory_space<vmem>>) semaphore(%arg22 : memref<!tpu.dma_semaphore, #tpu.memory_space<semaphore_mem>>)
    %dma_wait3A_79 = arith.constant 0 : i32
    %dma_wait3A_80 = arith.constant 0 : i32
    %dma_wait3A_81 = tpu.memref_slice %arg2[%dma_wait3A_79, %dma_wait3A_80] : memref<40000x128xf32, #tpu.memory_space<hbm>> -> memref<160x128xf32, #tpu.memory_space<hbm>>
    %dma_wait3A_82 = arith.constant 0 : i32
    %dma_wait3A_83 = arith.constant 0 : i32
    %dma_wait3A_84 = tpu.memref_slice %arg2[%dma_wait3A_82, %dma_wait3A_83] : memref<40000x128xf32, #tpu.memory_space<hbm>> -> memref<160x128xf32, #tpu.memory_space<hbm>>
    tpu.wait_dma2 semaphore(%arg21 : memref<!tpu.dma_semaphore, #tpu.memory_space<semaphore_mem>>) src(%dma_wait3A_84 : memref<160x128xf32, #tpu.memory_space<hbm>>) dst(%arg14 : memref<160x128xf32, #tpu.memory_space<vmem>>)
    "tpu.region"() ({
      %run_scoped3A = tpu.sem_alloc : memref<!tpu.dma_semaphore, #tpu.memory_space<semaphore_mem>>
      %dma_start3A_222 = arith.constant 0 : i32
      %dma_start3A_223 = arith.constant 0 : i32
      %dma_start3A_224 = tpu.memref_slice %arg16[%dma_start3A_222, %dma_start3A_223] : memref<10000x128xf32, #tpu.memory_space<vmem_shared>> -> memref<10000x128xf32, #tpu.memory_space<vmem_shared>>
      tpu.enqueue_indirect_dma source(%arg14 : memref<160x128xf32, #tpu.memory_space<vmem>>) target(%dma_start3A_224 : memref<10000x128xf32, #tpu.memory_space<vmem_shared>>) offsets(%arg10 : memref<160xi32, #tpu.memory_space<vmem>>) semaphore(%run_scoped3A : memref<!tpu.dma_semaphore, #tpu.memory_space<semaphore_mem>>) {add = true}
      %dma_wait3A_225 = arith.constant 0 : i32
      %dma_wait3A_226 = arith.constant 0 : i32
      %dma_wait3A_227 = tpu.memref_slice %arg16[%dma_wait3A_225, %dma_wait3A_226] : memref<10000x128xf32, #tpu.memory_space<vmem_shared>> -> memref<10000x128xf32, #tpu.memory_space<vmem_shared>>
      tpu.wait_indirect_dma semaphore(%run_scoped3A : memref<!tpu.dma_semaphore, #tpu.memory_space<semaphore_mem>>) src(%arg14 : memref<160x128xf32, #tpu.memory_space<vmem>>) dst(%dma_wait3A_227 : memref<10000x128xf32, #tpu.memory_space<vmem_shared>>)
      tpu.yield
    }) : () -> ()
    %gt3A_85 = arith.constant 62 : i32
    %gt3A_86 = arith.cmpi sgt, %select_n3A, %gt3A_85 : i32
    %convert_element_type3A_87 = arith.extui %gt3A_86 : i1 to i32
    %cond3A_88 = arith.constant 0 : i32
    %cond3A_89 = arith.cmpi ne, %convert_element_type3A_87, %cond3A_88 : i32
    scf.if %cond3A_89 {
      %dma_wait3A_222 = arith.constant 0 : i32
      %dma_wait3A_223 = tpu.memref_slice %arg3[%dma_wait3A_222] : memref<160000xi32, #tpu.memory_space<hbm>> -> memref<160xi32, #tpu.memory_space<hbm>>
      %dma_wait3A_224 = arith.constant 0 : i32
      %dma_wait3A_225 = tpu.memref_slice %arg3[%dma_wait3A_224] : memref<160000xi32, #tpu.memory_space<hbm>> -> memref<160xi32, #tpu.memory_space<hbm>>
      tpu.wait_dma2 semaphore(%arg19 : memref<!tpu.dma_semaphore, #tpu.memory_space<semaphore_mem>>) src(%dma_wait3A_225 : memref<160xi32, #tpu.memory_space<hbm>>) dst(%arg8 : memref<160xi32, #tpu.memory_space<vmem>>)
      %dma_wait3A_226 = arith.constant 0 : i32
      %dma_wait3A_227 = tpu.memref_slice %arg4[%dma_wait3A_226] : memref<160000xi32, #tpu.memory_space<hbm>> -> memref<160xi32, #tpu.memory_space<hbm>>
      %dma_wait3A_228 = arith.constant 0 : i32
      %dma_wait3A_229 = tpu.memref_slice %arg4[%dma_wait3A_228] : memref<160000xi32, #tpu.memory_space<hbm>> -> memref<160xi32, #tpu.memory_space<hbm>>
      tpu.wait_dma2 semaphore(%arg19 : memref<!tpu.dma_semaphore, #tpu.memory_space<semaphore_mem>>) src(%dma_wait3A_229 : memref<160xi32, #tpu.memory_space<hbm>>) dst(%arg12 : memref<160xi32, #tpu.memory_space<vmem>>)
      %scan3A_230 = arith.constant 0 : i32
      %scan3A_231 = arith.constant 10 : i32
      %scan3A_232 = arith.addi %scan3A_230, %scan3A_231 : i32
      %scan3A_233 = arith.constant 1 : i32
      scf.for %scan3A_238 = %scan3A_230 to %scan3A_232 step %scan3A_233  : i32 {
        %mul3A_239 = arith.constant 16 : i32
        %mul3A_240 = arith.muli %scan3A_238, %mul3A_239 : i32
        %add3A_241 = arith.constant 0 : i32
        %add3A_242 = arith.addi %add3A_241, %mul3A_240 : i32
        %get3A = arith.index_cast %add3A_242 : i32 to index
        %get3A_243 = tpu.vector_load %arg8[%get3A] {strides = array<i32>} : memref<160xi32, #tpu.memory_space<vmem>>, vector<16xi32>,
        %add3A_244 = vector.broadcast %mul3A_17 : i32 to vector<16xi32>
        %add3A_245 = arith.addi %get3A_243, %add3A_244 : vector<16xi32>
        %swap3A = arith.index_cast %add3A_242 : i32 to index
        %swap3A_246 = tpu.vector_load %arg8[%swap3A] {strides = array<i32>} : memref<160xi32, #tpu.memory_space<vmem>>, vector<16xi32>,
        tpu.vector_store %arg8[%swap3A], %add3A_245 {strides = array<i32>} : memref<160xi32, #tpu.memory_space<vmem>>, vector<16xi32>,
      }
      %scan3A_234 = arith.constant 10 : i32
      %dma_start3A_235 = arith.constant 0 : i32
      %dma_start3A_236 = arith.constant 0 : i32
      %dma_start3A_237 = tpu.memref_slice %arg2[%dma_start3A_235, %dma_start3A_236] : memref<40000x128xf32, #tpu.memory_space<hbm>> -> memref<40000x128xf32, #tpu.memory_space<hbm>>
      tpu.enqueue_indirect_dma source(%dma_start3A_237 : memref<40000x128xf32, #tpu.memory_space<hbm>>) target(%arg14 : memref<160x128xf32, #tpu.memory_space<vmem>>) offsets(%arg8 : memref<160xi32, #tpu.memory_space<vmem>>) semaphore(%arg21 : memref<!tpu.dma_semaphore, #tpu.memory_space<semaphore_mem>>)
    } else {
    }
    %dma_wait3A_90 = arith.constant 0 : i32
    %dma_wait3A_91 = arith.constant 0 : i32
    %dma_wait3A_92 = tpu.memref_slice %arg2[%dma_wait3A_90, %dma_wait3A_91] : memref<40000x128xf32, #tpu.memory_space<hbm>> -> memref<160x128xf32, #tpu.memory_space<hbm>>
    %dma_wait3A_93 = arith.constant 0 : i32
    %dma_wait3A_94 = arith.constant 0 : i32
    %dma_wait3A_95 = tpu.memref_slice %arg2[%dma_wait3A_93, %dma_wait3A_94] : memref<40000x128xf32, #tpu.memory_space<hbm>> -> memref<160x128xf32, #tpu.memory_space<hbm>>
    tpu.wait_dma2 semaphore(%arg22 : memref<!tpu.dma_semaphore, #tpu.memory_space<semaphore_mem>>) src(%dma_wait3A_95 : memref<160x128xf32, #tpu.memory_space<hbm>>) dst(%arg15 : memref<160x128xf32, #tpu.memory_space<vmem>>)
    "tpu.region"() ({
      %run_scoped3A = tpu.sem_alloc : memref<!tpu.dma_semaphore, #tpu.memory_space<semaphore_mem>>
      %dma_start3A_222 = arith.constant 0 : i32
      %dma_start3A_223 = arith.constant 0 : i32
      %dma_start3A_224 = tpu.memref_slice %arg16[%dma_start3A_222, %dma_start3A_223] : memref<10000x128xf32, #tpu.memory_space<vmem_shared>> -> memref<10000x128xf32, #tpu.memory_space<vmem_shared>>
      tpu.enqueue_indirect_dma source(%arg15 : memref<160x128xf32, #tpu.memory_space<vmem>>) target(%dma_start3A_224 : memref<10000x128xf32, #tpu.memory_space<vmem_shared>>) offsets(%arg11 : memref<160xi32, #tpu.memory_space<vmem>>) semaphore(%run_scoped3A : memref<!tpu.dma_semaphore, #tpu.memory_space<semaphore_mem>>) {add = true}
      %dma_wait3A_225 = arith.constant 0 : i32
      %dma_wait3A_226 = arith.constant 0 : i32
      %dma_wait3A_227 = tpu.memref_slice %arg16[%dma_wait3A_225, %dma_wait3A_226] : memref<10000x128xf32, #tpu.memory_space<vmem_shared>> -> memref<10000x128xf32, #tpu.memory_space<vmem_shared>>
      tpu.wait_indirect_dma semaphore(%run_scoped3A : memref<!tpu.dma_semaphore, #tpu.memory_space<semaphore_mem>>) src(%arg15 : memref<160x128xf32, #tpu.memory_space<vmem>>) dst(%dma_wait3A_227 : memref<10000x128xf32, #tpu.memory_space<vmem_shared>>)
      tpu.yield
    }) : () -> ()
    %gt3A_96 = arith.constant 62 : i32
    %gt3A_97 = arith.cmpi sgt, %select_n3A, %gt3A_96 : i32
    %convert_element_type3A_98 = arith.extui %gt3A_97 : i1 to i32
    %cond3A_99 = arith.constant 0 : i32
    %cond3A_100 = arith.cmpi ne, %convert_element_type3A_98, %cond3A_99 : i32
    scf.if %cond3A_100 {
      %dma_wait3A_222 = arith.constant 0 : i32
      %dma_wait3A_223 = arith.constant 0 : i32
      %dma_wait3A_224 = tpu.memref_slice %arg2[%dma_wait3A_222, %dma_wait3A_223] : memref<40000x128xf32, #tpu.memory_space<hbm>> -> memref<160x128xf32, #tpu.memory_space<hbm>>
      %dma_wait3A_225 = arith.constant 0 : i32
      %dma_wait3A_226 = arith.constant 0 : i32
      %dma_wait3A_227 = tpu.memref_slice %arg2[%dma_wait3A_225, %dma_wait3A_226] : memref<40000x128xf32, #tpu.memory_space<hbm>> -> memref<160x128xf32, #tpu.memory_space<hbm>>
      tpu.wait_dma2 semaphore(%arg21 : memref<!tpu.dma_semaphore, #tpu.memory_space<semaphore_mem>>) src(%dma_wait3A_227 : memref<160x128xf32, #tpu.memory_space<hbm>>) dst(%arg14 : memref<160x128xf32, #tpu.memory_space<vmem>>)
      "tpu.region"() ({
        %run_scoped3A = tpu.sem_alloc : memref<!tpu.dma_semaphore, #tpu.memory_space<semaphore_mem>>
        %dma_start3A_228 = arith.constant 0 : i32
        %dma_start3A_229 = arith.constant 0 : i32
        %dma_start3A_230 = tpu.memref_slice %arg16[%dma_start3A_228, %dma_start3A_229] : memref<10000x128xf32, #tpu.memory_space<vmem_shared>> -> memref<10000x128xf32, #tpu.memory_space<vmem_shared>>
        tpu.enqueue_indirect_dma source(%arg14 : memref<160x128xf32, #tpu.memory_space<vmem>>) target(%dma_start3A_230 : memref<10000x128xf32, #tpu.memory_space<vmem_shared>>) offsets(%arg12 : memref<160xi32, #tpu.memory_space<vmem>>) semaphore(%run_scoped3A : memref<!tpu.dma_semaphore, #tpu.memory_space<semaphore_mem>>) {add = true}
        %dma_wait3A_231 = arith.constant 0 : i32
        %dma_wait3A_232 = arith.constant 0 : i32
        %dma_wait3A_233 = tpu.memref_slice %arg16[%dma_wait3A_231, %dma_wait3A_232] : memref<10000x128xf32, #tpu.memory_space<vmem_shared>> -> memref<10000x128xf32, #tpu.memory_space<vmem_shared>>
        tpu.wait_indirect_dma semaphore(%run_scoped3A : memref<!tpu.dma_semaphore, #tpu.memory_space<semaphore_mem>>) src(%arg14 : memref<160x128xf32, #tpu.memory_space<vmem>>) dst(%dma_wait3A_233 : memref<10000x128xf32, #tpu.memory_space<vmem_shared>>)
        tpu.yield
      }) : () -> ()
    } else {
    }
    %barrier3A_101 = arith.constant 0 : index
    tpu.barrier barrier_id(%barrier3A_101)
    %eq3A_102 = arith.constant 0 : i32
    %eq3A_103 = arith.cmpi eq, %arg1, %eq3A_102 : i32
    %convert_element_type3A_104 = arith.extui %eq3A_103 : i1 to i32
    %cond3A_105 = arith.constant 0 : i32
    %cond3A_106 = arith.cmpi ne, %convert_element_type3A_104, %cond3A_105 : i32
    scf.if %cond3A_106 {
      "tpu.region"() ({
        %run_scoped3A = tpu.sem_alloc : memref<!tpu.dma_semaphore, #tpu.memory_space<semaphore_mem>>
        %dma_start3A_222 = arith.constant 0 : i32
        %dma_start3A_223 = tpu.memref_slice %arg5[%mul3A_17, %dma_start3A_222] : memref<40000x128xf32, #tpu.memory_space<hbm>> -> memref<640x128xf32, #tpu.memory_space<hbm>>
        %dma_start3A_224 = arith.constant 0 : i32
        %dma_start3A_225 = arith.constant 0 : i32
        %dma_start3A_226 = tpu.memref_slice %arg16[%dma_start3A_224, %dma_start3A_225] : memref<10000x128xf32, #tpu.memory_space<vmem_shared>> -> memref<640x128xf32, #tpu.memory_space<vmem_shared>>
        tpu.enqueue_dma source(%dma_start3A_226 : memref<640x128xf32, #tpu.memory_space<vmem_shared>>) target(%dma_start3A_223 : memref<640x128xf32, #tpu.memory_space<hbm>>) target_semaphore(%run_scoped3A : memref<!tpu.dma_semaphore, #tpu.memory_space<semaphore_mem>>)
        %dma_wait3A_227 = arith.constant 0 : i32
        %dma_wait3A_228 = tpu.memref_slice %arg5[%mul3A_17, %dma_wait3A_227] : memref<40000x128xf32, #tpu.memory_space<hbm>> -> memref<640x128xf32, #tpu.memory_space<hbm>>
        %dma_wait3A_229 = arith.constant 0 : i32
        %dma_wait3A_230 = arith.constant 0 : i32
        %dma_wait3A_231 = tpu.memref_slice %arg16[%dma_wait3A_229, %dma_wait3A_230] : memref<10000x128xf32, #tpu.memory_space<vmem_shared>> -> memref<640x128xf32, #tpu.memory_space<vmem_shared>>
        tpu.wait_dma2 semaphore(%run_scoped3A : memref<!tpu.dma_semaphore, #tpu.memory_space<semaphore_mem>>) src(%dma_wait3A_231 : memref<640x128xf32, #tpu.memory_space<vmem_shared>>) dst(%dma_wait3A_228 : memref<640x128xf32, #tpu.memory_space<hbm>>)
        tpu.yield
      }) : () -> ()
    } else {
    }
    %gt3A_107 = arith.constant 0 : i32
    %gt3A_108 = arith.cmpi sgt, %arg1, %gt3A_107 : i32
    %convert_element_type3A_109 = arith.extui %gt3A_108 : i1 to i32
    %cond3A_110 = arith.constant 0 : i32
    %cond3A_111 = arith.cmpi ne, %convert_element_type3A_109, %cond3A_110 : i32
    scf.if %cond3A_111 {
      %mul3A_222 = arith.constant 624 : i32
      %mul3A_223 = arith.muli %arg1, %mul3A_222 : i32
      %add3A_224 = arith.constant 16 : i32
      %add3A_225 = arith.addi %add3A_224, %mul3A_223 : i32
      %add3A_226 = arith.addi %mul3A_17, %add3A_225 : i32
      "tpu.region"() ({
        %run_scoped3A = tpu.sem_alloc : memref<!tpu.dma_semaphore, #tpu.memory_space<semaphore_mem>>
        %dma_start3A_227 = arith.constant 0 : i32
        %dma_start3A_228 = tpu.memref_slice %arg5[%add3A_226, %dma_start3A_227] : memref<40000x128xf32, #tpu.memory_space<hbm>> -> memref<624x128xf32, #tpu.memory_space<hbm>>
        %dma_start3A_229 = arith.constant 0 : i32
        %dma_start3A_230 = tpu.memref_slice %arg16[%add3A_225, %dma_start3A_229] : memref<10000x128xf32, #tpu.memory_space<vmem_shared>> -> memref<624x128xf32, #tpu.memory_space<vmem_shared>>
        tpu.enqueue_dma source(%dma_start3A_230 : memref<624x128xf32, #tpu.memory_space<vmem_shared>>) target(%dma_start3A_228 : memref<624x128xf32, #tpu.memory_space<hbm>>) target_semaphore(%run_scoped3A : memref<!tpu.dma_semaphore, #tpu.memory_space<semaphore_mem>>)
        %dma_wait3A_231 = arith.constant 0 : i32
        %dma_wait3A_232 = tpu.memref_slice %arg5[%add3A_226, %dma_wait3A_231] : memref<40000x128xf32, #tpu.memory_space<hbm>> -> memref<624x128xf32, #tpu.memory_space<hbm>>
        %dma_wait3A_233 = arith.constant 0 : i32
        %dma_wait3A_234 = tpu.memref_slice %arg16[%add3A_225, %dma_wait3A_233] : memref<10000x128xf32, #tpu.memory_space<vmem_shared>> -> memref<624x128xf32, #tpu.memory_space<vmem_shared>>
        tpu.wait_dma2 semaphore(%run_scoped3A : memref<!tpu.dma_semaphore, #tpu.memory_space<semaphore_mem>>) src(%dma_wait3A_234 : memref<624x128xf32, #tpu.memory_space<vmem_shared>>) dst(%dma_wait3A_232 : memref<624x128xf32, #tpu.memory_space<hbm>>)
        tpu.yield
      }) : () -> ()
    } else {
    }
    %barrier3A_112 = arith.constant 0 : index
    tpu.barrier barrier_id(%barrier3A_112)
    %mul3A_113 = arith.constant 2 : i32
    %mul3A_114 = arith.muli %arg0, %mul3A_113 : i32
    %add3A_115 = arith.constant 1 : i32
    %add3A_116 = arith.addi %mul3A_114, %add3A_115 : i32
    %mul3A_117 = arith.constant 10000 : i32
    %mul3A_118 = arith.muli %add3A_116, %mul3A_117 : i32
    %eq3A_119 = arith.constant 0 : i32
    %eq3A_120 = arith.cmpi eq, %arg1, %eq3A_119 : i32
    %convert_element_type3A_121 = arith.extui %eq3A_120 : i1 to i32
    %cond3A_122 = arith.constant 0 : i32
    %cond3A_123 = arith.cmpi ne, %convert_element_type3A_121, %cond3A_122 : i32
    scf.if %cond3A_123 {
      "tpu.region"() ({
        %run_scoped3A = tpu.sem_alloc : memref<!tpu.dma_semaphore, #tpu.memory_space<semaphore_mem>>
        %dma_start3A_222 = arith.constant 0 : i32
        %dma_start3A_223 = arith.constant 0 : i32
        %dma_start3A_224 = tpu.memref_slice %arg16[%dma_start3A_222, %dma_start3A_223] : memref<10000x128xf32, #tpu.memory_space<vmem_shared>> -> memref<640x128xf32, #tpu.memory_space<vmem_shared>>
        %dma_start3A_225 = arith.constant 0 : i32
        %dma_start3A_226 = tpu.memref_slice %arg2[%mul3A_118, %dma_start3A_225] : memref<40000x128xf32, #tpu.memory_space<hbm>> -> memref<640x128xf32, #tpu.memory_space<hbm>>
        tpu.enqueue_dma source(%dma_start3A_226 : memref<640x128xf32, #tpu.memory_space<hbm>>) target(%dma_start3A_224 : memref<640x128xf32, #tpu.memory_space<vmem_shared>>) target_semaphore(%run_scoped3A : memref<!tpu.dma_semaphore, #tpu.memory_space<semaphore_mem>>)
        %dma_wait3A_227 = arith.constant 0 : i32
        %dma_wait3A_228 = arith.constant 0 : i32
        %dma_wait3A_229 = tpu.memref_slice %arg16[%dma_wait3A_227, %dma_wait3A_228] : memref<10000x128xf32, #tpu.memory_space<vmem_shared>> -> memref<640x128xf32, #tpu.memory_space<vmem_shared>>
        %dma_wait3A_230 = arith.constant 0 : i32
        %dma_wait3A_231 = tpu.memref_slice %arg2[%mul3A_118, %dma_wait3A_230] : memref<40000x128xf32, #tpu.memory_space<hbm>> -> memref<640x128xf32, #tpu.memory_space<hbm>>
        tpu.wait_dma2 semaphore(%run_scoped3A : memref<!tpu.dma_semaphore, #tpu.memory_space<semaphore_mem>>) src(%dma_wait3A_231 : memref<640x128xf32, #tpu.memory_space<hbm>>) dst(%dma_wait3A_229 : memref<640x128xf32, #tpu.memory_space<vmem_shared>>)
        tpu.yield
      }) : () -> ()
    } else {
    }
    %gt3A_124 = arith.constant 0 : i32
    %gt3A_125 = arith.cmpi sgt, %arg1, %gt3A_124 : i32
    %convert_element_type3A_126 = arith.extui %gt3A_125 : i1 to i32
    %cond3A_127 = arith.constant 0 : i32
    %cond3A_128 = arith.cmpi ne, %convert_element_type3A_126, %cond3A_127 : i32
    scf.if %cond3A_128 {
      %mul3A_222 = arith.constant 624 : i32
      %mul3A_223 = arith.muli %arg1, %mul3A_222 : i32
      %add3A_224 = arith.constant 16 : i32
      %add3A_225 = arith.addi %add3A_224, %mul3A_223 : i32
      %add3A_226 = arith.addi %mul3A_118, %add3A_225 : i32
      "tpu.region"() ({
        %run_scoped3A = tpu.sem_alloc : memref<!tpu.dma_semaphore, #tpu.memory_space<semaphore_mem>>
        %dma_start3A_227 = arith.constant 0 : i32
        %dma_start3A_228 = tpu.memref_slice %arg16[%add3A_225, %dma_start3A_227] : memref<10000x128xf32, #tpu.memory_space<vmem_shared>> -> memref<624x128xf32, #tpu.memory_space<vmem_shared>>
        %dma_start3A_229 = arith.constant 0 : i32
        %dma_start3A_230 = tpu.memref_slice %arg2[%add3A_226, %dma_start3A_229] : memref<40000x128xf32, #tpu.memory_space<hbm>> -> memref<624x128xf32, #tpu.memory_space<hbm>>
        tpu.enqueue_dma source(%dma_start3A_230 : memref<624x128xf32, #tpu.memory_space<hbm>>) target(%dma_start3A_228 : memref<624x128xf32, #tpu.memory_space<vmem_shared>>) target_semaphore(%run_scoped3A : memref<!tpu.dma_semaphore, #tpu.memory_space<semaphore_mem>>)
        %dma_wait3A_231 = arith.constant 0 : i32
        %dma_wait3A_232 = tpu.memref_slice %arg16[%add3A_225, %dma_wait3A_231] : memref<10000x128xf32, #tpu.memory_space<vmem_shared>> -> memref<624x128xf32, #tpu.memory_space<vmem_shared>>
        %dma_wait3A_233 = arith.constant 0 : i32
        %dma_wait3A_234 = tpu.memref_slice %arg2[%add3A_226, %dma_wait3A_233] : memref<40000x128xf32, #tpu.memory_space<hbm>> -> memref<624x128xf32, #tpu.memory_space<hbm>>
        tpu.wait_dma2 semaphore(%run_scoped3A : memref<!tpu.dma_semaphore, #tpu.memory_space<semaphore_mem>>) src(%dma_wait3A_234 : memref<624x128xf32, #tpu.memory_space<hbm>>) dst(%dma_wait3A_232 : memref<624x128xf32, #tpu.memory_space<vmem_shared>>)
        tpu.yield
      }) : () -> ()
    } else {
    }
    %barrier3A_129 = arith.constant 0 : index
    tpu.barrier barrier_id(%barrier3A_129)
    %mul3A_130 = arith.constant 0 : i32
    %mul3A_131 = arith.constant 160 : i32
    %mul3A_132 = arith.muli %mul3A_130, %mul3A_131 : i32
    %add3A_133 = arith.addi %mul3A_11, %mul3A_132 : i32
    %dma_start3A_134 = tpu.memref_slice %arg3[%add3A_133] : memref<160000xi32, #tpu.memory_space<hbm>> -> memref<160xi32, #tpu.memory_space<hbm>>
    %dma_start3A_135 = tpu.memref_slice %arg3[%add3A_133] : memref<160000xi32, #tpu.memory_space<hbm>> -> memref<160xi32, #tpu.memory_space<hbm>>
    tpu.enqueue_dma source(%dma_start3A_135 : memref<160xi32, #tpu.memory_space<hbm>>) target(%arg6 : memref<160xi32, #tpu.memory_space<vmem>>) target_semaphore(%arg17 : memref<!tpu.dma_semaphore, #tpu.memory_space<semaphore_mem>>)
    %dma_start3A_136 = tpu.memref_slice %arg4[%add3A_133] : memref<160000xi32, #tpu.memory_space<hbm>> -> memref<160xi32, #tpu.memory_space<hbm>>
    %dma_start3A_137 = tpu.memref_slice %arg4[%add3A_133] : memref<160000xi32, #tpu.memory_space<hbm>> -> memref<160xi32, #tpu.memory_space<hbm>>
    tpu.enqueue_dma source(%dma_start3A_137 : memref<160xi32, #tpu.memory_space<hbm>>) target(%arg10 : memref<160xi32, #tpu.memory_space<vmem>>) target_semaphore(%arg17 : memref<!tpu.dma_semaphore, #tpu.memory_space<semaphore_mem>>)
    %mul3A_138 = arith.constant 1 : i32
    %mul3A_139 = arith.constant 160 : i32
    %mul3A_140 = arith.muli %mul3A_138, %mul3A_139 : i32
    %add3A_141 = arith.addi %mul3A_11, %mul3A_140 : i32
    %dma_start3A_142 = tpu.memref_slice %arg3[%add3A_141] : memref<160000xi32, #tpu.memory_space<hbm>> -> memref<160xi32, #tpu.memory_space<hbm>>
    %dma_start3A_143 = tpu.memref_slice %arg3[%add3A_141] : memref<160000xi32, #tpu.memory_space<hbm>> -> memref<160xi32, #tpu.memory_space<hbm>>
    tpu.enqueue_dma source(%dma_start3A_143 : memref<160xi32, #tpu.memory_space<hbm>>) target(%arg7 : memref<160xi32, #tpu.memory_space<vmem>>) target_semaphore(%arg18 : memref<!tpu.dma_semaphore, #tpu.memory_space<semaphore_mem>>)
    %dma_start3A_144 = tpu.memref_slice %arg4[%add3A_141] : memref<160000xi32, #tpu.memory_space<hbm>> -> memref<160xi32, #tpu.memory_space<hbm>>
    %dma_start3A_145 = tpu.memref_slice %arg4[%add3A_141] : memref<160000xi32, #tpu.memory_space<hbm>> -> memref<160xi32, #tpu.memory_space<hbm>>
    tpu.enqueue_dma source(%dma_start3A_145 : memref<160xi32, #tpu.memory_space<hbm>>) target(%arg11 : memref<160xi32, #tpu.memory_space<vmem>>) target_semaphore(%arg18 : memref<!tpu.dma_semaphore, #tpu.memory_space<semaphore_mem>>)
    %dma_wait3A_146 = arith.constant 0 : i32
    %dma_wait3A_147 = tpu.memref_slice %arg3[%dma_wait3A_146] : memref<160000xi32, #tpu.memory_space<hbm>> -> memref<160xi32, #tpu.memory_space<hbm>>
    %dma_wait3A_148 = arith.constant 0 : i32
    %dma_wait3A_149 = tpu.memref_slice %arg3[%dma_wait3A_148] : memref<160000xi32, #tpu.memory_space<hbm>> -> memref<160xi32, #tpu.memory_space<hbm>>
    tpu.wait_dma2 semaphore(%arg17 : memref<!tpu.dma_semaphore, #tpu.memory_space<semaphore_mem>>) src(%dma_wait3A_149 : memref<160xi32, #tpu.memory_space<hbm>>) dst(%arg6 : memref<160xi32, #tpu.memory_space<vmem>>)
    %dma_wait3A_150 = arith.constant 0 : i32
    %dma_wait3A_151 = tpu.memref_slice %arg4[%dma_wait3A_150] : memref<160000xi32, #tpu.memory_space<hbm>> -> memref<160xi32, #tpu.memory_space<hbm>>
    %dma_wait3A_152 = arith.constant 0 : i32
    %dma_wait3A_153 = tpu.memref_slice %arg4[%dma_wait3A_152] : memref<160000xi32, #tpu.memory_space<hbm>> -> memref<160xi32, #tpu.memory_space<hbm>>
    tpu.wait_dma2 semaphore(%arg17 : memref<!tpu.dma_semaphore, #tpu.memory_space<semaphore_mem>>) src(%dma_wait3A_153 : memref<160xi32, #tpu.memory_space<hbm>>) dst(%arg10 : memref<160xi32, #tpu.memory_space<vmem>>)
    %scan3A_154 = arith.constant 0 : i32
    %scan3A_155 = arith.constant 10 : i32
    %scan3A_156 = arith.addi %scan3A_154, %scan3A_155 : i32
    %scan3A_157 = arith.constant 1 : i32
    scf.for %scan3A_222 = %scan3A_154 to %scan3A_156 step %scan3A_157  : i32 {
      %mul3A_223 = arith.constant 16 : i32
      %mul3A_224 = arith.muli %scan3A_222, %mul3A_223 : i32
      %add3A_225 = arith.constant 0 : i32
      %add3A_226 = arith.addi %add3A_225, %mul3A_224 : i32
      %get3A = arith.index_cast %add3A_226 : i32 to index
      %get3A_227 = tpu.vector_load %arg6[%get3A] {strides = array<i32>} : memref<160xi32, #tpu.memory_space<vmem>>, vector<16xi32>,
      %add3A_228 = vector.broadcast %mul3A_118 : i32 to vector<16xi32>
      %add3A_229 = arith.addi %get3A_227, %add3A_228 : vector<16xi32>
      %swap3A = arith.index_cast %add3A_226 : i32 to index
      %swap3A_230 = tpu.vector_load %arg6[%swap3A] {strides = array<i32>} : memref<160xi32, #tpu.memory_space<vmem>>, vector<16xi32>,
      tpu.vector_store %arg6[%swap3A], %add3A_229 {strides = array<i32>} : memref<160xi32, #tpu.memory_space<vmem>>, vector<16xi32>,
    }
    %scan3A_158 = arith.constant 10 : i32
    %dma_start3A_159 = arith.constant 0 : i32
    %dma_start3A_160 = arith.constant 0 : i32
    %dma_start3A_161 = tpu.memref_slice %arg2[%dma_start3A_159, %dma_start3A_160] : memref<40000x128xf32, #tpu.memory_space<hbm>> -> memref<40000x128xf32, #tpu.memory_space<hbm>>
    tpu.enqueue_indirect_dma source(%dma_start3A_161 : memref<40000x128xf32, #tpu.memory_space<hbm>>) target(%arg14 : memref<160x128xf32, #tpu.memory_space<vmem>>) offsets(%arg6 : memref<160xi32, #tpu.memory_space<vmem>>) semaphore(%arg21 : memref<!tpu.dma_semaphore, #tpu.memory_space<semaphore_mem>>)
    %scan3A_162 = arith.constant 0 : i32
    %scan3A_163 = arith.constant 15 : i32
    %scan3A_164 = arith.addi %scan3A_162, %scan3A_163 : i32
    %scan3A_165 = arith.constant 1 : i32
    scf.for %scan3A_222 = %scan3A_162 to %scan3A_164 step %scan3A_165  : i32 {
      %mul3A_223 = arith.constant 4 : i32
      %mul3A_224 = arith.muli %scan3A_222, %mul3A_223 : i32
      %add3A_225 = arith.constant 0 : i32
      %add3A_226 = arith.addi %add3A_225, %mul3A_224 : i32
      %add3A_227 = arith.constant 0 : i32
      %add3A_228 = arith.addi %add3A_226, %add3A_227 : i32
      %add3A_229 = arith.constant 2 : i32
      %add3A_230 = arith.addi %add3A_228, %add3A_229 : i32
      %mul3A_231 = arith.constant 160 : i32
      %mul3A_232 = arith.muli %add3A_230, %mul3A_231 : i32
      %add3A_233 = arith.addi %mul3A_11, %mul3A_232 : i32
      %dma_start3A_234 = tpu.memref_slice %arg3[%add3A_233] : memref<160000xi32, #tpu.memory_space<hbm>> -> memref<160xi32, #tpu.memory_space<hbm>>
      %dma_start3A_235 = tpu.memref_slice %arg3[%add3A_233] : memref<160000xi32, #tpu.memory_space<hbm>> -> memref<160xi32, #tpu.memory_space<hbm>>
      tpu.enqueue_dma source(%dma_start3A_235 : memref<160xi32, #tpu.memory_space<hbm>>) target(%arg8 : memref<160xi32, #tpu.memory_space<vmem>>) target_semaphore(%arg19 : memref<!tpu.dma_semaphore, #tpu.memory_space<semaphore_mem>>)
      %dma_start3A_236 = tpu.memref_slice %arg4[%add3A_233] : memref<160000xi32, #tpu.memory_space<hbm>> -> memref<160xi32, #tpu.memory_space<hbm>>
      %dma_start3A_237 = tpu.memref_slice %arg4[%add3A_233] : memref<160000xi32, #tpu.memory_space<hbm>> -> memref<160xi32, #tpu.memory_space<hbm>>
      tpu.enqueue_dma source(%dma_start3A_237 : memref<160xi32, #tpu.memory_space<hbm>>) target(%arg12 : memref<160xi32, #tpu.memory_space<vmem>>) target_semaphore(%arg19 : memref<!tpu.dma_semaphore, #tpu.memory_space<semaphore_mem>>)
      %dma_wait3A_238 = arith.constant 0 : i32
      %dma_wait3A_239 = tpu.memref_slice %arg3[%dma_wait3A_238] : memref<160000xi32, #tpu.memory_space<hbm>> -> memref<160xi32, #tpu.memory_space<hbm>>
      %dma_wait3A_240 = arith.constant 0 : i32
      %dma_wait3A_241 = tpu.memref_slice %arg3[%dma_wait3A_240] : memref<160000xi32, #tpu.memory_space<hbm>> -> memref<160xi32, #tpu.memory_space<hbm>>
      tpu.wait_dma2 semaphore(%arg18 : memref<!tpu.dma_semaphore, #tpu.memory_space<semaphore_mem>>) src(%dma_wait3A_241 : memref<160xi32, #tpu.memory_space<hbm>>) dst(%arg7 : memref<160xi32, #tpu.memory_space<vmem>>)
      %dma_wait3A_242 = arith.constant 0 : i32
      %dma_wait3A_243 = tpu.memref_slice %arg4[%dma_wait3A_242] : memref<160000xi32, #tpu.memory_space<hbm>> -> memref<160xi32, #tpu.memory_space<hbm>>
      %dma_wait3A_244 = arith.constant 0 : i32
      %dma_wait3A_245 = tpu.memref_slice %arg4[%dma_wait3A_244] : memref<160000xi32, #tpu.memory_space<hbm>> -> memref<160xi32, #tpu.memory_space<hbm>>
      tpu.wait_dma2 semaphore(%arg18 : memref<!tpu.dma_semaphore, #tpu.memory_space<semaphore_mem>>) src(%dma_wait3A_245 : memref<160xi32, #tpu.memory_space<hbm>>) dst(%arg11 : memref<160xi32, #tpu.memory_space<vmem>>)
      %scan3A_246 = arith.constant 0 : i32
      %scan3A_247 = arith.constant 10 : i32
      %scan3A_248 = arith.addi %scan3A_246, %scan3A_247 : i32
      %scan3A_249 = arith.constant 1 : i32
      scf.for %scan3A_359 = %scan3A_246 to %scan3A_248 step %scan3A_249  : i32 {
        %mul3A_360 = arith.constant 16 : i32
        %mul3A_361 = arith.muli %scan3A_359, %mul3A_360 : i32
        %add3A_362 = arith.constant 0 : i32
        %add3A_363 = arith.addi %add3A_362, %mul3A_361 : i32
        %get3A = arith.index_cast %add3A_363 : i32 to index
        %get3A_364 = tpu.vector_load %arg7[%get3A] {strides = array<i32>} : memref<160xi32, #tpu.memory_space<vmem>>, vector<16xi32>,
        %add3A_365 = vector.broadcast %mul3A_118 : i32 to vector<16xi32>
        %add3A_366 = arith.addi %get3A_364, %add3A_365 : vector<16xi32>
        %swap3A = arith.index_cast %add3A_363 : i32 to index
        %swap3A_367 = tpu.vector_load %arg7[%swap3A] {strides = array<i32>} : memref<160xi32, #tpu.memory_space<vmem>>, vector<16xi32>,
        tpu.vector_store %arg7[%swap3A], %add3A_366 {strides = array<i32>} : memref<160xi32, #tpu.memory_space<vmem>>, vector<16xi32>,
      }
      %scan3A_250 = arith.constant 10 : i32
      %dma_start3A_251 = arith.constant 0 : i32
      %dma_start3A_252 = arith.constant 0 : i32
      %dma_start3A_253 = tpu.memref_slice %arg2[%dma_start3A_251, %dma_start3A_252] : memref<40000x128xf32, #tpu.memory_space<hbm>> -> memref<40000x128xf32, #tpu.memory_space<hbm>>
      tpu.enqueue_indirect_dma source(%dma_start3A_253 : memref<40000x128xf32, #tpu.memory_space<hbm>>) target(%arg15 : memref<160x128xf32, #tpu.memory_space<vmem>>) offsets(%arg7 : memref<160xi32, #tpu.memory_space<vmem>>) semaphore(%arg22 : memref<!tpu.dma_semaphore, #tpu.memory_space<semaphore_mem>>)
      %dma_wait3A_254 = arith.constant 0 : i32
      %dma_wait3A_255 = arith.constant 0 : i32
      %dma_wait3A_256 = tpu.memref_slice %arg2[%dma_wait3A_254, %dma_wait3A_255] : memref<40000x128xf32, #tpu.memory_space<hbm>> -> memref<160x128xf32, #tpu.memory_space<hbm>>
      %dma_wait3A_257 = arith.constant 0 : i32
      %dma_wait3A_258 = arith.constant 0 : i32
      %dma_wait3A_259 = tpu.memref_slice %arg2[%dma_wait3A_257, %dma_wait3A_258] : memref<40000x128xf32, #tpu.memory_space<hbm>> -> memref<160x128xf32, #tpu.memory_space<hbm>>
      tpu.wait_dma2 semaphore(%arg21 : memref<!tpu.dma_semaphore, #tpu.memory_space<semaphore_mem>>) src(%dma_wait3A_259 : memref<160x128xf32, #tpu.memory_space<hbm>>) dst(%arg14 : memref<160x128xf32, #tpu.memory_space<vmem>>)
      "tpu.region"() ({
        %run_scoped3A = tpu.sem_alloc : memref<!tpu.dma_semaphore, #tpu.memory_space<semaphore_mem>>
        %dma_start3A_359 = arith.constant 0 : i32
        %dma_start3A_360 = arith.constant 0 : i32
        %dma_start3A_361 = tpu.memref_slice %arg16[%dma_start3A_359, %dma_start3A_360] : memref<10000x128xf32, #tpu.memory_space<vmem_shared>> -> memref<10000x128xf32, #tpu.memory_space<vmem_shared>>
        tpu.enqueue_indirect_dma source(%arg14 : memref<160x128xf32, #tpu.memory_space<vmem>>) target(%dma_start3A_361 : memref<10000x128xf32, #tpu.memory_space<vmem_shared>>) offsets(%arg10 : memref<160xi32, #tpu.memory_space<vmem>>) semaphore(%run_scoped3A : memref<!tpu.dma_semaphore, #tpu.memory_space<semaphore_mem>>) {add = true}
        %dma_wait3A_362 = arith.constant 0 : i32
        %dma_wait3A_363 = arith.constant 0 : i32
        %dma_wait3A_364 = tpu.memref_slice %arg16[%dma_wait3A_362, %dma_wait3A_363] : memref<10000x128xf32, #tpu.memory_space<vmem_shared>> -> memref<10000x128xf32, #tpu.memory_space<vmem_shared>>
        tpu.wait_indirect_dma semaphore(%run_scoped3A : memref<!tpu.dma_semaphore, #tpu.memory_space<semaphore_mem>>) src(%arg14 : memref<160x128xf32, #tpu.memory_space<vmem>>) dst(%dma_wait3A_364 : memref<10000x128xf32, #tpu.memory_space<vmem_shared>>)
        tpu.yield
      }) : () -> ()
      %add3A_260 = arith.constant 1 : i32
      %add3A_261 = arith.addi %add3A_226, %add3A_260 : i32
      %add3A_262 = arith.constant 2 : i32
      %add3A_263 = arith.addi %add3A_261, %add3A_262 : i32
      %mul3A_264 = arith.constant 160 : i32
      %mul3A_265 = arith.muli %add3A_263, %mul3A_264 : i32
      %add3A_266 = arith.addi %mul3A_11, %mul3A_265 : i32
      %dma_start3A_267 = tpu.memref_slice %arg3[%add3A_266] : memref<160000xi32, #tpu.memory_space<hbm>> -> memref<160xi32, #tpu.memory_space<hbm>>
      %dma_start3A_268 = tpu.memref_slice %arg3[%add3A_266] : memref<160000xi32, #tpu.memory_space<hbm>> -> memref<160xi32, #tpu.memory_space<hbm>>
      tpu.enqueue_dma source(%dma_start3A_268 : memref<160xi32, #tpu.memory_space<hbm>>) target(%arg9 : memref<160xi32, #tpu.memory_space<vmem>>) target_semaphore(%arg20 : memref<!tpu.dma_semaphore, #tpu.memory_space<semaphore_mem>>)
      %dma_start3A_269 = tpu.memref_slice %arg4[%add3A_266] : memref<160000xi32, #tpu.memory_space<hbm>> -> memref<160xi32, #tpu.memory_space<hbm>>
      %dma_start3A_270 = tpu.memref_slice %arg4[%add3A_266] : memref<160000xi32, #tpu.memory_space<hbm>> -> memref<160xi32, #tpu.memory_space<hbm>>
      tpu.enqueue_dma source(%dma_start3A_270 : memref<160xi32, #tpu.memory_space<hbm>>) target(%arg13 : memref<160xi32, #tpu.memory_space<vmem>>) target_semaphore(%arg20 : memref<!tpu.dma_semaphore, #tpu.memory_space<semaphore_mem>>)
      %dma_wait3A_271 = arith.constant 0 : i32
      %dma_wait3A_272 = tpu.memref_slice %arg3[%dma_wait3A_271] : memref<160000xi32, #tpu.memory_space<hbm>> -> memref<160xi32, #tpu.memory_space<hbm>>
      %dma_wait3A_273 = arith.constant 0 : i32
      %dma_wait3A_274 = tpu.memref_slice %arg3[%dma_wait3A_273] : memref<160000xi32, #tpu.memory_space<hbm>> -> memref<160xi32, #tpu.memory_space<hbm>>
      tpu.wait_dma2 semaphore(%arg19 : memref<!tpu.dma_semaphore, #tpu.memory_space<semaphore_mem>>) src(%dma_wait3A_274 : memref<160xi32, #tpu.memory_space<hbm>>) dst(%arg8 : memref<160xi32, #tpu.memory_space<vmem>>)
      %dma_wait3A_275 = arith.constant 0 : i32
      %dma_wait3A_276 = tpu.memref_slice %arg4[%dma_wait3A_275] : memref<160000xi32, #tpu.memory_space<hbm>> -> memref<160xi32, #tpu.memory_space<hbm>>
      %dma_wait3A_277 = arith.constant 0 : i32
      %dma_wait3A_278 = tpu.memref_slice %arg4[%dma_wait3A_277] : memref<160000xi32, #tpu.memory_space<hbm>> -> memref<160xi32, #tpu.memory_space<hbm>>
      tpu.wait_dma2 semaphore(%arg19 : memref<!tpu.dma_semaphore, #tpu.memory_space<semaphore_mem>>) src(%dma_wait3A_278 : memref<160xi32, #tpu.memory_space<hbm>>) dst(%arg12 : memref<160xi32, #tpu.memory_space<vmem>>)
      %scan3A_279 = arith.constant 0 : i32
      %scan3A_280 = arith.constant 10 : i32
      %scan3A_281 = arith.addi %scan3A_279, %scan3A_280 : i32
      %scan3A_282 = arith.constant 1 : i32
      scf.for %scan3A_359 = %scan3A_279 to %scan3A_281 step %scan3A_282  : i32 {
        %mul3A_360 = arith.constant 16 : i32
        %mul3A_361 = arith.muli %scan3A_359, %mul3A_360 : i32
        %add3A_362 = arith.constant 0 : i32
        %add3A_363 = arith.addi %add3A_362, %mul3A_361 : i32
        %get3A = arith.index_cast %add3A_363 : i32 to index
        %get3A_364 = tpu.vector_load %arg8[%get3A] {strides = array<i32>} : memref<160xi32, #tpu.memory_space<vmem>>, vector<16xi32>,
        %add3A_365 = vector.broadcast %mul3A_118 : i32 to vector<16xi32>
        %add3A_366 = arith.addi %get3A_364, %add3A_365 : vector<16xi32>
        %swap3A = arith.index_cast %add3A_363 : i32 to index
        %swap3A_367 = tpu.vector_load %arg8[%swap3A] {strides = array<i32>} : memref<160xi32, #tpu.memory_space<vmem>>, vector<16xi32>,
        tpu.vector_store %arg8[%swap3A], %add3A_366 {strides = array<i32>} : memref<160xi32, #tpu.memory_space<vmem>>, vector<16xi32>,
      }
      %scan3A_283 = arith.constant 10 : i32
      %dma_start3A_284 = arith.constant 0 : i32
      %dma_start3A_285 = arith.constant 0 : i32
      %dma_start3A_286 = tpu.memref_slice %arg2[%dma_start3A_284, %dma_start3A_285] : memref<40000x128xf32, #tpu.memory_space<hbm>> -> memref<40000x128xf32, #tpu.memory_space<hbm>>
      tpu.enqueue_indirect_dma source(%dma_start3A_286 : memref<40000x128xf32, #tpu.memory_space<hbm>>) target(%arg14 : memref<160x128xf32, #tpu.memory_space<vmem>>) offsets(%arg8 : memref<160xi32, #tpu.memory_space<vmem>>) semaphore(%arg21 : memref<!tpu.dma_semaphore, #tpu.memory_space<semaphore_mem>>)
      %dma_wait3A_287 = arith.constant 0 : i32
      %dma_wait3A_288 = arith.constant 0 : i32
      %dma_wait3A_289 = tpu.memref_slice %arg2[%dma_wait3A_287, %dma_wait3A_288] : memref<40000x128xf32, #tpu.memory_space<hbm>> -> memref<160x128xf32, #tpu.memory_space<hbm>>
      %dma_wait3A_290 = arith.constant 0 : i32
      %dma_wait3A_291 = arith.constant 0 : i32
      %dma_wait3A_292 = tpu.memref_slice %arg2[%dma_wait3A_290, %dma_wait3A_291] : memref<40000x128xf32, #tpu.memory_space<hbm>> -> memref<160x128xf32, #tpu.memory_space<hbm>>
      tpu.wait_dma2 semaphore(%arg22 : memref<!tpu.dma_semaphore, #tpu.memory_space<semaphore_mem>>) src(%dma_wait3A_292 : memref<160x128xf32, #tpu.memory_space<hbm>>) dst(%arg15 : memref<160x128xf32, #tpu.memory_space<vmem>>)
      "tpu.region"() ({
        %run_scoped3A = tpu.sem_alloc : memref<!tpu.dma_semaphore, #tpu.memory_space<semaphore_mem>>
        %dma_start3A_359 = arith.constant 0 : i32
        %dma_start3A_360 = arith.constant 0 : i32
        %dma_start3A_361 = tpu.memref_slice %arg16[%dma_start3A_359, %dma_start3A_360] : memref<10000x128xf32, #tpu.memory_space<vmem_shared>> -> memref<10000x128xf32, #tpu.memory_space<vmem_shared>>
        tpu.enqueue_indirect_dma source(%arg15 : memref<160x128xf32, #tpu.memory_space<vmem>>) target(%dma_start3A_361 : memref<10000x128xf32, #tpu.memory_space<vmem_shared>>) offsets(%arg11 : memref<160xi32, #tpu.memory_space<vmem>>) semaphore(%run_scoped3A : memref<!tpu.dma_semaphore, #tpu.memory_space<semaphore_mem>>) {add = true}
        %dma_wait3A_362 = arith.constant 0 : i32
        %dma_wait3A_363 = arith.constant 0 : i32
        %dma_wait3A_364 = tpu.memref_slice %arg16[%dma_wait3A_362, %dma_wait3A_363] : memref<10000x128xf32, #tpu.memory_space<vmem_shared>> -> memref<10000x128xf32, #tpu.memory_space<vmem_shared>>
        tpu.wait_indirect_dma semaphore(%run_scoped3A : memref<!tpu.dma_semaphore, #tpu.memory_space<semaphore_mem>>) src(%arg15 : memref<160x128xf32, #tpu.memory_space<vmem>>) dst(%dma_wait3A_364 : memref<10000x128xf32, #tpu.memory_space<vmem_shared>>)
        tpu.yield
      }) : () -> ()
      %add3A_293 = arith.constant 2 : i32
      %add3A_294 = arith.addi %add3A_226, %add3A_293 : i32
      %add3A_295 = arith.constant 2 : i32
      %add3A_296 = arith.addi %add3A_294, %add3A_295 : i32
      %mul3A_297 = arith.constant 160 : i32
      %mul3A_298 = arith.muli %add3A_296, %mul3A_297 : i32
      %add3A_299 = arith.addi %mul3A_11, %mul3A_298 : i32
      %dma_start3A_300 = tpu.memref_slice %arg3[%add3A_299] : memref<160000xi32, #tpu.memory_space<hbm>> -> memref<160xi32, #tpu.memory_space<hbm>>
      %dma_start3A_301 = tpu.memref_slice %arg3[%add3A_299] : memref<160000xi32, #tpu.memory_space<hbm>> -> memref<160xi32, #tpu.memory_space<hbm>>
      tpu.enqueue_dma source(%dma_start3A_301 : memref<160xi32, #tpu.memory_space<hbm>>) target(%arg6 : memref<160xi32, #tpu.memory_space<vmem>>) target_semaphore(%arg17 : memref<!tpu.dma_semaphore, #tpu.memory_space<semaphore_mem>>)
      %dma_start3A_302 = tpu.memref_slice %arg4[%add3A_299] : memref<160000xi32, #tpu.memory_space<hbm>> -> memref<160xi32, #tpu.memory_space<hbm>>
      %dma_start3A_303 = tpu.memref_slice %arg4[%add3A_299] : memref<160000xi32, #tpu.memory_space<hbm>> -> memref<160xi32, #tpu.memory_space<hbm>>
      tpu.enqueue_dma source(%dma_start3A_303 : memref<160xi32, #tpu.memory_space<hbm>>) target(%arg10 : memref<160xi32, #tpu.memory_space<vmem>>) target_semaphore(%arg17 : memref<!tpu.dma_semaphore, #tpu.memory_space<semaphore_mem>>)
      %dma_wait3A_304 = arith.constant 0 : i32
      %dma_wait3A_305 = tpu.memref_slice %arg3[%dma_wait3A_304] : memref<160000xi32, #tpu.memory_space<hbm>> -> memref<160xi32, #tpu.memory_space<hbm>>
      %dma_wait3A_306 = arith.constant 0 : i32
      %dma_wait3A_307 = tpu.memref_slice %arg3[%dma_wait3A_306] : memref<160000xi32, #tpu.memory_space<hbm>> -> memref<160xi32, #tpu.memory_space<hbm>>
      tpu.wait_dma2 semaphore(%arg20 : memref<!tpu.dma_semaphore, #tpu.memory_space<semaphore_mem>>) src(%dma_wait3A_307 : memref<160xi32, #tpu.memory_space<hbm>>) dst(%arg9 : memref<160xi32, #tpu.memory_space<vmem>>)
      %dma_wait3A_308 = arith.constant 0 : i32
      %dma_wait3A_309 = tpu.memref_slice %arg4[%dma_wait3A_308] : memref<160000xi32, #tpu.memory_space<hbm>> -> memref<160xi32, #tpu.memory_space<hbm>>
      %dma_wait3A_310 = arith.constant 0 : i32
      %dma_wait3A_311 = tpu.memref_slice %arg4[%dma_wait3A_310] : memref<160000xi32, #tpu.memory_space<hbm>> -> memref<160xi32, #tpu.memory_space<hbm>>
      tpu.wait_dma2 semaphore(%arg20 : memref<!tpu.dma_semaphore, #tpu.memory_space<semaphore_mem>>) src(%dma_wait3A_311 : memref<160xi32, #tpu.memory_space<hbm>>) dst(%arg13 : memref<160xi32, #tpu.memory_space<vmem>>)
      %scan3A_312 = arith.constant 0 : i32
      %scan3A_313 = arith.constant 10 : i32
      %scan3A_314 = arith.addi %scan3A_312, %scan3A_313 : i32
      %scan3A_315 = arith.constant 1 : i32
      scf.for %scan3A_359 = %scan3A_312 to %scan3A_314 step %scan3A_315  : i32 {
        %mul3A_360 = arith.constant 16 : i32
        %mul3A_361 = arith.muli %scan3A_359, %mul3A_360 : i32
        %add3A_362 = arith.constant 0 : i32
        %add3A_363 = arith.addi %add3A_362, %mul3A_361 : i32
        %get3A = arith.index_cast %add3A_363 : i32 to index
        %get3A_364 = tpu.vector_load %arg9[%get3A] {strides = array<i32>} : memref<160xi32, #tpu.memory_space<vmem>>, vector<16xi32>,
        %add3A_365 = vector.broadcast %mul3A_118 : i32 to vector<16xi32>
        %add3A_366 = arith.addi %get3A_364, %add3A_365 : vector<16xi32>
        %swap3A = arith.index_cast %add3A_363 : i32 to index
        %swap3A_367 = tpu.vector_load %arg9[%swap3A] {strides = array<i32>} : memref<160xi32, #tpu.memory_space<vmem>>, vector<16xi32>,
        tpu.vector_store %arg9[%swap3A], %add3A_366 {strides = array<i32>} : memref<160xi32, #tpu.memory_space<vmem>>, vector<16xi32>,
      }
      %scan3A_316 = arith.constant 10 : i32
      %dma_start3A_317 = arith.constant 0 : i32
      %dma_start3A_318 = arith.constant 0 : i32
      %dma_start3A_319 = tpu.memref_slice %arg2[%dma_start3A_317, %dma_start3A_318] : memref<40000x128xf32, #tpu.memory_space<hbm>> -> memref<40000x128xf32, #tpu.memory_space<hbm>>
      tpu.enqueue_indirect_dma source(%dma_start3A_319 : memref<40000x128xf32, #tpu.memory_space<hbm>>) target(%arg15 : memref<160x128xf32, #tpu.memory_space<vmem>>) offsets(%arg9 : memref<160xi32, #tpu.memory_space<vmem>>) semaphore(%arg22 : memref<!tpu.dma_semaphore, #tpu.memory_space<semaphore_mem>>)
      %dma_wait3A_320 = arith.constant 0 : i32
      %dma_wait3A_321 = arith.constant 0 : i32
      %dma_wait3A_322 = tpu.memref_slice %arg2[%dma_wait3A_320, %dma_wait3A_321] : memref<40000x128xf32, #tpu.memory_space<hbm>> -> memref<160x128xf32, #tpu.memory_space<hbm>>
      %dma_wait3A_323 = arith.constant 0 : i32
      %dma_wait3A_324 = arith.constant 0 : i32
      %dma_wait3A_325 = tpu.memref_slice %arg2[%dma_wait3A_323, %dma_wait3A_324] : memref<40000x128xf32, #tpu.memory_space<hbm>> -> memref<160x128xf32, #tpu.memory_space<hbm>>
      tpu.wait_dma2 semaphore(%arg21 : memref<!tpu.dma_semaphore, #tpu.memory_space<semaphore_mem>>) src(%dma_wait3A_325 : memref<160x128xf32, #tpu.memory_space<hbm>>) dst(%arg14 : memref<160x128xf32, #tpu.memory_space<vmem>>)
      "tpu.region"() ({
        %run_scoped3A = tpu.sem_alloc : memref<!tpu.dma_semaphore, #tpu.memory_space<semaphore_mem>>
        %dma_start3A_359 = arith.constant 0 : i32
        %dma_start3A_360 = arith.constant 0 : i32
        %dma_start3A_361 = tpu.memref_slice %arg16[%dma_start3A_359, %dma_start3A_360] : memref<10000x128xf32, #tpu.memory_space<vmem_shared>> -> memref<10000x128xf32, #tpu.memory_space<vmem_shared>>
        tpu.enqueue_indirect_dma source(%arg14 : memref<160x128xf32, #tpu.memory_space<vmem>>) target(%dma_start3A_361 : memref<10000x128xf32, #tpu.memory_space<vmem_shared>>) offsets(%arg12 : memref<160xi32, #tpu.memory_space<vmem>>) semaphore(%run_scoped3A : memref<!tpu.dma_semaphore, #tpu.memory_space<semaphore_mem>>) {add = true}
        %dma_wait3A_362 = arith.constant 0 : i32
        %dma_wait3A_363 = arith.constant 0 : i32
        %dma_wait3A_364 = tpu.memref_slice %arg16[%dma_wait3A_362, %dma_wait3A_363] : memref<10000x128xf32, #tpu.memory_space<vmem_shared>> -> memref<10000x128xf32, #tpu.memory_space<vmem_shared>>
        tpu.wait_indirect_dma semaphore(%run_scoped3A : memref<!tpu.dma_semaphore, #tpu.memory_space<semaphore_mem>>) src(%arg14 : memref<160x128xf32, #tpu.memory_space<vmem>>) dst(%dma_wait3A_364 : memref<10000x128xf32, #tpu.memory_space<vmem_shared>>)
        tpu.yield
      }) : () -> ()
      %add3A_326 = arith.constant 3 : i32
      %add3A_327 = arith.addi %add3A_226, %add3A_326 : i32
      %add3A_328 = arith.constant 2 : i32
      %add3A_329 = arith.addi %add3A_327, %add3A_328 : i32
      %mul3A_330 = arith.constant 160 : i32
      %mul3A_331 = arith.muli %add3A_329, %mul3A_330 : i32
      %add3A_332 = arith.addi %mul3A_11, %mul3A_331 : i32
      %dma_start3A_333 = tpu.memref_slice %arg3[%add3A_332] : memref<160000xi32, #tpu.memory_space<hbm>> -> memref<160xi32, #tpu.memory_space<hbm>>
      %dma_start3A_334 = tpu.memref_slice %arg3[%add3A_332] : memref<160000xi32, #tpu.memory_space<hbm>> -> memref<160xi32, #tpu.memory_space<hbm>>
      tpu.enqueue_dma source(%dma_start3A_334 : memref<160xi32, #tpu.memory_space<hbm>>) target(%arg7 : memref<160xi32, #tpu.memory_space<vmem>>) target_semaphore(%arg18 : memref<!tpu.dma_semaphore, #tpu.memory_space<semaphore_mem>>)
      %dma_start3A_335 = tpu.memref_slice %arg4[%add3A_332] : memref<160000xi32, #tpu.memory_space<hbm>> -> memref<160xi32, #tpu.memory_space<hbm>>
      %dma_start3A_336 = tpu.memref_slice %arg4[%add3A_332] : memref<160000xi32, #tpu.memory_space<hbm>> -> memref<160xi32, #tpu.memory_space<hbm>>
      tpu.enqueue_dma source(%dma_start3A_336 : memref<160xi32, #tpu.memory_space<hbm>>) target(%arg11 : memref<160xi32, #tpu.memory_space<vmem>>) target_semaphore(%arg18 : memref<!tpu.dma_semaphore, #tpu.memory_space<semaphore_mem>>)
      %dma_wait3A_337 = arith.constant 0 : i32
      %dma_wait3A_338 = tpu.memref_slice %arg3[%dma_wait3A_337] : memref<160000xi32, #tpu.memory_space<hbm>> -> memref<160xi32, #tpu.memory_space<hbm>>
      %dma_wait3A_339 = arith.constant 0 : i32
      %dma_wait3A_340 = tpu.memref_slice %arg3[%dma_wait3A_339] : memref<160000xi32, #tpu.memory_space<hbm>> -> memref<160xi32, #tpu.memory_space<hbm>>
      tpu.wait_dma2 semaphore(%arg17 : memref<!tpu.dma_semaphore, #tpu.memory_space<semaphore_mem>>) src(%dma_wait3A_340 : memref<160xi32, #tpu.memory_space<hbm>>) dst(%arg6 : memref<160xi32, #tpu.memory_space<vmem>>)
      %dma_wait3A_341 = arith.constant 0 : i32
      %dma_wait3A_342 = tpu.memref_slice %arg4[%dma_wait3A_341] : memref<160000xi32, #tpu.memory_space<hbm>> -> memref<160xi32, #tpu.memory_space<hbm>>
      %dma_wait3A_343 = arith.constant 0 : i32
      %dma_wait3A_344 = tpu.memref_slice %arg4[%dma_wait3A_343] : memref<160000xi32, #tpu.memory_space<hbm>> -> memref<160xi32, #tpu.memory_space<hbm>>
      tpu.wait_dma2 semaphore(%arg17 : memref<!tpu.dma_semaphore, #tpu.memory_space<semaphore_mem>>) src(%dma_wait3A_344 : memref<160xi32, #tpu.memory_space<hbm>>) dst(%arg10 : memref<160xi32, #tpu.memory_space<vmem>>)
      %scan3A_345 = arith.constant 0 : i32
      %scan3A_346 = arith.constant 10 : i32
      %scan3A_347 = arith.addi %scan3A_345, %scan3A_346 : i32
      %scan3A_348 = arith.constant 1 : i32
      scf.for %scan3A_359 = %scan3A_345 to %scan3A_347 step %scan3A_348  : i32 {
        %mul3A_360 = arith.constant 16 : i32
        %mul3A_361 = arith.muli %scan3A_359, %mul3A_360 : i32
        %add3A_362 = arith.constant 0 : i32
        %add3A_363 = arith.addi %add3A_362, %mul3A_361 : i32
        %get3A = arith.index_cast %add3A_363 : i32 to index
        %get3A_364 = tpu.vector_load %arg6[%get3A] {strides = array<i32>} : memref<160xi32, #tpu.memory_space<vmem>>, vector<16xi32>,
        %add3A_365 = vector.broadcast %mul3A_118 : i32 to vector<16xi32>
        %add3A_366 = arith.addi %get3A_364, %add3A_365 : vector<16xi32>
        %swap3A = arith.index_cast %add3A_363 : i32 to index
        %swap3A_367 = tpu.vector_load %arg6[%swap3A] {strides = array<i32>} : memref<160xi32, #tpu.memory_space<vmem>>, vector<16xi32>,
        tpu.vector_store %arg6[%swap3A], %add3A_366 {strides = array<i32>} : memref<160xi32, #tpu.memory_space<vmem>>, vector<16xi32>,
      }
      %scan3A_349 = arith.constant 10 : i32
      %dma_start3A_350 = arith.constant 0 : i32
      %dma_start3A_351 = arith.constant 0 : i32
      %dma_start3A_352 = tpu.memref_slice %arg2[%dma_start3A_350, %dma_start3A_351] : memref<40000x128xf32, #tpu.memory_space<hbm>> -> memref<40000x128xf32, #tpu.memory_space<hbm>>
      tpu.enqueue_indirect_dma source(%dma_start3A_352 : memref<40000x128xf32, #tpu.memory_space<hbm>>) target(%arg14 : memref<160x128xf32, #tpu.memory_space<vmem>>) offsets(%arg6 : memref<160xi32, #tpu.memory_space<vmem>>) semaphore(%arg21 : memref<!tpu.dma_semaphore, #tpu.memory_space<semaphore_mem>>)
      %dma_wait3A_353 = arith.constant 0 : i32
      %dma_wait3A_354 = arith.constant 0 : i32
      %dma_wait3A_355 = tpu.memref_slice %arg2[%dma_wait3A_353, %dma_wait3A_354] : memref<40000x128xf32, #tpu.memory_space<hbm>> -> memref<160x128xf32, #tpu.memory_space<hbm>>
      %dma_wait3A_356 = arith.constant 0 : i32
      %dma_wait3A_357 = arith.constant 0 : i32
      %dma_wait3A_358 = tpu.memref_slice %arg2[%dma_wait3A_356, %dma_wait3A_357] : memref<40000x128xf32, #tpu.memory_space<hbm>> -> memref<160x128xf32, #tpu.memory_space<hbm>>
      tpu.wait_dma2 semaphore(%arg22 : memref<!tpu.dma_semaphore, #tpu.memory_space<semaphore_mem>>) src(%dma_wait3A_358 : memref<160x128xf32, #tpu.memory_space<hbm>>) dst(%arg15 : memref<160x128xf32, #tpu.memory_space<vmem>>)
      "tpu.region"() ({
        %run_scoped3A = tpu.sem_alloc : memref<!tpu.dma_semaphore, #tpu.memory_space<semaphore_mem>>
        %dma_start3A_359 = arith.constant 0 : i32
        %dma_start3A_360 = arith.constant 0 : i32
        %dma_start3A_361 = tpu.memref_slice %arg16[%dma_start3A_359, %dma_start3A_360] : memref<10000x128xf32, #tpu.memory_space<vmem_shared>> -> memref<10000x128xf32, #tpu.memory_space<vmem_shared>>
        tpu.enqueue_indirect_dma source(%arg15 : memref<160x128xf32, #tpu.memory_space<vmem>>) target(%dma_start3A_361 : memref<10000x128xf32, #tpu.memory_space<vmem_shared>>) offsets(%arg13 : memref<160xi32, #tpu.memory_space<vmem>>) semaphore(%run_scoped3A : memref<!tpu.dma_semaphore, #tpu.memory_space<semaphore_mem>>) {add = true}
        %dma_wait3A_362 = arith.constant 0 : i32
        %dma_wait3A_363 = arith.constant 0 : i32
        %dma_wait3A_364 = tpu.memref_slice %arg16[%dma_wait3A_362, %dma_wait3A_363] : memref<10000x128xf32, #tpu.memory_space<vmem_shared>> -> memref<10000x128xf32, #tpu.memory_space<vmem_shared>>
        tpu.wait_indirect_dma semaphore(%run_scoped3A : memref<!tpu.dma_semaphore, #tpu.memory_space<semaphore_mem>>) src(%arg15 : memref<160x128xf32, #tpu.memory_space<vmem>>) dst(%dma_wait3A_364 : memref<10000x128xf32, #tpu.memory_space<vmem_shared>>)
        tpu.yield
      }) : () -> ()
    }
    %scan3A_166 = arith.constant 15 : i32
    %gt3A_167 = arith.constant 62 : i32
    %gt3A_168 = arith.cmpi sgt, %select_n3A, %gt3A_167 : i32
    %convert_element_type3A_169 = arith.extui %gt3A_168 : i1 to i32
    %cond3A_170 = arith.constant 0 : i32
    %cond3A_171 = arith.cmpi ne, %convert_element_type3A_169, %cond3A_170 : i32
    scf.if %cond3A_171 {
      %mul3A_222 = arith.constant 62 : i32
      %mul3A_223 = arith.constant 160 : i32
      %mul3A_224 = arith.muli %mul3A_222, %mul3A_223 : i32
      %add3A_225 = arith.addi %mul3A_11, %mul3A_224 : i32
      %dma_start3A_226 = tpu.memref_slice %arg3[%add3A_225] : memref<160000xi32, #tpu.memory_space<hbm>> -> memref<160xi32, #tpu.memory_space<hbm>>
      %dma_start3A_227 = tpu.memref_slice %arg3[%add3A_225] : memref<160000xi32, #tpu.memory_space<hbm>> -> memref<160xi32, #tpu.memory_space<hbm>>
      tpu.enqueue_dma source(%dma_start3A_227 : memref<160xi32, #tpu.memory_space<hbm>>) target(%arg8 : memref<160xi32, #tpu.memory_space<vmem>>) target_semaphore(%arg19 : memref<!tpu.dma_semaphore, #tpu.memory_space<semaphore_mem>>)
      %dma_start3A_228 = tpu.memref_slice %arg4[%add3A_225] : memref<160000xi32, #tpu.memory_space<hbm>> -> memref<160xi32, #tpu.memory_space<hbm>>
      %dma_start3A_229 = tpu.memref_slice %arg4[%add3A_225] : memref<160000xi32, #tpu.memory_space<hbm>> -> memref<160xi32, #tpu.memory_space<hbm>>
      tpu.enqueue_dma source(%dma_start3A_229 : memref<160xi32, #tpu.memory_space<hbm>>) target(%arg12 : memref<160xi32, #tpu.memory_space<vmem>>) target_semaphore(%arg19 : memref<!tpu.dma_semaphore, #tpu.memory_space<semaphore_mem>>)
    } else {
    }
    %dma_wait3A_172 = arith.constant 0 : i32
    %dma_wait3A_173 = tpu.memref_slice %arg3[%dma_wait3A_172] : memref<160000xi32, #tpu.memory_space<hbm>> -> memref<160xi32, #tpu.memory_space<hbm>>
    %dma_wait3A_174 = arith.constant 0 : i32
    %dma_wait3A_175 = tpu.memref_slice %arg3[%dma_wait3A_174] : memref<160000xi32, #tpu.memory_space<hbm>> -> memref<160xi32, #tpu.memory_space<hbm>>
    tpu.wait_dma2 semaphore(%arg18 : memref<!tpu.dma_semaphore, #tpu.memory_space<semaphore_mem>>) src(%dma_wait3A_175 : memref<160xi32, #tpu.memory_space<hbm>>) dst(%arg7 : memref<160xi32, #tpu.memory_space<vmem>>)
    %dma_wait3A_176 = arith.constant 0 : i32
    %dma_wait3A_177 = tpu.memref_slice %arg4[%dma_wait3A_176] : memref<160000xi32, #tpu.memory_space<hbm>> -> memref<160xi32, #tpu.memory_space<hbm>>
    %dma_wait3A_178 = arith.constant 0 : i32
    %dma_wait3A_179 = tpu.memref_slice %arg4[%dma_wait3A_178] : memref<160000xi32, #tpu.memory_space<hbm>> -> memref<160xi32, #tpu.memory_space<hbm>>
    tpu.wait_dma2 semaphore(%arg18 : memref<!tpu.dma_semaphore, #tpu.memory_space<semaphore_mem>>) src(%dma_wait3A_179 : memref<160xi32, #tpu.memory_space<hbm>>) dst(%arg11 : memref<160xi32, #tpu.memory_space<vmem>>)
    %scan3A_180 = arith.constant 0 : i32
    %scan3A_181 = arith.constant 10 : i32
    %scan3A_182 = arith.addi %scan3A_180, %scan3A_181 : i32
    %scan3A_183 = arith.constant 1 : i32
    scf.for %scan3A_222 = %scan3A_180 to %scan3A_182 step %scan3A_183  : i32 {
      %mul3A_223 = arith.constant 16 : i32
      %mul3A_224 = arith.muli %scan3A_222, %mul3A_223 : i32
      %add3A_225 = arith.constant 0 : i32
      %add3A_226 = arith.addi %add3A_225, %mul3A_224 : i32
      %get3A = arith.index_cast %add3A_226 : i32 to index
      %get3A_227 = tpu.vector_load %arg7[%get3A] {strides = array<i32>} : memref<160xi32, #tpu.memory_space<vmem>>, vector<16xi32>,
      %add3A_228 = vector.broadcast %mul3A_118 : i32 to vector<16xi32>
      %add3A_229 = arith.addi %get3A_227, %add3A_228 : vector<16xi32>
      %swap3A = arith.index_cast %add3A_226 : i32 to index
      %swap3A_230 = tpu.vector_load %arg7[%swap3A] {strides = array<i32>} : memref<160xi32, #tpu.memory_space<vmem>>, vector<16xi32>,
      tpu.vector_store %arg7[%swap3A], %add3A_229 {strides = array<i32>} : memref<160xi32, #tpu.memory_space<vmem>>, vector<16xi32>,
    }
    %scan3A_184 = arith.constant 10 : i32
    %dma_start3A_185 = arith.constant 0 : i32
    %dma_start3A_186 = arith.constant 0 : i32
    %dma_start3A_187 = tpu.memref_slice %arg2[%dma_start3A_185, %dma_start3A_186] : memref<40000x128xf32, #tpu.memory_space<hbm>> -> memref<40000x128xf32, #tpu.memory_space<hbm>>
    tpu.enqueue_indirect_dma source(%dma_start3A_187 : memref<40000x128xf32, #tpu.memory_space<hbm>>) target(%arg15 : memref<160x128xf32, #tpu.memory_space<vmem>>) offsets(%arg7 : memref<160xi32, #tpu.memory_space<vmem>>) semaphore(%arg22 : memref<!tpu.dma_semaphore, #tpu.memory_space<semaphore_mem>>)
    %dma_wait3A_188 = arith.constant 0 : i32
    %dma_wait3A_189 = arith.constant 0 : i32
    %dma_wait3A_190 = tpu.memref_slice %arg2[%dma_wait3A_188, %dma_wait3A_189] : memref<40000x128xf32, #tpu.memory_space<hbm>> -> memref<160x128xf32, #tpu.memory_space<hbm>>
    %dma_wait3A_191 = arith.constant 0 : i32
    %dma_wait3A_192 = arith.constant 0 : i32
    %dma_wait3A_193 = tpu.memref_slice %arg2[%dma_wait3A_191, %dma_wait3A_192] : memref<40000x128xf32, #tpu.memory_space<hbm>> -> memref<160x128xf32, #tpu.memory_space<hbm>>
    tpu.wait_dma2 semaphore(%arg21 : memref<!tpu.dma_semaphore, #tpu.memory_space<semaphore_mem>>) src(%dma_wait3A_193 : memref<160x128xf32, #tpu.memory_space<hbm>>) dst(%arg14 : memref<160x128xf32, #tpu.memory_space<vmem>>)
    "tpu.region"() ({
      %run_scoped3A = tpu.sem_alloc : memref<!tpu.dma_semaphore, #tpu.memory_space<semaphore_mem>>
      %dma_start3A_222 = arith.constant 0 : i32
      %dma_start3A_223 = arith.constant 0 : i32
      %dma_start3A_224 = tpu.memref_slice %arg16[%dma_start3A_222, %dma_start3A_223] : memref<10000x128xf32, #tpu.memory_space<vmem_shared>> -> memref<10000x128xf32, #tpu.memory_space<vmem_shared>>
      tpu.enqueue_indirect_dma source(%arg14 : memref<160x128xf32, #tpu.memory_space<vmem>>) target(%dma_start3A_224 : memref<10000x128xf32, #tpu.memory_space<vmem_shared>>) offsets(%arg10 : memref<160xi32, #tpu.memory_space<vmem>>) semaphore(%run_scoped3A : memref<!tpu.dma_semaphore, #tpu.memory_space<semaphore_mem>>) {add = true}
      %dma_wait3A_225 = arith.constant 0 : i32
      %dma_wait3A_226 = arith.constant 0 : i32
      %dma_wait3A_227 = tpu.memref_slice %arg16[%dma_wait3A_225, %dma_wait3A_226] : memref<10000x128xf32, #tpu.memory_space<vmem_shared>> -> memref<10000x128xf32, #tpu.memory_space<vmem_shared>>
      tpu.wait_indirect_dma semaphore(%run_scoped3A : memref<!tpu.dma_semaphore, #tpu.memory_space<semaphore_mem>>) src(%arg14 : memref<160x128xf32, #tpu.memory_space<vmem>>) dst(%dma_wait3A_227 : memref<10000x128xf32, #tpu.memory_space<vmem_shared>>)
      tpu.yield
    }) : () -> ()
    %gt3A_194 = arith.constant 62 : i32
    %gt3A_195 = arith.cmpi sgt, %select_n3A, %gt3A_194 : i32
    %convert_element_type3A_196 = arith.extui %gt3A_195 : i1 to i32
    %cond3A_197 = arith.constant 0 : i32
    %cond3A_198 = arith.cmpi ne, %convert_element_type3A_196, %cond3A_197 : i32
    scf.if %cond3A_198 {
      %dma_wait3A_222 = arith.constant 0 : i32
      %dma_wait3A_223 = tpu.memref_slice %arg3[%dma_wait3A_222] : memref<160000xi32, #tpu.memory_space<hbm>> -> memref<160xi32, #tpu.memory_space<hbm>>
      %dma_wait3A_224 = arith.constant 0 : i32
      %dma_wait3A_225 = tpu.memref_slice %arg3[%dma_wait3A_224] : memref<160000xi32, #tpu.memory_space<hbm>> -> memref<160xi32, #tpu.memory_space<hbm>>
      tpu.wait_dma2 semaphore(%arg19 : memref<!tpu.dma_semaphore, #tpu.memory_space<semaphore_mem>>) src(%dma_wait3A_225 : memref<160xi32, #tpu.memory_space<hbm>>) dst(%arg8 : memref<160xi32, #tpu.memory_space<vmem>>)
      %dma_wait3A_226 = arith.constant 0 : i32
      %dma_wait3A_227 = tpu.memref_slice %arg4[%dma_wait3A_226] : memref<160000xi32, #tpu.memory_space<hbm>> -> memref<160xi32, #tpu.memory_space<hbm>>
      %dma_wait3A_228 = arith.constant 0 : i32
      %dma_wait3A_229 = tpu.memref_slice %arg4[%dma_wait3A_228] : memref<160000xi32, #tpu.memory_space<hbm>> -> memref<160xi32, #tpu.memory_space<hbm>>
      tpu.wait_dma2 semaphore(%arg19 : memref<!tpu.dma_semaphore, #tpu.memory_space<semaphore_mem>>) src(%dma_wait3A_229 : memref<160xi32, #tpu.memory_space<hbm>>) dst(%arg12 : memref<160xi32, #tpu.memory_space<vmem>>)
      %scan3A_230 = arith.constant 0 : i32
      %scan3A_231 = arith.constant 10 : i32
      %scan3A_232 = arith.addi %scan3A_230, %scan3A_231 : i32
      %scan3A_233 = arith.constant 1 : i32
      scf.for %scan3A_238 = %scan3A_230 to %scan3A_232 step %scan3A_233  : i32 {
        %mul3A_239 = arith.constant 16 : i32
        %mul3A_240 = arith.muli %scan3A_238, %mul3A_239 : i32
        %add3A_241 = arith.constant 0 : i32
        %add3A_242 = arith.addi %add3A_241, %mul3A_240 : i32
        %get3A = arith.index_cast %add3A_242 : i32 to index
        %get3A_243 = tpu.vector_load %arg8[%get3A] {strides = array<i32>} : memref<160xi32, #tpu.memory_space<vmem>>, vector<16xi32>,
        %add3A_244 = vector.broadcast %mul3A_118 : i32 to vector<16xi32>
        %add3A_245 = arith.addi %get3A_243, %add3A_244 : vector<16xi32>
        %swap3A = arith.index_cast %add3A_242 : i32 to index
        %swap3A_246 = tpu.vector_load %arg8[%swap3A] {strides = array<i32>} : memref<160xi32, #tpu.memory_space<vmem>>, vector<16xi32>,
        tpu.vector_store %arg8[%swap3A], %add3A_245 {strides = array<i32>} : memref<160xi32, #tpu.memory_space<vmem>>, vector<16xi32>,
      }
      %scan3A_234 = arith.constant 10 : i32
      %dma_start3A_235 = arith.constant 0 : i32
      %dma_start3A_236 = arith.constant 0 : i32
      %dma_start3A_237 = tpu.memref_slice %arg2[%dma_start3A_235, %dma_start3A_236] : memref<40000x128xf32, #tpu.memory_space<hbm>> -> memref<40000x128xf32, #tpu.memory_space<hbm>>
      tpu.enqueue_indirect_dma source(%dma_start3A_237 : memref<40000x128xf32, #tpu.memory_space<hbm>>) target(%arg14 : memref<160x128xf32, #tpu.memory_space<vmem>>) offsets(%arg8 : memref<160xi32, #tpu.memory_space<vmem>>) semaphore(%arg21 : memref<!tpu.dma_semaphore, #tpu.memory_space<semaphore_mem>>)
    } else {
    }
    %dma_wait3A_199 = arith.constant 0 : i32
    %dma_wait3A_200 = arith.constant 0 : i32
    %dma_wait3A_201 = tpu.memref_slice %arg2[%dma_wait3A_199, %dma_wait3A_200] : memref<40000x128xf32, #tpu.memory_space<hbm>> -> memref<160x128xf32, #tpu.memory_space<hbm>>
    %dma_wait3A_202 = arith.constant 0 : i32
    %dma_wait3A_203 = arith.constant 0 : i32
    %dma_wait3A_204 = tpu.memref_slice %arg2[%dma_wait3A_202, %dma_wait3A_203] : memref<40000x128xf32, #tpu.memory_space<hbm>> -> memref<160x128xf32, #tpu.memory_space<hbm>>
    tpu.wait_dma2 semaphore(%arg22 : memref<!tpu.dma_semaphore, #tpu.memory_space<semaphore_mem>>) src(%dma_wait3A_204 : memref<160x128xf32, #tpu.memory_space<hbm>>) dst(%arg15 : memref<160x128xf32, #tpu.memory_space<vmem>>)
    "tpu.region"() ({
      %run_scoped3A = tpu.sem_alloc : memref<!tpu.dma_semaphore, #tpu.memory_space<semaphore_mem>>
      %dma_start3A_222 = arith.constant 0 : i32
      %dma_start3A_223 = arith.constant 0 : i32
      %dma_start3A_224 = tpu.memref_slice %arg16[%dma_start3A_222, %dma_start3A_223] : memref<10000x128xf32, #tpu.memory_space<vmem_shared>> -> memref<10000x128xf32, #tpu.memory_space<vmem_shared>>
      tpu.enqueue_indirect_dma source(%arg15 : memref<160x128xf32, #tpu.memory_space<vmem>>) target(%dma_start3A_224 : memref<10000x128xf32, #tpu.memory_space<vmem_shared>>) offsets(%arg11 : memref<160xi32, #tpu.memory_space<vmem>>) semaphore(%run_scoped3A : memref<!tpu.dma_semaphore, #tpu.memory_space<semaphore_mem>>) {add = true}
      %dma_wait3A_225 = arith.constant 0 : i32
      %dma_wait3A_226 = arith.constant 0 : i32
      %dma_wait3A_227 = tpu.memref_slice %arg16[%dma_wait3A_225, %dma_wait3A_226] : memref<10000x128xf32, #tpu.memory_space<vmem_shared>> -> memref<10000x128xf32, #tpu.memory_space<vmem_shared>>
      tpu.wait_indirect_dma semaphore(%run_scoped3A : memref<!tpu.dma_semaphore, #tpu.memory_space<semaphore_mem>>) src(%arg15 : memref<160x128xf32, #tpu.memory_space<vmem>>) dst(%dma_wait3A_227 : memref<10000x128xf32, #tpu.memory_space<vmem_shared>>)
      tpu.yield
    }) : () -> ()
    %gt3A_205 = arith.constant 62 : i32
    %gt3A_206 = arith.cmpi sgt, %select_n3A, %gt3A_205 : i32
    %convert_element_type3A_207 = arith.extui %gt3A_206 : i1 to i32
    %cond3A_208 = arith.constant 0 : i32
    %cond3A_209 = arith.cmpi ne, %convert_element_type3A_207, %cond3A_208 : i32
    scf.if %cond3A_209 {
      %dma_wait3A_222 = arith.constant 0 : i32
      %dma_wait3A_223 = arith.constant 0 : i32
      %dma_wait3A_224 = tpu.memref_slice %arg2[%dma_wait3A_222, %dma_wait3A_223] : memref<40000x128xf32, #tpu.memory_space<hbm>> -> memref<160x128xf32, #tpu.memory_space<hbm>>
      %dma_wait3A_225 = arith.constant 0 : i32
      %dma_wait3A_226 = arith.constant 0 : i32
      %dma_wait3A_227 = tpu.memref_slice %arg2[%dma_wait3A_225, %dma_wait3A_226] : memref<40000x128xf32, #tpu.memory_space<hbm>> -> memref<160x128xf32, #tpu.memory_space<hbm>>
      tpu.wait_dma2 semaphore(%arg21 : memref<!tpu.dma_semaphore, #tpu.memory_space<semaphore_mem>>) src(%dma_wait3A_227 : memref<160x128xf32, #tpu.memory_space<hbm>>) dst(%arg14 : memref<160x128xf32, #tpu.memory_space<vmem>>)
      "tpu.region"() ({
        %run_scoped3A = tpu.sem_alloc : memref<!tpu.dma_semaphore, #tpu.memory_space<semaphore_mem>>
        %dma_start3A_228 = arith.constant 0 : i32
        %dma_start3A_229 = arith.constant 0 : i32
        %dma_start3A_230 = tpu.memref_slice %arg16[%dma_start3A_228, %dma_start3A_229] : memref<10000x128xf32, #tpu.memory_space<vmem_shared>> -> memref<10000x128xf32, #tpu.memory_space<vmem_shared>>
        tpu.enqueue_indirect_dma source(%arg14 : memref<160x128xf32, #tpu.memory_space<vmem>>) target(%dma_start3A_230 : memref<10000x128xf32, #tpu.memory_space<vmem_shared>>) offsets(%arg12 : memref<160xi32, #tpu.memory_space<vmem>>) semaphore(%run_scoped3A : memref<!tpu.dma_semaphore, #tpu.memory_space<semaphore_mem>>) {add = true}
        %dma_wait3A_231 = arith.constant 0 : i32
        %dma_wait3A_232 = arith.constant 0 : i32
        %dma_wait3A_233 = tpu.memref_slice %arg16[%dma_wait3A_231, %dma_wait3A_232] : memref<10000x128xf32, #tpu.memory_space<vmem_shared>> -> memref<10000x128xf32, #tpu.memory_space<vmem_shared>>
        tpu.wait_indirect_dma semaphore(%run_scoped3A : memref<!tpu.dma_semaphore, #tpu.memory_space<semaphore_mem>>) src(%arg14 : memref<160x128xf32, #tpu.memory_space<vmem>>) dst(%dma_wait3A_233 : memref<10000x128xf32, #tpu.memory_space<vmem_shared>>)
        tpu.yield
      }) : () -> ()
    } else {
    }
    %barrier3A_210 = arith.constant 0 : index
    tpu.barrier barrier_id(%barrier3A_210)
    %eq3A_211 = arith.constant 0 : i32
    %eq3A_212 = arith.cmpi eq, %arg1, %eq3A_211 : i32
    %convert_element_type3A_213 = arith.extui %eq3A_212 : i1 to i32
    %cond3A_214 = arith.constant 0 : i32
    %cond3A_215 = arith.cmpi ne, %convert_element_type3A_213, %cond3A_214 : i32
    scf.if %cond3A_215 {
      "tpu.region"() ({
        %run_scoped3A = tpu.sem_alloc : memref<!tpu.dma_semaphore, #tpu.memory_space<semaphore_mem>>
        %dma_start3A_222 = arith.constant 0 : i32
        %dma_start3A_223 = tpu.memref_slice %arg5[%mul3A_118, %dma_start3A_222] : memref<40000x128xf32, #tpu.memory_space<hbm>> -> memref<640x128xf32, #tpu.memory_space<hbm>>
        %dma_start3A_224 = arith.constant 0 : i32
        %dma_start3A_225 = arith.constant 0 : i32
        %dma_start3A_226 = tpu.memref_slice %arg16[%dma_start3A_224, %dma_start3A_225] : memref<10000x128xf32, #tpu.memory_space<vmem_shared>> -> memref<640x128xf32, #tpu.memory_space<vmem_shared>>
        tpu.enqueue_dma source(%dma_start3A_226 : memref<640x128xf32, #tpu.memory_space<vmem_shared>>) target(%dma_start3A_223 : memref<640x128xf32, #tpu.memory_space<hbm>>) target_semaphore(%run_scoped3A : memref<!tpu.dma_semaphore, #tpu.memory_space<semaphore_mem>>)
        %dma_wait3A_227 = arith.constant 0 : i32
        %dma_wait3A_228 = tpu.memref_slice %arg5[%mul3A_118, %dma_wait3A_227] : memref<40000x128xf32, #tpu.memory_space<hbm>> -> memref<640x128xf32, #tpu.memory_space<hbm>>
        %dma_wait3A_229 = arith.constant 0 : i32
        %dma_wait3A_230 = arith.constant 0 : i32
        %dma_wait3A_231 = tpu.memref_slice %arg16[%dma_wait3A_229, %dma_wait3A_230] : memref<10000x128xf32, #tpu.memory_space<vmem_shared>> -> memref<640x128xf32, #tpu.memory_space<vmem_shared>>
        tpu.wait_dma2 semaphore(%run_scoped3A : memref<!tpu.dma_semaphore, #tpu.memory_space<semaphore_mem>>) src(%dma_wait3A_231 : memref<640x128xf32, #tpu.memory_space<vmem_shared>>) dst(%dma_wait3A_228 : memref<640x128xf32, #tpu.memory_space<hbm>>)
        tpu.yield
      }) : () -> ()
    } else {
    }
    %gt3A_216 = arith.constant 0 : i32
    %gt3A_217 = arith.cmpi sgt, %arg1, %gt3A_216 : i32
    %convert_element_type3A_218 = arith.extui %gt3A_217 : i1 to i32
    %cond3A_219 = arith.constant 0 : i32
    %cond3A_220 = arith.cmpi ne, %convert_element_type3A_218, %cond3A_219 : i32
    scf.if %cond3A_220 {
      %mul3A_222 = arith.constant 624 : i32
      %mul3A_223 = arith.muli %arg1, %mul3A_222 : i32
      %add3A_224 = arith.constant 16 : i32
      %add3A_225 = arith.addi %add3A_224, %mul3A_223 : i32
      %add3A_226 = arith.addi %mul3A_118, %add3A_225 : i32
      "tpu.region"() ({
        %run_scoped3A = tpu.sem_alloc : memref<!tpu.dma_semaphore, #tpu.memory_space<semaphore_mem>>
        %dma_start3A_227 = arith.constant 0 : i32
        %dma_start3A_228 = tpu.memref_slice %arg5[%add3A_226, %dma_start3A_227] : memref<40000x128xf32, #tpu.memory_space<hbm>> -> memref<624x128xf32, #tpu.memory_space<hbm>>
        %dma_start3A_229 = arith.constant 0 : i32
        %dma_start3A_230 = tpu.memref_slice %arg16[%add3A_225, %dma_start3A_229] : memref<10000x128xf32, #tpu.memory_space<vmem_shared>> -> memref<624x128xf32, #tpu.memory_space<vmem_shared>>
        tpu.enqueue_dma source(%dma_start3A_230 : memref<624x128xf32, #tpu.memory_space<vmem_shared>>) target(%dma_start3A_228 : memref<624x128xf32, #tpu.memory_space<hbm>>) target_semaphore(%run_scoped3A : memref<!tpu.dma_semaphore, #tpu.memory_space<semaphore_mem>>)
        %dma_wait3A_231 = arith.constant 0 : i32
        %dma_wait3A_232 = tpu.memref_slice %arg5[%add3A_226, %dma_wait3A_231] : memref<40000x128xf32, #tpu.memory_space<hbm>> -> memref<624x128xf32, #tpu.memory_space<hbm>>
        %dma_wait3A_233 = arith.constant 0 : i32
        %dma_wait3A_234 = tpu.memref_slice %arg16[%add3A_225, %dma_wait3A_233] : memref<10000x128xf32, #tpu.memory_space<vmem_shared>> -> memref<624x128xf32, #tpu.memory_space<vmem_shared>>
        tpu.wait_dma2 semaphore(%run_scoped3A : memref<!tpu.dma_semaphore, #tpu.memory_space<semaphore_mem>>) src(%dma_wait3A_234 : memref<624x128xf32, #tpu.memory_space<vmem_shared>>) dst(%dma_wait3A_232 : memref<624x128xf32, #tpu.memory_space<hbm>>)
        tpu.yield
      }) : () -> ()
    } else {
    }
    %barrier3A_221 = arith.constant 0 : index
    tpu.barrier barrier_id(%barrier3A_221)
    return
  }
}

#map = affine_map<(d0, d1) -> (0)>
#map1 = affine_map<(d0, d1) -> (0, 0, 0)>
module attributes {stable_mosaic.version = 14 : i64} {
  func.func @k(%arg0: i32, %arg1: i32, %arg2: memref<160000xi32, #tpu.memory_space<hbm>>, %arg3: memref<32x80x128xf32, #tpu.memory_space<hbm>>, %arg4: memref<5008xi32, #tpu.memory_space<vmem>>, %arg5: memref<80x128xf32, #tpu.memory_space<vmem>>) attributes {dimension_semantics = [#tpu.dimension_semantics<core_parallel>, #tpu.dimension_semantics<subcore_parallel>], iteration_bounds = array<i64: 2, 16>, scalar_prefetch = 0 : i64, scratch_operands = 2 : i64, tpu.core_type = #tpu.core_type<sc_vector_subcore>, window_params = [{transform_indices = #map}, {transform_indices = #map1}]} {
    %mul3A = arith.constant 2 : i32
    %mul3A_0 = arith.muli %arg1, %mul3A : i32
    %add3A = arith.addi %mul3A_0, %arg0 : i32
    %broadcast_in_dim3A = arith.constant 0.000000e+00 : f32
    %broadcast_in_dim3A_1 = vector.broadcast %broadcast_in_dim3A : f32 to vector<16xf32>
    %broadcast_in_dim3A_2 = arith.constant 1.000000e+00 : f32
    %broadcast_in_dim3A_3 = vector.broadcast %broadcast_in_dim3A_2 : f32 to vector<16xf32>
    %iota3A = tpu.iota {dimensions = array<i32: 0>} : vector<16xi32>
    %scan3A = arith.constant 0 : i32
    %scan3A_4 = arith.constant 80 : i32
    %scan3A_5 = arith.addi %scan3A, %scan3A_4 : i32
    %scan3A_6 = arith.constant 1 : i32
    scf.for %scan3A_22 = %scan3A to %scan3A_5 step %scan3A_6  : i32 {
      %mul3A_23 = arith.constant 1 : i32
      %mul3A_24 = arith.muli %scan3A_22, %mul3A_23 : i32
      %add3A_25 = arith.constant 0 : i32
      %add3A_26 = arith.addi %add3A_25, %mul3A_24 : i32
      %scan3A_27 = arith.constant 0 : i32
      %scan3A_28 = arith.constant 8 : i32
      %scan3A_29 = arith.addi %scan3A_27, %scan3A_28 : i32
      %scan3A_30 = arith.constant 1 : i32
      scf.for %scan3A_32 = %scan3A_27 to %scan3A_29 step %scan3A_30  : i32 {
        %mul3A_33 = arith.constant 16 : i32
        %mul3A_34 = arith.muli %scan3A_32, %mul3A_33 : i32
        %add3A_35 = arith.constant 0 : i32
        %add3A_36 = arith.addi %add3A_35, %mul3A_34 : i32
        %swap3A = arith.index_cast %add3A_26 : i32 to index
        %swap3A_37 = arith.index_cast %add3A_36 : i32 to index
        %swap3A_38 = tpu.vector_load %arg5[%swap3A, %swap3A_37] {strides = array<i32>} : memref<80x128xf32, #tpu.memory_space<vmem>>, vector<16xf32>,
        tpu.vector_store %arg5[%swap3A, %swap3A_37], %broadcast_in_dim3A_1 {strides = array<i32>} : memref<80x128xf32, #tpu.memory_space<vmem>>, vector<16xf32>,
      }
      %scan3A_31 = arith.constant 8 : i32
    }
    %scan3A_7 = arith.constant 80 : i32
    %mul3A_8 = arith.constant 5000 : i32
    %mul3A_9 = arith.muli %add3A, %mul3A_8 : i32
    "tpu.region"() ({
      %run_scoped3A = tpu.sem_alloc : memref<!tpu.dma_semaphore, #tpu.memory_space<semaphore_mem>>
      %dma_start3A = arith.constant 0 : i32
      %dma_start3A_22 = tpu.memref_slice %arg4[%dma_start3A] : memref<5008xi32, #tpu.memory_space<vmem>> -> memref<5000xi32, #tpu.memory_space<vmem>>
      %dma_start3A_23 = tpu.memref_slice %arg2[%mul3A_9] : memref<160000xi32, #tpu.memory_space<hbm>> -> memref<5000xi32, #tpu.memory_space<hbm>>
      %dma_start3A_24 = arith.constant 0 : i32
      %dma_start3A_25 = tpu.memref_slice %arg4[%dma_start3A_24] : memref<5008xi32, #tpu.memory_space<vmem>> -> memref<5000xi32, #tpu.memory_space<vmem>>
      %dma_start3A_26 = tpu.memref_slice %arg2[%mul3A_9] : memref<160000xi32, #tpu.memory_space<hbm>> -> memref<5000xi32, #tpu.memory_space<hbm>>
      tpu.enqueue_dma source(%dma_start3A_26 : memref<5000xi32, #tpu.memory_space<hbm>>) target(%dma_start3A_25 : memref<5000xi32, #tpu.memory_space<vmem>>) target_semaphore(%run_scoped3A : memref<!tpu.dma_semaphore, #tpu.memory_space<semaphore_mem>>)
      %dma_wait3A = arith.constant 0 : i32
      %dma_wait3A_27 = tpu.memref_slice %arg4[%dma_wait3A] : memref<5008xi32, #tpu.memory_space<vmem>> -> memref<5000xi32, #tpu.memory_space<vmem>>
      %dma_wait3A_28 = tpu.memref_slice %arg2[%mul3A_9] : memref<160000xi32, #tpu.memory_space<hbm>> -> memref<5000xi32, #tpu.memory_space<hbm>>
      %dma_wait3A_29 = arith.constant 0 : i32
      %dma_wait3A_30 = tpu.memref_slice %arg4[%dma_wait3A_29] : memref<5008xi32, #tpu.memory_space<vmem>> -> memref<5000xi32, #tpu.memory_space<vmem>>
      %dma_wait3A_31 = tpu.memref_slice %arg2[%mul3A_9] : memref<160000xi32, #tpu.memory_space<hbm>> -> memref<5000xi32, #tpu.memory_space<hbm>>
      tpu.wait_dma2 semaphore(%run_scoped3A : memref<!tpu.dma_semaphore, #tpu.memory_space<semaphore_mem>>) src(%dma_wait3A_31 : memref<5000xi32, #tpu.memory_space<hbm>>) dst(%dma_wait3A_30 : memref<5000xi32, #tpu.memory_space<vmem>>)
      tpu.yield
    }) : () -> ()
    %scan3A_10 = arith.constant 0 : i32
    %scan3A_11 = arith.constant 312 : i32
    %scan3A_12 = arith.addi %scan3A_10, %scan3A_11 : i32
    %scan3A_13 = arith.constant 1 : i32
    scf.for %scan3A_22 = %scan3A_10 to %scan3A_12 step %scan3A_13  : i32 {
      %mul3A_23 = arith.constant 16 : i32
      %mul3A_24 = arith.muli %scan3A_22, %mul3A_23 : i32
      %add3A_25 = arith.constant 0 : i32
      %add3A_26 = arith.addi %add3A_25, %mul3A_24 : i32
      %lt3A_27 = arith.constant 16 : i32
      %lt3A_28 = vector.broadcast %lt3A_27 : i32 to vector<16xi32>
      %lt3A_29 = arith.cmpi slt, %iota3A, %lt3A_28 : vector<16xi32>
      %get3A_30 = arith.index_cast %add3A_26 : i32 to index
      %get3A_31 = tpu.vector_load %arg4[%get3A_30] {strides = array<i32>} : memref<5008xi32, #tpu.memory_space<vmem>>, vector<16xi32>,
      %shift_right_logical3A_32 = arith.constant 7 : i32
      %shift_right_logical3A_33 = vector.broadcast %shift_right_logical3A_32 : i32 to vector<16xi32>
      %shift_right_logical3A_34 = arith.shrui %get3A_31, %shift_right_logical3A_33 : vector<16xi32>
      %and3A_35 = arith.constant 127 : i32
      %and3A_36 = vector.broadcast %and3A_35 : i32 to vector<16xi32>
      %and3A_37 = arith.andi %get3A_31, %and3A_36 : vector<16xi32>
      tpu.vector_store_idx %arg5[%shift_right_logical3A_34, %and3A_37], %broadcast_in_dim3A_3 masked %lt3A_29 {add = true} : memref<80x128xf32, #tpu.memory_space<vmem>>[vector<16xi32>, vector<16xi32>], vector<16xf32>, vector<16xi1>
    }
    %scan3A_14 = arith.constant 312 : i32
    %lt3A = arith.constant 8 : i32
    %lt3A_15 = vector.broadcast %lt3A : i32 to vector<16xi32>
    %lt3A_16 = arith.cmpi slt, %iota3A, %lt3A_15 : vector<16xi32>
    %get3A = arith.constant 4992 : index
    %get3A_17 = tpu.vector_load %arg4[%get3A] {strides = array<i32>} : memref<5008xi32, #tpu.memory_space<vmem>>, vector<16xi32>,
    %shift_right_logical3A = arith.constant 7 : i32
    %shift_right_logical3A_18 = vector.broadcast %shift_right_logical3A : i32 to vector<16xi32>
    %shift_right_logical3A_19 = arith.shrui %get3A_17, %shift_right_logical3A_18 : vector<16xi32>
    %and3A = arith.constant 127 : i32
    %and3A_20 = vector.broadcast %and3A : i32 to vector<16xi32>
    %and3A_21 = arith.andi %get3A_17, %and3A_20 : vector<16xi32>
    tpu.vector_store_idx %arg5[%shift_right_logical3A_19, %and3A_21], %broadcast_in_dim3A_3 masked %lt3A_16 {add = true} : memref<80x128xf32, #tpu.memory_space<vmem>>[vector<16xi32>, vector<16xi32>], vector<16xf32>, vector<16xi1>
    "tpu.region"() ({
      %run_scoped3A = tpu.sem_alloc : memref<!tpu.dma_semaphore, #tpu.memory_space<semaphore_mem>>
      %dma_start3A = arith.constant 0 : i32
      %dma_start3A_22 = arith.constant 0 : i32
      %dma_start3A_23 = tpu.memref_slice %arg3[%add3A, %dma_start3A, %dma_start3A_22] : memref<32x80x128xf32, #tpu.memory_space<hbm>> -> memref<1x80x128xf32, #tpu.memory_space<hbm>>
      %dma_start3A_24 = tpu.memref_squeeze %dma_start3A_23 : memref<1x80x128xf32, #tpu.memory_space<hbm>> -> memref<80x128xf32, #tpu.memory_space<hbm>>
      %dma_start3A_25 = arith.constant 0 : i32
      %dma_start3A_26 = arith.constant 0 : i32
      %dma_start3A_27 = tpu.memref_slice %arg3[%add3A, %dma_start3A_25, %dma_start3A_26] : memref<32x80x128xf32, #tpu.memory_space<hbm>> -> memref<1x80x128xf32, #tpu.memory_space<hbm>>
      %dma_start3A_28 = tpu.memref_squeeze %dma_start3A_27 : memref<1x80x128xf32, #tpu.memory_space<hbm>> -> memref<80x128xf32, #tpu.memory_space<hbm>>
      tpu.enqueue_dma source(%arg5 : memref<80x128xf32, #tpu.memory_space<vmem>>) target(%dma_start3A_28 : memref<80x128xf32, #tpu.memory_space<hbm>>) target_semaphore(%run_scoped3A : memref<!tpu.dma_semaphore, #tpu.memory_space<semaphore_mem>>)
      %dma_wait3A = arith.constant 0 : i32
      %dma_wait3A_29 = arith.constant 0 : i32
      %dma_wait3A_30 = tpu.memref_slice %arg3[%add3A, %dma_wait3A, %dma_wait3A_29] : memref<32x80x128xf32, #tpu.memory_space<hbm>> -> memref<1x80x128xf32, #tpu.memory_space<hbm>>
      %dma_wait3A_31 = tpu.memref_squeeze %dma_wait3A_30 : memref<1x80x128xf32, #tpu.memory_space<hbm>> -> memref<80x128xf32, #tpu.memory_space<hbm>>
      %dma_wait3A_32 = arith.constant 0 : i32
      %dma_wait3A_33 = arith.constant 0 : i32
      %dma_wait3A_34 = tpu.memref_slice %arg3[%add3A, %dma_wait3A_32, %dma_wait3A_33] : memref<32x80x128xf32, #tpu.memory_space<hbm>> -> memref<1x80x128xf32, #tpu.memory_space<hbm>>
      %dma_wait3A_35 = tpu.memref_squeeze %dma_wait3A_34 : memref<1x80x128xf32, #tpu.memory_space<hbm>> -> memref<80x128xf32, #tpu.memory_space<hbm>>
      tpu.wait_dma2 semaphore(%run_scoped3A : memref<!tpu.dma_semaphore, #tpu.memory_space<semaphore_mem>>) src(%arg5 : memref<80x128xf32, #tpu.memory_space<vmem>>) dst(%dma_wait3A_35 : memref<80x128xf32, #tpu.memory_space<hbm>>)
      tpu.yield
    }) : () -> ()
    return
  }
}

#map = affine_map<(d0, d1) -> (0, 0)>
#map1 = affine_map<(d0, d1) -> (0)>
module attributes {stable_mosaic.version = 14 : i64} {
  func.func @k(%arg0: i32, %arg1: i32, %arg2: memref<20000x128xf32, #tpu.memory_space<hbm>>, %arg3: memref<160000xi32, #tpu.memory_space<hbm>>, %arg4: memref<160000xi32, #tpu.memory_space<hbm>>, %arg5: memref<20000x128xf32, #tpu.memory_space<hbm>>, %arg6: memref<160xi32, #tpu.memory_space<vmem>>, %arg7: memref<160xi32, #tpu.memory_space<vmem>>, %arg8: memref<160xi32, #tpu.memory_space<vmem>>, %arg9: memref<160xi32, #tpu.memory_space<vmem>>, %arg10: memref<160xi32, #tpu.memory_space<vmem>>, %arg11: memref<160xi32, #tpu.memory_space<vmem>>, %arg12: memref<160xi32, #tpu.memory_space<vmem>>, %arg13: memref<160xi32, #tpu.memory_space<vmem>>, %arg14: memref<160x128xf32, #tpu.memory_space<vmem>>, %arg15: memref<160x128xf32, #tpu.memory_space<vmem>>, %arg16: memref<10000x128xf32, #tpu.memory_space<vmem_shared>>, %arg17: memref<!tpu.dma_semaphore, #tpu.memory_space<semaphore_mem>>, %arg18: memref<!tpu.dma_semaphore, #tpu.memory_space<semaphore_mem>>, %arg19: memref<!tpu.dma_semaphore, #tpu.memory_space<semaphore_mem>>, %arg20: memref<!tpu.dma_semaphore, #tpu.memory_space<semaphore_mem>>, %arg21: memref<!tpu.dma_semaphore, #tpu.memory_space<semaphore_mem>>, %arg22: memref<!tpu.dma_semaphore, #tpu.memory_space<semaphore_mem>>) attributes {dimension_semantics = [#tpu.dimension_semantics<core_parallel>, #tpu.dimension_semantics<subcore_parallel>], iteration_bounds = array<i64: 2, 16>, scalar_prefetch = 0 : i64, scratch_operands = 17 : i64, tpu.core_type = #tpu.core_type<sc_vector_subcore>, window_params = [{transform_indices = #map}, {transform_indices = #map1}, {transform_indices = #map1}, {transform_indices = #map}]} {
    %lt3A = arith.constant 8 : i32
    %lt3A_0 = arith.cmpi slt, %arg1, %lt3A : i32
    %jit3A = arith.constant 63 : i32
    %jit3A_1 = arith.constant 62 : i32
    %select_n3A = arith.select %lt3A_0, %jit3A, %jit3A_1 : i32
    %lt3A_2 = arith.constant 8 : i32
    %lt3A_3 = arith.cmpi slt, %arg1, %lt3A_2 : i32
    %mul3A = arith.constant 63 : i32
    %mul3A_4 = arith.muli %arg1, %mul3A : i32
    %sub3A = arith.constant 8 : i32
    %sub3A_5 = arith.subi %arg1, %sub3A : i32
    %mul3A_6 = arith.constant 62 : i32
    %mul3A_7 = arith.muli %sub3A_5, %mul3A_6 : i32
    %add3A = arith.constant 504 : i32
    %add3A_8 = arith.addi %add3A, %mul3A_7 : i32
    %select_n3A_9 = arith.select %lt3A_3, %mul3A_4, %add3A_8 : i32
    %mul3A_10 = arith.constant 160 : i32
    %mul3A_11 = arith.muli %select_n3A_9, %mul3A_10 : i32
    %mul3A_12 = arith.constant 1 : i32
    %mul3A_13 = arith.muli %arg0, %mul3A_12 : i32
    %add3A_14 = arith.constant 0 : i32
    %add3A_15 = arith.addi %mul3A_13, %add3A_14 : i32
    %mul3A_16 = arith.constant 10000 : i32
    %mul3A_17 = arith.muli %add3A_15, %mul3A_16 : i32
    %eq3A = arith.constant 0 : i32
    %eq3A_18 = arith.cmpi eq, %arg1, %eq3A : i32
    %convert_element_type3A = arith.extui %eq3A_18 : i1 to i32
    %cond3A = arith.constant 0 : i32
    %cond3A_19 = arith.cmpi ne, %convert_element_type3A, %cond3A : i32
    scf.if %cond3A_19 {
      "tpu.region"() ({
        %run_scoped3A = tpu.sem_alloc : memref<!tpu.dma_semaphore, #tpu.memory_space<semaphore_mem>>
        %dma_start3A_113 = arith.constant 0 : i32
        %dma_start3A_114 = arith.constant 0 : i32
        %dma_start3A_115 = tpu.memref_slice %arg16[%dma_start3A_113, %dma_start3A_114] : memref<10000x128xf32, #tpu.memory_space<vmem_shared>> -> memref<640x128xf32, #tpu.memory_space<vmem_shared>>
        %dma_start3A_116 = arith.constant 0 : i32
        %dma_start3A_117 = tpu.memref_slice %arg2[%mul3A_17, %dma_start3A_116] : memref<20000x128xf32, #tpu.memory_space<hbm>> -> memref<640x128xf32, #tpu.memory_space<hbm>>
        tpu.enqueue_dma source(%dma_start3A_117 : memref<640x128xf32, #tpu.memory_space<hbm>>) target(%dma_start3A_115 : memref<640x128xf32, #tpu.memory_space<vmem_shared>>) target_semaphore(%run_scoped3A : memref<!tpu.dma_semaphore, #tpu.memory_space<semaphore_mem>>)
        %dma_wait3A_118 = arith.constant 0 : i32
        %dma_wait3A_119 = arith.constant 0 : i32
        %dma_wait3A_120 = tpu.memref_slice %arg16[%dma_wait3A_118, %dma_wait3A_119] : memref<10000x128xf32, #tpu.memory_space<vmem_shared>> -> memref<640x128xf32, #tpu.memory_space<vmem_shared>>
        %dma_wait3A_121 = arith.constant 0 : i32
        %dma_wait3A_122 = tpu.memref_slice %arg2[%mul3A_17, %dma_wait3A_121] : memref<20000x128xf32, #tpu.memory_space<hbm>> -> memref<640x128xf32, #tpu.memory_space<hbm>>
        tpu.wait_dma2 semaphore(%run_scoped3A : memref<!tpu.dma_semaphore, #tpu.memory_space<semaphore_mem>>) src(%dma_wait3A_122 : memref<640x128xf32, #tpu.memory_space<hbm>>) dst(%dma_wait3A_120 : memref<640x128xf32, #tpu.memory_space<vmem_shared>>)
        tpu.yield
      }) : () -> ()
    } else {
    }
    %gt3A = arith.constant 0 : i32
    %gt3A_20 = arith.cmpi sgt, %arg1, %gt3A : i32
    %convert_element_type3A_21 = arith.extui %gt3A_20 : i1 to i32
    %cond3A_22 = arith.constant 0 : i32
    %cond3A_23 = arith.cmpi ne, %convert_element_type3A_21, %cond3A_22 : i32
    scf.if %cond3A_23 {
      %mul3A_113 = arith.constant 624 : i32
      %mul3A_114 = arith.muli %arg1, %mul3A_113 : i32
      %add3A_115 = arith.constant 16 : i32
      %add3A_116 = arith.addi %add3A_115, %mul3A_114 : i32
      %add3A_117 = arith.addi %mul3A_17, %add3A_116 : i32
      "tpu.region"() ({
        %run_scoped3A = tpu.sem_alloc : memref<!tpu.dma_semaphore, #tpu.memory_space<semaphore_mem>>
        %dma_start3A_118 = arith.constant 0 : i32
        %dma_start3A_119 = tpu.memref_slice %arg16[%add3A_116, %dma_start3A_118] : memref<10000x128xf32, #tpu.memory_space<vmem_shared>> -> memref<624x128xf32, #tpu.memory_space<vmem_shared>>
        %dma_start3A_120 = arith.constant 0 : i32
        %dma_start3A_121 = tpu.memref_slice %arg2[%add3A_117, %dma_start3A_120] : memref<20000x128xf32, #tpu.memory_space<hbm>> -> memref<624x128xf32, #tpu.memory_space<hbm>>
        tpu.enqueue_dma source(%dma_start3A_121 : memref<624x128xf32, #tpu.memory_space<hbm>>) target(%dma_start3A_119 : memref<624x128xf32, #tpu.memory_space<vmem_shared>>) target_semaphore(%run_scoped3A : memref<!tpu.dma_semaphore, #tpu.memory_space<semaphore_mem>>)
        %dma_wait3A_122 = arith.constant 0 : i32
        %dma_wait3A_123 = tpu.memref_slice %arg16[%add3A_116, %dma_wait3A_122] : memref<10000x128xf32, #tpu.memory_space<vmem_shared>> -> memref<624x128xf32, #tpu.memory_space<vmem_shared>>
        %dma_wait3A_124 = arith.constant 0 : i32
        %dma_wait3A_125 = tpu.memref_slice %arg2[%add3A_117, %dma_wait3A_124] : memref<20000x128xf32, #tpu.memory_space<hbm>> -> memref<624x128xf32, #tpu.memory_space<hbm>>
        tpu.wait_dma2 semaphore(%run_scoped3A : memref<!tpu.dma_semaphore, #tpu.memory_space<semaphore_mem>>) src(%dma_wait3A_125 : memref<624x128xf32, #tpu.memory_space<hbm>>) dst(%dma_wait3A_123 : memref<624x128xf32, #tpu.memory_space<vmem_shared>>)
        tpu.yield
      }) : () -> ()
    } else {
    }
    %barrier3A = arith.constant 0 : index
    tpu.barrier barrier_id(%barrier3A)
    %mul3A_24 = arith.constant 0 : i32
    %mul3A_25 = arith.constant 160 : i32
    %mul3A_26 = arith.muli %mul3A_24, %mul3A_25 : i32
    %add3A_27 = arith.addi %mul3A_11, %mul3A_26 : i32
    %dma_start3A = tpu.memref_slice %arg3[%add3A_27] : memref<160000xi32, #tpu.memory_space<hbm>> -> memref<160xi32, #tpu.memory_space<hbm>>
    %dma_start3A_28 = tpu.memref_slice %arg3[%add3A_27] : memref<160000xi32, #tpu.memory_space<hbm>> -> memref<160xi32, #tpu.memory_space<hbm>>
    tpu.enqueue_dma source(%dma_start3A_28 : memref<160xi32, #tpu.memory_space<hbm>>) target(%arg6 : memref<160xi32, #tpu.memory_space<vmem>>) target_semaphore(%arg17 : memref<!tpu.dma_semaphore, #tpu.memory_space<semaphore_mem>>)
    %dma_start3A_29 = tpu.memref_slice %arg4[%add3A_27] : memref<160000xi32, #tpu.memory_space<hbm>> -> memref<160xi32, #tpu.memory_space<hbm>>
    %dma_start3A_30 = tpu.memref_slice %arg4[%add3A_27] : memref<160000xi32, #tpu.memory_space<hbm>> -> memref<160xi32, #tpu.memory_space<hbm>>
    tpu.enqueue_dma source(%dma_start3A_30 : memref<160xi32, #tpu.memory_space<hbm>>) target(%arg10 : memref<160xi32, #tpu.memory_space<vmem>>) target_semaphore(%arg17 : memref<!tpu.dma_semaphore, #tpu.memory_space<semaphore_mem>>)
    %mul3A_31 = arith.constant 1 : i32
    %mul3A_32 = arith.constant 160 : i32
    %mul3A_33 = arith.muli %mul3A_31, %mul3A_32 : i32
    %add3A_34 = arith.addi %mul3A_11, %mul3A_33 : i32
    %dma_start3A_35 = tpu.memref_slice %arg3[%add3A_34] : memref<160000xi32, #tpu.memory_space<hbm>> -> memref<160xi32, #tpu.memory_space<hbm>>
    %dma_start3A_36 = tpu.memref_slice %arg3[%add3A_34] : memref<160000xi32, #tpu.memory_space<hbm>> -> memref<160xi32, #tpu.memory_space<hbm>>
    tpu.enqueue_dma source(%dma_start3A_36 : memref<160xi32, #tpu.memory_space<hbm>>) target(%arg7 : memref<160xi32, #tpu.memory_space<vmem>>) target_semaphore(%arg18 : memref<!tpu.dma_semaphore, #tpu.memory_space<semaphore_mem>>)
    %dma_start3A_37 = tpu.memref_slice %arg4[%add3A_34] : memref<160000xi32, #tpu.memory_space<hbm>> -> memref<160xi32, #tpu.memory_space<hbm>>
    %dma_start3A_38 = tpu.memref_slice %arg4[%add3A_34] : memref<160000xi32, #tpu.memory_space<hbm>> -> memref<160xi32, #tpu.memory_space<hbm>>
    tpu.enqueue_dma source(%dma_start3A_38 : memref<160xi32, #tpu.memory_space<hbm>>) target(%arg11 : memref<160xi32, #tpu.memory_space<vmem>>) target_semaphore(%arg18 : memref<!tpu.dma_semaphore, #tpu.memory_space<semaphore_mem>>)
    %dma_wait3A = arith.constant 0 : i32
    %dma_wait3A_39 = tpu.memref_slice %arg3[%dma_wait3A] : memref<160000xi32, #tpu.memory_space<hbm>> -> memref<160xi32, #tpu.memory_space<hbm>>
    %dma_wait3A_40 = arith.constant 0 : i32
    %dma_wait3A_41 = tpu.memref_slice %arg3[%dma_wait3A_40] : memref<160000xi32, #tpu.memory_space<hbm>> -> memref<160xi32, #tpu.memory_space<hbm>>
    tpu.wait_dma2 semaphore(%arg17 : memref<!tpu.dma_semaphore, #tpu.memory_space<semaphore_mem>>) src(%dma_wait3A_41 : memref<160xi32, #tpu.memory_space<hbm>>) dst(%arg6 : memref<160xi32, #tpu.memory_space<vmem>>)
    %dma_wait3A_42 = arith.constant 0 : i32
    %dma_wait3A_43 = tpu.memref_slice %arg4[%dma_wait3A_42] : memref<160000xi32, #tpu.memory_space<hbm>> -> memref<160xi32, #tpu.memory_space<hbm>>
    %dma_wait3A_44 = arith.constant 0 : i32
    %dma_wait3A_45 = tpu.memref_slice %arg4[%dma_wait3A_44] : memref<160000xi32, #tpu.memory_space<hbm>> -> memref<160xi32, #tpu.memory_space<hbm>>
    tpu.wait_dma2 semaphore(%arg17 : memref<!tpu.dma_semaphore, #tpu.memory_space<semaphore_mem>>) src(%dma_wait3A_45 : memref<160xi32, #tpu.memory_space<hbm>>) dst(%arg10 : memref<160xi32, #tpu.memory_space<vmem>>)
    %scan3A = arith.constant 0 : i32
    %scan3A_46 = arith.constant 10 : i32
    %scan3A_47 = arith.addi %scan3A, %scan3A_46 : i32
    %scan3A_48 = arith.constant 1 : i32
    scf.for %scan3A_113 = %scan3A to %scan3A_47 step %scan3A_48  : i32 {
      %mul3A_114 = arith.constant 16 : i32
      %mul3A_115 = arith.muli %scan3A_113, %mul3A_114 : i32
      %add3A_116 = arith.constant 0 : i32
      %add3A_117 = arith.addi %add3A_116, %mul3A_115 : i32
      %get3A = arith.index_cast %add3A_117 : i32 to index
      %get3A_118 = tpu.vector_load %arg6[%get3A] {strides = array<i32>} : memref<160xi32, #tpu.memory_space<vmem>>, vector<16xi32>,
      %add3A_119 = vector.broadcast %mul3A_17 : i32 to vector<16xi32>
      %add3A_120 = arith.addi %get3A_118, %add3A_119 : vector<16xi32>
      %swap3A = arith.index_cast %add3A_117 : i32 to index
      %swap3A_121 = tpu.vector_load %arg6[%swap3A] {strides = array<i32>} : memref<160xi32, #tpu.memory_space<vmem>>, vector<16xi32>,
      tpu.vector_store %arg6[%swap3A], %add3A_120 {strides = array<i32>} : memref<160xi32, #tpu.memory_space<vmem>>, vector<16xi32>,
    }
    %scan3A_49 = arith.constant 10 : i32
    %dma_start3A_50 = arith.constant 0 : i32
    %dma_start3A_51 = arith.constant 0 : i32
    %dma_start3A_52 = tpu.memref_slice %arg2[%dma_start3A_50, %dma_start3A_51] : memref<20000x128xf32, #tpu.memory_space<hbm>> -> memref<20000x128xf32, #tpu.memory_space<hbm>>
    tpu.enqueue_indirect_dma source(%dma_start3A_52 : memref<20000x128xf32, #tpu.memory_space<hbm>>) target(%arg14 : memref<160x128xf32, #tpu.memory_space<vmem>>) offsets(%arg6 : memref<160xi32, #tpu.memory_space<vmem>>) semaphore(%arg21 : memref<!tpu.dma_semaphore, #tpu.memory_space<semaphore_mem>>)
    %scan3A_53 = arith.constant 0 : i32
    %scan3A_54 = arith.constant 15 : i32
    %scan3A_55 = arith.addi %scan3A_53, %scan3A_54 : i32
    %scan3A_56 = arith.constant 1 : i32
    scf.for %scan3A_113 = %scan3A_53 to %scan3A_55 step %scan3A_56  : i32 {
      %mul3A_114 = arith.constant 4 : i32
      %mul3A_115 = arith.muli %scan3A_113, %mul3A_114 : i32
      %add3A_116 = arith.constant 0 : i32
      %add3A_117 = arith.addi %add3A_116, %mul3A_115 : i32
      %add3A_118 = arith.constant 0 : i32
      %add3A_119 = arith.addi %add3A_117, %add3A_118 : i32
      %add3A_120 = arith.constant 2 : i32
      %add3A_121 = arith.addi %add3A_119, %add3A_120 : i32
      %mul3A_122 = arith.constant 160 : i32
      %mul3A_123 = arith.muli %add3A_121, %mul3A_122 : i32
      %add3A_124 = arith.addi %mul3A_11, %mul3A_123 : i32
      %dma_start3A_125 = tpu.memref_slice %arg3[%add3A_124] : memref<160000xi32, #tpu.memory_space<hbm>> -> memref<160xi32, #tpu.memory_space<hbm>>
      %dma_start3A_126 = tpu.memref_slice %arg3[%add3A_124] : memref<160000xi32, #tpu.memory_space<hbm>> -> memref<160xi32, #tpu.memory_space<hbm>>
      tpu.enqueue_dma source(%dma_start3A_126 : memref<160xi32, #tpu.memory_space<hbm>>) target(%arg8 : memref<160xi32, #tpu.memory_space<vmem>>) target_semaphore(%arg19 : memref<!tpu.dma_semaphore, #tpu.memory_space<semaphore_mem>>)
      %dma_start3A_127 = tpu.memref_slice %arg4[%add3A_124] : memref<160000xi32, #tpu.memory_space<hbm>> -> memref<160xi32, #tpu.memory_space<hbm>>
      %dma_start3A_128 = tpu.memref_slice %arg4[%add3A_124] : memref<160000xi32, #tpu.memory_space<hbm>> -> memref<160xi32, #tpu.memory_space<hbm>>
      tpu.enqueue_dma source(%dma_start3A_128 : memref<160xi32, #tpu.memory_space<hbm>>) target(%arg12 : memref<160xi32, #tpu.memory_space<vmem>>) target_semaphore(%arg19 : memref<!tpu.dma_semaphore, #tpu.memory_space<semaphore_mem>>)
      %dma_wait3A_129 = arith.constant 0 : i32
      %dma_wait3A_130 = tpu.memref_slice %arg3[%dma_wait3A_129] : memref<160000xi32, #tpu.memory_space<hbm>> -> memref<160xi32, #tpu.memory_space<hbm>>
      %dma_wait3A_131 = arith.constant 0 : i32
      %dma_wait3A_132 = tpu.memref_slice %arg3[%dma_wait3A_131] : memref<160000xi32, #tpu.memory_space<hbm>> -> memref<160xi32, #tpu.memory_space<hbm>>
      tpu.wait_dma2 semaphore(%arg18 : memref<!tpu.dma_semaphore, #tpu.memory_space<semaphore_mem>>) src(%dma_wait3A_132 : memref<160xi32, #tpu.memory_space<hbm>>) dst(%arg7 : memref<160xi32, #tpu.memory_space<vmem>>)
      %dma_wait3A_133 = arith.constant 0 : i32
      %dma_wait3A_134 = tpu.memref_slice %arg4[%dma_wait3A_133] : memref<160000xi32, #tpu.memory_space<hbm>> -> memref<160xi32, #tpu.memory_space<hbm>>
      %dma_wait3A_135 = arith.constant 0 : i32
      %dma_wait3A_136 = tpu.memref_slice %arg4[%dma_wait3A_135] : memref<160000xi32, #tpu.memory_space<hbm>> -> memref<160xi32, #tpu.memory_space<hbm>>
      tpu.wait_dma2 semaphore(%arg18 : memref<!tpu.dma_semaphore, #tpu.memory_space<semaphore_mem>>) src(%dma_wait3A_136 : memref<160xi32, #tpu.memory_space<hbm>>) dst(%arg11 : memref<160xi32, #tpu.memory_space<vmem>>)
      %scan3A_137 = arith.constant 0 : i32
      %scan3A_138 = arith.constant 10 : i32
      %scan3A_139 = arith.addi %scan3A_137, %scan3A_138 : i32
      %scan3A_140 = arith.constant 1 : i32
      scf.for %scan3A_250 = %scan3A_137 to %scan3A_139 step %scan3A_140  : i32 {
        %mul3A_251 = arith.constant 16 : i32
        %mul3A_252 = arith.muli %scan3A_250, %mul3A_251 : i32
        %add3A_253 = arith.constant 0 : i32
        %add3A_254 = arith.addi %add3A_253, %mul3A_252 : i32
        %get3A = arith.index_cast %add3A_254 : i32 to index
        %get3A_255 = tpu.vector_load %arg7[%get3A] {strides = array<i32>} : memref<160xi32, #tpu.memory_space<vmem>>, vector<16xi32>,
        %add3A_256 = vector.broadcast %mul3A_17 : i32 to vector<16xi32>
        %add3A_257 = arith.addi %get3A_255, %add3A_256 : vector<16xi32>
        %swap3A = arith.index_cast %add3A_254 : i32 to index
        %swap3A_258 = tpu.vector_load %arg7[%swap3A] {strides = array<i32>} : memref<160xi32, #tpu.memory_space<vmem>>, vector<16xi32>,
        tpu.vector_store %arg7[%swap3A], %add3A_257 {strides = array<i32>} : memref<160xi32, #tpu.memory_space<vmem>>, vector<16xi32>,
      }
      %scan3A_141 = arith.constant 10 : i32
      %dma_start3A_142 = arith.constant 0 : i32
      %dma_start3A_143 = arith.constant 0 : i32
      %dma_start3A_144 = tpu.memref_slice %arg2[%dma_start3A_142, %dma_start3A_143] : memref<20000x128xf32, #tpu.memory_space<hbm>> -> memref<20000x128xf32, #tpu.memory_space<hbm>>
      tpu.enqueue_indirect_dma source(%dma_start3A_144 : memref<20000x128xf32, #tpu.memory_space<hbm>>) target(%arg15 : memref<160x128xf32, #tpu.memory_space<vmem>>) offsets(%arg7 : memref<160xi32, #tpu.memory_space<vmem>>) semaphore(%arg22 : memref<!tpu.dma_semaphore, #tpu.memory_space<semaphore_mem>>)
      %dma_wait3A_145 = arith.constant 0 : i32
      %dma_wait3A_146 = arith.constant 0 : i32
      %dma_wait3A_147 = tpu.memref_slice %arg2[%dma_wait3A_145, %dma_wait3A_146] : memref<20000x128xf32, #tpu.memory_space<hbm>> -> memref<160x128xf32, #tpu.memory_space<hbm>>
      %dma_wait3A_148 = arith.constant 0 : i32
      %dma_wait3A_149 = arith.constant 0 : i32
      %dma_wait3A_150 = tpu.memref_slice %arg2[%dma_wait3A_148, %dma_wait3A_149] : memref<20000x128xf32, #tpu.memory_space<hbm>> -> memref<160x128xf32, #tpu.memory_space<hbm>>
      tpu.wait_dma2 semaphore(%arg21 : memref<!tpu.dma_semaphore, #tpu.memory_space<semaphore_mem>>) src(%dma_wait3A_150 : memref<160x128xf32, #tpu.memory_space<hbm>>) dst(%arg14 : memref<160x128xf32, #tpu.memory_space<vmem>>)
      "tpu.region"() ({
        %run_scoped3A = tpu.sem_alloc : memref<!tpu.dma_semaphore, #tpu.memory_space<semaphore_mem>>
        %dma_start3A_250 = arith.constant 0 : i32
        %dma_start3A_251 = arith.constant 0 : i32
        %dma_start3A_252 = tpu.memref_slice %arg16[%dma_start3A_250, %dma_start3A_251] : memref<10000x128xf32, #tpu.memory_space<vmem_shared>> -> memref<10000x128xf32, #tpu.memory_space<vmem_shared>>
        tpu.enqueue_indirect_dma source(%arg14 : memref<160x128xf32, #tpu.memory_space<vmem>>) target(%dma_start3A_252 : memref<10000x128xf32, #tpu.memory_space<vmem_shared>>) offsets(%arg10 : memref<160xi32, #tpu.memory_space<vmem>>) semaphore(%run_scoped3A : memref<!tpu.dma_semaphore, #tpu.memory_space<semaphore_mem>>) {add = true}
        %dma_wait3A_253 = arith.constant 0 : i32
        %dma_wait3A_254 = arith.constant 0 : i32
        %dma_wait3A_255 = tpu.memref_slice %arg16[%dma_wait3A_253, %dma_wait3A_254] : memref<10000x128xf32, #tpu.memory_space<vmem_shared>> -> memref<10000x128xf32, #tpu.memory_space<vmem_shared>>
        tpu.wait_indirect_dma semaphore(%run_scoped3A : memref<!tpu.dma_semaphore, #tpu.memory_space<semaphore_mem>>) src(%arg14 : memref<160x128xf32, #tpu.memory_space<vmem>>) dst(%dma_wait3A_255 : memref<10000x128xf32, #tpu.memory_space<vmem_shared>>)
        tpu.yield
      }) : () -> ()
      %add3A_151 = arith.constant 1 : i32
      %add3A_152 = arith.addi %add3A_117, %add3A_151 : i32
      %add3A_153 = arith.constant 2 : i32
      %add3A_154 = arith.addi %add3A_152, %add3A_153 : i32
      %mul3A_155 = arith.constant 160 : i32
      %mul3A_156 = arith.muli %add3A_154, %mul3A_155 : i32
      %add3A_157 = arith.addi %mul3A_11, %mul3A_156 : i32
      %dma_start3A_158 = tpu.memref_slice %arg3[%add3A_157] : memref<160000xi32, #tpu.memory_space<hbm>> -> memref<160xi32, #tpu.memory_space<hbm>>
      %dma_start3A_159 = tpu.memref_slice %arg3[%add3A_157] : memref<160000xi32, #tpu.memory_space<hbm>> -> memref<160xi32, #tpu.memory_space<hbm>>
      tpu.enqueue_dma source(%dma_start3A_159 : memref<160xi32, #tpu.memory_space<hbm>>) target(%arg9 : memref<160xi32, #tpu.memory_space<vmem>>) target_semaphore(%arg20 : memref<!tpu.dma_semaphore, #tpu.memory_space<semaphore_mem>>)
      %dma_start3A_160 = tpu.memref_slice %arg4[%add3A_157] : memref<160000xi32, #tpu.memory_space<hbm>> -> memref<160xi32, #tpu.memory_space<hbm>>
      %dma_start3A_161 = tpu.memref_slice %arg4[%add3A_157] : memref<160000xi32, #tpu.memory_space<hbm>> -> memref<160xi32, #tpu.memory_space<hbm>>
      tpu.enqueue_dma source(%dma_start3A_161 : memref<160xi32, #tpu.memory_space<hbm>>) target(%arg13 : memref<160xi32, #tpu.memory_space<vmem>>) target_semaphore(%arg20 : memref<!tpu.dma_semaphore, #tpu.memory_space<semaphore_mem>>)
      %dma_wait3A_162 = arith.constant 0 : i32
      %dma_wait3A_163 = tpu.memref_slice %arg3[%dma_wait3A_162] : memref<160000xi32, #tpu.memory_space<hbm>> -> memref<160xi32, #tpu.memory_space<hbm>>
      %dma_wait3A_164 = arith.constant 0 : i32
      %dma_wait3A_165 = tpu.memref_slice %arg3[%dma_wait3A_164] : memref<160000xi32, #tpu.memory_space<hbm>> -> memref<160xi32, #tpu.memory_space<hbm>>
      tpu.wait_dma2 semaphore(%arg19 : memref<!tpu.dma_semaphore, #tpu.memory_space<semaphore_mem>>) src(%dma_wait3A_165 : memref<160xi32, #tpu.memory_space<hbm>>) dst(%arg8 : memref<160xi32, #tpu.memory_space<vmem>>)
      %dma_wait3A_166 = arith.constant 0 : i32
      %dma_wait3A_167 = tpu.memref_slice %arg4[%dma_wait3A_166] : memref<160000xi32, #tpu.memory_space<hbm>> -> memref<160xi32, #tpu.memory_space<hbm>>
      %dma_wait3A_168 = arith.constant 0 : i32
      %dma_wait3A_169 = tpu.memref_slice %arg4[%dma_wait3A_168] : memref<160000xi32, #tpu.memory_space<hbm>> -> memref<160xi32, #tpu.memory_space<hbm>>
      tpu.wait_dma2 semaphore(%arg19 : memref<!tpu.dma_semaphore, #tpu.memory_space<semaphore_mem>>) src(%dma_wait3A_169 : memref<160xi32, #tpu.memory_space<hbm>>) dst(%arg12 : memref<160xi32, #tpu.memory_space<vmem>>)
      %scan3A_170 = arith.constant 0 : i32
      %scan3A_171 = arith.constant 10 : i32
      %scan3A_172 = arith.addi %scan3A_170, %scan3A_171 : i32
      %scan3A_173 = arith.constant 1 : i32
      scf.for %scan3A_250 = %scan3A_170 to %scan3A_172 step %scan3A_173  : i32 {
        %mul3A_251 = arith.constant 16 : i32
        %mul3A_252 = arith.muli %scan3A_250, %mul3A_251 : i32
        %add3A_253 = arith.constant 0 : i32
        %add3A_254 = arith.addi %add3A_253, %mul3A_252 : i32
        %get3A = arith.index_cast %add3A_254 : i32 to index
        %get3A_255 = tpu.vector_load %arg8[%get3A] {strides = array<i32>} : memref<160xi32, #tpu.memory_space<vmem>>, vector<16xi32>,
        %add3A_256 = vector.broadcast %mul3A_17 : i32 to vector<16xi32>
        %add3A_257 = arith.addi %get3A_255, %add3A_256 : vector<16xi32>
        %swap3A = arith.index_cast %add3A_254 : i32 to index
        %swap3A_258 = tpu.vector_load %arg8[%swap3A] {strides = array<i32>} : memref<160xi32, #tpu.memory_space<vmem>>, vector<16xi32>,
        tpu.vector_store %arg8[%swap3A], %add3A_257 {strides = array<i32>} : memref<160xi32, #tpu.memory_space<vmem>>, vector<16xi32>,
      }
      %scan3A_174 = arith.constant 10 : i32
      %dma_start3A_175 = arith.constant 0 : i32
      %dma_start3A_176 = arith.constant 0 : i32
      %dma_start3A_177 = tpu.memref_slice %arg2[%dma_start3A_175, %dma_start3A_176] : memref<20000x128xf32, #tpu.memory_space<hbm>> -> memref<20000x128xf32, #tpu.memory_space<hbm>>
      tpu.enqueue_indirect_dma source(%dma_start3A_177 : memref<20000x128xf32, #tpu.memory_space<hbm>>) target(%arg14 : memref<160x128xf32, #tpu.memory_space<vmem>>) offsets(%arg8 : memref<160xi32, #tpu.memory_space<vmem>>) semaphore(%arg21 : memref<!tpu.dma_semaphore, #tpu.memory_space<semaphore_mem>>)
      %dma_wait3A_178 = arith.constant 0 : i32
      %dma_wait3A_179 = arith.constant 0 : i32
      %dma_wait3A_180 = tpu.memref_slice %arg2[%dma_wait3A_178, %dma_wait3A_179] : memref<20000x128xf32, #tpu.memory_space<hbm>> -> memref<160x128xf32, #tpu.memory_space<hbm>>
      %dma_wait3A_181 = arith.constant 0 : i32
      %dma_wait3A_182 = arith.constant 0 : i32
      %dma_wait3A_183 = tpu.memref_slice %arg2[%dma_wait3A_181, %dma_wait3A_182] : memref<20000x128xf32, #tpu.memory_space<hbm>> -> memref<160x128xf32, #tpu.memory_space<hbm>>
      tpu.wait_dma2 semaphore(%arg22 : memref<!tpu.dma_semaphore, #tpu.memory_space<semaphore_mem>>) src(%dma_wait3A_183 : memref<160x128xf32, #tpu.memory_space<hbm>>) dst(%arg15 : memref<160x128xf32, #tpu.memory_space<vmem>>)
      "tpu.region"() ({
        %run_scoped3A = tpu.sem_alloc : memref<!tpu.dma_semaphore, #tpu.memory_space<semaphore_mem>>
        %dma_start3A_250 = arith.constant 0 : i32
        %dma_start3A_251 = arith.constant 0 : i32
        %dma_start3A_252 = tpu.memref_slice %arg16[%dma_start3A_250, %dma_start3A_251] : memref<10000x128xf32, #tpu.memory_space<vmem_shared>> -> memref<10000x128xf32, #tpu.memory_space<vmem_shared>>
        tpu.enqueue_indirect_dma source(%arg15 : memref<160x128xf32, #tpu.memory_space<vmem>>) target(%dma_start3A_252 : memref<10000x128xf32, #tpu.memory_space<vmem_shared>>) offsets(%arg11 : memref<160xi32, #tpu.memory_space<vmem>>) semaphore(%run_scoped3A : memref<!tpu.dma_semaphore, #tpu.memory_space<semaphore_mem>>) {add = true}
        %dma_wait3A_253 = arith.constant 0 : i32
        %dma_wait3A_254 = arith.constant 0 : i32
        %dma_wait3A_255 = tpu.memref_slice %arg16[%dma_wait3A_253, %dma_wait3A_254] : memref<10000x128xf32, #tpu.memory_space<vmem_shared>> -> memref<10000x128xf32, #tpu.memory_space<vmem_shared>>
        tpu.wait_indirect_dma semaphore(%run_scoped3A : memref<!tpu.dma_semaphore, #tpu.memory_space<semaphore_mem>>) src(%arg15 : memref<160x128xf32, #tpu.memory_space<vmem>>) dst(%dma_wait3A_255 : memref<10000x128xf32, #tpu.memory_space<vmem_shared>>)
        tpu.yield
      }) : () -> ()
      %add3A_184 = arith.constant 2 : i32
      %add3A_185 = arith.addi %add3A_117, %add3A_184 : i32
      %add3A_186 = arith.constant 2 : i32
      %add3A_187 = arith.addi %add3A_185, %add3A_186 : i32
      %mul3A_188 = arith.constant 160 : i32
      %mul3A_189 = arith.muli %add3A_187, %mul3A_188 : i32
      %add3A_190 = arith.addi %mul3A_11, %mul3A_189 : i32
      %dma_start3A_191 = tpu.memref_slice %arg3[%add3A_190] : memref<160000xi32, #tpu.memory_space<hbm>> -> memref<160xi32, #tpu.memory_space<hbm>>
      %dma_start3A_192 = tpu.memref_slice %arg3[%add3A_190] : memref<160000xi32, #tpu.memory_space<hbm>> -> memref<160xi32, #tpu.memory_space<hbm>>
      tpu.enqueue_dma source(%dma_start3A_192 : memref<160xi32, #tpu.memory_space<hbm>>) target(%arg6 : memref<160xi32, #tpu.memory_space<vmem>>) target_semaphore(%arg17 : memref<!tpu.dma_semaphore, #tpu.memory_space<semaphore_mem>>)
      %dma_start3A_193 = tpu.memref_slice %arg4[%add3A_190] : memref<160000xi32, #tpu.memory_space<hbm>> -> memref<160xi32, #tpu.memory_space<hbm>>
      %dma_start3A_194 = tpu.memref_slice %arg4[%add3A_190] : memref<160000xi32, #tpu.memory_space<hbm>> -> memref<160xi32, #tpu.memory_space<hbm>>
      tpu.enqueue_dma source(%dma_start3A_194 : memref<160xi32, #tpu.memory_space<hbm>>) target(%arg10 : memref<160xi32, #tpu.memory_space<vmem>>) target_semaphore(%arg17 : memref<!tpu.dma_semaphore, #tpu.memory_space<semaphore_mem>>)
      %dma_wait3A_195 = arith.constant 0 : i32
      %dma_wait3A_196 = tpu.memref_slice %arg3[%dma_wait3A_195] : memref<160000xi32, #tpu.memory_space<hbm>> -> memref<160xi32, #tpu.memory_space<hbm>>
      %dma_wait3A_197 = arith.constant 0 : i32
      %dma_wait3A_198 = tpu.memref_slice %arg3[%dma_wait3A_197] : memref<160000xi32, #tpu.memory_space<hbm>> -> memref<160xi32, #tpu.memory_space<hbm>>
      tpu.wait_dma2 semaphore(%arg20 : memref<!tpu.dma_semaphore, #tpu.memory_space<semaphore_mem>>) src(%dma_wait3A_198 : memref<160xi32, #tpu.memory_space<hbm>>) dst(%arg9 : memref<160xi32, #tpu.memory_space<vmem>>)
      %dma_wait3A_199 = arith.constant 0 : i32
      %dma_wait3A_200 = tpu.memref_slice %arg4[%dma_wait3A_199] : memref<160000xi32, #tpu.memory_space<hbm>> -> memref<160xi32, #tpu.memory_space<hbm>>
      %dma_wait3A_201 = arith.constant 0 : i32
      %dma_wait3A_202 = tpu.memref_slice %arg4[%dma_wait3A_201] : memref<160000xi32, #tpu.memory_space<hbm>> -> memref<160xi32, #tpu.memory_space<hbm>>
      tpu.wait_dma2 semaphore(%arg20 : memref<!tpu.dma_semaphore, #tpu.memory_space<semaphore_mem>>) src(%dma_wait3A_202 : memref<160xi32, #tpu.memory_space<hbm>>) dst(%arg13 : memref<160xi32, #tpu.memory_space<vmem>>)
      %scan3A_203 = arith.constant 0 : i32
      %scan3A_204 = arith.constant 10 : i32
      %scan3A_205 = arith.addi %scan3A_203, %scan3A_204 : i32
      %scan3A_206 = arith.constant 1 : i32
      scf.for %scan3A_250 = %scan3A_203 to %scan3A_205 step %scan3A_206  : i32 {
        %mul3A_251 = arith.constant 16 : i32
        %mul3A_252 = arith.muli %scan3A_250, %mul3A_251 : i32
        %add3A_253 = arith.constant 0 : i32
        %add3A_254 = arith.addi %add3A_253, %mul3A_252 : i32
        %get3A = arith.index_cast %add3A_254 : i32 to index
        %get3A_255 = tpu.vector_load %arg9[%get3A] {strides = array<i32>} : memref<160xi32, #tpu.memory_space<vmem>>, vector<16xi32>,
        %add3A_256 = vector.broadcast %mul3A_17 : i32 to vector<16xi32>
        %add3A_257 = arith.addi %get3A_255, %add3A_256 : vector<16xi32>
        %swap3A = arith.index_cast %add3A_254 : i32 to index
        %swap3A_258 = tpu.vector_load %arg9[%swap3A] {strides = array<i32>} : memref<160xi32, #tpu.memory_space<vmem>>, vector<16xi32>,
        tpu.vector_store %arg9[%swap3A], %add3A_257 {strides = array<i32>} : memref<160xi32, #tpu.memory_space<vmem>>, vector<16xi32>,
      }
      %scan3A_207 = arith.constant 10 : i32
      %dma_start3A_208 = arith.constant 0 : i32
      %dma_start3A_209 = arith.constant 0 : i32
      %dma_start3A_210 = tpu.memref_slice %arg2[%dma_start3A_208, %dma_start3A_209] : memref<20000x128xf32, #tpu.memory_space<hbm>> -> memref<20000x128xf32, #tpu.memory_space<hbm>>
      tpu.enqueue_indirect_dma source(%dma_start3A_210 : memref<20000x128xf32, #tpu.memory_space<hbm>>) target(%arg15 : memref<160x128xf32, #tpu.memory_space<vmem>>) offsets(%arg9 : memref<160xi32, #tpu.memory_space<vmem>>) semaphore(%arg22 : memref<!tpu.dma_semaphore, #tpu.memory_space<semaphore_mem>>)
      %dma_wait3A_211 = arith.constant 0 : i32
      %dma_wait3A_212 = arith.constant 0 : i32
      %dma_wait3A_213 = tpu.memref_slice %arg2[%dma_wait3A_211, %dma_wait3A_212] : memref<20000x128xf32, #tpu.memory_space<hbm>> -> memref<160x128xf32, #tpu.memory_space<hbm>>
      %dma_wait3A_214 = arith.constant 0 : i32
      %dma_wait3A_215 = arith.constant 0 : i32
      %dma_wait3A_216 = tpu.memref_slice %arg2[%dma_wait3A_214, %dma_wait3A_215] : memref<20000x128xf32, #tpu.memory_space<hbm>> -> memref<160x128xf32, #tpu.memory_space<hbm>>
      tpu.wait_dma2 semaphore(%arg21 : memref<!tpu.dma_semaphore, #tpu.memory_space<semaphore_mem>>) src(%dma_wait3A_216 : memref<160x128xf32, #tpu.memory_space<hbm>>) dst(%arg14 : memref<160x128xf32, #tpu.memory_space<vmem>>)
      "tpu.region"() ({
        %run_scoped3A = tpu.sem_alloc : memref<!tpu.dma_semaphore, #tpu.memory_space<semaphore_mem>>
        %dma_start3A_250 = arith.constant 0 : i32
        %dma_start3A_251 = arith.constant 0 : i32
        %dma_start3A_252 = tpu.memref_slice %arg16[%dma_start3A_250, %dma_start3A_251] : memref<10000x128xf32, #tpu.memory_space<vmem_shared>> -> memref<10000x128xf32, #tpu.memory_space<vmem_shared>>
        tpu.enqueue_indirect_dma source(%arg14 : memref<160x128xf32, #tpu.memory_space<vmem>>) target(%dma_start3A_252 : memref<10000x128xf32, #tpu.memory_space<vmem_shared>>) offsets(%arg12 : memref<160xi32, #tpu.memory_space<vmem>>) semaphore(%run_scoped3A : memref<!tpu.dma_semaphore, #tpu.memory_space<semaphore_mem>>) {add = true}
        %dma_wait3A_253 = arith.constant 0 : i32
        %dma_wait3A_254 = arith.constant 0 : i32
        %dma_wait3A_255 = tpu.memref_slice %arg16[%dma_wait3A_253, %dma_wait3A_254] : memref<10000x128xf32, #tpu.memory_space<vmem_shared>> -> memref<10000x128xf32, #tpu.memory_space<vmem_shared>>
        tpu.wait_indirect_dma semaphore(%run_scoped3A : memref<!tpu.dma_semaphore, #tpu.memory_space<semaphore_mem>>) src(%arg14 : memref<160x128xf32, #tpu.memory_space<vmem>>) dst(%dma_wait3A_255 : memref<10000x128xf32, #tpu.memory_space<vmem_shared>>)
        tpu.yield
      }) : () -> ()
      %add3A_217 = arith.constant 3 : i32
      %add3A_218 = arith.addi %add3A_117, %add3A_217 : i32
      %add3A_219 = arith.constant 2 : i32
      %add3A_220 = arith.addi %add3A_218, %add3A_219 : i32
      %mul3A_221 = arith.constant 160 : i32
      %mul3A_222 = arith.muli %add3A_220, %mul3A_221 : i32
      %add3A_223 = arith.addi %mul3A_11, %mul3A_222 : i32
      %dma_start3A_224 = tpu.memref_slice %arg3[%add3A_223] : memref<160000xi32, #tpu.memory_space<hbm>> -> memref<160xi32, #tpu.memory_space<hbm>>
      %dma_start3A_225 = tpu.memref_slice %arg3[%add3A_223] : memref<160000xi32, #tpu.memory_space<hbm>> -> memref<160xi32, #tpu.memory_space<hbm>>
      tpu.enqueue_dma source(%dma_start3A_225 : memref<160xi32, #tpu.memory_space<hbm>>) target(%arg7 : memref<160xi32, #tpu.memory_space<vmem>>) target_semaphore(%arg18 : memref<!tpu.dma_semaphore, #tpu.memory_space<semaphore_mem>>)
      %dma_start3A_226 = tpu.memref_slice %arg4[%add3A_223] : memref<160000xi32, #tpu.memory_space<hbm>> -> memref<160xi32, #tpu.memory_space<hbm>>
      %dma_start3A_227 = tpu.memref_slice %arg4[%add3A_223] : memref<160000xi32, #tpu.memory_space<hbm>> -> memref<160xi32, #tpu.memory_space<hbm>>
      tpu.enqueue_dma source(%dma_start3A_227 : memref<160xi32, #tpu.memory_space<hbm>>) target(%arg11 : memref<160xi32, #tpu.memory_space<vmem>>) target_semaphore(%arg18 : memref<!tpu.dma_semaphore, #tpu.memory_space<semaphore_mem>>)
      %dma_wait3A_228 = arith.constant 0 : i32
      %dma_wait3A_229 = tpu.memref_slice %arg3[%dma_wait3A_228] : memref<160000xi32, #tpu.memory_space<hbm>> -> memref<160xi32, #tpu.memory_space<hbm>>
      %dma_wait3A_230 = arith.constant 0 : i32
      %dma_wait3A_231 = tpu.memref_slice %arg3[%dma_wait3A_230] : memref<160000xi32, #tpu.memory_space<hbm>> -> memref<160xi32, #tpu.memory_space<hbm>>
      tpu.wait_dma2 semaphore(%arg17 : memref<!tpu.dma_semaphore, #tpu.memory_space<semaphore_mem>>) src(%dma_wait3A_231 : memref<160xi32, #tpu.memory_space<hbm>>) dst(%arg6 : memref<160xi32, #tpu.memory_space<vmem>>)
      %dma_wait3A_232 = arith.constant 0 : i32
      %dma_wait3A_233 = tpu.memref_slice %arg4[%dma_wait3A_232] : memref<160000xi32, #tpu.memory_space<hbm>> -> memref<160xi32, #tpu.memory_space<hbm>>
      %dma_wait3A_234 = arith.constant 0 : i32
      %dma_wait3A_235 = tpu.memref_slice %arg4[%dma_wait3A_234] : memref<160000xi32, #tpu.memory_space<hbm>> -> memref<160xi32, #tpu.memory_space<hbm>>
      tpu.wait_dma2 semaphore(%arg17 : memref<!tpu.dma_semaphore, #tpu.memory_space<semaphore_mem>>) src(%dma_wait3A_235 : memref<160xi32, #tpu.memory_space<hbm>>) dst(%arg10 : memref<160xi32, #tpu.memory_space<vmem>>)
      %scan3A_236 = arith.constant 0 : i32
      %scan3A_237 = arith.constant 10 : i32
      %scan3A_238 = arith.addi %scan3A_236, %scan3A_237 : i32
      %scan3A_239 = arith.constant 1 : i32
      scf.for %scan3A_250 = %scan3A_236 to %scan3A_238 step %scan3A_239  : i32 {
        %mul3A_251 = arith.constant 16 : i32
        %mul3A_252 = arith.muli %scan3A_250, %mul3A_251 : i32
        %add3A_253 = arith.constant 0 : i32
        %add3A_254 = arith.addi %add3A_253, %mul3A_252 : i32
        %get3A = arith.index_cast %add3A_254 : i32 to index
        %get3A_255 = tpu.vector_load %arg6[%get3A] {strides = array<i32>} : memref<160xi32, #tpu.memory_space<vmem>>, vector<16xi32>,
        %add3A_256 = vector.broadcast %mul3A_17 : i32 to vector<16xi32>
        %add3A_257 = arith.addi %get3A_255, %add3A_256 : vector<16xi32>
        %swap3A = arith.index_cast %add3A_254 : i32 to index
        %swap3A_258 = tpu.vector_load %arg6[%swap3A] {strides = array<i32>} : memref<160xi32, #tpu.memory_space<vmem>>, vector<16xi32>,
        tpu.vector_store %arg6[%swap3A], %add3A_257 {strides = array<i32>} : memref<160xi32, #tpu.memory_space<vmem>>, vector<16xi32>,
      }
      %scan3A_240 = arith.constant 10 : i32
      %dma_start3A_241 = arith.constant 0 : i32
      %dma_start3A_242 = arith.constant 0 : i32
      %dma_start3A_243 = tpu.memref_slice %arg2[%dma_start3A_241, %dma_start3A_242] : memref<20000x128xf32, #tpu.memory_space<hbm>> -> memref<20000x128xf32, #tpu.memory_space<hbm>>
      tpu.enqueue_indirect_dma source(%dma_start3A_243 : memref<20000x128xf32, #tpu.memory_space<hbm>>) target(%arg14 : memref<160x128xf32, #tpu.memory_space<vmem>>) offsets(%arg6 : memref<160xi32, #tpu.memory_space<vmem>>) semaphore(%arg21 : memref<!tpu.dma_semaphore, #tpu.memory_space<semaphore_mem>>)
      %dma_wait3A_244 = arith.constant 0 : i32
      %dma_wait3A_245 = arith.constant 0 : i32
      %dma_wait3A_246 = tpu.memref_slice %arg2[%dma_wait3A_244, %dma_wait3A_245] : memref<20000x128xf32, #tpu.memory_space<hbm>> -> memref<160x128xf32, #tpu.memory_space<hbm>>
      %dma_wait3A_247 = arith.constant 0 : i32
      %dma_wait3A_248 = arith.constant 0 : i32
      %dma_wait3A_249 = tpu.memref_slice %arg2[%dma_wait3A_247, %dma_wait3A_248] : memref<20000x128xf32, #tpu.memory_space<hbm>> -> memref<160x128xf32, #tpu.memory_space<hbm>>
      tpu.wait_dma2 semaphore(%arg22 : memref<!tpu.dma_semaphore, #tpu.memory_space<semaphore_mem>>) src(%dma_wait3A_249 : memref<160x128xf32, #tpu.memory_space<hbm>>) dst(%arg15 : memref<160x128xf32, #tpu.memory_space<vmem>>)
      "tpu.region"() ({
        %run_scoped3A = tpu.sem_alloc : memref<!tpu.dma_semaphore, #tpu.memory_space<semaphore_mem>>
        %dma_start3A_250 = arith.constant 0 : i32
        %dma_start3A_251 = arith.constant 0 : i32
        %dma_start3A_252 = tpu.memref_slice %arg16[%dma_start3A_250, %dma_start3A_251] : memref<10000x128xf32, #tpu.memory_space<vmem_shared>> -> memref<10000x128xf32, #tpu.memory_space<vmem_shared>>
        tpu.enqueue_indirect_dma source(%arg15 : memref<160x128xf32, #tpu.memory_space<vmem>>) target(%dma_start3A_252 : memref<10000x128xf32, #tpu.memory_space<vmem_shared>>) offsets(%arg13 : memref<160xi32, #tpu.memory_space<vmem>>) semaphore(%run_scoped3A : memref<!tpu.dma_semaphore, #tpu.memory_space<semaphore_mem>>) {add = true}
        %dma_wait3A_253 = arith.constant 0 : i32
        %dma_wait3A_254 = arith.constant 0 : i32
        %dma_wait3A_255 = tpu.memref_slice %arg16[%dma_wait3A_253, %dma_wait3A_254] : memref<10000x128xf32, #tpu.memory_space<vmem_shared>> -> memref<10000x128xf32, #tpu.memory_space<vmem_shared>>
        tpu.wait_indirect_dma semaphore(%run_scoped3A : memref<!tpu.dma_semaphore, #tpu.memory_space<semaphore_mem>>) src(%arg15 : memref<160x128xf32, #tpu.memory_space<vmem>>) dst(%dma_wait3A_255 : memref<10000x128xf32, #tpu.memory_space<vmem_shared>>)
        tpu.yield
      }) : () -> ()
    }
    %scan3A_57 = arith.constant 15 : i32
    %gt3A_58 = arith.constant 62 : i32
    %gt3A_59 = arith.cmpi sgt, %select_n3A, %gt3A_58 : i32
    %convert_element_type3A_60 = arith.extui %gt3A_59 : i1 to i32
    %cond3A_61 = arith.constant 0 : i32
    %cond3A_62 = arith.cmpi ne, %convert_element_type3A_60, %cond3A_61 : i32
    scf.if %cond3A_62 {
      %mul3A_113 = arith.constant 62 : i32
      %mul3A_114 = arith.constant 160 : i32
      %mul3A_115 = arith.muli %mul3A_113, %mul3A_114 : i32
      %add3A_116 = arith.addi %mul3A_11, %mul3A_115 : i32
      %dma_start3A_117 = tpu.memref_slice %arg3[%add3A_116] : memref<160000xi32, #tpu.memory_space<hbm>> -> memref<160xi32, #tpu.memory_space<hbm>>
      %dma_start3A_118 = tpu.memref_slice %arg3[%add3A_116] : memref<160000xi32, #tpu.memory_space<hbm>> -> memref<160xi32, #tpu.memory_space<hbm>>
      tpu.enqueue_dma source(%dma_start3A_118 : memref<160xi32, #tpu.memory_space<hbm>>) target(%arg8 : memref<160xi32, #tpu.memory_space<vmem>>) target_semaphore(%arg19 : memref<!tpu.dma_semaphore, #tpu.memory_space<semaphore_mem>>)
      %dma_start3A_119 = tpu.memref_slice %arg4[%add3A_116] : memref<160000xi32, #tpu.memory_space<hbm>> -> memref<160xi32, #tpu.memory_space<hbm>>
      %dma_start3A_120 = tpu.memref_slice %arg4[%add3A_116] : memref<160000xi32, #tpu.memory_space<hbm>> -> memref<160xi32, #tpu.memory_space<hbm>>
      tpu.enqueue_dma source(%dma_start3A_120 : memref<160xi32, #tpu.memory_space<hbm>>) target(%arg12 : memref<160xi32, #tpu.memory_space<vmem>>) target_semaphore(%arg19 : memref<!tpu.dma_semaphore, #tpu.memory_space<semaphore_mem>>)
    } else {
    }
    %dma_wait3A_63 = arith.constant 0 : i32
    %dma_wait3A_64 = tpu.memref_slice %arg3[%dma_wait3A_63] : memref<160000xi32, #tpu.memory_space<hbm>> -> memref<160xi32, #tpu.memory_space<hbm>>
    %dma_wait3A_65 = arith.constant 0 : i32
    %dma_wait3A_66 = tpu.memref_slice %arg3[%dma_wait3A_65] : memref<160000xi32, #tpu.memory_space<hbm>> -> memref<160xi32, #tpu.memory_space<hbm>>
    tpu.wait_dma2 semaphore(%arg18 : memref<!tpu.dma_semaphore, #tpu.memory_space<semaphore_mem>>) src(%dma_wait3A_66 : memref<160xi32, #tpu.memory_space<hbm>>) dst(%arg7 : memref<160xi32, #tpu.memory_space<vmem>>)
    %dma_wait3A_67 = arith.constant 0 : i32
    %dma_wait3A_68 = tpu.memref_slice %arg4[%dma_wait3A_67] : memref<160000xi32, #tpu.memory_space<hbm>> -> memref<160xi32, #tpu.memory_space<hbm>>
    %dma_wait3A_69 = arith.constant 0 : i32
    %dma_wait3A_70 = tpu.memref_slice %arg4[%dma_wait3A_69] : memref<160000xi32, #tpu.memory_space<hbm>> -> memref<160xi32, #tpu.memory_space<hbm>>
    tpu.wait_dma2 semaphore(%arg18 : memref<!tpu.dma_semaphore, #tpu.memory_space<semaphore_mem>>) src(%dma_wait3A_70 : memref<160xi32, #tpu.memory_space<hbm>>) dst(%arg11 : memref<160xi32, #tpu.memory_space<vmem>>)
    %scan3A_71 = arith.constant 0 : i32
    %scan3A_72 = arith.constant 10 : i32
    %scan3A_73 = arith.addi %scan3A_71, %scan3A_72 : i32
    %scan3A_74 = arith.constant 1 : i32
    scf.for %scan3A_113 = %scan3A_71 to %scan3A_73 step %scan3A_74  : i32 {
      %mul3A_114 = arith.constant 16 : i32
      %mul3A_115 = arith.muli %scan3A_113, %mul3A_114 : i32
      %add3A_116 = arith.constant 0 : i32
      %add3A_117 = arith.addi %add3A_116, %mul3A_115 : i32
      %get3A = arith.index_cast %add3A_117 : i32 to index
      %get3A_118 = tpu.vector_load %arg7[%get3A] {strides = array<i32>} : memref<160xi32, #tpu.memory_space<vmem>>, vector<16xi32>,
      %add3A_119 = vector.broadcast %mul3A_17 : i32 to vector<16xi32>
      %add3A_120 = arith.addi %get3A_118, %add3A_119 : vector<16xi32>
      %swap3A = arith.index_cast %add3A_117 : i32 to index
      %swap3A_121 = tpu.vector_load %arg7[%swap3A] {strides = array<i32>} : memref<160xi32, #tpu.memory_space<vmem>>, vector<16xi32>,
      tpu.vector_store %arg7[%swap3A], %add3A_120 {strides = array<i32>} : memref<160xi32, #tpu.memory_space<vmem>>, vector<16xi32>,
    }
    %scan3A_75 = arith.constant 10 : i32
    %dma_start3A_76 = arith.constant 0 : i32
    %dma_start3A_77 = arith.constant 0 : i32
    %dma_start3A_78 = tpu.memref_slice %arg2[%dma_start3A_76, %dma_start3A_77] : memref<20000x128xf32, #tpu.memory_space<hbm>> -> memref<20000x128xf32, #tpu.memory_space<hbm>>
    tpu.enqueue_indirect_dma source(%dma_start3A_78 : memref<20000x128xf32, #tpu.memory_space<hbm>>) target(%arg15 : memref<160x128xf32, #tpu.memory_space<vmem>>) offsets(%arg7 : memref<160xi32, #tpu.memory_space<vmem>>) semaphore(%arg22 : memref<!tpu.dma_semaphore, #tpu.memory_space<semaphore_mem>>)
    %dma_wait3A_79 = arith.constant 0 : i32
    %dma_wait3A_80 = arith.constant 0 : i32
    %dma_wait3A_81 = tpu.memref_slice %arg2[%dma_wait3A_79, %dma_wait3A_80] : memref<20000x128xf32, #tpu.memory_space<hbm>> -> memref<160x128xf32, #tpu.memory_space<hbm>>
    %dma_wait3A_82 = arith.constant 0 : i32
    %dma_wait3A_83 = arith.constant 0 : i32
    %dma_wait3A_84 = tpu.memref_slice %arg2[%dma_wait3A_82, %dma_wait3A_83] : memref<20000x128xf32, #tpu.memory_space<hbm>> -> memref<160x128xf32, #tpu.memory_space<hbm>>
    tpu.wait_dma2 semaphore(%arg21 : memref<!tpu.dma_semaphore, #tpu.memory_space<semaphore_mem>>) src(%dma_wait3A_84 : memref<160x128xf32, #tpu.memory_space<hbm>>) dst(%arg14 : memref<160x128xf32, #tpu.memory_space<vmem>>)
    "tpu.region"() ({
      %run_scoped3A = tpu.sem_alloc : memref<!tpu.dma_semaphore, #tpu.memory_space<semaphore_mem>>
      %dma_start3A_113 = arith.constant 0 : i32
      %dma_start3A_114 = arith.constant 0 : i32
      %dma_start3A_115 = tpu.memref_slice %arg16[%dma_start3A_113, %dma_start3A_114] : memref<10000x128xf32, #tpu.memory_space<vmem_shared>> -> memref<10000x128xf32, #tpu.memory_space<vmem_shared>>
      tpu.enqueue_indirect_dma source(%arg14 : memref<160x128xf32, #tpu.memory_space<vmem>>) target(%dma_start3A_115 : memref<10000x128xf32, #tpu.memory_space<vmem_shared>>) offsets(%arg10 : memref<160xi32, #tpu.memory_space<vmem>>) semaphore(%run_scoped3A : memref<!tpu.dma_semaphore, #tpu.memory_space<semaphore_mem>>) {add = true}
      %dma_wait3A_116 = arith.constant 0 : i32
      %dma_wait3A_117 = arith.constant 0 : i32
      %dma_wait3A_118 = tpu.memref_slice %arg16[%dma_wait3A_116, %dma_wait3A_117] : memref<10000x128xf32, #tpu.memory_space<vmem_shared>> -> memref<10000x128xf32, #tpu.memory_space<vmem_shared>>
      tpu.wait_indirect_dma semaphore(%run_scoped3A : memref<!tpu.dma_semaphore, #tpu.memory_space<semaphore_mem>>) src(%arg14 : memref<160x128xf32, #tpu.memory_space<vmem>>) dst(%dma_wait3A_118 : memref<10000x128xf32, #tpu.memory_space<vmem_shared>>)
      tpu.yield
    }) : () -> ()
    %gt3A_85 = arith.constant 62 : i32
    %gt3A_86 = arith.cmpi sgt, %select_n3A, %gt3A_85 : i32
    %convert_element_type3A_87 = arith.extui %gt3A_86 : i1 to i32
    %cond3A_88 = arith.constant 0 : i32
    %cond3A_89 = arith.cmpi ne, %convert_element_type3A_87, %cond3A_88 : i32
    scf.if %cond3A_89 {
      %dma_wait3A_113 = arith.constant 0 : i32
      %dma_wait3A_114 = tpu.memref_slice %arg3[%dma_wait3A_113] : memref<160000xi32, #tpu.memory_space<hbm>> -> memref<160xi32, #tpu.memory_space<hbm>>
      %dma_wait3A_115 = arith.constant 0 : i32
      %dma_wait3A_116 = tpu.memref_slice %arg3[%dma_wait3A_115] : memref<160000xi32, #tpu.memory_space<hbm>> -> memref<160xi32, #tpu.memory_space<hbm>>
      tpu.wait_dma2 semaphore(%arg19 : memref<!tpu.dma_semaphore, #tpu.memory_space<semaphore_mem>>) src(%dma_wait3A_116 : memref<160xi32, #tpu.memory_space<hbm>>) dst(%arg8 : memref<160xi32, #tpu.memory_space<vmem>>)
      %dma_wait3A_117 = arith.constant 0 : i32
      %dma_wait3A_118 = tpu.memref_slice %arg4[%dma_wait3A_117] : memref<160000xi32, #tpu.memory_space<hbm>> -> memref<160xi32, #tpu.memory_space<hbm>>
      %dma_wait3A_119 = arith.constant 0 : i32
      %dma_wait3A_120 = tpu.memref_slice %arg4[%dma_wait3A_119] : memref<160000xi32, #tpu.memory_space<hbm>> -> memref<160xi32, #tpu.memory_space<hbm>>
      tpu.wait_dma2 semaphore(%arg19 : memref<!tpu.dma_semaphore, #tpu.memory_space<semaphore_mem>>) src(%dma_wait3A_120 : memref<160xi32, #tpu.memory_space<hbm>>) dst(%arg12 : memref<160xi32, #tpu.memory_space<vmem>>)
      %scan3A_121 = arith.constant 0 : i32
      %scan3A_122 = arith.constant 10 : i32
      %scan3A_123 = arith.addi %scan3A_121, %scan3A_122 : i32
      %scan3A_124 = arith.constant 1 : i32
      scf.for %scan3A_129 = %scan3A_121 to %scan3A_123 step %scan3A_124  : i32 {
        %mul3A_130 = arith.constant 16 : i32
        %mul3A_131 = arith.muli %scan3A_129, %mul3A_130 : i32
        %add3A_132 = arith.constant 0 : i32
        %add3A_133 = arith.addi %add3A_132, %mul3A_131 : i32
        %get3A = arith.index_cast %add3A_133 : i32 to index
        %get3A_134 = tpu.vector_load %arg8[%get3A] {strides = array<i32>} : memref<160xi32, #tpu.memory_space<vmem>>, vector<16xi32>,
        %add3A_135 = vector.broadcast %mul3A_17 : i32 to vector<16xi32>
        %add3A_136 = arith.addi %get3A_134, %add3A_135 : vector<16xi32>
        %swap3A = arith.index_cast %add3A_133 : i32 to index
        %swap3A_137 = tpu.vector_load %arg8[%swap3A] {strides = array<i32>} : memref<160xi32, #tpu.memory_space<vmem>>, vector<16xi32>,
        tpu.vector_store %arg8[%swap3A], %add3A_136 {strides = array<i32>} : memref<160xi32, #tpu.memory_space<vmem>>, vector<16xi32>,
      }
      %scan3A_125 = arith.constant 10 : i32
      %dma_start3A_126 = arith.constant 0 : i32
      %dma_start3A_127 = arith.constant 0 : i32
      %dma_start3A_128 = tpu.memref_slice %arg2[%dma_start3A_126, %dma_start3A_127] : memref<20000x128xf32, #tpu.memory_space<hbm>> -> memref<20000x128xf32, #tpu.memory_space<hbm>>
      tpu.enqueue_indirect_dma source(%dma_start3A_128 : memref<20000x128xf32, #tpu.memory_space<hbm>>) target(%arg14 : memref<160x128xf32, #tpu.memory_space<vmem>>) offsets(%arg8 : memref<160xi32, #tpu.memory_space<vmem>>) semaphore(%arg21 : memref<!tpu.dma_semaphore, #tpu.memory_space<semaphore_mem>>)
    } else {
    }
    %dma_wait3A_90 = arith.constant 0 : i32
    %dma_wait3A_91 = arith.constant 0 : i32
    %dma_wait3A_92 = tpu.memref_slice %arg2[%dma_wait3A_90, %dma_wait3A_91] : memref<20000x128xf32, #tpu.memory_space<hbm>> -> memref<160x128xf32, #tpu.memory_space<hbm>>
    %dma_wait3A_93 = arith.constant 0 : i32
    %dma_wait3A_94 = arith.constant 0 : i32
    %dma_wait3A_95 = tpu.memref_slice %arg2[%dma_wait3A_93, %dma_wait3A_94] : memref<20000x128xf32, #tpu.memory_space<hbm>> -> memref<160x128xf32, #tpu.memory_space<hbm>>
    tpu.wait_dma2 semaphore(%arg22 : memref<!tpu.dma_semaphore, #tpu.memory_space<semaphore_mem>>) src(%dma_wait3A_95 : memref<160x128xf32, #tpu.memory_space<hbm>>) dst(%arg15 : memref<160x128xf32, #tpu.memory_space<vmem>>)
    "tpu.region"() ({
      %run_scoped3A = tpu.sem_alloc : memref<!tpu.dma_semaphore, #tpu.memory_space<semaphore_mem>>
      %dma_start3A_113 = arith.constant 0 : i32
      %dma_start3A_114 = arith.constant 0 : i32
      %dma_start3A_115 = tpu.memref_slice %arg16[%dma_start3A_113, %dma_start3A_114] : memref<10000x128xf32, #tpu.memory_space<vmem_shared>> -> memref<10000x128xf32, #tpu.memory_space<vmem_shared>>
      tpu.enqueue_indirect_dma source(%arg15 : memref<160x128xf32, #tpu.memory_space<vmem>>) target(%dma_start3A_115 : memref<10000x128xf32, #tpu.memory_space<vmem_shared>>) offsets(%arg11 : memref<160xi32, #tpu.memory_space<vmem>>) semaphore(%run_scoped3A : memref<!tpu.dma_semaphore, #tpu.memory_space<semaphore_mem>>) {add = true}
      %dma_wait3A_116 = arith.constant 0 : i32
      %dma_wait3A_117 = arith.constant 0 : i32
      %dma_wait3A_118 = tpu.memref_slice %arg16[%dma_wait3A_116, %dma_wait3A_117] : memref<10000x128xf32, #tpu.memory_space<vmem_shared>> -> memref<10000x128xf32, #tpu.memory_space<vmem_shared>>
      tpu.wait_indirect_dma semaphore(%run_scoped3A : memref<!tpu.dma_semaphore, #tpu.memory_space<semaphore_mem>>) src(%arg15 : memref<160x128xf32, #tpu.memory_space<vmem>>) dst(%dma_wait3A_118 : memref<10000x128xf32, #tpu.memory_space<vmem_shared>>)
      tpu.yield
    }) : () -> ()
    %gt3A_96 = arith.constant 62 : i32
    %gt3A_97 = arith.cmpi sgt, %select_n3A, %gt3A_96 : i32
    %convert_element_type3A_98 = arith.extui %gt3A_97 : i1 to i32
    %cond3A_99 = arith.constant 0 : i32
    %cond3A_100 = arith.cmpi ne, %convert_element_type3A_98, %cond3A_99 : i32
    scf.if %cond3A_100 {
      %dma_wait3A_113 = arith.constant 0 : i32
      %dma_wait3A_114 = arith.constant 0 : i32
      %dma_wait3A_115 = tpu.memref_slice %arg2[%dma_wait3A_113, %dma_wait3A_114] : memref<20000x128xf32, #tpu.memory_space<hbm>> -> memref<160x128xf32, #tpu.memory_space<hbm>>
      %dma_wait3A_116 = arith.constant 0 : i32
      %dma_wait3A_117 = arith.constant 0 : i32
      %dma_wait3A_118 = tpu.memref_slice %arg2[%dma_wait3A_116, %dma_wait3A_117] : memref<20000x128xf32, #tpu.memory_space<hbm>> -> memref<160x128xf32, #tpu.memory_space<hbm>>
      tpu.wait_dma2 semaphore(%arg21 : memref<!tpu.dma_semaphore, #tpu.memory_space<semaphore_mem>>) src(%dma_wait3A_118 : memref<160x128xf32, #tpu.memory_space<hbm>>) dst(%arg14 : memref<160x128xf32, #tpu.memory_space<vmem>>)
      "tpu.region"() ({
        %run_scoped3A = tpu.sem_alloc : memref<!tpu.dma_semaphore, #tpu.memory_space<semaphore_mem>>
        %dma_start3A_119 = arith.constant 0 : i32
        %dma_start3A_120 = arith.constant 0 : i32
        %dma_start3A_121 = tpu.memref_slice %arg16[%dma_start3A_119, %dma_start3A_120] : memref<10000x128xf32, #tpu.memory_space<vmem_shared>> -> memref<10000x128xf32, #tpu.memory_space<vmem_shared>>
        tpu.enqueue_indirect_dma source(%arg14 : memref<160x128xf32, #tpu.memory_space<vmem>>) target(%dma_start3A_121 : memref<10000x128xf32, #tpu.memory_space<vmem_shared>>) offsets(%arg12 : memref<160xi32, #tpu.memory_space<vmem>>) semaphore(%run_scoped3A : memref<!tpu.dma_semaphore, #tpu.memory_space<semaphore_mem>>) {add = true}
        %dma_wait3A_122 = arith.constant 0 : i32
        %dma_wait3A_123 = arith.constant 0 : i32
        %dma_wait3A_124 = tpu.memref_slice %arg16[%dma_wait3A_122, %dma_wait3A_123] : memref<10000x128xf32, #tpu.memory_space<vmem_shared>> -> memref<10000x128xf32, #tpu.memory_space<vmem_shared>>
        tpu.wait_indirect_dma semaphore(%run_scoped3A : memref<!tpu.dma_semaphore, #tpu.memory_space<semaphore_mem>>) src(%arg14 : memref<160x128xf32, #tpu.memory_space<vmem>>) dst(%dma_wait3A_124 : memref<10000x128xf32, #tpu.memory_space<vmem_shared>>)
        tpu.yield
      }) : () -> ()
    } else {
    }
    %barrier3A_101 = arith.constant 0 : index
    tpu.barrier barrier_id(%barrier3A_101)
    %eq3A_102 = arith.constant 0 : i32
    %eq3A_103 = arith.cmpi eq, %arg1, %eq3A_102 : i32
    %convert_element_type3A_104 = arith.extui %eq3A_103 : i1 to i32
    %cond3A_105 = arith.constant 0 : i32
    %cond3A_106 = arith.cmpi ne, %convert_element_type3A_104, %cond3A_105 : i32
    scf.if %cond3A_106 {
      "tpu.region"() ({
        %run_scoped3A = tpu.sem_alloc : memref<!tpu.dma_semaphore, #tpu.memory_space<semaphore_mem>>
        %dma_start3A_113 = arith.constant 0 : i32
        %dma_start3A_114 = tpu.memref_slice %arg5[%mul3A_17, %dma_start3A_113] : memref<20000x128xf32, #tpu.memory_space<hbm>> -> memref<640x128xf32, #tpu.memory_space<hbm>>
        %dma_start3A_115 = arith.constant 0 : i32
        %dma_start3A_116 = arith.constant 0 : i32
        %dma_start3A_117 = tpu.memref_slice %arg16[%dma_start3A_115, %dma_start3A_116] : memref<10000x128xf32, #tpu.memory_space<vmem_shared>> -> memref<640x128xf32, #tpu.memory_space<vmem_shared>>
        tpu.enqueue_dma source(%dma_start3A_117 : memref<640x128xf32, #tpu.memory_space<vmem_shared>>) target(%dma_start3A_114 : memref<640x128xf32, #tpu.memory_space<hbm>>) target_semaphore(%run_scoped3A : memref<!tpu.dma_semaphore, #tpu.memory_space<semaphore_mem>>)
        %dma_wait3A_118 = arith.constant 0 : i32
        %dma_wait3A_119 = tpu.memref_slice %arg5[%mul3A_17, %dma_wait3A_118] : memref<20000x128xf32, #tpu.memory_space<hbm>> -> memref<640x128xf32, #tpu.memory_space<hbm>>
        %dma_wait3A_120 = arith.constant 0 : i32
        %dma_wait3A_121 = arith.constant 0 : i32
        %dma_wait3A_122 = tpu.memref_slice %arg16[%dma_wait3A_120, %dma_wait3A_121] : memref<10000x128xf32, #tpu.memory_space<vmem_shared>> -> memref<640x128xf32, #tpu.memory_space<vmem_shared>>
        tpu.wait_dma2 semaphore(%run_scoped3A : memref<!tpu.dma_semaphore, #tpu.memory_space<semaphore_mem>>) src(%dma_wait3A_122 : memref<640x128xf32, #tpu.memory_space<vmem_shared>>) dst(%dma_wait3A_119 : memref<640x128xf32, #tpu.memory_space<hbm>>)
        tpu.yield
      }) : () -> ()
    } else {
    }
    %gt3A_107 = arith.constant 0 : i32
    %gt3A_108 = arith.cmpi sgt, %arg1, %gt3A_107 : i32
    %convert_element_type3A_109 = arith.extui %gt3A_108 : i1 to i32
    %cond3A_110 = arith.constant 0 : i32
    %cond3A_111 = arith.cmpi ne, %convert_element_type3A_109, %cond3A_110 : i32
    scf.if %cond3A_111 {
      %mul3A_113 = arith.constant 624 : i32
      %mul3A_114 = arith.muli %arg1, %mul3A_113 : i32
      %add3A_115 = arith.constant 16 : i32
      %add3A_116 = arith.addi %add3A_115, %mul3A_114 : i32
      %add3A_117 = arith.addi %mul3A_17, %add3A_116 : i32
      "tpu.region"() ({
        %run_scoped3A = tpu.sem_alloc : memref<!tpu.dma_semaphore, #tpu.memory_space<semaphore_mem>>
        %dma_start3A_118 = arith.constant 0 : i32
        %dma_start3A_119 = tpu.memref_slice %arg5[%add3A_117, %dma_start3A_118] : memref<20000x128xf32, #tpu.memory_space<hbm>> -> memref<624x128xf32, #tpu.memory_space<hbm>>
        %dma_start3A_120 = arith.constant 0 : i32
        %dma_start3A_121 = tpu.memref_slice %arg16[%add3A_116, %dma_start3A_120] : memref<10000x128xf32, #tpu.memory_space<vmem_shared>> -> memref<624x128xf32, #tpu.memory_space<vmem_shared>>
        tpu.enqueue_dma source(%dma_start3A_121 : memref<624x128xf32, #tpu.memory_space<vmem_shared>>) target(%dma_start3A_119 : memref<624x128xf32, #tpu.memory_space<hbm>>) target_semaphore(%run_scoped3A : memref<!tpu.dma_semaphore, #tpu.memory_space<semaphore_mem>>)
        %dma_wait3A_122 = arith.constant 0 : i32
        %dma_wait3A_123 = tpu.memref_slice %arg5[%add3A_117, %dma_wait3A_122] : memref<20000x128xf32, #tpu.memory_space<hbm>> -> memref<624x128xf32, #tpu.memory_space<hbm>>
        %dma_wait3A_124 = arith.constant 0 : i32
        %dma_wait3A_125 = tpu.memref_slice %arg16[%add3A_116, %dma_wait3A_124] : memref<10000x128xf32, #tpu.memory_space<vmem_shared>> -> memref<624x128xf32, #tpu.memory_space<vmem_shared>>
        tpu.wait_dma2 semaphore(%run_scoped3A : memref<!tpu.dma_semaphore, #tpu.memory_space<semaphore_mem>>) src(%dma_wait3A_125 : memref<624x128xf32, #tpu.memory_space<vmem_shared>>) dst(%dma_wait3A_123 : memref<624x128xf32, #tpu.memory_space<hbm>>)
        tpu.yield
      }) : () -> ()
    } else {
    }
    %barrier3A_112 = arith.constant 0 : index
    tpu.barrier barrier_id(%barrier3A_112)
    return
  }
}

module attributes {stable_mosaic.version = 14 : i64} {
  func.func @body(%arg0: i32, %arg1: i32, %arg2: memref<1000x256xf32, #tpu.memory_space<vmem>>, %arg3: memref<256x128xf32, #tpu.memory_space<vmem>>, %arg4: memref<1000x1xf32, #tpu.memory_space<vmem>>, %arg5: memref<1000x128xf32, #tpu.memory_space<vmem>>) attributes {dimension_semantics = [#tpu.dimension_semantics<arbitrary>, #tpu.dimension_semantics<arbitrary>], iteration_bounds = array<i64: 10, 4>, scalar_prefetch = 0 : i64, scratch_operands = 0 : i64, tpu.core_type = #tpu.core_type<tc>, window_params = [{transform_indices = @transform_0, window_bounds = array<i64: 1000, 256>}, {transform_indices = @transform_1, window_bounds = array<i64: 256, 128>}, {transform_indices = @transform_2, window_bounds = array<i64: 1000, 1>}, {transform_indices = @transform_3, window_bounds = array<i64: 1000, 128>}]} {
    %get3A = arith.constant 0 : index
    %get3A_0 = arith.constant 0 : index
    %get3A_1 = vector.load %arg2[%get3A, %get3A_0] : memref<1000x256xf32, #tpu.memory_space<vmem>>, vector<1000x256xf32>
    %get3A_2 = arith.constant 0 : index
    %get3A_3 = arith.constant 0 : index
    %get3A_4 = vector.load %arg3[%get3A_2, %get3A_3] : memref<256x128xf32, #tpu.memory_space<vmem>>, vector<256x128xf32>
    %dot_general3A = arith.constant dense<0.000000e+00> : vector<1000x128xf32>
    %dot_general3A_5 = tpu.matmul %get3A_1, %get3A_4, %dot_general3A {dimension_numbers = #tpu.dot_dimension_numbers<[1], [0], [0], [1], [0, 0, 1, 1], [], []>, transpose_lhs_hint = false} : vector<1000x256xf32>, vector<256x128xf32>, vector<1000x128xf32> -> vector<1000x128xf32>
    %get3A_6 = arith.constant 0 : index
    %get3A_7 = arith.constant 0 : index
    %get3A_8 = vector.load %arg4[%get3A_6, %get3A_7] : memref<1000x1xf32, #tpu.memory_space<vmem>>, vector<1000x1xf32>
    %mul3A = vector.broadcast %get3A_8 : vector<1000x1xf32> to vector<1000x128xf32>
    %mul3A_9 = arith.mulf %dot_general3A_5, %mul3A : vector<1000x128xf32>
    %swap3A = arith.constant 0 : index
    %swap3A_10 = arith.constant 0 : index
    %swap3A_11 = vector.load %arg5[%swap3A, %swap3A_10] : memref<1000x128xf32, #tpu.memory_space<vmem>>, vector<1000x128xf32>
    tpu.vector_store %arg5[%swap3A, %swap3A_10], %mul3A_9 {strides = array<i32>} : memref<1000x128xf32, #tpu.memory_space<vmem>>, vector<1000x128xf32>,
    return
  }
  func.func @transform_0(%arg0: i32, %arg1: i32) -> (i32, i32) {
    %c0_i32 = arith.constant 0 : i32
    %c0_i32_0 = arith.constant 0 : i32
    return %arg0, %c0_i32 : i32, i32
  }
  func.func @transform_1(%arg0: i32, %arg1: i32) -> (i32, i32) {
    %c0_i32 = arith.constant 0 : i32
    %c0_i32_0 = arith.constant 0 : i32
    return %c0_i32, %arg1 : i32, i32
  }
  func.func @transform_2(%arg0: i32, %arg1: i32) -> (i32, i32) {
    %c0_i32 = arith.constant 0 : i32
    %c0_i32_0 = arith.constant 0 : i32
    return %arg0, %c0_i32 : i32, i32
  }
  func.func @transform_3(%arg0: i32, %arg1: i32) -> (i32, i32) {
    %mul3A = arith.constant 10 : i32
    %mul3A_0 = arith.muli %arg1, %mul3A : i32
    %add3A = arith.addi %mul3A_0, %arg0 : i32
    %c0_i32 = arith.constant 0 : i32
    %c0_i32_1 = arith.constant 0 : i32
    return %add3A, %c0_i32 : i32, i32
  }
}

module attributes {stable_mosaic.version = 14 : i64} {
  func.func @body(%arg0: memref<32x80x128xf32, #tpu.memory_space<vmem>>, %arg1: memref<80x128xf32, #tpu.memory_space<vmem>>) attributes {dimension_semantics = [], scalar_prefetch = 0 : i64, scratch_operands = 0 : i64, tpu.core_type = #tpu.core_type<tc>} {
    %get3A = arith.constant 0 : index
    %get3A_0 = arith.constant 0 : index
    %get3A_1 = arith.constant 0 : index
    %get3A_2 = vector.load %arg0[%get3A, %get3A_0, %get3A_1] : memref<32x80x128xf32, #tpu.memory_space<vmem>>, vector<32x80x128xf32>
    %reduce_sum3A = arith.constant dense<0.000000e+00> : vector<80x128xf32>
    %reduce_sum3A_3 = vector.multi_reduction <add>, %get3A_2, %reduce_sum3A [0] : vector<32x80x128xf32> to vector<80x128xf32>
    %add3A = arith.constant 1.000000e+00 : f32
    %add3A_4 = vector.broadcast %add3A : f32 to vector<80x128xf32>
    %add3A_5 = arith.addf %reduce_sum3A_3, %add3A_4 : vector<80x128xf32>
    %rsqrt3A = math.rsqrt %add3A_5 : vector<80x128xf32>
    %swap3A = arith.constant 0 : index
    %swap3A_6 = arith.constant 0 : index
    %swap3A_7 = vector.load %arg1[%swap3A, %swap3A_6] : memref<80x128xf32, #tpu.memory_space<vmem>>, vector<80x128xf32>
    tpu.vector_store %arg1[%swap3A, %swap3A_6], %rsqrt3A {strides = array<i32>} : memref<80x128xf32, #tpu.memory_space<vmem>>, vector<80x128xf32>,
    return
  }
}

module attributes {stable_mosaic.version = 14 : i64} {
  func.func @body(%arg0: i32, %arg1: i32, %arg2: memref<4x1000x128xf32, #tpu.memory_space<vmem>>, %arg3: memref<1x512xf32, #tpu.memory_space<vmem>>, %arg4: memref<512x128xf32, #tpu.memory_space<vmem>>, %arg5: memref<1000x1xf32, #tpu.memory_space<vmem>>, %arg6: memref<1000x128xf32, #tpu.memory_space<vmem>>, %arg7: memref<1000x512xf32, #tpu.memory_space<vmem>>) attributes {dimension_semantics = [#tpu.dimension_semantics<arbitrary>, #tpu.dimension_semantics<arbitrary>], iteration_bounds = array<i64: 10, 4>, scalar_prefetch = 0 : i64, scratch_operands = 1 : i64, tpu.core_type = #tpu.core_type<tc>, window_params = [{transform_indices = @transform_0, window_bounds = array<i64: 4, 1000, 128>}, {pipeline_mode = #tpu.pipeline_mode<synchronous>, transform_indices = @transform_1, window_bounds = array<i64: 1, 512>}, {transform_indices = @transform_2, window_bounds = array<i64: 512, 128>}, {transform_indices = @transform_3, window_bounds = array<i64: 1000, 1>}, {transform_indices = @transform_4, window_bounds = array<i64: 1000, 128>}]} {
    %get3A = arith.constant 0 : index
    %get3A_0 = arith.constant 0 : index
    %get3A_1 = vector.load %arg5[%get3A, %get3A_0] : memref<1000x1xf32, #tpu.memory_space<vmem>>, vector<1000x1xf32>
    %eq3A = arith.constant 0 : i32
    %eq3A_2 = arith.cmpi eq, %arg1, %eq3A : i32
    %convert_element_type3A = arith.extui %eq3A_2 : i1 to i32
    %cond3A = arith.constant 0 : i32
    %cond3A_3 = arith.cmpi ne, %convert_element_type3A, %cond3A : i32
    scf.if %cond3A_3 {
      %get3A_14 = arith.constant 0 : index
      %get3A_15 = arith.constant 0 : index
      %get3A_16 = arith.constant 0 : index
      %get3A_17 = vector.load %arg2[%get3A_14, %get3A_15, %get3A_16] : memref<4x1000x128xf32, #tpu.memory_space<vmem>>, vector<1x1000x128xf32>
      %get3A_18 = vector.shape_cast %get3A_17 : vector<1x1000x128xf32> to vector<1000x128xf32>
      %mul3A_19 = vector.broadcast %get3A_1 : vector<1000x1xf32> to vector<1000x128xf32>
      %mul3A_20 = arith.mulf %get3A_18, %mul3A_19 : vector<1000x128xf32>
      %get3A_21 = arith.constant 0 : index
      %get3A_22 = arith.constant 0 : index
      %get3A_23 = vector.load %arg3[%get3A_21, %get3A_22] : memref<1x512xf32, #tpu.memory_space<vmem>>, vector<1x128xf32>
      %add3A = vector.broadcast %get3A_23 : vector<1x128xf32> to vector<1000x128xf32>
      %add3A_24 = arith.addf %mul3A_20, %add3A : vector<1000x128xf32>
      %max3A = arith.constant 0.000000e+00 : f32
      %max3A_25 = vector.broadcast %max3A : f32 to vector<1000x128xf32>
      %max3A_26 = arith.maximumf %add3A_24, %max3A_25 : vector<1000x128xf32>
      %swap3A_27 = arith.constant 0 : index
      %swap3A_28 = arith.constant 0 : index
      %swap3A_29 = vector.load %arg7[%swap3A_27, %swap3A_28] : memref<1000x512xf32, #tpu.memory_space<vmem>>, vector<1000x128xf32>
      tpu.vector_store %arg7[%swap3A_27, %swap3A_28], %max3A_26 {strides = array<i32>} : memref<1000x512xf32, #tpu.memory_space<vmem>>, vector<1000x128xf32>,
      %get3A_30 = arith.constant 1 : index
      %get3A_31 = arith.constant 0 : index
      %get3A_32 = arith.constant 0 : index
      %get3A_33 = vector.load %arg2[%get3A_30, %get3A_31, %get3A_32] : memref<4x1000x128xf32, #tpu.memory_space<vmem>>, vector<1x1000x128xf32>
      %get3A_34 = vector.shape_cast %get3A_33 : vector<1x1000x128xf32> to vector<1000x128xf32>
      %mul3A_35 = vector.broadcast %get3A_1 : vector<1000x1xf32> to vector<1000x128xf32>
      %mul3A_36 = arith.mulf %get3A_34, %mul3A_35 : vector<1000x128xf32>
      %get3A_37 = arith.constant 0 : index
      %get3A_38 = arith.constant 128 : index
      %get3A_39 = vector.load %arg3[%get3A_37, %get3A_38] : memref<1x512xf32, #tpu.memory_space<vmem>>, vector<1x128xf32>
      %add3A_40 = vector.broadcast %get3A_39 : vector<1x128xf32> to vector<1000x128xf32>
      %add3A_41 = arith.addf %mul3A_36, %add3A_40 : vector<1000x128xf32>
      %max3A_42 = arith.constant 0.000000e+00 : f32
      %max3A_43 = vector.broadcast %max3A_42 : f32 to vector<1000x128xf32>
      %max3A_44 = arith.maximumf %add3A_41, %max3A_43 : vector<1000x128xf32>
      %swap3A_45 = arith.constant 0 : index
      %swap3A_46 = arith.constant 128 : index
      %swap3A_47 = vector.load %arg7[%swap3A_45, %swap3A_46] : memref<1000x512xf32, #tpu.memory_space<vmem>>, vector<1000x128xf32>
      tpu.vector_store %arg7[%swap3A_45, %swap3A_46], %max3A_44 {strides = array<i32>} : memref<1000x512xf32, #tpu.memory_space<vmem>>, vector<1000x128xf32>,
      %get3A_48 = arith.constant 2 : index
      %get3A_49 = arith.constant 0 : index
      %get3A_50 = arith.constant 0 : index
      %get3A_51 = vector.load %arg2[%get3A_48, %get3A_49, %get3A_50] : memref<4x1000x128xf32, #tpu.memory_space<vmem>>, vector<1x1000x128xf32>
      %get3A_52 = vector.shape_cast %get3A_51 : vector<1x1000x128xf32> to vector<1000x128xf32>
      %mul3A_53 = vector.broadcast %get3A_1 : vector<1000x1xf32> to vector<1000x128xf32>
      %mul3A_54 = arith.mulf %get3A_52, %mul3A_53 : vector<1000x128xf32>
      %get3A_55 = arith.constant 0 : index
      %get3A_56 = arith.constant 256 : index
      %get3A_57 = vector.load %arg3[%get3A_55, %get3A_56] : memref<1x512xf32, #tpu.memory_space<vmem>>, vector<1x128xf32>
      %add3A_58 = vector.broadcast %get3A_57 : vector<1x128xf32> to vector<1000x128xf32>
      %add3A_59 = arith.addf %mul3A_54, %add3A_58 : vector<1000x128xf32>
      %max3A_60 = arith.constant 0.000000e+00 : f32
      %max3A_61 = vector.broadcast %max3A_60 : f32 to vector<1000x128xf32>
      %max3A_62 = arith.maximumf %add3A_59, %max3A_61 : vector<1000x128xf32>
      %swap3A_63 = arith.constant 0 : index
      %swap3A_64 = arith.constant 256 : index
      %swap3A_65 = vector.load %arg7[%swap3A_63, %swap3A_64] : memref<1000x512xf32, #tpu.memory_space<vmem>>, vector<1000x128xf32>
      tpu.vector_store %arg7[%swap3A_63, %swap3A_64], %max3A_62 {strides = array<i32>} : memref<1000x512xf32, #tpu.memory_space<vmem>>, vector<1000x128xf32>,
      %get3A_66 = arith.constant 3 : index
      %get3A_67 = arith.constant 0 : index
      %get3A_68 = arith.constant 0 : index
      %get3A_69 = vector.load %arg2[%get3A_66, %get3A_67, %get3A_68] : memref<4x1000x128xf32, #tpu.memory_space<vmem>>, vector<1x1000x128xf32>
      %get3A_70 = vector.shape_cast %get3A_69 : vector<1x1000x128xf32> to vector<1000x128xf32>
      %mul3A_71 = vector.broadcast %get3A_1 : vector<1000x1xf32> to vector<1000x128xf32>
      %mul3A_72 = arith.mulf %get3A_70, %mul3A_71 : vector<1000x128xf32>
      %get3A_73 = arith.constant 0 : index
      %get3A_74 = arith.constant 384 : index
      %get3A_75 = vector.load %arg3[%get3A_73, %get3A_74] : memref<1x512xf32, #tpu.memory_space<vmem>>, vector<1x128xf32>
      %add3A_76 = vector.broadcast %get3A_75 : vector<1x128xf32> to vector<1000x128xf32>
      %add3A_77 = arith.addf %mul3A_72, %add3A_76 : vector<1000x128xf32>
      %max3A_78 = arith.constant 0.000000e+00 : f32
      %max3A_79 = vector.broadcast %max3A_78 : f32 to vector<1000x128xf32>
      %max3A_80 = arith.maximumf %add3A_77, %max3A_79 : vector<1000x128xf32>
      %swap3A_81 = arith.constant 0 : index
      %swap3A_82 = arith.constant 384 : index
      %swap3A_83 = vector.load %arg7[%swap3A_81, %swap3A_82] : memref<1000x512xf32, #tpu.memory_space<vmem>>, vector<1000x128xf32>
      tpu.vector_store %arg7[%swap3A_81, %swap3A_82], %max3A_80 {strides = array<i32>} : memref<1000x512xf32, #tpu.memory_space<vmem>>, vector<1000x128xf32>,
    } else {
    }
    %get3A_4 = arith.constant 0 : index
    %get3A_5 = arith.constant 0 : index
    %get3A_6 = vector.load %arg7[%get3A_4, %get3A_5] : memref<1000x512xf32, #tpu.memory_space<vmem>>, vector<1000x512xf32>
    %get3A_7 = arith.constant 0 : index
    %get3A_8 = arith.constant 0 : index
    %get3A_9 = vector.load %arg4[%get3A_7, %get3A_8] : memref<512x128xf32, #tpu.memory_space<vmem>>, vector<512x128xf32>
    %dot_general3A = arith.constant dense<0.000000e+00> : vector<1000x128xf32>
    %dot_general3A_10 = tpu.matmul %get3A_6, %get3A_9, %dot_general3A {dimension_numbers = #tpu.dot_dimension_numbers<[1], [0], [0], [1], [0, 0, 1, 1], [], []>, transpose_lhs_hint = false} : vector<1000x512xf32>, vector<512x128xf32>, vector<1000x128xf32> -> vector<1000x128xf32>
    %mul3A = vector.broadcast %get3A_1 : vector<1000x1xf32> to vector<1000x128xf32>
    %mul3A_11 = arith.mulf %dot_general3A_10, %mul3A : vector<1000x128xf32>
    %swap3A = arith.constant 0 : index
    %swap3A_12 = arith.constant 0 : index
    %swap3A_13 = vector.load %arg6[%swap3A, %swap3A_12] : memref<1000x128xf32, #tpu.memory_space<vmem>>, vector<1000x128xf32>
    tpu.vector_store %arg6[%swap3A, %swap3A_12], %mul3A_11 {strides = array<i32>} : memref<1000x128xf32, #tpu.memory_space<vmem>>, vector<1000x128xf32>,
    return
  }
  func.func @transform_0(%arg0: i32, %arg1: i32) -> (i32, i32, i32) {
    %c0_i32 = arith.constant 0 : i32
    %c0_i32_0 = arith.constant 0 : i32
    %c0_i32_1 = arith.constant 0 : i32
    return %c0_i32, %arg0, %c0_i32_0 : i32, i32, i32
  }
  func.func @transform_1(%arg0: i32, %arg1: i32) -> (i32, i32) {
    %c0_i32 = arith.constant 0 : i32
    %c0_i32_0 = arith.constant 0 : i32
    %c0_i32_1 = arith.constant 0 : i32
    return %c0_i32, %c0_i32_0 : i32, i32
  }
  func.func @transform_2(%arg0: i32, %arg1: i32) -> (i32, i32) {
    %c0_i32 = arith.constant 0 : i32
    %c0_i32_0 = arith.constant 0 : i32
    return %c0_i32, %arg1 : i32, i32
  }
  func.func @transform_3(%arg0: i32, %arg1: i32) -> (i32, i32) {
    %c0_i32 = arith.constant 0 : i32
    %c0_i32_0 = arith.constant 0 : i32
    return %arg0, %c0_i32 : i32, i32
  }
  func.func @transform_4(%arg0: i32, %arg1: i32) -> (i32, i32) {
    %mul3A = arith.constant 10 : i32
    %mul3A_0 = arith.muli %arg1, %mul3A : i32
    %add3A = arith.addi %mul3A_0, %arg0 : i32
    %c0_i32 = arith.constant 0 : i32
    %c0_i32_1 = arith.constant 0 : i32
    return %add3A, %c0_i32 : i32, i32
  }
}

module attributes {stable_mosaic.version = 14 : i64} {
  func.func @body(%arg0: i32, %arg1: i32, %arg2: memref<4x1000x128xf32, #tpu.memory_space<vmem>>, %arg3: memref<1x512xf32, #tpu.memory_space<vmem>>, %arg4: memref<512x128xf32, #tpu.memory_space<vmem>>, %arg5: memref<1000x1xf32, #tpu.memory_space<vmem>>, %arg6: memref<1000x128xf32, #tpu.memory_space<vmem>>, %arg7: memref<1000x512xf32, #tpu.memory_space<vmem>>) attributes {dimension_semantics = [#tpu.dimension_semantics<arbitrary>, #tpu.dimension_semantics<arbitrary>], iteration_bounds = array<i64: 10, 2>, scalar_prefetch = 0 : i64, scratch_operands = 1 : i64, tpu.core_type = #tpu.core_type<tc>, window_params = [{transform_indices = @transform_0, window_bounds = array<i64: 4, 1000, 128>}, {pipeline_mode = #tpu.pipeline_mode<synchronous>, transform_indices = @transform_1, window_bounds = array<i64: 1, 512>}, {transform_indices = @transform_2, window_bounds = array<i64: 512, 128>}, {transform_indices = @transform_3, window_bounds = array<i64: 1000, 1>}, {transform_indices = @transform_4, window_bounds = array<i64: 1000, 128>}]} {
    %get3A = arith.constant 0 : index
    %get3A_0 = arith.constant 0 : index
    %get3A_1 = vector.load %arg5[%get3A, %get3A_0] : memref<1000x1xf32, #tpu.memory_space<vmem>>, vector<1000x1xf32>
    %eq3A = arith.constant 0 : i32
    %eq3A_2 = arith.cmpi eq, %arg1, %eq3A : i32
    %convert_element_type3A = arith.extui %eq3A_2 : i1 to i32
    %cond3A = arith.constant 0 : i32
    %cond3A_3 = arith.cmpi ne, %convert_element_type3A, %cond3A : i32
    scf.if %cond3A_3 {
      %get3A_14 = arith.constant 0 : index
      %get3A_15 = arith.constant 0 : index
      %get3A_16 = arith.constant 0 : index
      %get3A_17 = vector.load %arg2[%get3A_14, %get3A_15, %get3A_16] : memref<4x1000x128xf32, #tpu.memory_space<vmem>>, vector<1x1000x128xf32>
      %get3A_18 = vector.shape_cast %get3A_17 : vector<1x1000x128xf32> to vector<1000x128xf32>
      %mul3A_19 = vector.broadcast %get3A_1 : vector<1000x1xf32> to vector<1000x128xf32>
      %mul3A_20 = arith.mulf %get3A_18, %mul3A_19 : vector<1000x128xf32>
      %get3A_21 = arith.constant 0 : index
      %get3A_22 = arith.constant 0 : index
      %get3A_23 = vector.load %arg3[%get3A_21, %get3A_22] : memref<1x512xf32, #tpu.memory_space<vmem>>, vector<1x128xf32>
      %add3A = vector.broadcast %get3A_23 : vector<1x128xf32> to vector<1000x128xf32>
      %add3A_24 = arith.addf %mul3A_20, %add3A : vector<1000x128xf32>
      %max3A = arith.constant 0.000000e+00 : f32
      %max3A_25 = vector.broadcast %max3A : f32 to vector<1000x128xf32>
      %max3A_26 = arith.maximumf %add3A_24, %max3A_25 : vector<1000x128xf32>
      %swap3A_27 = arith.constant 0 : index
      %swap3A_28 = arith.constant 0 : index
      %swap3A_29 = vector.load %arg7[%swap3A_27, %swap3A_28] : memref<1000x512xf32, #tpu.memory_space<vmem>>, vector<1000x128xf32>
      tpu.vector_store %arg7[%swap3A_27, %swap3A_28], %max3A_26 {strides = array<i32>} : memref<1000x512xf32, #tpu.memory_space<vmem>>, vector<1000x128xf32>,
      %get3A_30 = arith.constant 1 : index
      %get3A_31 = arith.constant 0 : index
      %get3A_32 = arith.constant 0 : index
      %get3A_33 = vector.load %arg2[%get3A_30, %get3A_31, %get3A_32] : memref<4x1000x128xf32, #tpu.memory_space<vmem>>, vector<1x1000x128xf32>
      %get3A_34 = vector.shape_cast %get3A_33 : vector<1x1000x128xf32> to vector<1000x128xf32>
      %mul3A_35 = vector.broadcast %get3A_1 : vector<1000x1xf32> to vector<1000x128xf32>
      %mul3A_36 = arith.mulf %get3A_34, %mul3A_35 : vector<1000x128xf32>
      %get3A_37 = arith.constant 0 : index
      %get3A_38 = arith.constant 128 : index
      %get3A_39 = vector.load %arg3[%get3A_37, %get3A_38] : memref<1x512xf32, #tpu.memory_space<vmem>>, vector<1x128xf32>
      %add3A_40 = vector.broadcast %get3A_39 : vector<1x128xf32> to vector<1000x128xf32>
      %add3A_41 = arith.addf %mul3A_36, %add3A_40 : vector<1000x128xf32>
      %max3A_42 = arith.constant 0.000000e+00 : f32
      %max3A_43 = vector.broadcast %max3A_42 : f32 to vector<1000x128xf32>
      %max3A_44 = arith.maximumf %add3A_41, %max3A_43 : vector<1000x128xf32>
      %swap3A_45 = arith.constant 0 : index
      %swap3A_46 = arith.constant 128 : index
      %swap3A_47 = vector.load %arg7[%swap3A_45, %swap3A_46] : memref<1000x512xf32, #tpu.memory_space<vmem>>, vector<1000x128xf32>
      tpu.vector_store %arg7[%swap3A_45, %swap3A_46], %max3A_44 {strides = array<i32>} : memref<1000x512xf32, #tpu.memory_space<vmem>>, vector<1000x128xf32>,
      %get3A_48 = arith.constant 2 : index
      %get3A_49 = arith.constant 0 : index
      %get3A_50 = arith.constant 0 : index
      %get3A_51 = vector.load %arg2[%get3A_48, %get3A_49, %get3A_50] : memref<4x1000x128xf32, #tpu.memory_space<vmem>>, vector<1x1000x128xf32>
      %get3A_52 = vector.shape_cast %get3A_51 : vector<1x1000x128xf32> to vector<1000x128xf32>
      %mul3A_53 = vector.broadcast %get3A_1 : vector<1000x1xf32> to vector<1000x128xf32>
      %mul3A_54 = arith.mulf %get3A_52, %mul3A_53 : vector<1000x128xf32>
      %get3A_55 = arith.constant 0 : index
      %get3A_56 = arith.constant 256 : index
      %get3A_57 = vector.load %arg3[%get3A_55, %get3A_56] : memref<1x512xf32, #tpu.memory_space<vmem>>, vector<1x128xf32>
      %add3A_58 = vector.broadcast %get3A_57 : vector<1x128xf32> to vector<1000x128xf32>
      %add3A_59 = arith.addf %mul3A_54, %add3A_58 : vector<1000x128xf32>
      %max3A_60 = arith.constant 0.000000e+00 : f32
      %max3A_61 = vector.broadcast %max3A_60 : f32 to vector<1000x128xf32>
      %max3A_62 = arith.maximumf %add3A_59, %max3A_61 : vector<1000x128xf32>
      %swap3A_63 = arith.constant 0 : index
      %swap3A_64 = arith.constant 256 : index
      %swap3A_65 = vector.load %arg7[%swap3A_63, %swap3A_64] : memref<1000x512xf32, #tpu.memory_space<vmem>>, vector<1000x128xf32>
      tpu.vector_store %arg7[%swap3A_63, %swap3A_64], %max3A_62 {strides = array<i32>} : memref<1000x512xf32, #tpu.memory_space<vmem>>, vector<1000x128xf32>,
      %get3A_66 = arith.constant 3 : index
      %get3A_67 = arith.constant 0 : index
      %get3A_68 = arith.constant 0 : index
      %get3A_69 = vector.load %arg2[%get3A_66, %get3A_67, %get3A_68] : memref<4x1000x128xf32, #tpu.memory_space<vmem>>, vector<1x1000x128xf32>
      %get3A_70 = vector.shape_cast %get3A_69 : vector<1x1000x128xf32> to vector<1000x128xf32>
      %mul3A_71 = vector.broadcast %get3A_1 : vector<1000x1xf32> to vector<1000x128xf32>
      %mul3A_72 = arith.mulf %get3A_70, %mul3A_71 : vector<1000x128xf32>
      %get3A_73 = arith.constant 0 : index
      %get3A_74 = arith.constant 384 : index
      %get3A_75 = vector.load %arg3[%get3A_73, %get3A_74] : memref<1x512xf32, #tpu.memory_space<vmem>>, vector<1x128xf32>
      %add3A_76 = vector.broadcast %get3A_75 : vector<1x128xf32> to vector<1000x128xf32>
      %add3A_77 = arith.addf %mul3A_72, %add3A_76 : vector<1000x128xf32>
      %max3A_78 = arith.constant 0.000000e+00 : f32
      %max3A_79 = vector.broadcast %max3A_78 : f32 to vector<1000x128xf32>
      %max3A_80 = arith.maximumf %add3A_77, %max3A_79 : vector<1000x128xf32>
      %swap3A_81 = arith.constant 0 : index
      %swap3A_82 = arith.constant 384 : index
      %swap3A_83 = vector.load %arg7[%swap3A_81, %swap3A_82] : memref<1000x512xf32, #tpu.memory_space<vmem>>, vector<1000x128xf32>
      tpu.vector_store %arg7[%swap3A_81, %swap3A_82], %max3A_80 {strides = array<i32>} : memref<1000x512xf32, #tpu.memory_space<vmem>>, vector<1000x128xf32>,
    } else {
    }
    %get3A_4 = arith.constant 0 : index
    %get3A_5 = arith.constant 0 : index
    %get3A_6 = vector.load %arg7[%get3A_4, %get3A_5] : memref<1000x512xf32, #tpu.memory_space<vmem>>, vector<1000x512xf32>
    %get3A_7 = arith.constant 0 : index
    %get3A_8 = arith.constant 0 : index
    %get3A_9 = vector.load %arg4[%get3A_7, %get3A_8] : memref<512x128xf32, #tpu.memory_space<vmem>>, vector<512x128xf32>
    %dot_general3A = arith.constant dense<0.000000e+00> : vector<1000x128xf32>
    %dot_general3A_10 = tpu.matmul %get3A_6, %get3A_9, %dot_general3A {dimension_numbers = #tpu.dot_dimension_numbers<[1], [0], [0], [1], [0, 0, 1, 1], [], []>, transpose_lhs_hint = false} : vector<1000x512xf32>, vector<512x128xf32>, vector<1000x128xf32> -> vector<1000x128xf32>
    %mul3A = vector.broadcast %get3A_1 : vector<1000x1xf32> to vector<1000x128xf32>
    %mul3A_11 = arith.mulf %dot_general3A_10, %mul3A : vector<1000x128xf32>
    %swap3A = arith.constant 0 : index
    %swap3A_12 = arith.constant 0 : index
    %swap3A_13 = vector.load %arg6[%swap3A, %swap3A_12] : memref<1000x128xf32, #tpu.memory_space<vmem>>, vector<1000x128xf32>
    tpu.vector_store %arg6[%swap3A, %swap3A_12], %mul3A_11 {strides = array<i32>} : memref<1000x128xf32, #tpu.memory_space<vmem>>, vector<1000x128xf32>,
    return
  }
  func.func @transform_0(%arg0: i32, %arg1: i32) -> (i32, i32, i32) {
    %c0_i32 = arith.constant 0 : i32
    %c0_i32_0 = arith.constant 0 : i32
    %c0_i32_1 = arith.constant 0 : i32
    return %c0_i32, %arg0, %c0_i32_0 : i32, i32, i32
  }
  func.func @transform_1(%arg0: i32, %arg1: i32) -> (i32, i32) {
    %c0_i32 = arith.constant 0 : i32
    %c0_i32_0 = arith.constant 0 : i32
    %c0_i32_1 = arith.constant 0 : i32
    return %c0_i32, %c0_i32_0 : i32, i32
  }
  func.func @transform_2(%arg0: i32, %arg1: i32) -> (i32, i32) {
    %c0_i32 = arith.constant 0 : i32
    %c0_i32_0 = arith.constant 0 : i32
    return %c0_i32, %arg1 : i32, i32
  }
  func.func @transform_3(%arg0: i32, %arg1: i32) -> (i32, i32) {
    %c0_i32 = arith.constant 0 : i32
    %c0_i32_0 = arith.constant 0 : i32
    return %arg0, %c0_i32 : i32, i32
  }
  func.func @transform_4(%arg0: i32, %arg1: i32) -> (i32, i32) {
    %mul3A = arith.constant 10 : i32
    %mul3A_0 = arith.muli %arg1, %mul3A : i32
    %add3A = arith.addi %mul3A_0, %arg0 : i32
    %c0_i32 = arith.constant 0 : i32
    %c0_i32_1 = arith.constant 0 : i32
    return %add3A, %c0_i32 : i32, i32
  }
}

module attributes {stable_mosaic.version = 14 : i64} {
  func.func @body(%arg0: i32, %arg1: i32, %arg2: memref<1000x128xf32, #tpu.memory_space<vmem>>, %arg3: memref<1x128xf32, #tpu.memory_space<vmem>>, %arg4: memref<1000x1xf32, #tpu.memory_space<vmem>>, %arg5: memref<1000x128xf32, #tpu.memory_space<vmem>>) attributes {dimension_semantics = [#tpu.dimension_semantics<arbitrary>, #tpu.dimension_semantics<arbitrary>], iteration_bounds = array<i64: 10, 2>, scalar_prefetch = 0 : i64, scratch_operands = 0 : i64, tpu.core_type = #tpu.core_type<tc>, window_params = [{transform_indices = @transform_0, window_bounds = array<i64: 1000, 128>}, {transform_indices = @transform_1, window_bounds = array<i64: 1, 128>}, {transform_indices = @transform_2, window_bounds = array<i64: 1000, 1>}, {transform_indices = @transform_3, window_bounds = array<i64: 1000, 128>}]} {
    %get3A = arith.constant 0 : index
    %get3A_0 = arith.constant 0 : index
    %get3A_1 = vector.load %arg2[%get3A, %get3A_0] : memref<1000x128xf32, #tpu.memory_space<vmem>>, vector<1000x128xf32>
    %get3A_2 = arith.constant 0 : index
    %get3A_3 = arith.constant 0 : index
    %get3A_4 = vector.load %arg4[%get3A_2, %get3A_3] : memref<1000x1xf32, #tpu.memory_space<vmem>>, vector<1000x1xf32>
    %mul3A = vector.broadcast %get3A_4 : vector<1000x1xf32> to vector<1000x128xf32>
    %mul3A_5 = arith.mulf %get3A_1, %mul3A : vector<1000x128xf32>
    %get3A_6 = arith.constant 0 : index
    %get3A_7 = arith.constant 0 : index
    %get3A_8 = vector.load %arg3[%get3A_6, %get3A_7] : memref<1x128xf32, #tpu.memory_space<vmem>>, vector<1x128xf32>
    %add3A = vector.broadcast %get3A_8 : vector<1x128xf32> to vector<1000x128xf32>
    %add3A_9 = arith.addf %mul3A_5, %add3A : vector<1000x128xf32>
    %max3A = arith.constant 0.000000e+00 : f32
    %max3A_10 = vector.broadcast %max3A : f32 to vector<1000x128xf32>
    %max3A_11 = arith.maximumf %add3A_9, %max3A_10 : vector<1000x128xf32>
    %swap3A = arith.constant 0 : index
    %swap3A_12 = arith.constant 0 : index
    %swap3A_13 = vector.load %arg5[%swap3A, %swap3A_12] : memref<1000x128xf32, #tpu.memory_space<vmem>>, vector<1000x128xf32>
    tpu.vector_store %arg5[%swap3A, %swap3A_12], %max3A_11 {strides = array<i32>} : memref<1000x128xf32, #tpu.memory_space<vmem>>, vector<1000x128xf32>,
    return
  }
  func.func @transform_0(%arg0: i32, %arg1: i32) -> (i32, i32) {
    %mul3A = arith.constant 10 : i32
    %mul3A_0 = arith.muli %arg1, %mul3A : i32
    %add3A = arith.addi %mul3A_0, %arg0 : i32
    %c0_i32 = arith.constant 0 : i32
    %c0_i32_1 = arith.constant 0 : i32
    return %add3A, %c0_i32 : i32, i32
  }
  func.func @transform_1(%arg0: i32, %arg1: i32) -> (i32, i32) {
    %c0_i32 = arith.constant 0 : i32
    %c0_i32_0 = arith.constant 0 : i32
    return %c0_i32, %arg1 : i32, i32
  }
  func.func @transform_2(%arg0: i32, %arg1: i32) -> (i32, i32) {
    %c0_i32 = arith.constant 0 : i32
    %c0_i32_0 = arith.constant 0 : i32
    return %arg0, %c0_i32 : i32, i32
  }
  func.func @transform_3(%arg0: i32, %arg1: i32) -> (i32, i32) {
    %c0_i32 = arith.constant 0 : i32
    return %arg0, %arg1 : i32, i32
  }
}

</mosaic_0001>

<sc_bundles>
// kernel: kernel.11.cloned.1.call-start
scs
__scs_entry_jumppad:
0x0: {  	(pc) =	sbr.rel $0x88, $3  }
0x1: {  	(tag) =	ssettag $0x0;
	lr =	simm.s32 $0x1  }
0x2: {  	[smem:$0x3F99] =	sst lr;
	_ =	strace $0xD0000000  }
0x3: {  	_ = 	snop  }
0x4: {  	_ = 	snop  }
0x5: {  	_ = 	snop  }
0x6: {  	_ = 	snop  }
0x7: {  	_ = 	snop  }
__scs_overlays_trampoline_lowered:
0x8: {  	[smem:$0x3FA8] =	sst s0  }
0x9: {  	[smem:$0x3FA9] =	sst s1  }
0xa: {  	[smem:$0x3FAA] =	sst s2  }
0xb: {  	[smem:$0x3FAB] =	sst s3  }
0xc: {  	[smem:$0x3FAC] =	sst s4  }
0xd: {  	[smem:$0x3FAD] =	sst s5  }
0xe: {  	[smem:$0x3FAE] =	sst s6  }
0xf: {  	[smem:$0x3FAF] =	sst s7  }
0x10: {  	[smem:$0x3FB0] =	sst s8  }
0x11: {  	[smem:$0x3FB1] =	sst s9;
	s0 =	simm.s32 @!p0 $0x0  }
0x12: {  	s1 =	sld [smem:$0x3F97];
	s0 =	simm.s32 @p0 $0x1  }
0x13: {  	[smem:$0x3FB2] =	sst s0;
	s0 =	simm.s32 @!p1 $0x0  }
0x14: {  	s2 =	sld [smem:$0x3F96];
	s0 =	simm.s32 @p1 $0x1  }
0x15: {  	[smem:$0x3FB3] =	sst s0;
	s0 =	simm.s32 @!p2 $0x0  }
0x16: {  	s3 =	sld [smem:$0x3FDB];
	s0 =	simm.s32 @p2 $0x1  }
0x17: {  	s4 =	simm.s32 $0x1BF5;
	[smem:$0x3FB5] =	sst s0  }
0x18: {  	s0 =	sld [smem:$0x3F98];
	_ =	swait.ge [sflag:s4], $0x0  }
0x19: {  	s7 =	sld [smem:$0x3F99]  }
0x1a: {  	s8 =	sadd.s32 $0xFFFFE003, lr  }
0x1b: {  	s9 =	sadd.s32 $0xFFFFFEF7, lr;
	s5 =	simm.s32 $0xFFFFFFFF;
	p2 =	slt.u32 s8, $0xFFFFF086  }
0x1c: {  	p1 =	slt.u32 s9, $0xF7A;
	s5 =	simm.s32 @!p2 $0x0  }
0x1d: {  	s5 =	simm.s32 @p1 $0x1;
	p0 =	seq.s32 s7, s2  }
0x1e: {  	s7 =	smul.u32 @!p0 $0xF7A, s2;
	p2 =	seq.s32 @!p0 s5, $0x0  }
0x1f: {  	s9 =	smul.u32 $0xF7A, s1;
	s8 =	simm.s32 @!p0 $0x1BF5;
	p2 =	por !p2, p0  }
0x20: {  	[sflag:s8] =	ssyncset.s32 @!p0 $0xFFFFF086;
	s6 =	sadd.s32 @!p0 s3, s7;
	s7 =	simm.s32 @!p0 $0x108  }
0x21: {  	s3 =	sadd.s32 s3, s9;
	s6 =	sadd.s32 @!p0 $0x88, s6;
	s7 =	simm.s32 @p2 $0x1082  }
0x22: {  	[simem:s7], [sflag:s8] =	dma.local @!p0 [hbm:s6], $0xF7A  }
0x23: {  	s9 =	sor.u32 $0xD0000000, s2;
	s6 =	simm.s32 $0x108;
	_ =	swait.ge @!p0 [sflag:s8], $0x0  }
0x24: {  	s3 =	sadd.s32 $0x88, s3;
	s6 =	simm.s32 @!p1 $0x1082;
	[sflag:s4] =	ssyncset.s32 $0xFFFFF086  }
0x25: {  	[simem:s6], [sflag:s4] =	dma.local [hbm:s3], $0xF7A  }
0x26: {  	[smem:$0x3F99] =	sst s1;
	(tag) =	ssettag s2;
	_ =	strace s9  }
0x27: {  	s1 =	sld [smem:$0x3FA9]  }
0x28: {  	s2 =	sld [smem:$0x3FAA]  }
0x29: {  	s4 =	sld [smem:$0x3FAC]  }
0x2a: {  	p0 =	seq.s32 s5, $0x0;
	s5 =	sld [smem:$0x3FAD]  }
0x2b: {  	s6 =	sld [smem:$0x3FAE]  }
0x2c: {  	s7 =	sld [smem:$0x3FAF]  }
0x2d: {  	s3 =	simm.s32 $0x108;
	s8 =	sld [smem:$0x3FB0]  }
0x2e: {  	s3 =	simm.s32 @!p0 $0x1082;
	s9 =	sld [smem:$0x3FB1]  }
0x2f: {  	lr =	sadd.s32 s0, s3;
	s0 =	sld [smem:$0x3FA8]  }
0x30: {  	s3 =	sld [smem:$0x3FAB]  }
0x31: {  	[smem:$0x3FB4] =	sst s10  }
0x32: {  	s10 =	sld [smem:$0x3FB2];
	_ =	sdelay $0x3  }
0x33: {  	p0 =	seq.s32 s10, $0x1;
	s10 =	sld [smem:$0x3FB4];
	_ =	sdelay $0x3  }
0x34: {  	[smem:$0x3FB4] =	sst s10  }
0x35: {  	s10 =	sld [smem:$0x3FB3];
	_ =	sdelay $0x3  }
0x36: {  	p1 =	seq.s32 s10, $0x1;
	s10 =	sld [smem:$0x3FB4];
	_ =	sdelay $0x3  }
0x37: {  	[smem:$0x3FB4] =	sst s10  }
0x38: {  	s10 =	sld [smem:$0x3FB5]  }
0x39: {  	_ = 	snop;
	(pc) =	sbr.ind lr, $3  }
0x3a: {  	_ = 	snop  }
0x3b: {  	_ = 	snop  }
0x3c: {  	p2 =	seq.s32 s10, $0x1;
	s10 =	sld [smem:$0x3FB4]  }
0x3d: {  	_ =	shalt  }
0x3e: {  	_ =	shalt  }
0x3f: {  	_ =	shalt  }
0x40: {  	_ =	shalt  }
0x41: {  	_ =	shalt  }
0x42: {  	_ =	shalt  }
0x43: {  	_ =	shalt  }
0x44: {  	_ =	shalt  }
0x45: {  	_ =	shalt  }
0x46: {  	_ =	shalt  }
0x47: {  	_ =	shalt  }
0x48: {  	_ =	shalt  }
0x49: {  	_ =	shalt  }
0x4a: {  	_ =	shalt  }
0x4b: {  	_ =	shalt  }
0x4c: {  	_ =	shalt  }
0x4d: {  	_ =	shalt  }
0x4e: {  	_ =	shalt  }
0x4f: {  	_ =	shalt  }
0x50: {  	_ =	shalt  }
0x51: {  	_ =	shalt  }
0x52: {  	_ =	shalt  }
0x53: {  	_ =	shalt  }
0x54: {  	_ =	shalt  }
0x55: {  	_ =	shalt  }
0x56: {  	_ =	shalt  }
0x57: {  	_ =	shalt  }
0x58: {  	_ =	shalt  }
0x59: {  	_ =	shalt  }
0x5a: {  	_ =	shalt  }
0x5b: {  	_ =	shalt  }
0x5c: {  	_ =	shalt  }
0x5d: {  	_ =	shalt  }
0x5e: {  	_ =	shalt  }
0x5f: {  	_ =	shalt  }
0x60: {  	_ =	shalt  }
0x61: {  	_ =	shalt  }
0x62: {  	_ =	shalt  }
0x63: {  	_ =	shalt  }
0x64: {  	_ =	shalt  }
0x65: {  	_ =	shalt  }
0x66: {  	_ =	shalt  }
0x67: {  	_ =	shalt  }
0x68: {  	_ =	shalt  }
0x69: {  	_ =	shalt  }
0x6a: {  	_ =	shalt  }
0x6b: {  	_ =	shalt  }
0x6c: {  	_ =	shalt  }
0x6d: {  	_ =	shalt  }
0x6e: {  	_ =	shalt  }
0x6f: {  	_ =	shalt  }
0x70: {  	_ =	shalt  }
0x71: {  	_ =	shalt  }
0x72: {  	_ =	shalt  }
0x73: {  	_ =	shalt  }
0x74: {  	_ =	shalt  }
0x75: {  	_ =	shalt  }
0x76: {  	_ =	shalt  }
0x77: {  	_ =	shalt  }
0x78: {  	_ =	shalt  }
0x79: {  	_ =	shalt  }
0x7a: {  	_ =	shalt  }
0x7b: {  	_ =	shalt  }
0x7c: {  	_ =	shalt  }
0x7d: {  	_ =	shalt  }
0x7e: {  	_ =	shalt  }
0x7f: {  	_ =	shalt  }
0x80: {  	_ =	shalt  }
0x81: {  	_ =	shalt  }
0x82: {  	_ =	shalt  }
0x83: {  	_ =	shalt  }
0x84: {  	_ =	shalt  }
0x85: {  	_ =	shalt  }
0x86: {  	_ =	shalt  }
0x87: {  	_ =	shalt  }
.Lfunc_end0:
.L_simem_size_0:
called_computation_lowered:
.L_overlay_start_0:
0x88: {  	s2 =	sld [smem:$0x3FD9]  }
0x89: {  	s3 =	sld [smem:$0x3FFE];
	_ =	sdelay $0x1  }
0x8a: {  	s1 =	srdreg.scid  }
0x8b: {  	s0 =	sand.u32 $0x1, s1  }
0x8c: {  	s17 =	sshll.u32 s0, $0xA;
	s2 =	sadd.s32 s3, s2  }
0x8d: {  	s2 =	sadd.s32 s2, s17  }
0x8e: {  	[smem:$0x3FC0] =	sst s2  }
0x8f: {  	_ = 	snop  }
0x90: {  	s2 =	sld [smem:$0x3FD0];
	(tm) =	ssettm $0x1  }
0x91: {  	s18 =	sld [smem:$0x3FFB];
	_ =	sdelay $0x3  }
0x92: {  	_ =	strace s18  }
0x93: {  	s3 =	sld [smem:$0x3FFC];
	_ =	sdelay $0x3  }
0x94: {  	_ =	strace s3  }
0x95: {  	s3 =	sld [smem:$0x3FFD];
	_ =	sdelay $0x3  }
0x96: {  	_ =	strace s3  }
0x97: {  	_ =	strace $0x8FFFFFFF  }
0x98: {  	s19 =	sld [smem:$0x3FDB];
	_ =	sdelay $0x1  }
0x99: {  	s4 =	simm.s32 $_scs_section_size  }
0x9a: {  	s5 =	simm.s32 $_size__tile_overlayer_lowered;
	s6 =	simm.s32 $_tile_overlayer_lowered  }
0x9b: {  	s22 =	simm.s32 $0x1BFF;
	s21 =	sshll.u32 s6, $0x1;
	s3 =	sadd.s32 s4, s19  }
0x9c: {  	s7 =	simm.s32 $0x0;
	s20 =	sshll.u32 s5, $0x1;
	s5 =	sadd.s32 s21, s3  }
0x9d: {  	[timem:s7], [sflag:s22] =	dma.local [hbm:s5], s20  }
0x9e: {  	_ =	swait.ge [sflag:s22], s20  }
0x9f: {  	s4 =	ssub.s32 $0x0, s20;
	[sflag:s22] =	ssyncset.done $0x0  }
0xa0: {  	[sflag:s22] =	ssyncadd.s32 s4;
	_ =	sdelay $0x1  }
0xa1: {  	s23 =	simm.s32 $0x1B8B  }
0xa2: {  	_ =	swait.ge [sflag:s23], $0x1  }
0xa3: {  	[sflag:s23] =	ssyncset.done $0x0  }
0xa4: {  	s25 =	simm.s32 $0x1B8E;
	s24 =	sld [smem:$0x3FFE];
	[sflag:s23] =	ssyncadd.s32 $0xFFFFFFFF  }
0xa5: {  	s26 =	simm.s32 $execute0_lowered;
	[smem:$0x3FD2] =	sst s25  }
0xa6: {  	s5 =	sshll.u32 s26, $0x1;
	_ =	strace $0x80000046;
	[dreg:$0x1] =	wrdreg $0xFFFFFFFF  }
0xa7: {  	s28 =	simm.s32 $_size_execute0_lowered;
	s3 =	sadd.s32 s3, s5;
	[dreg:$0x0] =	wrdreg $0x0  }
0xa8: {  	s5 =	sshll.u32 s28, $0x1;
	[dreg:$0x2] =	wrdreg s3  }
0xa9: {  	[dreg:$0x3] =	wrdreg s5  }
0xaa: {  	[dreg:$0x4] =	wrdreg $0xC0  }
0xab: {  	_ =	task [dreg:s7], $0x5FFFF  }
0xac: {  	[dreg:$0x1] =	wrdreg $0xFFFFFFFF  }
0xad: {  	[dreg:$0x0] =	wrdreg $0x60  }
0xae: {  	[dreg:$0x2] =	wrdreg s24  }
0xaf: {  	[dreg:$0x3] =	wrdreg s2  }
0xb0: {  	[dreg:$0x4] =	wrdreg $0x9  }
0xb1: {  	_ =	task.clear_ibuf [dreg:s7], $0x5FFFF;
	_ =	strace $0x90000046  }
0xb2: {  	s29 =	simm.s32 $0x9;
	_ =	strace $0x80000048  }
0xb3: {  	_ =	swait.ge [sflag:s29], $0x1  }
0xb4: {  	[sflag:s29] =	ssyncadd.s32 $0xFFFFFFFF  }
0xb5: {  	_ =	strace $0x90000048  }
0xb6: {  	_ =	sfence  }
0xb7: {  	s30 =	sld [smem:$0x0];
	_ =	sdelay $0x2  }
0xb8: {  	s31 =	sshll.u32 s1, $0xD;
	s1 =	sshrl.u32 s1, $0x2  }
0xb9: {  	s3 =	sand.u32 $0x4000, s31;
	s1 =	sadd.s32 s1, s30  }
0xba: {  	s0 =	sor.u32 s3, s0;
	s1 =	sshll.u32 s1, $0x11  }
0xbb: {  	s0 =	sor.u32 s1, s0  }
0xbc: {  	s0 =	sadd.s32 $0x8F2B, s0  }
0xbd: {  	[sflag:s0] =	ssyncadd.remote.s32 $0x1  }
0xbe: {  	_ =	sfence.sel $0xFFFF  }
0xbf: {  	[dreg:$0x0] =	wrdreg $0xFFFFFFFF;
	(pc) =	sbr.abs _section_cstart, $3  }
0xc0: {  	[dreg:$0x1] =	wrdreg $0xFFFFFFFF  }
0xc1: {  	_ =	task.clear_ibuf [dreg:s7], $0x2FFFF;
	_ =	strace $0x9FFFFFFF  }
0xc2: {  	(tm) =	ssettm $0x7FFFFFFF  }
0xc3: {  	_ =	shalt  }
tec
execute0_lowered:
.L_overlay_start_1:
0x0: {  	(tag) =	ssettag $0x1  }
0x1: {  	s3 =	rddreg [dreg:$0x0]  }
0x2: {  	s1 =	srdreg.scid;
	s0 =	stileid.u32  }
0x3: {  	s4 =	rddreg [dreg:$0x1];
	s5 =	sand.u32 $0x1, s1;
	s2 =	sshll.u32 s0, $0x1  }
0x4: {  	s1 =	rddreg [dreg:$0x2];
	s6 =	sor.u32 s5, s2  }
0x5: {  	s2 =	simm.s32 $0x0;
	s5 =	ssub.s32 $0x2, s5;
	s7 =	smul.u32 $0x271, s6  }
0x6: {  	[smem:$0x7FF] =	sst s2;
	s8 =	sshrl.u32 s5, $0x1;
	s6 =	smul.u32 $0x500, s6  }
0x7: {  	_ =	strace $0x80000047;
	s5 =	ssub.s32 s5, s8;
	s8 =	simm.s32 $0x0  }
0x8: {  	s3 =	sadd.s32 s7, s3;
	s4 =	sadd.s32 s4, s6;
	s5 =	smax.u32 s5, $0x1  }
0x9: {  	v0 =	vimm.f32 $0.0e+00;
	v1 =	vimm.f32 $1.000000000e+00;
	s6 =	simm.s32 $0x1;
	s7 =	simm.s32 $0x1400;
	s3 =	sadd.s32 $0x6C00, s3  }
.LBB2_1:
0xa: {  	s9 =	simm.s32 $0x70;
	s10 =	simm.s32 $0x3C0  }
.LBB2_2:
0xb: {  	p0 =	sne.s32 s10, $0x9FC0;
	[tilespmem:s9+$0x1400] =	vst v0  }
0xc: {  	[tilespmem:s9+$0x1390] =	vst v0  }
0xd: {  	[tilespmem:s9+$0x13A0] =	vst v0  }
.Ltmp0:
0xe: {  	[tilespmem:s9+$0x13B0] =	vst v0;
	(pc) =	sbr.rel @p0 .LBB2_2-.Ltmp0, $4  }
0xf: {  	[tilespmem:s9+$0x13C0] =	vst v0  }
0x10: {  	[tilespmem:s9+$0x13D0] =	vst v0  }
0x11: {  	[tilespmem:s9+$0x13E0] =	vst v0  }
0x12: {  	[tilespmem:s9+$0x13F0] =	vst v0;
	s9 =	sshra.s32 s10, $0x2;
	s10 =	sadd.s32 $0x200, s10  }
0x13: {  	[tilespmem:s9+$0x1400] =	vst v0  }
0x14: {  	[tilespmem:s9+$0x1390] =	vst v0  }
0x15: {  	[tilespmem:s9+$0x13A0] =	vst v0  }
0x16: {  	[tilespmem:s9+$0x13B0] =	vst v0  }
0x17: {  	[tilespmem:s9+$0x13C0] =	vst v0  }
0x18: {  	[tilespmem:s9+$0x13D0] =	vst v0  }
0x19: {  	[tilespmem:s9+$0x13E0] =	vst v0  }
0x1a: {  	[tilespmem:s9+$0x13F0] =	vst v0;
	s31 =	simm.s32 $0x0  }
0x1b: {  	[tilespmem:s31], [sflag:$0x1] =	stream.linear.gather [hbm4b:s3+s31], $0x1388, $0x38;
	[tilespmem:$0x3C00] =	vst v63  }
0x1c: {  	_ =	swait.ge [sflag:s6], $0x1388  }
0x1d: {  	[sflag:s6] =	ssyncset.done $0x0  }
0x1e: {  	s10 =	simm.s32 $0x0;
	s9 =	simm.s32 $0x40;
	[sflag:s6] =	ssyncadd.s32 $0xFFFFEC78  }
.LBB2_4:
0x1f: {  	p0 =	sne.s32 s9, $0x4DC0;
	v2 =	vld [tilespmem:s10+$0x0];
	_ =	sdelay $0x3  }
.Ltmp1:
0x20: {  	(pc) =	sbr.rel @p0 .LBB2_4-.Ltmp1, $2  }
0x21: {  	_ =	sdelay $0x2  }
0x22: {  	s10 =	sshra.s32 s9, $0x2;
	s9 =	sadd.s32 $0x40, s9;
	[tilespmem:v2+s7+$0x0] =	vst.idx.add.f32.msk $0xffff, v1  }
0x23: {  	v2 =	vld [tilespmem:s10+$0x0];
	_ =	sdelay $0x7  }
0x24: {  	[tilespmem:v2+s7+$0x0] =	vst.idx.add.f32.msk $0xffff, v1  }
0x25: {  	v2 =	vld [tilespmem:$0x1380];
	_ =	sdelay $0x5  }
0x26: {  	s8 =	sadd.s32 $0x1, s8  }
0x27: {  	p0 =	sne.s32 s8, s5  }
.Ltmp2:
0x28: {  	[tilespmem:v2+s7+$0x0] =	vst.idx.add.f32.msk $0xff, v1;
	(pc) =	sbr.rel @p0 .LBB2_1-.Ltmp2, $4  }
0x29: {  	[hbm4b:s4+s2] =	stream.linear.scatter [tilespmem:s7], [sflag:$0x1], $0x2800, $0x38;
	[tilespmem:$0x3C00] =	vst v63  }
0x2a: {  	_ =	swait.ge [sflag:s6], $0x2800  }
0x2b: {  	[sflag:s6] =	ssyncset.done $0x0  }
0x2c: {  	[sflag:s6] =	ssyncadd.s32 $0xFFFFD800  }
0x2d: {  	_ =	sfence.sel $0x180000  }
0x2e: {  	[bflag:$0x0] =	sbarrier.arrive $0xFFFF  }
0x2f: {  	p0 =	sne.s32 s0, $0x0;
	_ =	strace $0x90000047  }
0x30: {  	s0 =	sadd.s32 @!p0 $0x100000, s1;
	[bflag:$0x2] =	sbarrier.arrive $0xFFFF  }
0x31: {  	[sflag:s0] =	ssyncadd.tile.s32 @!p0 $0x1;
	_ =	shalt  }
.Lfunc_end2:
_tile_overlayer_lowered:
.L_overlay_start_2:
0x32: {  	(tag) =	ssettag $0x2  }
0x33: {  	s0 =	rddreg [dreg:$0x0];
	s2 =	stileid.u32  }
0x34: {  	s1 =	rddreg [dreg:$0x1];
	p0 =	sne.s32 s2, $0x0  }
0x35: {  	s3 =	rddreg [dreg:$0x2];
	[bflag:$0x3] =	sbarrier.arrive $0xFFFF;
	s2 =	simm.s32 @!p0 $0x1C01  }
0x36: {  	[timem:s3], [sflag:s2] =	dma.local @!p0 [hbm:s0], s1  }
0x37: {  	s0 =	simm.s32 @!p0 $0x1  }
0x38: {  	_ =	swait.ge @!p0 [sflag:s0], s1  }
0x39: {  	s1 =	ssub.s32 @!p0 $0x0, s1;
	[sflag:s0] =	ssyncset.done @!p0 $0x0  }
0x3a: {  	[sflag:s0] =	ssyncadd.s32 @!p0 s1  }
0x3b: {  	[bflag:$0x3] =	sbarrier.arrive $0xFFFF  }
0x3c: {  	_ =	shalt  }

// kernel: kernel.14.cloned.1.call-start
scs
__scs_entry_jumppad:
0x0: {  	(pc) =	sbr.rel $0x88, $3  }
0x1: {  	(tag) =	ssettag $0x0;
	lr =	simm.s32 $0x1  }
0x2: {  	[smem:$0x3F99] =	sst lr;
	_ =	strace $0xD0000000  }
0x3: {  	_ = 	snop  }
0x4: {  	_ = 	snop  }
0x5: {  	_ = 	snop  }
0x6: {  	_ = 	snop  }
0x7: {  	_ = 	snop  }
__scs_overlays_trampoline_lowered:
0x8: {  	[smem:$0x3FA8] =	sst s0  }
0x9: {  	[smem:$0x3FA9] =	sst s1  }
0xa: {  	[smem:$0x3FAA] =	sst s2  }
0xb: {  	[smem:$0x3FAB] =	sst s3  }
0xc: {  	[smem:$0x3FAC] =	sst s4  }
0xd: {  	[smem:$0x3FAD] =	sst s5  }
0xe: {  	[smem:$0x3FAE] =	sst s6  }
0xf: {  	[smem:$0x3FAF] =	sst s7  }
0x10: {  	[smem:$0x3FB0] =	sst s8  }
0x11: {  	[smem:$0x3FB1] =	sst s9;
	s0 =	simm.s32 @!p0 $0x0  }
0x12: {  	s1 =	sld [smem:$0x3F97];
	s0 =	simm.s32 @p0 $0x1  }
0x13: {  	[smem:$0x3FB2] =	sst s0;
	s0 =	simm.s32 @!p1 $0x0  }
0x14: {  	s2 =	sld [smem:$0x3F96];
	s0 =	simm.s32 @p1 $0x1  }
0x15: {  	[smem:$0x3FB3] =	sst s0;
	s0 =	simm.s32 @!p2 $0x0  }
0x16: {  	s3 =	sld [smem:$0x3FDB];
	s0 =	simm.s32 @p2 $0x1  }
0x17: {  	s4 =	simm.s32 $0x1BF5;
	[smem:$0x3FB5] =	sst s0  }
0x18: {  	s0 =	sld [smem:$0x3F98];
	_ =	swait.ge [sflag:s4], $0x0  }
0x19: {  	s7 =	sld [smem:$0x3F99]  }
0x1a: {  	s8 =	sadd.s32 $0xFFFFE003, lr  }
0x1b: {  	s9 =	sadd.s32 $0xFFFFFEF7, lr;
	s5 =	simm.s32 $0xFFFFFFFF;
	p2 =	slt.u32 s8, $0xFFFFF086  }
0x1c: {  	p1 =	slt.u32 s9, $0xF7A;
	s5 =	simm.s32 @!p2 $0x0  }
0x1d: {  	s5 =	simm.s32 @p1 $0x1;
	p0 =	seq.s32 s7, s2  }
0x1e: {  	s7 =	smul.u32 @!p0 $0xF7A, s2;
	p2 =	seq.s32 @!p0 s5, $0x0  }
0x1f: {  	s9 =	smul.u32 $0xF7A, s1;
	s8 =	simm.s32 @!p0 $0x1BF5;
	p2 =	por !p2, p0  }
0x20: {  	[sflag:s8] =	ssyncset.s32 @!p0 $0xFFFFF086;
	s6 =	sadd.s32 @!p0 s3, s7;
	s7 =	simm.s32 @!p0 $0x108  }
0x21: {  	s3 =	sadd.s32 s3, s9;
	s6 =	sadd.s32 @!p0 $0x88, s6;
	s7 =	simm.s32 @p2 $0x1082  }
0x22: {  	[simem:s7], [sflag:s8] =	dma.local @!p0 [hbm:s6], $0xF7A  }
0x23: {  	s9 =	sor.u32 $0xD0000000, s2;
	s6 =	simm.s32 $0x108;
	_ =	swait.ge @!p0 [sflag:s8], $0x0  }
0x24: {  	s3 =	sadd.s32 $0x88, s3;
	s6 =	simm.s32 @!p1 $0x1082;
	[sflag:s4] =	ssyncset.s32 $0xFFFFF086  }
0x25: {  	[simem:s6], [sflag:s4] =	dma.local [hbm:s3], $0xF7A  }
0x26: {  	[smem:$0x3F99] =	sst s1;
	(tag) =	ssettag s2;
	_ =	strace s9  }
0x27: {  	s1 =	sld [smem:$0x3FA9]  }
0x28: {  	s2 =	sld [smem:$0x3FAA]  }
0x29: {  	s4 =	sld [smem:$0x3FAC]  }
0x2a: {  	p0 =	seq.s32 s5, $0x0;
	s5 =	sld [smem:$0x3FAD]  }
0x2b: {  	s6 =	sld [smem:$0x3FAE]  }
0x2c: {  	s7 =	sld [smem:$0x3FAF]  }
0x2d: {  	s3 =	simm.s32 $0x108;
	s8 =	sld [smem:$0x3FB0]  }
0x2e: {  	s3 =	simm.s32 @!p0 $0x1082;
	s9 =	sld [smem:$0x3FB1]  }
0x2f: {  	lr =	sadd.s32 s0, s3;
	s0 =	sld [smem:$0x3FA8]  }
0x30: {  	s3 =	sld [smem:$0x3FAB]  }
0x31: {  	[smem:$0x3FB4] =	sst s10  }
0x32: {  	s10 =	sld [smem:$0x3FB2];
	_ =	sdelay $0x3  }
0x33: {  	p0 =	seq.s32 s10, $0x1;
	s10 =	sld [smem:$0x3FB4];
	_ =	sdelay $0x3  }
0x34: {  	[smem:$0x3FB4] =	sst s10  }
0x35: {  	s10 =	sld [smem:$0x3FB3];
	_ =	sdelay $0x3  }
0x36: {  	p1 =	seq.s32 s10, $0x1;
	s10 =	sld [smem:$0x3FB4];
	_ =	sdelay $0x3  }
0x37: {  	[smem:$0x3FB4] =	sst s10  }
0x38: {  	s10 =	sld [smem:$0x3FB5]  }
0x39: {  	_ = 	snop;
	(pc) =	sbr.ind lr, $3  }
0x3a: {  	_ = 	snop  }
0x3b: {  	_ = 	snop  }
0x3c: {  	p2 =	seq.s32 s10, $0x1;
	s10 =	sld [smem:$0x3FB4]  }
0x3d: {  	_ =	shalt  }
0x3e: {  	_ =	shalt  }
0x3f: {  	_ =	shalt  }
0x40: {  	_ =	shalt  }
0x41: {  	_ =	shalt  }
0x42: {  	_ =	shalt  }
0x43: {  	_ =	shalt  }
0x44: {  	_ =	shalt  }
0x45: {  	_ =	shalt  }
0x46: {  	_ =	shalt  }
0x47: {  	_ =	shalt  }
0x48: {  	_ =	shalt  }
0x49: {  	_ =	shalt  }
0x4a: {  	_ =	shalt  }
0x4b: {  	_ =	shalt  }
0x4c: {  	_ =	shalt  }
0x4d: {  	_ =	shalt  }
0x4e: {  	_ =	shalt  }
0x4f: {  	_ =	shalt  }
0x50: {  	_ =	shalt  }
0x51: {  	_ =	shalt  }
0x52: {  	_ =	shalt  }
0x53: {  	_ =	shalt  }
0x54: {  	_ =	shalt  }
0x55: {  	_ =	shalt  }
0x56: {  	_ =	shalt  }
0x57: {  	_ =	shalt  }
0x58: {  	_ =	shalt  }
0x59: {  	_ =	shalt  }
0x5a: {  	_ =	shalt  }
0x5b: {  	_ =	shalt  }
0x5c: {  	_ =	shalt  }
0x5d: {  	_ =	shalt  }
0x5e: {  	_ =	shalt  }
0x5f: {  	_ =	shalt  }
0x60: {  	_ =	shalt  }
0x61: {  	_ =	shalt  }
0x62: {  	_ =	shalt  }
0x63: {  	_ =	shalt  }
0x64: {  	_ =	shalt  }
0x65: {  	_ =	shalt  }
0x66: {  	_ =	shalt  }
0x67: {  	_ =	shalt  }
0x68: {  	_ =	shalt  }
0x69: {  	_ =	shalt  }
0x6a: {  	_ =	shalt  }
0x6b: {  	_ =	shalt  }
0x6c: {  	_ =	shalt  }
0x6d: {  	_ =	shalt  }
0x6e: {  	_ =	shalt  }
0x6f: {  	_ =	shalt  }
0x70: {  	_ =	shalt  }
0x71: {  	_ =	shalt  }
0x72: {  	_ =	shalt  }
0x73: {  	_ =	shalt  }
0x74: {  	_ =	shalt  }
0x75: {  	_ =	shalt  }
0x76: {  	_ =	shalt  }
0x77: {  	_ =	shalt  }
0x78: {  	_ =	shalt  }
0x79: {  	_ =	shalt  }
0x7a: {  	_ =	shalt  }
0x7b: {  	_ =	shalt  }
0x7c: {  	_ =	shalt  }
0x7d: {  	_ =	shalt  }
0x7e: {  	_ =	shalt  }
0x7f: {  	_ =	shalt  }
0x80: {  	_ =	shalt  }
0x81: {  	_ =	shalt  }
0x82: {  	_ =	shalt  }
0x83: {  	_ =	shalt  }
0x84: {  	_ =	shalt  }
0x85: {  	_ =	shalt  }
0x86: {  	_ =	shalt  }
0x87: {  	_ =	shalt  }
.Lfunc_end0:
.L_simem_size_0:
called_computation.1_lowered:
.L_overlay_start_0:
0x88: {  	s2 =	sld [smem:$0x3FD9]  }
0x89: {  	s3 =	sld [smem:$0x3FFE];
	_ =	sdelay $0x1  }
0x8a: {  	s1 =	srdreg.scid  }
0x8b: {  	s0 =	sand.u32 $0x1, s1  }
0x8c: {  	s16 =	sshll.u32 s0, $0xA;
	s2 =	sadd.s32 s3, s2  }
0x8d: {  	s2 =	sadd.s32 s2, s16  }
0x8e: {  	[smem:$0x3FC0] =	sst s2  }
0x8f: {  	_ = 	snop  }
0x90: {  	(tm) =	ssettm $0x1  }
0x91: {  	s17 =	sld [smem:$0x3FFB];
	_ =	sdelay $0x3  }
0x92: {  	_ =	strace s17  }
0x93: {  	s2 =	sld [smem:$0x3FFC];
	_ =	sdelay $0x3  }
0x94: {  	_ =	strace s2  }
0x95: {  	s2 =	sld [smem:$0x3FFD];
	_ =	sdelay $0x3  }
0x96: {  	_ =	strace s2  }
0x97: {  	_ =	strace $0x8FFFFFFF  }
0x98: {  	s18 =	sld [smem:$0x3FDB];
	_ =	sdelay $0x1  }
0x99: {  	s19 =	simm.s32 $_scs_section_size  }
0x9a: {  	s4 =	simm.s32 $_size__tile_overlayer_lowered;
	s5 =	simm.s32 $_tile_overlayer_lowered  }
0x9b: {  	s22 =	simm.s32 $0x1BFF;
	s21 =	sshll.u32 s5, $0x1;
	s2 =	sadd.s32 s19, s18  }
0x9c: {  	s6 =	simm.s32 $0x0;
	s20 =	sshll.u32 s4, $0x1;
	s4 =	sadd.s32 s21, s2  }
0x9d: {  	[timem:s6], [sflag:s22] =	dma.local [hbm:s4], s20  }
0x9e: {  	_ =	swait.ge [sflag:s22], s20  }
0x9f: {  	s3 =	ssub.s32 $0x0, s20;
	[sflag:s22] =	ssyncset.done $0x0  }
0xa0: {  	[sflag:s22] =	ssyncadd.s32 s3;
	_ =	sdelay $0x1  }
0xa1: {  	s23 =	simm.s32 $0x1B8B  }
0xa2: {  	_ =	swait.ge [sflag:s23], $0x1  }
0xa3: {  	[sflag:s23] =	ssyncset.done $0x0  }
0xa4: {  	s25 =	simm.s32 $0x1B8E;
	s24 =	sld [smem:$0x3FFE];
	[sflag:s23] =	ssyncadd.s32 $0xFFFFFFFF  }
0xa5: {  	s26 =	simm.s32 $execute0_lowered;
	[smem:$0x3FD2] =	sst s25  }
0xa6: {  	s4 =	sshll.u32 s26, $0x1;
	_ =	strace $0x80000049;
	[dreg:$0x1] =	wrdreg $0xFFFFFFFF  }
0xa7: {  	s28 =	simm.s32 $_size_execute0_lowered;
	s2 =	sadd.s32 s2, s4;
	[dreg:$0x0] =	wrdreg $0x0  }
0xa8: {  	s4 =	sshll.u32 s28, $0x1;
	[dreg:$0x2] =	wrdreg s2  }
0xa9: {  	[dreg:$0x3] =	wrdreg s4  }
0xaa: {  	[dreg:$0x4] =	wrdreg $0xC0  }
0xab: {  	_ =	task [dreg:s6], $0x5FFFF  }
0xac: {  	[dreg:$0x1] =	wrdreg $0xFFFFFFFF  }
0xad: {  	[dreg:$0x0] =	wrdreg $0x60  }
0xae: {  	[dreg:$0x2] =	wrdreg s24  }
0xaf: {  	[dreg:$0x3] =	wrdreg $0xA8000  }
0xb0: {  	[dreg:$0x4] =	wrdreg $0x9  }
0xb1: {  	_ =	task.clear_ibuf [dreg:s6], $0x5FFFF;
	_ =	strace $0x90000049  }
0xb2: {  	s29 =	simm.s32 $0x9;
	_ =	strace $0x8000004B  }
0xb3: {  	_ =	swait.ge [sflag:s29], $0x1  }
0xb4: {  	[sflag:s29] =	ssyncadd.s32 $0xFFFFFFFF  }
0xb5: {  	_ =	strace $0x9000004B  }
0xb6: {  	_ =	sfence  }
0xb7: {  	s30 =	sld [smem:$0x0];
	_ =	sdelay $0x2  }
0xb8: {  	s31 =	sshll.u32 s1, $0xD;
	s1 =	sshrl.u32 s1, $0x2  }
0xb9: {  	s3 =	sand.u32 $0x4000, s31;
	s1 =	sadd.s32 s1, s30  }
0xba: {  	s0 =	sor.u32 s3, s0;
	s1 =	sshll.u32 s1, $0x11  }
0xbb: {  	s0 =	sor.u32 s1, s0  }
0xbc: {  	s0 =	sadd.s32 $0x8F2B, s0  }
0xbd: {  	[sflag:s0] =	ssyncadd.remote.s32 $0x1  }
0xbe: {  	_ =	sfence.sel $0xFFFF  }
0xbf: {  	[dreg:$0x0] =	wrdreg $0xFFFFFFFF;
	(pc) =	sbr.abs _section_cstart, $3  }
0xc0: {  	[dreg:$0x1] =	wrdreg $0xFFFFFFFF  }
0xc1: {  	_ =	task.clear_ibuf [dreg:s6], $0x2FFFF;
	_ =	strace $0x9FFFFFFF  }
0xc2: {  	(tm) =	ssettm $0x7FFFFFFF  }
0xc3: {  	_ =	shalt  }
tec
execute0_lowered:
.L_overlay_start_1:
0x0: {  	(tag) =	ssettag $0x1  }
0x1: {  	s0 =	rddreg [dreg:$0x0]  }
0x2: {  	s1 =	rddreg [dreg:$0x1]  }
0x3: {  	s2 =	simm.s32 $0x0;
	s5 =	srdreg.scid;
	s4 =	stileid.u32  }
0x4: {  	[smem:$0x7FF] =	sst s2;
	s3 =	sadd.s32 $0xBC00, s0;
	s7 =	smul.u32 $0x3E, s4  }
0x5: {  	s6 =	sadd.s32 $0x1C00, s0;
	s15 =	sadd.s32 $0x6C00, s0;
	s9 =	smul.u32 $0x3F, s4  }
0x6: {  	s5 =	sand.u32 $0x1, s5;
	s0 =	sadd.s32 $0xA8000, s0;
	s11 =	smul.u32 $0x270, s4  }
0x7: {  	p0 =	slt.u32 s4, $0x8;
	s31 =	smul.u32 $0x26C0, s4;
	s17 =	smin.u32 s4, $0x8  }
0x8: {  	p1 =	sgt.u32 s4, $0x7;
	p2 =	seq.s32 s4, $0x0;
	_ =	strace $0x8000004A  }
0x9: {  	s8 =	ssub.s32 $0x2, s5;
	[dreg:$0x3] =	wrdreg s6;
	s10 =	sadd.s32 $0x8, s7  }
0xa: {  	s12 =	sshrl.u32 s8, $0x1;
	s7 =	smul.u32 $0x4E20, s5;
	s20 =	sadd.s32 $0x10, s11  }
0xb: {  	s5 =	smul.u32 $0x4E200, s5;
	s10 =	smov.u32 @p0 s9;
	s11 =	sshll.u32 s20, $0x7  }
0xc: {  	s8 =	ssub.s32 s8, s12;
	p0 =	sne.s32 s4, $0x0;
	s11 =	sadd.s32 s11, s1  }
0xd: {  	s9 =	smul.u32 $0xA0, s10;
	s23 =	sadd.s32 s3, s5;
	[dreg:$0x4] =	wrdreg s11  }
0xe: {  	s21 =	sadd.s32 s7, s20;
	s5 =	sadd.s32 s0, s5;
	[dreg:$0x6] =	wrdreg s23  }
0xf: {  	s8 =	smax.u32 s8, $0x1;
	s22 =	sshll.u32 s21, $0x4;
	[dreg:$0xf] =	wrdreg s5  }
0x10: {  	s14 =	sadd.s32 $0x2710, s7;
	[dreg:$0x13] =	wrdreg s8;
	s12 =	sadd.s32 s3, s22  }
0x11: {  	s9 =	sshrl.u32 s9, $0x3;
	s18 =	sadd.s32 s0, s22;
	[dreg:$0x5] =	wrdreg s12  }
0x12: {  	s10 =	sadd.s32 s20, s14;
	s13 =	sadd.s32 s6, s9;
	[dreg:$0xd] =	wrdreg s18  }
0x13: {  	s10 =	sshll.u32 s10, $0x4;
	s25 =	sadd.s32 s15, s9;
	[dreg:$0x7] =	wrdreg s13  }
0x14: {  	v0 =	vmov s7;
	s7 =	simm.s32 $0x0;
	s19 =	sadd.s32 s3, s10;
	[dreg:$0x8] =	wrdreg s25  }
0x15: {  	s21 =	sshll.u32 s14, $0x4;
	s10 =	sadd.s32 s0, s10;
	[dreg:$0xe] =	wrdreg s19  }
0x16: {  	s24 =	sadd.s32 $0x14, s9;
	s0 =	sadd.s32 s0, s21;
	[dreg:$0x10] =	wrdreg s10  }
0x17: {  	s11 =	simm.s32 $0x100;
	s26 =	sadd.s32 s6, s24;
	[dreg:$0x11] =	wrdreg s0  }
0x18: {  	s9 =	sadd.s32 $0x4D8, s9;
	s12 =	sadd.s32 s15, s24;
	[dreg:$0x9] =	wrdreg s26  }
0x19: {  	s8 =	simm.s32 $0x2;
	s16 =	sadd.s32 s6, s9;
	[dreg:$0xa] =	wrdreg s12  }
0x1a: {  	v1 =	vmov s14;
	s14 =	simm.s32 $0x4;
	s9 =	sadd.s32 s15, s9;
	[dreg:$0xb] =	wrdreg s16  }
0x1b: {  	s13 =	smul.u32 $0xA0, s17;
	s17 =	simm.s32 $0x500;
	[dreg:$0xc] =	wrdreg s9  }
0x1c: {  	s9 =	sadd.s32 s3, s21;
	s21 =	simm.s32 $0xA0;
	s16 =	simm.s32 $0x800  }
0x1d: {  	s12 =	simm.s32 $0x3;
	s20 =	sadd.s32 s13, s31;
	[dreg:$0x12] =	wrdreg s9  }
0x1e: {  	s9 =	simm.s32 $0x5800;
	s13 =	simm.s32 $0x6;
	s22 =	sadd.s32 $0x320, s20  }
0x1f: {  	s23 =	sadd.s32 $0x1E0, s20;
	s25 =	sadd.s32 $0x280, s20;
	s0 =	sshrl.u32 s22, $0x3  }
0x20: {  	s5 =	sadd.s32 $0x140, s20;
	[dreg:$0x16] =	wrdreg s25;
	s24 =	sadd.s32 s0, s15  }
0x21: {  	s31 =	sshrl.u32 s5, $0x3;
	s26 =	sadd.s32 s0, s6;
	[dreg:$0x14] =	wrdreg s24  }
.Ltmp0:
0x22: {  	s30 =	sadd.s32 s31, s15;
	[dreg:$0x15] =	wrdreg s26;
	(pc) =	sbr.rel .LBB2_1-.Ltmp0, $4  }
0x23: {  	s0 =	sshrl.u32 s23, $0x3;
	s10 =	sadd.s32 s31, s6;
	[dreg:$0x19] =	wrdreg s30  }
0x24: {  	s20 =	simm.s32 $0x1;
	s28 =	sadd.s32 s0, s15;
	[dreg:$0x1a] =	wrdreg s10  }
0x25: {  	s22 =	simm.s32 $0x5;
	s29 =	sadd.s32 s0, s6;
	[dreg:$0x17] =	wrdreg s28  }
0x26: {  	s5 =	simm.s32 $0x7;
	s0 =	simm.s32 $0x400;
	[dreg:$0x18] =	wrdreg s29  }
.LBB2_13:
0x27: {  	_ =	swait.ge [sflag:s13], $0x5000  }
0x28: {  	[sflag:s13] =	ssyncset.done $0x0  }
0x29: {  	s17 =	simm.s32 $0x500;
	[sflag:s13] =	ssyncadd.s32 $0xFFFFB000  }
0x2a: {  	[spmem:s1] =	stream.indirect.scatter.add.f32 [tilespmem:s9], [sflag:$0x7], $0x80, s17, s21, $0xb8;
	[tilespmem:$0x1E080] =	vst v63  }
0x2b: {  	_ =	swait.ge [sflag:s5], $0x5000  }
0x2c: {  	[sflag:s5] =	ssyncset.done $0x0  }
0x2d: {  	[sflag:s5] =	ssyncadd.s32 $0xFFFFB000  }
0x2e: {  	[bflag:$0x0] =	sbarrier.arrive $0xFFFF  }
0x2f: {  	s24 =	rddreg [dreg:$0x14]  }
0x30: {  	s26 =	rddreg [dreg:$0x15]  }
0x31: {  	s28 =	rddreg [dreg:$0x17]  }
0x32: {  	s29 =	rddreg [dreg:$0x18]  }
0x33: {  	s30 =	rddreg [dreg:$0x19]  }
0x34: {  	s10 =	rddreg [dreg:$0x1a]  }
.LBB2_14:
0x35: {  	s4 =	stileid.u32  }
0x36: {  	s6 =	rddreg [dreg:$0x4];
	s4 =	sshll.u32 s4, $0x6  }
0x37: {  	s31 =	rddreg [dreg:$0x10];
	s7 =	sshrl.u32 s6, $0x3;
	s4 =	sor.u32 $0x1C07, s4  }
0x38: {  	[hbm:s31], [sflag:s4] =	dma.local [spmem:s7], $0x2700  }
0x39: {  	_ =	swait.ge [sflag:s5], $0x2700  }
0x3a: {  	[sflag:s5] =	ssyncset.done $0x0  }
0x3b: {  	s7 =	rddreg [dreg:$0x1b];
	[sflag:s5] =	ssyncadd.s32 $0xFFFFD900  }
.LBB2_15:
0x3c: {  	s7 =	sadd.s32 $0x1, s7;
	s4 =	rddreg [dreg:$0x13]  }
0x3d: {  	p3 =	sne.s32 s7, s4  }
.Ltmp1:
0x3e: {  	_ = 	snop;
	(pc) =	sbr.rel @!p3 .LBB2_16-.Ltmp1, $2  }
0x3f: {  	_ =	sdelay $0x1  }
0x40: {  	[bflag:$0x0] =	sbarrier.arrive $0xFFFF;
	_ =	sdelay $0x1  }
.LBB2_1:
0x41: {  	[dreg:$0x1b] =	wrdreg s7;
	s4 =	stileid.u32  }
0x42: {  	s7 =	sshll.u32 @p0 s4, $0x6;
	s4 =	rddreg [dreg:$0x4]  }
0x43: {  	s7 =	sor.u32 @p0 $0x1C07, s7;
	s25 =	sshrl.u32 @p0 s4, $0x3;
	s4 =	rddreg [dreg:$0x5]  }
0x44: {  	[spmem:s25], [sflag:s7] =	dma.local @p0 [hbm:s4], $0x2700  }
0x45: {  	s7 =	simm.s32 @p0 $0x7  }
0x46: {  	_ =	swait.ge @p0 [sflag:s7], $0x2700  }
0x47: {  	s25 =	simm.s32 @!p0 $0x1C07;
	[sflag:s7] =	ssyncset.done @p0 $0x0  }
0x48: {  	s4 =	rddreg [dreg:$0x6];
	[sflag:s7] =	ssyncadd.s32 @p0 $0xFFFFD900;
	s7 =	sshrl.u32 @!p0 s1, $0x3  }
0x49: {  	[spmem:s7], [sflag:s25] =	dma.local @!p0 [hbm:s4], $0x2800  }
0x4a: {  	s7 =	simm.s32 @!p0 $0x7  }
0x4b: {  	_ =	swait.ge @!p0 [sflag:s7], $0x2800  }
0x4c: {  	[sflag:s7] =	ssyncset.done @!p0 $0x0  }
0x4d: {  	[sflag:s7] =	ssyncadd.s32 @!p0 $0xFFFFD800  }
0x4e: {  	[bflag:$0x0] =	sbarrier.arrive $0xFFFF  }
0x4f: {  	s19 =	rddreg [dreg:$0x7]  }
0x50: {  	[tilespmem:s2], [sflag:$0x1] =	stream.linear.gather [hbm4b:s19+s2], $0xA0, $0x38;
	[tilespmem:$0x1E080] =	vst v63  }
0x51: {  	s23 =	rddreg [dreg:$0x8]  }
0x52: {  	[tilespmem:s0], [sflag:$0x1] =	stream.linear.gather [hbm4b:s23+s2], $0xA0, $0x38;
	[tilespmem:$0x1E080] =	vst v63  }
0x53: {  	s25 =	rddreg [dreg:$0x9]  }
0x54: {  	[tilespmem:s11], [sflag:$0x2] =	stream.linear.gather [hbm4b:s25+s2], $0xA0, $0x38;
	[tilespmem:$0x1E080] =	vst v63  }
0x55: {  	s31 =	rddreg [dreg:$0xa]  }
0x56: {  	[tilespmem:s17], [sflag:$0x2] =	stream.linear.gather [hbm4b:s31+s2], $0xA0, $0x38;
	[tilespmem:$0x1E080] =	vst v63  }
0x57: {  	_ =	swait.ge [sflag:s20], $0xA0  }
0x58: {  	[sflag:s20] =	ssyncset.done $0x0  }
0x59: {  	[sflag:s20] =	ssyncadd.s32 $0xFFFFFF60  }
0x5a: {  	_ =	swait.ge [sflag:s20], $0xA0  }
0x5b: {  	[sflag:s20] =	ssyncset.done $0x0  }
0x5c: {  	[sflag:s20] =	ssyncadd.s32 $0xFFFFFF60  }
0x5d: {  	v2 =	vld [tilespmem:$0x0]  }
0x5e: {  	v3 =	vld [tilespmem:$0x10]  }
0x5f: {  	v4 =	vld [tilespmem:$0x20]  }
0x60: {  	v5 =	vld [tilespmem:$0x30]  }
0x61: {  	v6 =	vld [tilespmem:$0x40]  }
0x62: {  	v7 =	vld [tilespmem:$0x50];
	v2 =	vadd.s32 v0, v2  }
0x63: {  	[tilespmem:$0x0] =	vst v2;
	v2 =	vadd.s32 v0, v3;
	v3 =	vld [tilespmem:$0x60]  }
0x64: {  	v61 =	vld [tilespmem:$0x70];
	[tilespmem:$0x10] =	vst v2;
	v2 =	vadd.s32 v0, v4  }
0x65: {  	v62 =	vld [tilespmem:$0x80];
	[tilespmem:$0x20] =	vst v2;
	v2 =	vadd.s32 v0, v5  }
0x66: {  	v63 =	vld [tilespmem:$0x90];
	[tilespmem:$0x30] =	vst v2;
	v2 =	vadd.s32 v0, v6  }
0x67: {  	[tilespmem:$0x40] =	vst v2;
	v2 =	vadd.s32 v0, v7  }
0x68: {  	[tilespmem:$0x50] =	vst v2;
	v2 =	vadd.s32 v0, v3  }
0x69: {  	[tilespmem:$0x60] =	vst v2;
	v2 =	vadd.s32 v0, v61  }
0x6a: {  	[tilespmem:$0x70] =	vst v2;
	v2 =	vadd.s32 v0, v62  }
0x6b: {  	[tilespmem:$0x80] =	vst v2;
	v2 =	vadd.s32 v0, v63  }
0x6c: {  	s7 =	simm.s32 $0x0;
	s25 =	rddreg [dreg:$0x16];
	[tilespmem:$0x90] =	vst v2  }
0x6d: {  	[tilespmem:s16], [sflag:$0x5] =	stream.indirect.gather [hbm4b:s3+s21], $0x80, s2, s21, $0xb8;
	[tilespmem:$0x1E080] =	vst v63  }
.LBB2_2:
0x6e: {  	s18 =	sadd.s32 s7, s10;
	s4 =	simm.s32 $0x200  }
0x6f: {  	[tilespmem:s4], [sflag:$0x3] =	stream.linear.gather [hbm4b:s18+s2], $0xA0, $0x38;
	[tilespmem:$0x1E080] =	vst v63  }
0x70: {  	s19 =	sadd.s32 s7, s30;
	s0 =	simm.s32 $0x600  }
0x71: {  	[tilespmem:s0], [sflag:$0x3] =	stream.linear.gather [hbm4b:s19+s2], $0xA0, $0x38;
	[tilespmem:$0x1E080] =	vst v63  }
0x72: {  	_ =	swait.ge [sflag:s8], $0xA0  }
0x73: {  	[sflag:s8] =	ssyncset.done $0x0  }
0x74: {  	[sflag:s8] =	ssyncadd.s32 $0xFFFFFF60  }
0x75: {  	_ =	swait.ge [sflag:s8], $0xA0  }
0x76: {  	[sflag:s8] =	ssyncset.done $0x0  }
0x77: {  	[sflag:s8] =	ssyncadd.s32 $0xFFFFFF60  }
0x78: {  	v2 =	vld [tilespmem:$0x100]  }
0x79: {  	v3 =	vld [tilespmem:$0x110]  }
0x7a: {  	v4 =	vld [tilespmem:$0x120]  }
0x7b: {  	v5 =	vld [tilespmem:$0x130]  }
0x7c: {  	v6 =	vld [tilespmem:$0x140]  }
0x7d: {  	v7 =	vld [tilespmem:$0x150];
	v2 =	vadd.s32 v0, v2  }
0x7e: {  	[tilespmem:$0x100] =	vst v2;
	v2 =	vadd.s32 v0, v3;
	v3 =	vld [tilespmem:$0x160]  }
0x7f: {  	v40 =	vld [tilespmem:$0x170];
	[tilespmem:$0x110] =	vst v2;
	v2 =	vadd.s32 v0, v4  }
0x80: {  	v41 =	vld [tilespmem:$0x180];
	[tilespmem:$0x120] =	vst v2;
	v2 =	vadd.s32 v0, v5  }
0x81: {  	v42 =	vld [tilespmem:$0x190];
	[tilespmem:$0x130] =	vst v2;
	v2 =	vadd.s32 v0, v6  }
0x82: {  	[tilespmem:$0x140] =	vst v2;
	v2 =	vadd.s32 v0, v7  }
0x83: {  	[tilespmem:$0x150] =	vst v2;
	v2 =	vadd.s32 v0, v3  }
0x84: {  	[tilespmem:$0x160] =	vst v2;
	v2 =	vadd.s32 v0, v40  }
0x85: {  	[tilespmem:$0x170] =	vst v2;
	v2 =	vadd.s32 v0, v41  }
0x86: {  	[tilespmem:$0x180] =	vst v2;
	v2 =	vadd.s32 v0, v42  }
0x87: {  	s19 =	simm.s32 $0x100;
	[tilespmem:$0x190] =	vst v2  }
0x88: {  	[tilespmem:s9], [sflag:$0x6] =	stream.indirect.gather [hbm4b:s3+s21], $0x80, s19, s21, $0xb8;
	[tilespmem:$0x1E080] =	vst v63  }
0x89: {  	_ =	swait.ge [sflag:s22], $0x5000  }
0x8a: {  	[sflag:s22] =	ssyncset.done $0x0  }
0x8b: {  	s17 =	simm.s32 $0x400;
	[sflag:s22] =	ssyncadd.s32 $0xFFFFB000  }
0x8c: {  	[spmem:s1] =	stream.indirect.scatter.add.f32 [tilespmem:s16], [sflag:$0x7], $0x80, s17, s21, $0xb8;
	[tilespmem:$0x1E080] =	vst v63  }
0x8d: {  	_ =	swait.ge [sflag:s5], $0x5000  }
0x8e: {  	[sflag:s5] =	ssyncset.done $0x0  }
0x8f: {  	s31 =	sadd.s32 s7, s29;
	s11 =	simm.s32 $0x300;
	[sflag:s5] =	ssyncadd.s32 $0xFFFFB000  }
0x90: {  	[tilespmem:s11], [sflag:$0x4] =	stream.linear.gather [hbm4b:s31+s2], $0xA0, $0x38;
	[tilespmem:$0x1E080] =	vst v63  }
0x91: {  	s6 =	sadd.s32 s7, s28;
	s31 =	simm.s32 $0x700  }
0x92: {  	[tilespmem:s31], [sflag:$0x4] =	stream.linear.gather [hbm4b:s6+s2], $0xA0, $0x38;
	[tilespmem:$0x1E080] =	vst v63  }
0x93: {  	_ =	swait.ge [sflag:s12], $0xA0  }
0x94: {  	[sflag:s12] =	ssyncset.done $0x0  }
0x95: {  	[sflag:s12] =	ssyncadd.s32 $0xFFFFFF60  }
0x96: {  	_ =	swait.ge [sflag:s12], $0xA0  }
0x97: {  	[sflag:s12] =	ssyncset.done $0x0  }
0x98: {  	[sflag:s12] =	ssyncadd.s32 $0xFFFFFF60  }
0x99: {  	v2 =	vld [tilespmem:$0x200]  }
0x9a: {  	v3 =	vld [tilespmem:$0x210]  }
0x9b: {  	v43 =	vld [tilespmem:$0x220]  }
0x9c: {  	v44 =	vld [tilespmem:$0x230]  }
0x9d: {  	v45 =	vld [tilespmem:$0x240]  }
0x9e: {  	v46 =	vld [tilespmem:$0x250];
	v2 =	vadd.s32 v0, v2  }
0x9f: {  	[tilespmem:$0x200] =	vst v2;
	v2 =	vadd.s32 v0, v3;
	v3 =	vld [tilespmem:$0x260]  }
0xa0: {  	v47 =	vld [tilespmem:$0x270];
	[tilespmem:$0x210] =	vst v2;
	v2 =	vadd.s32 v0, v43  }
0xa1: {  	v48 =	vld [tilespmem:$0x280];
	[tilespmem:$0x220] =	vst v2;
	v2 =	vadd.s32 v0, v44  }
0xa2: {  	v49 =	vld [tilespmem:$0x290];
	[tilespmem:$0x230] =	vst v2;
	v2 =	vadd.s32 v0, v45  }
0xa3: {  	[tilespmem:$0x240] =	vst v2;
	v2 =	vadd.s32 v0, v46  }
0xa4: {  	[tilespmem:$0x250] =	vst v2;
	v2 =	vadd.s32 v0, v3  }
0xa5: {  	[tilespmem:$0x260] =	vst v2;
	v2 =	vadd.s32 v0, v47  }
0xa6: {  	[tilespmem:$0x270] =	vst v2;
	v2 =	vadd.s32 v0, v48  }
0xa7: {  	[tilespmem:$0x280] =	vst v2;
	v2 =	vadd.s32 v0, v49  }
0xa8: {  	[tilespmem:$0x290] =	vst v2  }
0xa9: {  	[tilespmem:s16], [sflag:$0x5] =	stream.indirect.gather [hbm4b:s3+s21], $0x80, s4, s21, $0xb8;
	[tilespmem:$0x1E080] =	vst v63  }
0xaa: {  	_ =	swait.ge [sflag:s13], $0x5000  }
0xab: {  	[sflag:s13] =	ssyncset.done $0x0  }
0xac: {  	s6 =	simm.s32 $0x500;
	[sflag:s13] =	ssyncadd.s32 $0xFFFFB000  }
0xad: {  	[spmem:s1] =	stream.indirect.scatter.add.f32 [tilespmem:s9], [sflag:$0x7], $0x80, s6, s21, $0xb8;
	[tilespmem:$0x1E080] =	vst v63  }
0xae: {  	s23 =	smov.u32 s15;
	_ =	swait.ge [sflag:s5], $0x5000  }
0xaf: {  	s15 =	sshrl.u32 s25, $0x3;
	[sflag:s5] =	ssyncset.done $0x0;
	s18 =	rddreg [dreg:$0x3]  }
0xb0: {  	[sflag:s5] =	ssyncadd.s32 $0xFFFFB000;
	s4 =	sadd.s32 s18, s15  }
0xb1: {  	[tilespmem:s2], [sflag:$0x1] =	stream.linear.gather [hbm4b:s4+s2], $0xA0, $0x38;
	[tilespmem:$0x1E080] =	vst v63  }
0xb2: {  	s4 =	sadd.s32 s23, s15  }
0xb3: {  	[tilespmem:s17], [sflag:$0x1] =	stream.linear.gather [hbm4b:s4+s2], $0xA0, $0x38;
	[tilespmem:$0x1E080] =	vst v63  }
0xb4: {  	_ =	swait.ge [sflag:s14], $0xA0  }
0xb5: {  	[sflag:s14] =	ssyncset.done $0x0  }
0xb6: {  	[sflag:s14] =	ssyncadd.s32 $0xFFFFFF60  }
0xb7: {  	_ =	swait.ge [sflag:s14], $0xA0  }
0xb8: {  	[sflag:s14] =	ssyncset.done $0x0  }
0xb9: {  	[sflag:s14] =	ssyncadd.s32 $0xFFFFFF60  }
0xba: {  	v2 =	vld [tilespmem:$0x300]  }
0xbb: {  	v3 =	vld [tilespmem:$0x310]  }
0xbc: {  	v50 =	vld [tilespmem:$0x320]  }
0xbd: {  	v51 =	vld [tilespmem:$0x330]  }
0xbe: {  	v52 =	vld [tilespmem:$0x340]  }
0xbf: {  	v53 =	vld [tilespmem:$0x350];
	v2 =	vadd.s32 v0, v2  }
0xc0: {  	[tilespmem:$0x300] =	vst v2;
	v2 =	vadd.s32 v0, v3;
	v3 =	vld [tilespmem:$0x360]  }
0xc1: {  	v54 =	vld [tilespmem:$0x370];
	[tilespmem:$0x310] =	vst v2;
	v2 =	vadd.s32 v0, v50  }
0xc2: {  	v55 =	vld [tilespmem:$0x380];
	[tilespmem:$0x320] =	vst v2;
	v2 =	vadd.s32 v0, v51  }
0xc3: {  	v56 =	vld [tilespmem:$0x390];
	[tilespmem:$0x330] =	vst v2;
	v2 =	vadd.s32 v0, v52  }
0xc4: {  	[tilespmem:$0x340] =	vst v2;
	v2 =	vadd.s32 v0, v53  }
0xc5: {  	[tilespmem:$0x350] =	vst v2;
	v2 =	vadd.s32 v0, v3  }
0xc6: {  	[tilespmem:$0x360] =	vst v2;
	v2 =	vadd.s32 v0, v54  }
0xc7: {  	[tilespmem:$0x370] =	vst v2;
	v2 =	vadd.s32 v0, v55  }
0xc8: {  	[tilespmem:$0x380] =	vst v2;
	v2 =	vadd.s32 v0, v56  }
0xc9: {  	[tilespmem:$0x390] =	vst v2  }
0xca: {  	[tilespmem:s9], [sflag:$0x6] =	stream.indirect.gather [hbm4b:s3+s21], $0x80, s11, s21, $0xb8;
	[tilespmem:$0x1E080] =	vst v63  }
0xcb: {  	_ =	swait.ge [sflag:s22], $0x5000  }
0xcc: {  	[sflag:s22] =	ssyncset.done $0x0  }
0xcd: {  	[sflag:s22] =	ssyncadd.s32 $0xFFFFB000  }
0xce: {  	[spmem:s1] =	stream.indirect.scatter.add.f32 [tilespmem:s16], [sflag:$0x7], $0x80, s0, s21, $0xb8;
	[tilespmem:$0x1E080] =	vst v63  }
0xcf: {  	_ =	swait.ge [sflag:s5], $0x5000  }
0xd0: {  	[sflag:s5] =	ssyncset.done $0x0  }
0xd1: {  	s11 =	sadd.s32 s7, s26;
	[sflag:s5] =	ssyncadd.s32 $0xFFFFB000  }
0xd2: {  	[tilespmem:s19], [sflag:$0x2] =	stream.linear.gather [hbm4b:s11+s2], $0xA0, $0x38;
	[tilespmem:$0x1E080] =	vst v63  }
0xd3: {  	s19 =	sadd.s32 s7, s24  }
0xd4: {  	[tilespmem:s6], [sflag:$0x2] =	stream.linear.gather [hbm4b:s19+s2], $0xA0, $0x38;
	[tilespmem:$0x1E080] =	vst v63  }
0xd5: {  	_ =	swait.ge [sflag:s20], $0xA0  }
0xd6: {  	[sflag:s20] =	ssyncset.done $0x0  }
0xd7: {  	[sflag:s20] =	ssyncadd.s32 $0xFFFFFF60  }
0xd8: {  	_ =	swait.ge [sflag:s20], $0xA0  }
0xd9: {  	[sflag:s20] =	ssyncset.done $0x0  }
0xda: {  	[sflag:s20] =	ssyncadd.s32 $0xFFFFFF60  }
0xdb: {  	v2 =	vld [tilespmem:$0x0]  }
0xdc: {  	v3 =	vld [tilespmem:$0x10]  }
0xdd: {  	v57 =	vld [tilespmem:$0x20]  }
0xde: {  	v58 =	vld [tilespmem:$0x30]  }
0xdf: {  	v59 =	vld [tilespmem:$0x40]  }
0xe0: {  	v60 =	vld [tilespmem:$0x50];
	v2 =	vadd.s32 v0, v2  }
0xe1: {  	[tilespmem:$0x0] =	vst v2;
	v2 =	vadd.s32 v0, v3;
	v3 =	vld [tilespmem:$0x60]  }
0xe2: {  	v61 =	vld [tilespmem:$0x70];
	[tilespmem:$0x10] =	vst v2;
	v2 =	vadd.s32 v0, v57  }
0xe3: {  	v62 =	vld [tilespmem:$0x80];
	[tilespmem:$0x20] =	vst v2;
	v2 =	vadd.s32 v0, v58  }
0xe4: {  	v63 =	vld [tilespmem:$0x90];
	[tilespmem:$0x30] =	vst v2;
	v2 =	vadd.s32 v0, v59  }
0xe5: {  	[tilespmem:$0x40] =	vst v2;
	v2 =	vadd.s32 v0, v60  }
0xe6: {  	[tilespmem:$0x50] =	vst v2;
	v2 =	vadd.s32 v0, v3  }
0xe7: {  	[tilespmem:$0x60] =	vst v2;
	v2 =	vadd.s32 v0, v61  }
0xe8: {  	[tilespmem:$0x70] =	vst v2;
	v2 =	vadd.s32 v0, v62  }
0xe9: {  	[tilespmem:$0x80] =	vst v2;
	v2 =	vadd.s32 v0, v63  }
0xea: {  	[tilespmem:$0x90] =	vst v2  }
0xeb: {  	[tilespmem:s16], [sflag:$0x5] =	stream.indirect.gather [hbm4b:s3+s21], $0x80, s2, s21, $0xb8;
	[tilespmem:$0x1E080] =	vst v63  }
0xec: {  	_ =	swait.ge [sflag:s13], $0x5000  }
0xed: {  	p3 =	sne.s32 s7, $0x460;
	[sflag:s13] =	ssyncset.done $0x0  }
.Ltmp2:
0xee: {  	[sflag:s13] =	ssyncadd.s32 $0xFFFFB000;
	(pc) =	sbr.rel @p3 .LBB2_2-.Ltmp2, $4  }
0xef: {  	[spmem:s1] =	stream.indirect.scatter.add.f32 [tilespmem:s9], [sflag:$0x7], $0x80, s31, s21, $0xb8;
	[tilespmem:$0x1E080] =	vst v63  }
0xf0: {  	s25 =	sadd.s32 $0x280, s25;
	_ =	swait.ge [sflag:s5], $0x5000  }
0xf1: {  	s18 =	simm.s32 $0x400;
	s15 =	smov.u32 s23;
	[sflag:s5] =	ssyncset.done $0x0  }
0xf2: {  	s17 =	simm.s32 $0x100;
	s7 =	sadd.s32 $0x50, s7;
	[sflag:s5] =	ssyncadd.s32 $0xFFFFB000  }
0xf3: {  	s4 =	simm.s32 @!p1 $0x0;
	s7 =	simm.s32 @!p1 $0x200;
	s6 =	rddreg [dreg:$0xb]  }
0xf4: {  	[tilespmem:s7], [sflag:$0x3] =	stream.linear.gather @!p1 [hbm4b:s6+s4], $0xA0, $0x38;
	[tilespmem:$0x1E080] =	vst v63  }
0xf5: {  	s7 =	simm.s32 @!p1 $0x600;
	s6 =	rddreg [dreg:$0xc]  }
0xf6: {  	[tilespmem:s7], [sflag:$0x3] =	stream.linear.gather @!p1 [hbm4b:s6+s4], $0xA0, $0x38;
	[tilespmem:$0x1E080] =	vst v63  }
0xf7: {  	_ =	swait.ge [sflag:s8], $0xA0  }
0xf8: {  	[sflag:s8] =	ssyncset.done $0x0  }
0xf9: {  	[sflag:s8] =	ssyncadd.s32 $0xFFFFFF60  }
0xfa: {  	_ =	swait.ge [sflag:s8], $0xA0  }
0xfb: {  	[sflag:s8] =	ssyncset.done $0x0  }
0xfc: {  	[sflag:s8] =	ssyncadd.s32 $0xFFFFFF60  }
0xfd: {  	v2 =	vld [tilespmem:$0x100]  }
0xfe: {  	v3 =	vld [tilespmem:$0x110]  }
0xff: {  	v4 =	vld [tilespmem:$0x120]  }
0x100: {  	v5 =	vld [tilespmem:$0x130]  }
0x101: {  	v6 =	vld [tilespmem:$0x140]  }
0x102: {  	v7 =	vld [tilespmem:$0x150];
	v2 =	vadd.s32 v0, v2  }
0x103: {  	[tilespmem:$0x100] =	vst v2;
	v2 =	vadd.s32 v0, v3;
	v3 =	vld [tilespmem:$0x160]  }
0x104: {  	v61 =	vld [tilespmem:$0x170];
	[tilespmem:$0x110] =	vst v2;
	v2 =	vadd.s32 v0, v4  }
0x105: {  	v62 =	vld [tilespmem:$0x180];
	[tilespmem:$0x120] =	vst v2;
	v2 =	vadd.s32 v0, v5  }
0x106: {  	v63 =	vld [tilespmem:$0x190];
	[tilespmem:$0x130] =	vst v2;
	v2 =	vadd.s32 v0, v6  }
0x107: {  	[tilespmem:$0x140] =	vst v2;
	v2 =	vadd.s32 v0, v7  }
0x108: {  	[tilespmem:$0x150] =	vst v2;
	v2 =	vadd.s32 v0, v3  }
0x109: {  	[tilespmem:$0x160] =	vst v2;
	v2 =	vadd.s32 v0, v61  }
0x10a: {  	[tilespmem:$0x170] =	vst v2;
	v2 =	vadd.s32 v0, v62  }
0x10b: {  	[tilespmem:$0x180] =	vst v2;
	v2 =	vadd.s32 v0, v63  }
0x10c: {  	[tilespmem:$0x190] =	vst v2  }
0x10d: {  	[tilespmem:s9], [sflag:$0x6] =	stream.indirect.gather [hbm4b:s3+s21], $0x80, s17, s21, $0xb8;
	[tilespmem:$0x1E080] =	vst v63  }
0x10e: {  	_ =	swait.ge [sflag:s22], $0x5000  }
0x10f: {  	[sflag:s22] =	ssyncset.done $0x0  }
.Ltmp3:
0x110: {  	[sflag:s22] =	ssyncadd.s32 $0xFFFFB000;
	(pc) =	sbr.rel @p1 .LBB2_6-.Ltmp3, $4  }
0x111: {  	[spmem:s1] =	stream.indirect.scatter.add.f32 [tilespmem:s16], [sflag:$0x7], $0x80, s18, s21, $0xb8;
	[tilespmem:$0x1E080] =	vst v63  }
0x112: {  	_ =	swait.ge [sflag:s5], $0x5000  }
0x113: {  	s15 =	simm.s32 $0x600;
	s11 =	simm.s32 $0x200;
	[sflag:s5] =	ssyncset.done $0x0  }
0x114: {  	s0 =	simm.s32 $0x400;
	s10 =	simm.s32 $0x100;
	[sflag:s5] =	ssyncadd.s32 $0xFFFFB000  }
0x115: {  	_ =	swait.ge [sflag:s12], $0xA0  }
0x116: {  	[sflag:s12] =	ssyncset.done $0x0  }
0x117: {  	[sflag:s12] =	ssyncadd.s32 $0xFFFFFF60  }
0x118: {  	_ =	swait.ge [sflag:s12], $0xA0  }
0x119: {  	[sflag:s12] =	ssyncset.done $0x0  }
0x11a: {  	[sflag:s12] =	ssyncadd.s32 $0xFFFFFF60  }
0x11b: {  	v2 =	vld [tilespmem:$0x200]  }
0x11c: {  	v3 =	vld [tilespmem:$0x210]  }
0x11d: {  	v4 =	vld [tilespmem:$0x220]  }
0x11e: {  	v5 =	vld [tilespmem:$0x230]  }
0x11f: {  	v6 =	vld [tilespmem:$0x240]  }
0x120: {  	v7 =	vld [tilespmem:$0x250];
	v2 =	vadd.s32 v0, v2  }
0x121: {  	[tilespmem:$0x200] =	vst v2;
	v2 =	vadd.s32 v0, v3;
	v3 =	vld [tilespmem:$0x260]  }
0x122: {  	v61 =	vld [tilespmem:$0x270];
	[tilespmem:$0x210] =	vst v2;
	v2 =	vadd.s32 v0, v4  }
0x123: {  	v62 =	vld [tilespmem:$0x280];
	[tilespmem:$0x220] =	vst v2;
	v2 =	vadd.s32 v0, v5  }
0x124: {  	v63 =	vld [tilespmem:$0x290];
	[tilespmem:$0x230] =	vst v2;
	v2 =	vadd.s32 v0, v6  }
0x125: {  	[tilespmem:$0x240] =	vst v2;
	v2 =	vadd.s32 v0, v7  }
0x126: {  	[tilespmem:$0x250] =	vst v2;
	v2 =	vadd.s32 v0, v3  }
0x127: {  	[tilespmem:$0x260] =	vst v2;
	v2 =	vadd.s32 v0, v61  }
0x128: {  	[tilespmem:$0x270] =	vst v2;
	v2 =	vadd.s32 v0, v62  }
0x129: {  	[tilespmem:$0x280] =	vst v2;
	v2 =	vadd.s32 v0, v63  }
0x12a: {  	[tilespmem:$0x290] =	vst v2  }
0x12b: {  	[tilespmem:s16], [sflag:$0x5] =	stream.indirect.gather [hbm4b:s3+s21], $0x80, s11, s21, $0xb8;
	[tilespmem:$0x1E080] =	vst v63  }
0x12c: {  	_ =	swait.ge [sflag:s13], $0x5000  }
0x12d: {  	[sflag:s13] =	ssyncset.done $0x0  }
0x12e: {  	s11 =	simm.s32 $0x500;
	[sflag:s13] =	ssyncadd.s32 $0xFFFFB000  }
0x12f: {  	[spmem:s1] =	stream.indirect.scatter.add.f32 [tilespmem:s9], [sflag:$0x7], $0x80, s11, s21, $0xb8;
	[tilespmem:$0x1E080] =	vst v63  }
0x130: {  	_ =	swait.ge [sflag:s5], $0x5000  }
0x131: {  	[sflag:s5] =	ssyncset.done $0x0  }
0x132: {  	[sflag:s5] =	ssyncadd.s32 $0xFFFFB000  }
0x133: {  	_ =	swait.ge [sflag:s22], $0x5000  }
0x134: {  	[sflag:s22] =	ssyncset.done $0x0  }
0x135: {  	[sflag:s22] =	ssyncadd.s32 $0xFFFFB000  }
0x136: {  	[spmem:s1] =	stream.indirect.scatter.add.f32 [tilespmem:s16], [sflag:$0x7], $0x80, s15, s21, $0xb8;
	[tilespmem:$0x1E080] =	vst v63  }
.Ltmp4:
0x137: {  	_ =	swait.ge [sflag:s5], $0x5000;
	(pc) =	sbr.rel @!p2 .LBB2_7-.Ltmp4, $3  }
0x138: {  	[sflag:s5] =	ssyncset.done $0x0  }
0x139: {  	[sflag:s5] =	ssyncadd.s32 $0xFFFFB000  }
0x13a: {  	[bflag:$0x0] =	sbarrier.arrive $0xFFFF;
	_ =	sdelay $0x1  }
0x13b: {  	s4 =	sshrl.u32 s1, $0x3;
	s6 =	rddreg [dreg:$0xf];
	s7 =	simm.s32 $0x1C07  }
0x13c: {  	[hbm:s6], [sflag:s7] =	dma.local [spmem:s4], $0x2800  }
0x13d: {  	_ =	swait.ge [sflag:s5], $0x2800  }
0x13e: {  	[sflag:s5] =	ssyncset.done $0x0  }
0x13f: {  	[sflag:s5] =	ssyncadd.s32 $0xFFFFD800  }
0x140: {  	[bflag:$0x0] =	sbarrier.arrive $0xFFFF  }
.Ltmp5:
0x141: {  	s31 =	rddreg [dreg:$0x12];
	(pc) =	sbr.rel .LBB2_8-.Ltmp5, $4  }
0x142: {  	[spmem:s4], [sflag:s7] =	dma.local [hbm:s31], $0x2800  }
0x143: {  	_ =	swait.ge [sflag:s5], $0x2800  }
0x144: {  	[sflag:s5] =	ssyncset.done $0x0  }
0x145: {  	[sflag:s5] =	ssyncadd.s32 $0xFFFFD800  }
.LBB2_6:
0x146: {  	_ =	swait.ge [sflag:s13], $0x5000  }
0x147: {  	[sflag:s13] =	ssyncset.done $0x0  }
0x148: {  	s11 =	simm.s32 $0x500;
	[sflag:s13] =	ssyncadd.s32 $0xFFFFB000  }
0x149: {  	[spmem:s1] =	stream.indirect.scatter.add.f32 [tilespmem:s9], [sflag:$0x7], $0x80, s11, s21, $0xb8;
	[tilespmem:$0x1E080] =	vst v63  }
0x14a: {  	_ =	swait.ge [sflag:s5], $0x5000  }
0x14b: {  	[sflag:s5] =	ssyncset.done $0x0  }
0x14c: {  	[sflag:s5] =	ssyncadd.s32 $0xFFFFB000  }
0x14d: {  	[bflag:$0x0] =	sbarrier.arrive $0xFFFF  }
.LBB2_7:
0x14e: {  	s4 =	stileid.u32  }
0x14f: {  	s6 =	rddreg [dreg:$0x4];
	s4 =	sshll.u32 s4, $0x6  }
0x150: {  	s30 =	rddreg [dreg:$0xd];
	s7 =	sshrl.u32 s6, $0x3;
	s4 =	sor.u32 $0x1C07, s4  }
0x151: {  	[hbm:s30], [sflag:s4] =	dma.local [spmem:s7], $0x2700  }
0x152: {  	_ =	swait.ge [sflag:s5], $0x2700  }
0x153: {  	[sflag:s5] =	ssyncset.done $0x0  }
0x154: {  	[sflag:s5] =	ssyncadd.s32 $0xFFFFD900  }
0x155: {  	[bflag:$0x0] =	sbarrier.arrive $0xFFFF  }
0x156: {  	s31 =	rddreg [dreg:$0xe]  }
0x157: {  	[spmem:s7], [sflag:s4] =	dma.local [hbm:s31], $0x2700  }
0x158: {  	_ =	swait.ge [sflag:s5], $0x2700  }
0x159: {  	[sflag:s5] =	ssyncset.done $0x0  }
0x15a: {  	[sflag:s5] =	ssyncadd.s32 $0xFFFFD900  }
.LBB2_8:
0x15b: {  	[bflag:$0x0] =	sbarrier.arrive $0xFFFF  }
0x15c: {  	s25 =	simm.s32 $0x0;
	s4 =	rddreg [dreg:$0x7]  }
0x15d: {  	[tilespmem:s25], [sflag:$0x1] =	stream.linear.gather [hbm4b:s4+s25], $0xA0, $0x38;
	[tilespmem:$0x1E080] =	vst v63  }
0x15e: {  	s24 =	rddreg [dreg:$0x8]  }
0x15f: {  	[tilespmem:s0], [sflag:$0x1] =	stream.linear.gather [hbm4b:s24+s25], $0xA0, $0x38;
	[tilespmem:$0x1E080] =	vst v63  }
0x160: {  	s26 =	rddreg [dreg:$0x9]  }
0x161: {  	[tilespmem:s10], [sflag:$0x2] =	stream.linear.gather [hbm4b:s26+s25], $0xA0, $0x38;
	[tilespmem:$0x1E080] =	vst v63  }
0x162: {  	s31 =	rddreg [dreg:$0xa]  }
0x163: {  	[tilespmem:s11], [sflag:$0x2] =	stream.linear.gather [hbm4b:s31+s25], $0xA0, $0x38;
	[tilespmem:$0x1E080] =	vst v63  }
0x164: {  	_ =	swait.ge [sflag:s20], $0xA0  }
0x165: {  	[sflag:s20] =	ssyncset.done $0x0  }
0x166: {  	[sflag:s20] =	ssyncadd.s32 $0xFFFFFF60  }
0x167: {  	_ =	swait.ge [sflag:s20], $0xA0  }
0x168: {  	[sflag:s20] =	ssyncset.done $0x0  }
0x169: {  	[sflag:s20] =	ssyncadd.s32 $0xFFFFFF60  }
0x16a: {  	v2 =	vld [tilespmem:$0x0]  }
0x16b: {  	v3 =	vld [tilespmem:$0x10]  }
0x16c: {  	v4 =	vld [tilespmem:$0x20]  }
0x16d: {  	v5 =	vld [tilespmem:$0x30]  }
0x16e: {  	v6 =	vld [tilespmem:$0x40]  }
0x16f: {  	v7 =	vld [tilespmem:$0x50];
	v2 =	vadd.s32 v1, v2  }
0x170: {  	[tilespmem:$0x0] =	vst v2;
	v2 =	vadd.s32 v1, v3;
	v3 =	vld [tilespmem:$0x60]  }
0x171: {  	v61 =	vld [tilespmem:$0x70];
	[tilespmem:$0x10] =	vst v2;
	v2 =	vadd.s32 v1, v4  }
0x172: {  	v62 =	vld [tilespmem:$0x80];
	[tilespmem:$0x20] =	vst v2;
	v2 =	vadd.s32 v1, v5  }
0x173: {  	s7 =	rddreg [dreg:$0x16];
	v63 =	vld [tilespmem:$0x90];
	[tilespmem:$0x30] =	vst v2;
	v2 =	vadd.s32 v1, v6  }
0x174: {  	s24 =	rddreg [dreg:$0x14];
	[tilespmem:$0x40] =	vst v2;
	v2 =	vadd.s32 v1, v7  }
0x175: {  	s26 =	rddreg [dreg:$0x15];
	[tilespmem:$0x50] =	vst v2;
	v2 =	vadd.s32 v1, v3  }
0x176: {  	s28 =	rddreg [dreg:$0x17];
	[tilespmem:$0x60] =	vst v2;
	v2 =	vadd.s32 v1, v61  }
0x177: {  	s29 =	rddreg [dreg:$0x18];
	[tilespmem:$0x70] =	vst v2;
	v2 =	vadd.s32 v1, v62  }
0x178: {  	s30 =	rddreg [dreg:$0x19];
	[tilespmem:$0x80] =	vst v2;
	v2 =	vadd.s32 v1, v63  }
0x179: {  	s10 =	rddreg [dreg:$0x1a];
	[tilespmem:$0x90] =	vst v2  }
0x17a: {  	[tilespmem:s16], [sflag:$0x5] =	stream.indirect.gather [hbm4b:s3+s21], $0x80, s25, s21, $0xb8;
	[tilespmem:$0x1E080] =	vst v63  }
.LBB2_9:
0x17b: {  	s4 =	sadd.s32 s25, s10;
	s15 =	simm.s32 $0x200  }
0x17c: {  	[tilespmem:s15], [sflag:$0x3] =	stream.linear.gather [hbm4b:s4+s2], $0xA0, $0x38;
	[tilespmem:$0x1E080] =	vst v63  }
0x17d: {  	s17 =	sadd.s32 s25, s30;
	s6 =	simm.s32 $0x600  }
0x17e: {  	[tilespmem:s6], [sflag:$0x3] =	stream.linear.gather [hbm4b:s17+s2], $0xA0, $0x38;
	[tilespmem:$0x1E080] =	vst v63  }
0x17f: {  	_ =	swait.ge [sflag:s8], $0xA0  }
0x180: {  	[sflag:s8] =	ssyncset.done $0x0  }
0x181: {  	[sflag:s8] =	ssyncadd.s32 $0xFFFFFF60  }
0x182: {  	_ =	swait.ge [sflag:s8], $0xA0  }
0x183: {  	[sflag:s8] =	ssyncset.done $0x0  }
0x184: {  	[sflag:s8] =	ssyncadd.s32 $0xFFFFFF60  }
0x185: {  	v2 =	vld [tilespmem:$0x100]  }
0x186: {  	v3 =	vld [tilespmem:$0x110]  }
0x187: {  	v4 =	vld [tilespmem:$0x120]  }
0x188: {  	v5 =	vld [tilespmem:$0x130]  }
0x189: {  	v6 =	vld [tilespmem:$0x140]  }
0x18a: {  	v7 =	vld [tilespmem:$0x150];
	v2 =	vadd.s32 v1, v2  }
0x18b: {  	[tilespmem:$0x100] =	vst v2;
	v2 =	vadd.s32 v1, v3;
	v3 =	vld [tilespmem:$0x160]  }
0x18c: {  	v40 =	vld [tilespmem:$0x170];
	[tilespmem:$0x110] =	vst v2;
	v2 =	vadd.s32 v1, v4  }
0x18d: {  	v41 =	vld [tilespmem:$0x180];
	[tilespmem:$0x120] =	vst v2;
	v2 =	vadd.s32 v1, v5  }
0x18e: {  	v42 =	vld [tilespmem:$0x190];
	[tilespmem:$0x130] =	vst v2;
	v2 =	vadd.s32 v1, v6  }
0x18f: {  	[tilespmem:$0x140] =	vst v2;
	v2 =	vadd.s32 v1, v7  }
0x190: {  	[tilespmem:$0x150] =	vst v2;
	v2 =	vadd.s32 v1, v3  }
0x191: {  	[tilespmem:$0x160] =	vst v2;
	v2 =	vadd.s32 v1, v40  }
0x192: {  	[tilespmem:$0x170] =	vst v2;
	v2 =	vadd.s32 v1, v41  }
0x193: {  	[tilespmem:$0x180] =	vst v2;
	v2 =	vadd.s32 v1, v42  }
0x194: {  	s11 =	simm.s32 $0x100;
	[tilespmem:$0x190] =	vst v2  }
0x195: {  	[tilespmem:s9], [sflag:$0x6] =	stream.indirect.gather [hbm4b:s3+s21], $0x80, s11, s21, $0xb8;
	[tilespmem:$0x1E080] =	vst v63  }
0x196: {  	_ =	swait.ge [sflag:s22], $0x5000  }
0x197: {  	[sflag:s22] =	ssyncset.done $0x0  }
0x198: {  	s17 =	simm.s32 $0x400;
	[sflag:s22] =	ssyncadd.s32 $0xFFFFB000  }
0x199: {  	[spmem:s1] =	stream.indirect.scatter.add.f32 [tilespmem:s16], [sflag:$0x7], $0x80, s17, s21, $0xb8;
	[tilespmem:$0x1E080] =	vst v63  }
0x19a: {  	_ =	swait.ge [sflag:s5], $0x5000  }
0x19b: {  	[sflag:s5] =	ssyncset.done $0x0  }
0x19c: {  	s18 =	sadd.s32 s25, s29;
	s19 =	simm.s32 $0x300;
	[sflag:s5] =	ssyncadd.s32 $0xFFFFB000  }
0x19d: {  	[tilespmem:s19], [sflag:$0x4] =	stream.linear.gather [hbm4b:s18+s2], $0xA0, $0x38;
	[tilespmem:$0x1E080] =	vst v63  }
0x19e: {  	s31 =	sadd.s32 s25, s28;
	s0 =	simm.s32 $0x700  }
0x19f: {  	[tilespmem:s0], [sflag:$0x4] =	stream.linear.gather [hbm4b:s31+s2], $0xA0, $0x38;
	[tilespmem:$0x1E080] =	vst v63  }
0x1a0: {  	_ =	swait.ge [sflag:s12], $0xA0  }
0x1a1: {  	[sflag:s12] =	ssyncset.done $0x0  }
0x1a2: {  	[sflag:s12] =	ssyncadd.s32 $0xFFFFFF60  }
0x1a3: {  	_ =	swait.ge [sflag:s12], $0xA0  }
0x1a4: {  	[sflag:s12] =	ssyncset.done $0x0  }
0x1a5: {  	[sflag:s12] =	ssyncadd.s32 $0xFFFFFF60  }
0x1a6: {  	v2 =	vld [tilespmem:$0x200]  }
0x1a7: {  	v3 =	vld [tilespmem:$0x210]  }
0x1a8: {  	v43 =	vld [tilespmem:$0x220]  }
0x1a9: {  	v44 =	vld [tilespmem:$0x230]  }
0x1aa: {  	v45 =	vld [tilespmem:$0x240]  }
0x1ab: {  	v46 =	vld [tilespmem:$0x250];
	v2 =	vadd.s32 v1, v2  }
0x1ac: {  	[tilespmem:$0x200] =	vst v2;
	v2 =	vadd.s32 v1, v3;
	v3 =	vld [tilespmem:$0x260]  }
0x1ad: {  	v47 =	vld [tilespmem:$0x270];
	[tilespmem:$0x210] =	vst v2;
	v2 =	vadd.s32 v1, v43  }
0x1ae: {  	v48 =	vld [tilespmem:$0x280];
	[tilespmem:$0x220] =	vst v2;
	v2 =	vadd.s32 v1, v44  }
0x1af: {  	v49 =	vld [tilespmem:$0x290];
	[tilespmem:$0x230] =	vst v2;
	v2 =	vadd.s32 v1, v45  }
0x1b0: {  	[tilespmem:$0x240] =	vst v2;
	v2 =	vadd.s32 v1, v46  }
0x1b1: {  	[tilespmem:$0x250] =	vst v2;
	v2 =	vadd.s32 v1, v3  }
0x1b2: {  	[tilespmem:$0x260] =	vst v2;
	v2 =	vadd.s32 v1, v47  }
0x1b3: {  	[tilespmem:$0x270] =	vst v2;
	v2 =	vadd.s32 v1, v48  }
0x1b4: {  	[tilespmem:$0x280] =	vst v2;
	v2 =	vadd.s32 v1, v49  }
0x1b5: {  	[tilespmem:$0x290] =	vst v2  }
0x1b6: {  	[tilespmem:s16], [sflag:$0x5] =	stream.indirect.gather [hbm4b:s3+s21], $0x80, s15, s21, $0xb8;
	[tilespmem:$0x1E080] =	vst v63  }
0x1b7: {  	_ =	swait.ge [sflag:s13], $0x5000  }
0x1b8: {  	[sflag:s13] =	ssyncset.done $0x0  }
0x1b9: {  	s31 =	simm.s32 $0x500;
	[sflag:s13] =	ssyncadd.s32 $0xFFFFB000  }
0x1ba: {  	[spmem:s1] =	stream.indirect.scatter.add.f32 [tilespmem:s9], [sflag:$0x7], $0x80, s31, s21, $0xb8;
	[tilespmem:$0x1E080] =	vst v63  }
0x1bb: {  	_ =	swait.ge [sflag:s5], $0x5000  }
0x1bc: {  	s4 =	sshrl.u32 s7, $0x3;
	[sflag:s5] =	ssyncset.done $0x0;
	s18 =	rddreg [dreg:$0x3]  }
0x1bd: {  	[sflag:s5] =	ssyncadd.s32 $0xFFFFB000;
	s15 =	sadd.s32 s18, s4  }
0x1be: {  	[tilespmem:s2], [sflag:$0x1] =	stream.linear.gather [hbm4b:s15+s2], $0xA0, $0x38;
	[tilespmem:$0x1E080] =	vst v63  }
0x1bf: {  	s4 =	sadd.s32 s23, s4  }
0x1c0: {  	[tilespmem:s17], [sflag:$0x1] =	stream.linear.gather [hbm4b:s4+s2], $0xA0, $0x38;
	[tilespmem:$0x1E080] =	vst v63  }
0x1c1: {  	_ =	swait.ge [sflag:s14], $0xA0  }
0x1c2: {  	[sflag:s14] =	ssyncset.done $0x0  }
0x1c3: {  	[sflag:s14] =	ssyncadd.s32 $0xFFFFFF60  }
0x1c4: {  	_ =	swait.ge [sflag:s14], $0xA0  }
0x1c5: {  	[sflag:s14] =	ssyncset.done $0x0  }
0x1c6: {  	[sflag:s14] =	ssyncadd.s32 $0xFFFFFF60  }
0x1c7: {  	v2 =	vld [tilespmem:$0x300]  }
0x1c8: {  	v3 =	vld [tilespmem:$0x310]  }
0x1c9: {  	v50 =	vld [tilespmem:$0x320]  }
0x1ca: {  	v51 =	vld [tilespmem:$0x330]  }
0x1cb: {  	v52 =	vld [tilespmem:$0x340]  }
0x1cc: {  	v53 =	vld [tilespmem:$0x350];
	v2 =	vadd.s32 v1, v2  }
0x1cd: {  	[tilespmem:$0x300] =	vst v2;
	v2 =	vadd.s32 v1, v3;
	v3 =	vld [tilespmem:$0x360]  }
0x1ce: {  	v54 =	vld [tilespmem:$0x370];
	[tilespmem:$0x310] =	vst v2;
	v2 =	vadd.s32 v1, v50  }
0x1cf: {  	v55 =	vld [tilespmem:$0x380];
	[tilespmem:$0x320] =	vst v2;
	v2 =	vadd.s32 v1, v51  }
0x1d0: {  	v56 =	vld [tilespmem:$0x390];
	[tilespmem:$0x330] =	vst v2;
	v2 =	vadd.s32 v1, v52  }
0x1d1: {  	[tilespmem:$0x340] =	vst v2;
	v2 =	vadd.s32 v1, v53  }
0x1d2: {  	[tilespmem:$0x350] =	vst v2;
	v2 =	vadd.s32 v1, v3  }
0x1d3: {  	[tilespmem:$0x360] =	vst v2;
	v2 =	vadd.s32 v1, v54  }
0x1d4: {  	[tilespmem:$0x370] =	vst v2;
	v2 =	vadd.s32 v1, v55  }
0x1d5: {  	[tilespmem:$0x380] =	vst v2;
	v2 =	vadd.s32 v1, v56  }
0x1d6: {  	[tilespmem:$0x390] =	vst v2  }
0x1d7: {  	[tilespmem:s9], [sflag:$0x6] =	stream.indirect.gather [hbm4b:s3+s21], $0x80, s19, s21, $0xb8;
	[tilespmem:$0x1E080] =	vst v63  }
0x1d8: {  	_ =	swait.ge [sflag:s22], $0x5000  }
0x1d9: {  	[sflag:s22] =	ssyncset.done $0x0  }
0x1da: {  	[sflag:s22] =	ssyncadd.s32 $0xFFFFB000  }
0x1db: {  	[spmem:s1] =	stream.indirect.scatter.add.f32 [tilespmem:s16], [sflag:$0x7], $0x80, s6, s21, $0xb8;
	[tilespmem:$0x1E080] =	vst v63  }
0x1dc: {  	_ =	swait.ge [sflag:s5], $0x5000  }
0x1dd: {  	[sflag:s5] =	ssyncset.done $0x0  }
0x1de: {  	s15 =	sadd.s32 s25, s26;
	[sflag:s5] =	ssyncadd.s32 $0xFFFFB000  }
0x1df: {  	[tilespmem:s11], [sflag:$0x2] =	stream.linear.gather [hbm4b:s15+s2], $0xA0, $0x38;
	[tilespmem:$0x1E080] =	vst v63  }
0x1e0: {  	s19 =	sadd.s32 s25, s24  }
0x1e1: {  	[tilespmem:s31], [sflag:$0x2] =	stream.linear.gather [hbm4b:s19+s2], $0xA0, $0x38;
	[tilespmem:$0x1E080] =	vst v63  }
0x1e2: {  	_ =	swait.ge [sflag:s20], $0xA0  }
0x1e3: {  	[sflag:s20] =	ssyncset.done $0x0  }
0x1e4: {  	[sflag:s20] =	ssyncadd.s32 $0xFFFFFF60  }
0x1e5: {  	_ =	swait.ge [sflag:s20], $0xA0  }
0x1e6: {  	[sflag:s20] =	ssyncset.done $0x0  }
0x1e7: {  	[sflag:s20] =	ssyncadd.s32 $0xFFFFFF60  }
0x1e8: {  	v2 =	vld [tilespmem:$0x0]  }
0x1e9: {  	v3 =	vld [tilespmem:$0x10]  }
0x1ea: {  	v57 =	vld [tilespmem:$0x20]  }
0x1eb: {  	v58 =	vld [tilespmem:$0x30]  }
0x1ec: {  	v59 =	vld [tilespmem:$0x40]  }
0x1ed: {  	v60 =	vld [tilespmem:$0x50];
	v2 =	vadd.s32 v1, v2  }
0x1ee: {  	[tilespmem:$0x0] =	vst v2;
	v2 =	vadd.s32 v1, v3;
	v3 =	vld [tilespmem:$0x60]  }
0x1ef: {  	v61 =	vld [tilespmem:$0x70];
	[tilespmem:$0x10] =	vst v2;
	v2 =	vadd.s32 v1, v57  }
0x1f0: {  	v62 =	vld [tilespmem:$0x80];
	[tilespmem:$0x20] =	vst v2;
	v2 =	vadd.s32 v1, v58  }
0x1f1: {  	v63 =	vld [tilespmem:$0x90];
	[tilespmem:$0x30] =	vst v2;
	v2 =	vadd.s32 v1, v59  }
0x1f2: {  	[tilespmem:$0x40] =	vst v2;
	v2 =	vadd.s32 v1, v60  }
0x1f3: {  	[tilespmem:$0x50] =	vst v2;
	v2 =	vadd.s32 v1, v3  }
0x1f4: {  	[tilespmem:$0x60] =	vst v2;
	v2 =	vadd.s32 v1, v61  }
0x1f5: {  	[tilespmem:$0x70] =	vst v2;
	v2 =	vadd.s32 v1, v62  }
0x1f6: {  	[tilespmem:$0x80] =	vst v2;
	v2 =	vadd.s32 v1, v63  }
0x1f7: {  	[tilespmem:$0x90] =	vst v2  }
0x1f8: {  	[tilespmem:s16], [sflag:$0x5] =	stream.indirect.gather [hbm4b:s3+s21], $0x80, s2, s21, $0xb8;
	[tilespmem:$0x1E080] =	vst v63  }
0x1f9: {  	_ =	swait.ge [sflag:s13], $0x5000  }
0x1fa: {  	p3 =	sne.s32 s25, $0x460;
	[sflag:s13] =	ssyncset.done $0x0  }
.Ltmp6:
0x1fb: {  	[sflag:s13] =	ssyncadd.s32 $0xFFFFB000;
	(pc) =	sbr.rel @p3 .LBB2_9-.Ltmp6, $4  }
0x1fc: {  	[spmem:s1] =	stream.indirect.scatter.add.f32 [tilespmem:s9], [sflag:$0x7], $0x80, s0, s21, $0xb8;
	[tilespmem:$0x1E080] =	vst v63  }
0x1fd: {  	_ =	swait.ge [sflag:s5], $0x5000  }
0x1fe: {  	s7 =	sadd.s32 $0x280, s7;
	s18 =	simm.s32 $0x400;
	[sflag:s5] =	ssyncset.done $0x0  }
0x1ff: {  	s17 =	simm.s32 $0x100;
	s25 =	sadd.s32 $0x50, s25;
	[sflag:s5] =	ssyncadd.s32 $0xFFFFB000  }
0x200: {  	s4 =	simm.s32 @!p1 $0x0;
	s7 =	simm.s32 @!p1 $0x200;
	s6 =	rddreg [dreg:$0xb]  }
0x201: {  	[tilespmem:s7], [sflag:$0x3] =	stream.linear.gather @!p1 [hbm4b:s6+s4], $0xA0, $0x38;
	[tilespmem:$0x1E080] =	vst v63  }
0x202: {  	s7 =	simm.s32 @!p1 $0x600;
	s6 =	rddreg [dreg:$0xc]  }
0x203: {  	[tilespmem:s7], [sflag:$0x3] =	stream.linear.gather @!p1 [hbm4b:s6+s4], $0xA0, $0x38;
	[tilespmem:$0x1E080] =	vst v63  }
0x204: {  	_ =	swait.ge [sflag:s8], $0xA0  }
0x205: {  	[sflag:s8] =	ssyncset.done $0x0  }
0x206: {  	[sflag:s8] =	ssyncadd.s32 $0xFFFFFF60  }
0x207: {  	_ =	swait.ge [sflag:s8], $0xA0  }
0x208: {  	[sflag:s8] =	ssyncset.done $0x0  }
0x209: {  	[sflag:s8] =	ssyncadd.s32 $0xFFFFFF60  }
0x20a: {  	v2 =	vld [tilespmem:$0x100]  }
0x20b: {  	v3 =	vld [tilespmem:$0x110]  }
0x20c: {  	v4 =	vld [tilespmem:$0x120]  }
0x20d: {  	v5 =	vld [tilespmem:$0x130]  }
0x20e: {  	v6 =	vld [tilespmem:$0x140]  }
0x20f: {  	v7 =	vld [tilespmem:$0x150];
	v2 =	vadd.s32 v1, v2  }
0x210: {  	[tilespmem:$0x100] =	vst v2;
	v2 =	vadd.s32 v1, v3;
	v3 =	vld [tilespmem:$0x160]  }
0x211: {  	v61 =	vld [tilespmem:$0x170];
	[tilespmem:$0x110] =	vst v2;
	v2 =	vadd.s32 v1, v4  }
0x212: {  	v62 =	vld [tilespmem:$0x180];
	[tilespmem:$0x120] =	vst v2;
	v2 =	vadd.s32 v1, v5  }
0x213: {  	v63 =	vld [tilespmem:$0x190];
	[tilespmem:$0x130] =	vst v2;
	v2 =	vadd.s32 v1, v6  }
0x214: {  	[tilespmem:$0x140] =	vst v2;
	v2 =	vadd.s32 v1, v7  }
0x215: {  	[tilespmem:$0x150] =	vst v2;
	v2 =	vadd.s32 v1, v3  }
0x216: {  	[tilespmem:$0x160] =	vst v2;
	v2 =	vadd.s32 v1, v61  }
0x217: {  	[tilespmem:$0x170] =	vst v2;
	v2 =	vadd.s32 v1, v62  }
0x218: {  	[tilespmem:$0x180] =	vst v2;
	v2 =	vadd.s32 v1, v63  }
0x219: {  	[tilespmem:$0x190] =	vst v2  }
0x21a: {  	[tilespmem:s9], [sflag:$0x6] =	stream.indirect.gather [hbm4b:s3+s21], $0x80, s17, s21, $0xb8;
	[tilespmem:$0x1E080] =	vst v63  }
0x21b: {  	_ =	swait.ge [sflag:s22], $0x5000  }
0x21c: {  	[sflag:s22] =	ssyncset.done $0x0  }
.Ltmp7:
0x21d: {  	[sflag:s22] =	ssyncadd.s32 $0xFFFFB000;
	(pc) =	sbr.rel @p1 .LBB2_13-.Ltmp7, $4  }
0x21e: {  	[spmem:s1] =	stream.indirect.scatter.add.f32 [tilespmem:s16], [sflag:$0x7], $0x80, s18, s21, $0xb8;
	[tilespmem:$0x1E080] =	vst v63  }
0x21f: {  	_ =	swait.ge [sflag:s5], $0x5000  }
0x220: {  	s15 =	smov.u32 s23;
	[sflag:s5] =	ssyncset.done $0x0  }
0x221: {  	s0 =	simm.s32 $0x400;
	s11 =	simm.s32 $0x100;
	[sflag:s5] =	ssyncadd.s32 $0xFFFFB000  }
0x222: {  	_ =	swait.ge [sflag:s12], $0xA0  }
0x223: {  	[sflag:s12] =	ssyncset.done $0x0  }
0x224: {  	[sflag:s12] =	ssyncadd.s32 $0xFFFFFF60  }
0x225: {  	_ =	swait.ge [sflag:s12], $0xA0  }
0x226: {  	[sflag:s12] =	ssyncset.done $0x0  }
0x227: {  	[sflag:s12] =	ssyncadd.s32 $0xFFFFFF60  }
0x228: {  	v2 =	vld [tilespmem:$0x200]  }
0x229: {  	v3 =	vld [tilespmem:$0x210]  }
0x22a: {  	v4 =	vld [tilespmem:$0x220]  }
0x22b: {  	v5 =	vld [tilespmem:$0x230]  }
0x22c: {  	v6 =	vld [tilespmem:$0x240]  }
0x22d: {  	v7 =	vld [tilespmem:$0x250];
	v2 =	vadd.s32 v1, v2  }
0x22e: {  	[tilespmem:$0x200] =	vst v2;
	v2 =	vadd.s32 v1, v3;
	v3 =	vld [tilespmem:$0x260]  }
0x22f: {  	v61 =	vld [tilespmem:$0x270];
	[tilespmem:$0x210] =	vst v2;
	v2 =	vadd.s32 v1, v4  }
0x230: {  	v62 =	vld [tilespmem:$0x280];
	[tilespmem:$0x220] =	vst v2;
	v2 =	vadd.s32 v1, v5  }
0x231: {  	v63 =	vld [tilespmem:$0x290];
	[tilespmem:$0x230] =	vst v2;
	v2 =	vadd.s32 v1, v6  }
0x232: {  	[tilespmem:$0x240] =	vst v2;
	v2 =	vadd.s32 v1, v7  }
0x233: {  	[tilespmem:$0x250] =	vst v2;
	v2 =	vadd.s32 v1, v3  }
0x234: {  	[tilespmem:$0x260] =	vst v2;
	v2 =	vadd.s32 v1, v61  }
0x235: {  	[tilespmem:$0x270] =	vst v2;
	v2 =	vadd.s32 v1, v62  }
0x236: {  	[tilespmem:$0x280] =	vst v2;
	v2 =	vadd.s32 v1, v63  }
0x237: {  	s4 =	simm.s32 $0x200;
	[tilespmem:$0x290] =	vst v2  }
0x238: {  	[tilespmem:s16], [sflag:$0x5] =	stream.indirect.gather [hbm4b:s3+s21], $0x80, s4, s21, $0xb8;
	[tilespmem:$0x1E080] =	vst v63  }
0x239: {  	_ =	swait.ge [sflag:s13], $0x5000  }
0x23a: {  	[sflag:s13] =	ssyncset.done $0x0  }
0x23b: {  	s17 =	simm.s32 $0x500;
	[sflag:s13] =	ssyncadd.s32 $0xFFFFB000  }
0x23c: {  	[spmem:s1] =	stream.indirect.scatter.add.f32 [tilespmem:s9], [sflag:$0x7], $0x80, s17, s21, $0xb8;
	[tilespmem:$0x1E080] =	vst v63  }
0x23d: {  	_ =	swait.ge [sflag:s5], $0x5000  }
0x23e: {  	[sflag:s5] =	ssyncset.done $0x0  }
0x23f: {  	[sflag:s5] =	ssyncadd.s32 $0xFFFFB000  }
0x240: {  	_ =	swait.ge [sflag:s22], $0x5000  }
0x241: {  	[sflag:s22] =	ssyncset.done $0x0  }
0x242: {  	s31 =	simm.s32 $0x600;
	[sflag:s22] =	ssyncadd.s32 $0xFFFFB000  }
0x243: {  	[spmem:s1] =	stream.indirect.scatter.add.f32 [tilespmem:s16], [sflag:$0x7], $0x80, s31, s21, $0xb8;
	[tilespmem:$0x1E080] =	vst v63  }
0x244: {  	_ =	swait.ge [sflag:s5], $0x5000  }
0x245: {  	[sflag:s5] =	ssyncset.done $0x0  }
0x246: {  	[sflag:s5] =	ssyncadd.s32 $0xFFFFB000  }
0x247: {  	[bflag:$0x0] =	sbarrier.arrive $0xFFFF  }
0x248: {  	s24 =	rddreg [dreg:$0x14]  }
.Ltmp8:
0x249: {  	s26 =	rddreg [dreg:$0x15];
	(pc) =	sbr.rel @!p2 .LBB2_14-.Ltmp8, $4  }
0x24a: {  	s28 =	rddreg [dreg:$0x17]  }
0x24b: {  	s29 =	rddreg [dreg:$0x18]  }
0x24c: {  	s30 =	rddreg [dreg:$0x19]  }
0x24d: {  	s10 =	rddreg [dreg:$0x1a]  }
0x24e: {  	s4 =	sshrl.u32 s1, $0x3  }
.Ltmp9:
0x24f: {  	s6 =	rddreg [dreg:$0x11];
	s7 =	simm.s32 $0x1C07;
	(pc) =	sbr.rel .LBB2_15-.Ltmp9, $4  }
0x250: {  	[hbm:s6], [sflag:s7] =	dma.local [spmem:s4], $0x2800  }
0x251: {  	_ =	swait.ge [sflag:s5], $0x2800  }
0x252: {  	[sflag:s5] =	ssyncset.done $0x0  }
0x253: {  	s7 =	rddreg [dreg:$0x1b];
	[sflag:s5] =	ssyncadd.s32 $0xFFFFD800  }
.LBB2_16:
0x254: {  	_ =	sfence.sel $0x180000  }
0x255: {  	[bflag:$0x0] =	sbarrier.arrive $0xFFFF  }
0x256: {  	_ =	strace $0x9000004A  }
0x257: {  	[bflag:$0x2] =	sbarrier.arrive $0xFFFF  }
0x258: {  	s0 =	rddreg [dreg:$0x2]  }
0x259: {  	s0 =	sadd.s32 @!p0 $0x100000, s0  }
0x25a: {  	[sflag:s0] =	ssyncadd.tile.s32 @!p0 $0x1;
	_ =	shalt  }
.Lfunc_end2:
_tile_overlayer_lowered:
.L_overlay_start_2:
0x25b: {  	(tag) =	ssettag $0x2  }
0x25c: {  	s0 =	rddreg [dreg:$0x0];
	s2 =	stileid.u32  }
0x25d: {  	s1 =	rddreg [dreg:$0x1];
	p0 =	sne.s32 s2, $0x0  }
0x25e: {  	s3 =	rddreg [dreg:$0x2];
	[bflag:$0x3] =	sbarrier.arrive $0xFFFF;
	s2 =	simm.s32 @!p0 $0x1C07  }
0x25f: {  	[timem:s3], [sflag:s2] =	dma.local @!p0 [hbm:s0], s1  }
0x260: {  	s0 =	simm.s32 @!p0 $0x7  }
0x261: {  	_ =	swait.ge @!p0 [sflag:s0], s1  }
0x262: {  	s1 =	ssub.s32 @!p0 $0x0, s1;
	[sflag:s0] =	ssyncset.done @!p0 $0x0  }
0x263: {  	[sflag:s0] =	ssyncadd.s32 @!p0 s1  }
0x264: {  	[bflag:$0x3] =	sbarrier.arrive $0xFFFF  }
0x265: {  	_ =	shalt  }

// kernel: kernel.17.cloned.1.call-start
scs
__scs_entry_jumppad:
0x0: {  	(pc) =	sbr.rel $0x88, $3  }
0x1: {  	(tag) =	ssettag $0x0;
	lr =	simm.s32 $0x1  }
0x2: {  	[smem:$0x3F99] =	sst lr;
	_ =	strace $0xD0000000  }
0x3: {  	_ = 	snop  }
0x4: {  	_ = 	snop  }
0x5: {  	_ = 	snop  }
0x6: {  	_ = 	snop  }
0x7: {  	_ = 	snop  }
__scs_overlays_trampoline_lowered:
0x8: {  	[smem:$0x3FA8] =	sst s0  }
0x9: {  	[smem:$0x3FA9] =	sst s1  }
0xa: {  	[smem:$0x3FAA] =	sst s2  }
0xb: {  	[smem:$0x3FAB] =	sst s3  }
0xc: {  	[smem:$0x3FAC] =	sst s4  }
0xd: {  	[smem:$0x3FAD] =	sst s5  }
0xe: {  	[smem:$0x3FAE] =	sst s6  }
0xf: {  	[smem:$0x3FAF] =	sst s7  }
0x10: {  	[smem:$0x3FB0] =	sst s8  }
0x11: {  	[smem:$0x3FB1] =	sst s9;
	s0 =	simm.s32 @!p0 $0x0  }
0x12: {  	s1 =	sld [smem:$0x3F97];
	s0 =	simm.s32 @p0 $0x1  }
0x13: {  	[smem:$0x3FB2] =	sst s0;
	s0 =	simm.s32 @!p1 $0x0  }
0x14: {  	s2 =	sld [smem:$0x3F96];
	s0 =	simm.s32 @p1 $0x1  }
0x15: {  	[smem:$0x3FB3] =	sst s0;
	s0 =	simm.s32 @!p2 $0x0  }
0x16: {  	s3 =	sld [smem:$0x3FDB];
	s0 =	simm.s32 @p2 $0x1  }
0x17: {  	s4 =	simm.s32 $0x1BF5;
	[smem:$0x3FB5] =	sst s0  }
0x18: {  	s0 =	sld [smem:$0x3F98];
	_ =	swait.ge [sflag:s4], $0x0  }
0x19: {  	s7 =	sld [smem:$0x3F99]  }
0x1a: {  	s8 =	sadd.s32 $0xFFFFE003, lr  }
0x1b: {  	s9 =	sadd.s32 $0xFFFFFEF7, lr;
	s5 =	simm.s32 $0xFFFFFFFF;
	p2 =	slt.u32 s8, $0xFFFFF086  }
0x1c: {  	p1 =	slt.u32 s9, $0xF7A;
	s5 =	simm.s32 @!p2 $0x0  }
0x1d: {  	s5 =	simm.s32 @p1 $0x1;
	p0 =	seq.s32 s7, s2  }
0x1e: {  	s7 =	smul.u32 @!p0 $0xF7A, s2;
	p2 =	seq.s32 @!p0 s5, $0x0  }
0x1f: {  	s9 =	smul.u32 $0xF7A, s1;
	s8 =	simm.s32 @!p0 $0x1BF5;
	p2 =	por !p2, p0  }
0x20: {  	[sflag:s8] =	ssyncset.s32 @!p0 $0xFFFFF086;
	s6 =	sadd.s32 @!p0 s3, s7;
	s7 =	simm.s32 @!p0 $0x108  }
0x21: {  	s3 =	sadd.s32 s3, s9;
	s6 =	sadd.s32 @!p0 $0x88, s6;
	s7 =	simm.s32 @p2 $0x1082  }
0x22: {  	[simem:s7], [sflag:s8] =	dma.local @!p0 [hbm:s6], $0xF7A  }
0x23: {  	s9 =	sor.u32 $0xD0000000, s2;
	s6 =	simm.s32 $0x108;
	_ =	swait.ge @!p0 [sflag:s8], $0x0  }
0x24: {  	s3 =	sadd.s32 $0x88, s3;
	s6 =	simm.s32 @!p1 $0x1082;
	[sflag:s4] =	ssyncset.s32 $0xFFFFF086  }
0x25: {  	[simem:s6], [sflag:s4] =	dma.local [hbm:s3], $0xF7A  }
0x26: {  	[smem:$0x3F99] =	sst s1;
	(tag) =	ssettag s2;
	_ =	strace s9  }
0x27: {  	s1 =	sld [smem:$0x3FA9]  }
0x28: {  	s2 =	sld [smem:$0x3FAA]  }
0x29: {  	s4 =	sld [smem:$0x3FAC]  }
0x2a: {  	p0 =	seq.s32 s5, $0x0;
	s5 =	sld [smem:$0x3FAD]  }
0x2b: {  	s6 =	sld [smem:$0x3FAE]  }
0x2c: {  	s7 =	sld [smem:$0x3FAF]  }
0x2d: {  	s3 =	simm.s32 $0x108;
	s8 =	sld [smem:$0x3FB0]  }
0x2e: {  	s3 =	simm.s32 @!p0 $0x1082;
	s9 =	sld [smem:$0x3FB1]  }
0x2f: {  	lr =	sadd.s32 s0, s3;
	s0 =	sld [smem:$0x3FA8]  }
0x30: {  	s3 =	sld [smem:$0x3FAB]  }
0x31: {  	[smem:$0x3FB4] =	sst s10  }
0x32: {  	s10 =	sld [smem:$0x3FB2];
	_ =	sdelay $0x3  }
0x33: {  	p0 =	seq.s32 s10, $0x1;
	s10 =	sld [smem:$0x3FB4];
	_ =	sdelay $0x3  }
0x34: {  	[smem:$0x3FB4] =	sst s10  }
0x35: {  	s10 =	sld [smem:$0x3FB3];
	_ =	sdelay $0x3  }
0x36: {  	p1 =	seq.s32 s10, $0x1;
	s10 =	sld [smem:$0x3FB4];
	_ =	sdelay $0x3  }
0x37: {  	[smem:$0x3FB4] =	sst s10  }
0x38: {  	s10 =	sld [smem:$0x3FB5]  }
0x39: {  	_ = 	snop;
	(pc) =	sbr.ind lr, $3  }
0x3a: {  	_ = 	snop  }
0x3b: {  	_ = 	snop  }
0x3c: {  	p2 =	seq.s32 s10, $0x1;
	s10 =	sld [smem:$0x3FB4]  }
0x3d: {  	_ =	shalt  }
0x3e: {  	_ =	shalt  }
0x3f: {  	_ =	shalt  }
0x40: {  	_ =	shalt  }
0x41: {  	_ =	shalt  }
0x42: {  	_ =	shalt  }
0x43: {  	_ =	shalt  }
0x44: {  	_ =	shalt  }
0x45: {  	_ =	shalt  }
0x46: {  	_ =	shalt  }
0x47: {  	_ =	shalt  }
0x48: {  	_ =	shalt  }
0x49: {  	_ =	shalt  }
0x4a: {  	_ =	shalt  }
0x4b: {  	_ =	shalt  }
0x4c: {  	_ =	shalt  }
0x4d: {  	_ =	shalt  }
0x4e: {  	_ =	shalt  }
0x4f: {  	_ =	shalt  }
0x50: {  	_ =	shalt  }
0x51: {  	_ =	shalt  }
0x52: {  	_ =	shalt  }
0x53: {  	_ =	shalt  }
0x54: {  	_ =	shalt  }
0x55: {  	_ =	shalt  }
0x56: {  	_ =	shalt  }
0x57: {  	_ =	shalt  }
0x58: {  	_ =	shalt  }
0x59: {  	_ =	shalt  }
0x5a: {  	_ =	shalt  }
0x5b: {  	_ =	shalt  }
0x5c: {  	_ =	shalt  }
0x5d: {  	_ =	shalt  }
0x5e: {  	_ =	shalt  }
0x5f: {  	_ =	shalt  }
0x60: {  	_ =	shalt  }
0x61: {  	_ =	shalt  }
0x62: {  	_ =	shalt  }
0x63: {  	_ =	shalt  }
0x64: {  	_ =	shalt  }
0x65: {  	_ =	shalt  }
0x66: {  	_ =	shalt  }
0x67: {  	_ =	shalt  }
0x68: {  	_ =	shalt  }
0x69: {  	_ =	shalt  }
0x6a: {  	_ =	shalt  }
0x6b: {  	_ =	shalt  }
0x6c: {  	_ =	shalt  }
0x6d: {  	_ =	shalt  }
0x6e: {  	_ =	shalt  }
0x6f: {  	_ =	shalt  }
0x70: {  	_ =	shalt  }
0x71: {  	_ =	shalt  }
0x72: {  	_ =	shalt  }
0x73: {  	_ =	shalt  }
0x74: {  	_ =	shalt  }
0x75: {  	_ =	shalt  }
0x76: {  	_ =	shalt  }
0x77: {  	_ =	shalt  }
0x78: {  	_ =	shalt  }
0x79: {  	_ =	shalt  }
0x7a: {  	_ =	shalt  }
0x7b: {  	_ =	shalt  }
0x7c: {  	_ =	shalt  }
0x7d: {  	_ =	shalt  }
0x7e: {  	_ =	shalt  }
0x7f: {  	_ =	shalt  }
0x80: {  	_ =	shalt  }
0x81: {  	_ =	shalt  }
0x82: {  	_ =	shalt  }
0x83: {  	_ =	shalt  }
0x84: {  	_ =	shalt  }
0x85: {  	_ =	shalt  }
0x86: {  	_ =	shalt  }
0x87: {  	_ =	shalt  }
.Lfunc_end0:
.L_simem_size_0:
called_computation.2_lowered:
.L_overlay_start_0:
0x88: {  	s2 =	sld [smem:$0x3FD9]  }
0x89: {  	s3 =	sld [smem:$0x3FFE];
	_ =	sdelay $0x1  }
0x8a: {  	s1 =	srdreg.scid  }
0x8b: {  	s0 =	sand.u32 $0x1, s1  }
0x8c: {  	s16 =	sshll.u32 s0, $0xA;
	s2 =	sadd.s32 s3, s2  }
0x8d: {  	s2 =	sadd.s32 s2, s16  }
0x8e: {  	[smem:$0x3FC0] =	sst s2  }
0x8f: {  	_ = 	snop  }
0x90: {  	(tm) =	ssettm $0x1  }
0x91: {  	s17 =	sld [smem:$0x3FFB];
	_ =	sdelay $0x3  }
0x92: {  	_ =	strace s17  }
0x93: {  	s2 =	sld [smem:$0x3FFC];
	_ =	sdelay $0x3  }
0x94: {  	_ =	strace s2  }
0x95: {  	s2 =	sld [smem:$0x3FFD];
	_ =	sdelay $0x3  }
0x96: {  	_ =	strace s2  }
0x97: {  	_ =	strace $0x8FFFFFFF  }
0x98: {  	s18 =	sld [smem:$0x3FDB];
	_ =	sdelay $0x1  }
0x99: {  	s19 =	simm.s32 $_scs_section_size  }
0x9a: {  	s4 =	simm.s32 $_size__tile_overlayer_lowered;
	s5 =	simm.s32 $_tile_overlayer_lowered  }
0x9b: {  	s22 =	simm.s32 $0x1BFF;
	s21 =	sshll.u32 s5, $0x1;
	s2 =	sadd.s32 s19, s18  }
0x9c: {  	s6 =	simm.s32 $0x0;
	s20 =	sshll.u32 s4, $0x1;
	s4 =	sadd.s32 s21, s2  }
0x9d: {  	[timem:s6], [sflag:s22] =	dma.local [hbm:s4], s20  }
0x9e: {  	_ =	swait.ge [sflag:s22], s20  }
0x9f: {  	s3 =	ssub.s32 $0x0, s20;
	[sflag:s22] =	ssyncset.done $0x0  }
0xa0: {  	[sflag:s22] =	ssyncadd.s32 s3;
	_ =	sdelay $0x1  }
0xa1: {  	s23 =	simm.s32 $0x1B8B  }
0xa2: {  	_ =	swait.ge [sflag:s23], $0x1  }
0xa3: {  	[sflag:s23] =	ssyncset.done $0x0  }
0xa4: {  	s25 =	simm.s32 $0x1B8E;
	s24 =	sld [smem:$0x3FFE];
	[sflag:s23] =	ssyncadd.s32 $0xFFFFFFFF  }
0xa5: {  	s26 =	simm.s32 $execute0_lowered;
	[smem:$0x3FD2] =	sst s25  }
0xa6: {  	s4 =	sshll.u32 s26, $0x1;
	_ =	strace $0x8000004C;
	[dreg:$0x1] =	wrdreg $0xFFFFFFFF  }
0xa7: {  	s28 =	simm.s32 $_size_execute0_lowered;
	s2 =	sadd.s32 s2, s4;
	[dreg:$0x0] =	wrdreg $0x0  }
0xa8: {  	s4 =	sshll.u32 s28, $0x1;
	[dreg:$0x2] =	wrdreg s2  }
0xa9: {  	[dreg:$0x3] =	wrdreg s4  }
0xaa: {  	[dreg:$0x4] =	wrdreg $0xC0  }
0xab: {  	_ =	task [dreg:s6], $0x5FFFF  }
0xac: {  	[dreg:$0x1] =	wrdreg $0xFFFFFFFF  }
0xad: {  	[dreg:$0x0] =	wrdreg $0x60  }
0xae: {  	[dreg:$0x2] =	wrdreg s24  }
0xaf: {  	[dreg:$0x3] =	wrdreg $0xA8000  }
0xb0: {  	[dreg:$0x4] =	wrdreg $0x9  }
0xb1: {  	_ =	task.clear_ibuf [dreg:s6], $0x5FFFF;
	_ =	strace $0x9000004C  }
0xb2: {  	s29 =	simm.s32 $0x9;
	_ =	strace $0x8000004E  }
0xb3: {  	_ =	swait.ge [sflag:s29], $0x1  }
0xb4: {  	[sflag:s29] =	ssyncadd.s32 $0xFFFFFFFF  }
0xb5: {  	_ =	strace $0x9000004E  }
0xb6: {  	_ =	sfence  }
0xb7: {  	s30 =	sld [smem:$0x0];
	_ =	sdelay $0x2  }
0xb8: {  	s31 =	sshll.u32 s1, $0xD;
	s1 =	sshrl.u32 s1, $0x2  }
0xb9: {  	s3 =	sand.u32 $0x4000, s31;
	s1 =	sadd.s32 s1, s30  }
0xba: {  	s0 =	sor.u32 s3, s0;
	s1 =	sshll.u32 s1, $0x11  }
0xbb: {  	s0 =	sor.u32 s1, s0  }
0xbc: {  	s0 =	sadd.s32 $0x8F2B, s0  }
0xbd: {  	[sflag:s0] =	ssyncadd.remote.s32 $0x1  }
0xbe: {  	_ =	sfence.sel $0xFFFF  }
0xbf: {  	[dreg:$0x0] =	wrdreg $0xFFFFFFFF;
	(pc) =	sbr.abs _section_cstart, $3  }
0xc0: {  	[dreg:$0x1] =	wrdreg $0xFFFFFFFF  }
0xc1: {  	_ =	task.clear_ibuf [dreg:s6], $0x2FFFF;
	_ =	strace $0x9FFFFFFF  }
0xc2: {  	(tm) =	ssettm $0x7FFFFFFF  }
0xc3: {  	_ =	shalt  }
tec
execute0_lowered:
.L_overlay_start_1:
0x0: {  	(tag) =	ssettag $0x1  }
0x1: {  	s0 =	rddreg [dreg:$0x0]  }
0x2: {  	s1 =	rddreg [dreg:$0x1]  }
0x3: {  	s2 =	simm.s32 $0x0;
	s5 =	srdreg.scid;
	s4 =	stileid.u32  }
0x4: {  	[smem:$0x7FF] =	sst s2;
	s3 =	sadd.s32 $0xBC00, s0;
	s7 =	smul.u32 $0x3E, s4  }
0x5: {  	s6 =	sadd.s32 $0x1C00, s0;
	s15 =	sadd.s32 $0x6C00, s0;
	s9 =	smul.u32 $0x3F, s4  }
0x6: {  	s5 =	sand.u32 $0x1, s5;
	s0 =	sadd.s32 $0xA8000, s0;
	s11 =	smul.u32 $0x270, s4  }
0x7: {  	p0 =	slt.u32 s4, $0x8;
	s31 =	smul.u32 $0x26C0, s4;
	s17 =	smin.u32 s4, $0x8  }
0x8: {  	p1 =	sgt.u32 s4, $0x7;
	p2 =	seq.s32 s4, $0x0;
	_ =	strace $0x8000004D  }
0x9: {  	s8 =	ssub.s32 $0x2, s5;
	[dreg:$0x3] =	wrdreg s6;
	s10 =	sadd.s32 $0x8, s7  }
0xa: {  	s12 =	sshrl.u32 s8, $0x1;
	s7 =	smul.u32 $0x4E20, s5;
	s20 =	sadd.s32 $0x10, s11  }
0xb: {  	s5 =	smul.u32 $0x4E200, s5;
	s10 =	smov.u32 @p0 s9;
	s11 =	sshll.u32 s20, $0x7  }
0xc: {  	s8 =	ssub.s32 s8, s12;
	p0 =	sne.s32 s4, $0x0;
	s11 =	sadd.s32 s11, s1  }
0xd: {  	s9 =	smul.u32 $0xA0, s10;
	s23 =	sadd.s32 s3, s5;
	[dreg:$0x4] =	wrdreg s11  }
0xe: {  	s21 =	sadd.s32 s7, s20;
	s5 =	sadd.s32 s0, s5;
	[dreg:$0x6] =	wrdreg s23  }
0xf: {  	s8 =	smax.u32 s8, $0x1;
	s22 =	sshll.u32 s21, $0x4;
	[dreg:$0xf] =	wrdreg s5  }
0x10: {  	s14 =	sadd.s32 $0x2710, s7;
	[dreg:$0x13] =	wrdreg s8;
	s12 =	sadd.s32 s3, s22  }
0x11: {  	s9 =	sshrl.u32 s9, $0x3;
	s18 =	sadd.s32 s0, s22;
	[dreg:$0x5] =	wrdreg s12  }
0x12: {  	s10 =	sadd.s32 s20, s14;
	s13 =	sadd.s32 s6, s9;
	[dreg:$0xd] =	wrdreg s18  }
0x13: {  	s10 =	sshll.u32 s10, $0x4;
	s25 =	sadd.s32 s15, s9;
	[dreg:$0x7] =	wrdreg s13  }
0x14: {  	v0 =	vmov s7;
	s7 =	simm.s32 $0x0;
	s19 =	sadd.s32 s3, s10;
	[dreg:$0x8] =	wrdreg s25  }
0x15: {  	s21 =	sshll.u32 s14, $0x4;
	s10 =	sadd.s32 s0, s10;
	[dreg:$0xe] =	wrdreg s19  }
0x16: {  	s24 =	sadd.s32 $0x14, s9;
	s0 =	sadd.s32 s0, s21;
	[dreg:$0x10] =	wrdreg s10  }
0x17: {  	s11 =	simm.s32 $0x100;
	s26 =	sadd.s32 s6, s24;
	[dreg:$0x11] =	wrdreg s0  }
0x18: {  	s9 =	sadd.s32 $0x4D8, s9;
	s12 =	sadd.s32 s15, s24;
	[dreg:$0x9] =	wrdreg s26  }
0x19: {  	s8 =	simm.s32 $0x2;
	s16 =	sadd.s32 s6, s9;
	[dreg:$0xa] =	wrdreg s12  }
0x1a: {  	v1 =	vmov s14;
	s14 =	simm.s32 $0x4;
	s9 =	sadd.s32 s15, s9;
	[dreg:$0xb] =	wrdreg s16  }
0x1b: {  	s13 =	smul.u32 $0xA0, s17;
	s17 =	simm.s32 $0x500;
	[dreg:$0xc] =	wrdreg s9  }
0x1c: {  	s9 =	sadd.s32 s3, s21;
	s21 =	simm.s32 $0xA0;
	s16 =	simm.s32 $0x800  }
0x1d: {  	s12 =	simm.s32 $0x3;
	s20 =	sadd.s32 s13, s31;
	[dreg:$0x12] =	wrdreg s9  }
0x1e: {  	s9 =	simm.s32 $0x5800;
	s13 =	simm.s32 $0x6;
	s22 =	sadd.s32 $0x320, s20  }
0x1f: {  	s23 =	sadd.s32 $0x1E0, s20;
	s25 =	sadd.s32 $0x280, s20;
	s0 =	sshrl.u32 s22, $0x3  }
0x20: {  	s5 =	sadd.s32 $0x140, s20;
	[dreg:$0x16] =	wrdreg s25;
	s24 =	sadd.s32 s0, s15  }
0x21: {  	s31 =	sshrl.u32 s5, $0x3;
	s26 =	sadd.s32 s0, s6;
	[dreg:$0x14] =	wrdreg s24  }
.Ltmp0:
0x22: {  	s30 =	sadd.s32 s31, s15;
	[dreg:$0x15] =	wrdreg s26;
	(pc) =	sbr.rel .LBB2_1-.Ltmp0, $4  }
0x23: {  	s0 =	sshrl.u32 s23, $0x3;
	s10 =	sadd.s32 s31, s6;
	[dreg:$0x19] =	wrdreg s30  }
0x24: {  	s20 =	simm.s32 $0x1;
	s28 =	sadd.s32 s0, s15;
	[dreg:$0x1a] =	wrdreg s10  }
0x25: {  	s22 =	simm.s32 $0x5;
	s29 =	sadd.s32 s0, s6;
	[dreg:$0x17] =	wrdreg s28  }
0x26: {  	s5 =	simm.s32 $0x7;
	s0 =	simm.s32 $0x400;
	[dreg:$0x18] =	wrdreg s29  }
.LBB2_13:
0x27: {  	_ =	swait.ge [sflag:s13], $0x5000  }
0x28: {  	[sflag:s13] =	ssyncset.done $0x0  }
0x29: {  	s17 =	simm.s32 $0x500;
	[sflag:s13] =	ssyncadd.s32 $0xFFFFB000  }
0x2a: {  	[spmem:s1] =	stream.indirect.scatter.add.f32 [tilespmem:s9], [sflag:$0x7], $0x80, s17, s21, $0xb8;
	[tilespmem:$0x1E080] =	vst v63  }
0x2b: {  	_ =	swait.ge [sflag:s5], $0x5000  }
0x2c: {  	[sflag:s5] =	ssyncset.done $0x0  }
0x2d: {  	[sflag:s5] =	ssyncadd.s32 $0xFFFFB000  }
0x2e: {  	[bflag:$0x0] =	sbarrier.arrive $0xFFFF  }
0x2f: {  	s24 =	rddreg [dreg:$0x14]  }
0x30: {  	s26 =	rddreg [dreg:$0x15]  }
0x31: {  	s28 =	rddreg [dreg:$0x17]  }
0x32: {  	s29 =	rddreg [dreg:$0x18]  }
0x33: {  	s30 =	rddreg [dreg:$0x19]  }
0x34: {  	s10 =	rddreg [dreg:$0x1a]  }
.LBB2_14:
0x35: {  	s4 =	stileid.u32  }
0x36: {  	s6 =	rddreg [dreg:$0x4];
	s4 =	sshll.u32 s4, $0x6  }
0x37: {  	s31 =	rddreg [dreg:$0x10];
	s7 =	sshrl.u32 s6, $0x3;
	s4 =	sor.u32 $0x1C07, s4  }
0x38: {  	[hbm:s31], [sflag:s4] =	dma.local [spmem:s7], $0x2700  }
0x39: {  	_ =	swait.ge [sflag:s5], $0x2700  }
0x3a: {  	[sflag:s5] =	ssyncset.done $0x0  }
0x3b: {  	s7 =	rddreg [dreg:$0x1b];
	[sflag:s5] =	ssyncadd.s32 $0xFFFFD900  }
.LBB2_15:
0x3c: {  	s7 =	sadd.s32 $0x1, s7;
	s4 =	rddreg [dreg:$0x13]  }
0x3d: {  	p3 =	sne.s32 s7, s4  }
.Ltmp1:
0x3e: {  	_ = 	snop;
	(pc) =	sbr.rel @!p3 .LBB2_16-.Ltmp1, $2  }
0x3f: {  	_ =	sdelay $0x1  }
0x40: {  	[bflag:$0x0] =	sbarrier.arrive $0xFFFF;
	_ =	sdelay $0x1  }
.LBB2_1:
0x41: {  	[dreg:$0x1b] =	wrdreg s7;
	s4 =	stileid.u32  }
0x42: {  	s7 =	sshll.u32 @p0 s4, $0x6;
	s4 =	rddreg [dreg:$0x4]  }
0x43: {  	s7 =	sor.u32 @p0 $0x1C07, s7;
	s25 =	sshrl.u32 @p0 s4, $0x3;
	s4 =	rddreg [dreg:$0x5]  }
0x44: {  	[spmem:s25], [sflag:s7] =	dma.local @p0 [hbm:s4], $0x2700  }
0x45: {  	s7 =	simm.s32 @p0 $0x7  }
0x46: {  	_ =	swait.ge @p0 [sflag:s7], $0x2700  }
0x47: {  	s25 =	simm.s32 @!p0 $0x1C07;
	[sflag:s7] =	ssyncset.done @p0 $0x0  }
0x48: {  	s4 =	rddreg [dreg:$0x6];
	[sflag:s7] =	ssyncadd.s32 @p0 $0xFFFFD900;
	s7 =	sshrl.u32 @!p0 s1, $0x3  }
0x49: {  	[spmem:s7], [sflag:s25] =	dma.local @!p0 [hbm:s4], $0x2800  }
0x4a: {  	s7 =	simm.s32 @!p0 $0x7  }
0x4b: {  	_ =	swait.ge @!p0 [sflag:s7], $0x2800  }
0x4c: {  	[sflag:s7] =	ssyncset.done @!p0 $0x0  }
0x4d: {  	[sflag:s7] =	ssyncadd.s32 @!p0 $0xFFFFD800  }
0x4e: {  	[bflag:$0x0] =	sbarrier.arrive $0xFFFF  }
0x4f: {  	s19 =	rddreg [dreg:$0x7]  }
0x50: {  	[tilespmem:s2], [sflag:$0x1] =	stream.linear.gather [hbm4b:s19+s2], $0xA0, $0x38;
	[tilespmem:$0x1E080] =	vst v63  }
0x51: {  	s23 =	rddreg [dreg:$0x8]  }
0x52: {  	[tilespmem:s0], [sflag:$0x1] =	stream.linear.gather [hbm4b:s23+s2], $0xA0, $0x38;
	[tilespmem:$0x1E080] =	vst v63  }
0x53: {  	s25 =	rddreg [dreg:$0x9]  }
0x54: {  	[tilespmem:s11], [sflag:$0x2] =	stream.linear.gather [hbm4b:s25+s2], $0xA0, $0x38;
	[tilespmem:$0x1E080] =	vst v63  }
0x55: {  	s31 =	rddreg [dreg:$0xa]  }
0x56: {  	[tilespmem:s17], [sflag:$0x2] =	stream.linear.gather [hbm4b:s31+s2], $0xA0, $0x38;
	[tilespmem:$0x1E080] =	vst v63  }
0x57: {  	_ =	swait.ge [sflag:s20], $0xA0  }
0x58: {  	[sflag:s20] =	ssyncset.done $0x0  }
0x59: {  	[sflag:s20] =	ssyncadd.s32 $0xFFFFFF60  }
0x5a: {  	_ =	swait.ge [sflag:s20], $0xA0  }
0x5b: {  	[sflag:s20] =	ssyncset.done $0x0  }
0x5c: {  	[sflag:s20] =	ssyncadd.s32 $0xFFFFFF60  }
0x5d: {  	v2 =	vld [tilespmem:$0x0]  }
0x5e: {  	v3 =	vld [tilespmem:$0x10]  }
0x5f: {  	v4 =	vld [tilespmem:$0x20]  }
0x60: {  	v5 =	vld [tilespmem:$0x30]  }
0x61: {  	v6 =	vld [tilespmem:$0x40]  }
0x62: {  	v7 =	vld [tilespmem:$0x50];
	v2 =	vadd.s32 v0, v2  }
0x63: {  	[tilespmem:$0x0] =	vst v2;
	v2 =	vadd.s32 v0, v3;
	v3 =	vld [tilespmem:$0x60]  }
0x64: {  	v61 =	vld [tilespmem:$0x70];
	[tilespmem:$0x10] =	vst v2;
	v2 =	vadd.s32 v0, v4  }
0x65: {  	v62 =	vld [tilespmem:$0x80];
	[tilespmem:$0x20] =	vst v2;
	v2 =	vadd.s32 v0, v5  }
0x66: {  	v63 =	vld [tilespmem:$0x90];
	[tilespmem:$0x30] =	vst v2;
	v2 =	vadd.s32 v0, v6  }
0x67: {  	[tilespmem:$0x40] =	vst v2;
	v2 =	vadd.s32 v0, v7  }
0x68: {  	[tilespmem:$0x50] =	vst v2;
	v2 =	vadd.s32 v0, v3  }
0x69: {  	[tilespmem:$0x60] =	vst v2;
	v2 =	vadd.s32 v0, v61  }
0x6a: {  	[tilespmem:$0x70] =	vst v2;
	v2 =	vadd.s32 v0, v62  }
0x6b: {  	[tilespmem:$0x80] =	vst v2;
	v2 =	vadd.s32 v0, v63  }
0x6c: {  	s7 =	simm.s32 $0x0;
	s25 =	rddreg [dreg:$0x16];
	[tilespmem:$0x90] =	vst v2  }
0x6d: {  	[tilespmem:s16], [sflag:$0x5] =	stream.indirect.gather [hbm4b:s3+s21], $0x80, s2, s21, $0xb8;
	[tilespmem:$0x1E080] =	vst v63  }
.LBB2_2:
0x6e: {  	s18 =	sadd.s32 s7, s10;
	s4 =	simm.s32 $0x200  }
0x6f: {  	[tilespmem:s4], [sflag:$0x3] =	stream.linear.gather [hbm4b:s18+s2], $0xA0, $0x38;
	[tilespmem:$0x1E080] =	vst v63  }
0x70: {  	s19 =	sadd.s32 s7, s30;
	s0 =	simm.s32 $0x600  }
0x71: {  	[tilespmem:s0], [sflag:$0x3] =	stream.linear.gather [hbm4b:s19+s2], $0xA0, $0x38;
	[tilespmem:$0x1E080] =	vst v63  }
0x72: {  	_ =	swait.ge [sflag:s8], $0xA0  }
0x73: {  	[sflag:s8] =	ssyncset.done $0x0  }
0x74: {  	[sflag:s8] =	ssyncadd.s32 $0xFFFFFF60  }
0x75: {  	_ =	swait.ge [sflag:s8], $0xA0  }
0x76: {  	[sflag:s8] =	ssyncset.done $0x0  }
0x77: {  	[sflag:s8] =	ssyncadd.s32 $0xFFFFFF60  }
0x78: {  	v2 =	vld [tilespmem:$0x100]  }
0x79: {  	v3 =	vld [tilespmem:$0x110]  }
0x7a: {  	v4 =	vld [tilespmem:$0x120]  }
0x7b: {  	v5 =	vld [tilespmem:$0x130]  }
0x7c: {  	v6 =	vld [tilespmem:$0x140]  }
0x7d: {  	v7 =	vld [tilespmem:$0x150];
	v2 =	vadd.s32 v0, v2  }
0x7e: {  	[tilespmem:$0x100] =	vst v2;
	v2 =	vadd.s32 v0, v3;
	v3 =	vld [tilespmem:$0x160]  }
0x7f: {  	v40 =	vld [tilespmem:$0x170];
	[tilespmem:$0x110] =	vst v2;
	v2 =	vadd.s32 v0, v4  }
0x80: {  	v41 =	vld [tilespmem:$0x180];
	[tilespmem:$0x120] =	vst v2;
	v2 =	vadd.s32 v0, v5  }
0x81: {  	v42 =	vld [tilespmem:$0x190];
	[tilespmem:$0x130] =	vst v2;
	v2 =	vadd.s32 v0, v6  }
0x82: {  	[tilespmem:$0x140] =	vst v2;
	v2 =	vadd.s32 v0, v7  }
0x83: {  	[tilespmem:$0x150] =	vst v2;
	v2 =	vadd.s32 v0, v3  }
0x84: {  	[tilespmem:$0x160] =	vst v2;
	v2 =	vadd.s32 v0, v40  }
0x85: {  	[tilespmem:$0x170] =	vst v2;
	v2 =	vadd.s32 v0, v41  }
0x86: {  	[tilespmem:$0x180] =	vst v2;
	v2 =	vadd.s32 v0, v42  }
0x87: {  	s19 =	simm.s32 $0x100;
	[tilespmem:$0x190] =	vst v2  }
0x88: {  	[tilespmem:s9], [sflag:$0x6] =	stream.indirect.gather [hbm4b:s3+s21], $0x80, s19, s21, $0xb8;
	[tilespmem:$0x1E080] =	vst v63  }
0x89: {  	_ =	swait.ge [sflag:s22], $0x5000  }
0x8a: {  	[sflag:s22] =	ssyncset.done $0x0  }
0x8b: {  	s17 =	simm.s32 $0x400;
	[sflag:s22] =	ssyncadd.s32 $0xFFFFB000  }
0x8c: {  	[spmem:s1] =	stream.indirect.scatter.add.f32 [tilespmem:s16], [sflag:$0x7], $0x80, s17, s21, $0xb8;
	[tilespmem:$0x1E080] =	vst v63  }
0x8d: {  	_ =	swait.ge [sflag:s5], $0x5000  }
0x8e: {  	[sflag:s5] =	ssyncset.done $0x0  }
0x8f: {  	s31 =	sadd.s32 s7, s29;
	s11 =	simm.s32 $0x300;
	[sflag:s5] =	ssyncadd.s32 $0xFFFFB000  }
0x90: {  	[tilespmem:s11], [sflag:$0x4] =	stream.linear.gather [hbm4b:s31+s2], $0xA0, $0x38;
	[tilespmem:$0x1E080] =	vst v63  }
0x91: {  	s6 =	sadd.s32 s7, s28;
	s31 =	simm.s32 $0x700  }
0x92: {  	[tilespmem:s31], [sflag:$0x4] =	stream.linear.gather [hbm4b:s6+s2], $0xA0, $0x38;
	[tilespmem:$0x1E080] =	vst v63  }
0x93: {  	_ =	swait.ge [sflag:s12], $0xA0  }
0x94: {  	[sflag:s12] =	ssyncset.done $0x0  }
0x95: {  	[sflag:s12] =	ssyncadd.s32 $0xFFFFFF60  }
0x96: {  	_ =	swait.ge [sflag:s12], $0xA0  }
0x97: {  	[sflag:s12] =	ssyncset.done $0x0  }
0x98: {  	[sflag:s12] =	ssyncadd.s32 $0xFFFFFF60  }
0x99: {  	v2 =	vld [tilespmem:$0x200]  }
0x9a: {  	v3 =	vld [tilespmem:$0x210]  }
0x9b: {  	v43 =	vld [tilespmem:$0x220]  }
0x9c: {  	v44 =	vld [tilespmem:$0x230]  }
0x9d: {  	v45 =	vld [tilespmem:$0x240]  }
0x9e: {  	v46 =	vld [tilespmem:$0x250];
	v2 =	vadd.s32 v0, v2  }
0x9f: {  	[tilespmem:$0x200] =	vst v2;
	v2 =	vadd.s32 v0, v3;
	v3 =	vld [tilespmem:$0x260]  }
0xa0: {  	v47 =	vld [tilespmem:$0x270];
	[tilespmem:$0x210] =	vst v2;
	v2 =	vadd.s32 v0, v43  }
0xa1: {  	v48 =	vld [tilespmem:$0x280];
	[tilespmem:$0x220] =	vst v2;
	v2 =	vadd.s32 v0, v44  }
0xa2: {  	v49 =	vld [tilespmem:$0x290];
	[tilespmem:$0x230] =	vst v2;
	v2 =	vadd.s32 v0, v45  }
0xa3: {  	[tilespmem:$0x240] =	vst v2;
	v2 =	vadd.s32 v0, v46  }
0xa4: {  	[tilespmem:$0x250] =	vst v2;
	v2 =	vadd.s32 v0, v3  }
0xa5: {  	[tilespmem:$0x260] =	vst v2;
	v2 =	vadd.s32 v0, v47  }
0xa6: {  	[tilespmem:$0x270] =	vst v2;
	v2 =	vadd.s32 v0, v48  }
0xa7: {  	[tilespmem:$0x280] =	vst v2;
	v2 =	vadd.s32 v0, v49  }
0xa8: {  	[tilespmem:$0x290] =	vst v2  }
0xa9: {  	[tilespmem:s16], [sflag:$0x5] =	stream.indirect.gather [hbm4b:s3+s21], $0x80, s4, s21, $0xb8;
	[tilespmem:$0x1E080] =	vst v63  }
0xaa: {  	_ =	swait.ge [sflag:s13], $0x5000  }
0xab: {  	[sflag:s13] =	ssyncset.done $0x0  }
0xac: {  	s6 =	simm.s32 $0x500;
	[sflag:s13] =	ssyncadd.s32 $0xFFFFB000  }
0xad: {  	[spmem:s1] =	stream.indirect.scatter.add.f32 [tilespmem:s9], [sflag:$0x7], $0x80, s6, s21, $0xb8;
	[tilespmem:$0x1E080] =	vst v63  }
0xae: {  	s23 =	smov.u32 s15;
	_ =	swait.ge [sflag:s5], $0x5000  }
0xaf: {  	s15 =	sshrl.u32 s25, $0x3;
	[sflag:s5] =	ssyncset.done $0x0;
	s18 =	rddreg [dreg:$0x3]  }
0xb0: {  	[sflag:s5] =	ssyncadd.s32 $0xFFFFB000;
	s4 =	sadd.s32 s18, s15  }
0xb1: {  	[tilespmem:s2], [sflag:$0x1] =	stream.linear.gather [hbm4b:s4+s2], $0xA0, $0x38;
	[tilespmem:$0x1E080] =	vst v63  }
0xb2: {  	s4 =	sadd.s32 s23, s15  }
0xb3: {  	[tilespmem:s17], [sflag:$0x1] =	stream.linear.gather [hbm4b:s4+s2], $0xA0, $0x38;
	[tilespmem:$0x1E080] =	vst v63  }
0xb4: {  	_ =	swait.ge [sflag:s14], $0xA0  }
0xb5: {  	[sflag:s14] =	ssyncset.done $0x0  }
0xb6: {  	[sflag:s14] =	ssyncadd.s32 $0xFFFFFF60  }
0xb7: {  	_ =	swait.ge [sflag:s14], $0xA0  }
0xb8: {  	[sflag:s14] =	ssyncset.done $0x0  }
0xb9: {  	[sflag:s14] =	ssyncadd.s32 $0xFFFFFF60  }
0xba: {  	v2 =	vld [tilespmem:$0x300]  }
0xbb: {  	v3 =	vld [tilespmem:$0x310]  }
0xbc: {  	v50 =	vld [tilespmem:$0x320]  }
0xbd: {  	v51 =	vld [tilespmem:$0x330]  }
0xbe: {  	v52 =	vld [tilespmem:$0x340]  }
0xbf: {  	v53 =	vld [tilespmem:$0x350];
	v2 =	vadd.s32 v0, v2  }
0xc0: {  	[tilespmem:$0x300] =	vst v2;
	v2 =	vadd.s32 v0, v3;
	v3 =	vld [tilespmem:$0x360]  }
0xc1: {  	v54 =	vld [tilespmem:$0x370];
	[tilespmem:$0x310] =	vst v2;
	v2 =	vadd.s32 v0, v50  }
0xc2: {  	v55 =	vld [tilespmem:$0x380];
	[tilespmem:$0x320] =	vst v2;
	v2 =	vadd.s32 v0, v51  }
0xc3: {  	v56 =	vld [tilespmem:$0x390];
	[tilespmem:$0x330] =	vst v2;
	v2 =	vadd.s32 v0, v52  }
0xc4: {  	[tilespmem:$0x340] =	vst v2;
	v2 =	vadd.s32 v0, v53  }
0xc5: {  	[tilespmem:$0x350] =	vst v2;
	v2 =	vadd.s32 v0, v3  }
0xc6: {  	[tilespmem:$0x360] =	vst v2;
	v2 =	vadd.s32 v0, v54  }
0xc7: {  	[tilespmem:$0x370] =	vst v2;
	v2 =	vadd.s32 v0, v55  }
0xc8: {  	[tilespmem:$0x380] =	vst v2;
	v2 =	vadd.s32 v0, v56  }
0xc9: {  	[tilespmem:$0x390] =	vst v2  }
0xca: {  	[tilespmem:s9], [sflag:$0x6] =	stream.indirect.gather [hbm4b:s3+s21], $0x80, s11, s21, $0xb8;
	[tilespmem:$0x1E080] =	vst v63  }
0xcb: {  	_ =	swait.ge [sflag:s22], $0x5000  }
0xcc: {  	[sflag:s22] =	ssyncset.done $0x0  }
0xcd: {  	[sflag:s22] =	ssyncadd.s32 $0xFFFFB000  }
0xce: {  	[spmem:s1] =	stream.indirect.scatter.add.f32 [tilespmem:s16], [sflag:$0x7], $0x80, s0, s21, $0xb8;
	[tilespmem:$0x1E080] =	vst v63  }
0xcf: {  	_ =	swait.ge [sflag:s5], $0x5000  }
0xd0: {  	[sflag:s5] =	ssyncset.done $0x0  }
0xd1: {  	s11 =	sadd.s32 s7, s26;
	[sflag:s5] =	ssyncadd.s32 $0xFFFFB000  }
0xd2: {  	[tilespmem:s19], [sflag:$0x2] =	stream.linear.gather [hbm4b:s11+s2], $0xA0, $0x38;
	[tilespmem:$0x1E080] =	vst v63  }
0xd3: {  	s19 =	sadd.s32 s7, s24  }
0xd4: {  	[tilespmem:s6], [sflag:$0x2] =	stream.linear.gather [hbm4b:s19+s2], $0xA0, $0x38;
	[tilespmem:$0x1E080] =	vst v63  }
0xd5: {  	_ =	swait.ge [sflag:s20], $0xA0  }
0xd6: {  	[sflag:s20] =	ssyncset.done $0x0  }
0xd7: {  	[sflag:s20] =	ssyncadd.s32 $0xFFFFFF60  }
0xd8: {  	_ =	swait.ge [sflag:s20], $0xA0  }
0xd9: {  	[sflag:s20] =	ssyncset.done $0x0  }
0xda: {  	[sflag:s20] =	ssyncadd.s32 $0xFFFFFF60  }
0xdb: {  	v2 =	vld [tilespmem:$0x0]  }
0xdc: {  	v3 =	vld [tilespmem:$0x10]  }
0xdd: {  	v57 =	vld [tilespmem:$0x20]  }
0xde: {  	v58 =	vld [tilespmem:$0x30]  }
0xdf: {  	v59 =	vld [tilespmem:$0x40]  }
0xe0: {  	v60 =	vld [tilespmem:$0x50];
	v2 =	vadd.s32 v0, v2  }
0xe1: {  	[tilespmem:$0x0] =	vst v2;
	v2 =	vadd.s32 v0, v3;
	v3 =	vld [tilespmem:$0x60]  }
0xe2: {  	v61 =	vld [tilespmem:$0x70];
	[tilespmem:$0x10] =	vst v2;
	v2 =	vadd.s32 v0, v57  }
0xe3: {  	v62 =	vld [tilespmem:$0x80];
	[tilespmem:$0x20] =	vst v2;
	v2 =	vadd.s32 v0, v58  }
0xe4: {  	v63 =	vld [tilespmem:$0x90];
	[tilespmem:$0x30] =	vst v2;
	v2 =	vadd.s32 v0, v59  }
0xe5: {  	[tilespmem:$0x40] =	vst v2;
	v2 =	vadd.s32 v0, v60  }
0xe6: {  	[tilespmem:$0x50] =	vst v2;
	v2 =	vadd.s32 v0, v3  }
0xe7: {  	[tilespmem:$0x60] =	vst v2;
	v2 =	vadd.s32 v0, v61  }
0xe8: {  	[tilespmem:$0x70] =	vst v2;
	v2 =	vadd.s32 v0, v62  }
0xe9: {  	[tilespmem:$0x80] =	vst v2;
	v2 =	vadd.s32 v0, v63  }
0xea: {  	[tilespmem:$0x90] =	vst v2  }
0xeb: {  	[tilespmem:s16], [sflag:$0x5] =	stream.indirect.gather [hbm4b:s3+s21], $0x80, s2, s21, $0xb8;
	[tilespmem:$0x1E080] =	vst v63  }
0xec: {  	_ =	swait.ge [sflag:s13], $0x5000  }
0xed: {  	p3 =	sne.s32 s7, $0x460;
	[sflag:s13] =	ssyncset.done $0x0  }
.Ltmp2:
0xee: {  	[sflag:s13] =	ssyncadd.s32 $0xFFFFB000;
	(pc) =	sbr.rel @p3 .LBB2_2-.Ltmp2, $4  }
0xef: {  	[spmem:s1] =	stream.indirect.scatter.add.f32 [tilespmem:s9], [sflag:$0x7], $0x80, s31, s21, $0xb8;
	[tilespmem:$0x1E080] =	vst v63  }
0xf0: {  	s25 =	sadd.s32 $0x280, s25;
	_ =	swait.ge [sflag:s5], $0x5000  }
0xf1: {  	s18 =	simm.s32 $0x400;
	s15 =	smov.u32 s23;
	[sflag:s5] =	ssyncset.done $0x0  }
0xf2: {  	s17 =	simm.s32 $0x100;
	s7 =	sadd.s32 $0x50, s7;
	[sflag:s5] =	ssyncadd.s32 $0xFFFFB000  }
0xf3: {  	s4 =	simm.s32 @!p1 $0x0;
	s7 =	simm.s32 @!p1 $0x200;
	s6 =	rddreg [dreg:$0xb]  }
0xf4: {  	[tilespmem:s7], [sflag:$0x3] =	stream.linear.gather @!p1 [hbm4b:s6+s4], $0xA0, $0x38;
	[tilespmem:$0x1E080] =	vst v63  }
0xf5: {  	s7 =	simm.s32 @!p1 $0x600;
	s6 =	rddreg [dreg:$0xc]  }
0xf6: {  	[tilespmem:s7], [sflag:$0x3] =	stream.linear.gather @!p1 [hbm4b:s6+s4], $0xA0, $0x38;
	[tilespmem:$0x1E080] =	vst v63  }
0xf7: {  	_ =	swait.ge [sflag:s8], $0xA0  }
0xf8: {  	[sflag:s8] =	ssyncset.done $0x0  }
0xf9: {  	[sflag:s8] =	ssyncadd.s32 $0xFFFFFF60  }
0xfa: {  	_ =	swait.ge [sflag:s8], $0xA0  }
0xfb: {  	[sflag:s8] =	ssyncset.done $0x0  }
0xfc: {  	[sflag:s8] =	ssyncadd.s32 $0xFFFFFF60  }
0xfd: {  	v2 =	vld [tilespmem:$0x100]  }
0xfe: {  	v3 =	vld [tilespmem:$0x110]  }
0xff: {  	v4 =	vld [tilespmem:$0x120]  }
0x100: {  	v5 =	vld [tilespmem:$0x130]  }
0x101: {  	v6 =	vld [tilespmem:$0x140]  }
0x102: {  	v7 =	vld [tilespmem:$0x150];
	v2 =	vadd.s32 v0, v2  }
0x103: {  	[tilespmem:$0x100] =	vst v2;
	v2 =	vadd.s32 v0, v3;
	v3 =	vld [tilespmem:$0x160]  }
0x104: {  	v61 =	vld [tilespmem:$0x170];
	[tilespmem:$0x110] =	vst v2;
	v2 =	vadd.s32 v0, v4  }
0x105: {  	v62 =	vld [tilespmem:$0x180];
	[tilespmem:$0x120] =	vst v2;
	v2 =	vadd.s32 v0, v5  }
0x106: {  	v63 =	vld [tilespmem:$0x190];
	[tilespmem:$0x130] =	vst v2;
	v2 =	vadd.s32 v0, v6  }
0x107: {  	[tilespmem:$0x140] =	vst v2;
	v2 =	vadd.s32 v0, v7  }
0x108: {  	[tilespmem:$0x150] =	vst v2;
	v2 =	vadd.s32 v0, v3  }
0x109: {  	[tilespmem:$0x160] =	vst v2;
	v2 =	vadd.s32 v0, v61  }
0x10a: {  	[tilespmem:$0x170] =	vst v2;
	v2 =	vadd.s32 v0, v62  }
0x10b: {  	[tilespmem:$0x180] =	vst v2;
	v2 =	vadd.s32 v0, v63  }
0x10c: {  	[tilespmem:$0x190] =	vst v2  }
0x10d: {  	[tilespmem:s9], [sflag:$0x6] =	stream.indirect.gather [hbm4b:s3+s21], $0x80, s17, s21, $0xb8;
	[tilespmem:$0x1E080] =	vst v63  }
0x10e: {  	_ =	swait.ge [sflag:s22], $0x5000  }
0x10f: {  	[sflag:s22] =	ssyncset.done $0x0  }
.Ltmp3:
0x110: {  	[sflag:s22] =	ssyncadd.s32 $0xFFFFB000;
	(pc) =	sbr.rel @p1 .LBB2_6-.Ltmp3, $4  }
0x111: {  	[spmem:s1] =	stream.indirect.scatter.add.f32 [tilespmem:s16], [sflag:$0x7], $0x80, s18, s21, $0xb8;
	[tilespmem:$0x1E080] =	vst v63  }
0x112: {  	_ =	swait.ge [sflag:s5], $0x5000  }
0x113: {  	s15 =	simm.s32 $0x600;
	s11 =	simm.s32 $0x200;
	[sflag:s5] =	ssyncset.done $0x0  }
0x114: {  	s0 =	simm.s32 $0x400;
	s10 =	simm.s32 $0x100;
	[sflag:s5] =	ssyncadd.s32 $0xFFFFB000  }
0x115: {  	_ =	swait.ge [sflag:s12], $0xA0  }
0x116: {  	[sflag:s12] =	ssyncset.done $0x0  }
0x117: {  	[sflag:s12] =	ssyncadd.s32 $0xFFFFFF60  }
0x118: {  	_ =	swait.ge [sflag:s12], $0xA0  }
0x119: {  	[sflag:s12] =	ssyncset.done $0x0  }
0x11a: {  	[sflag:s12] =	ssyncadd.s32 $0xFFFFFF60  }
0x11b: {  	v2 =	vld [tilespmem:$0x200]  }
0x11c: {  	v3 =	vld [tilespmem:$0x210]  }
0x11d: {  	v4 =	vld [tilespmem:$0x220]  }
0x11e: {  	v5 =	vld [tilespmem:$0x230]  }
0x11f: {  	v6 =	vld [tilespmem:$0x240]  }
0x120: {  	v7 =	vld [tilespmem:$0x250];
	v2 =	vadd.s32 v0, v2  }
0x121: {  	[tilespmem:$0x200] =	vst v2;
	v2 =	vadd.s32 v0, v3;
	v3 =	vld [tilespmem:$0x260]  }
0x122: {  	v61 =	vld [tilespmem:$0x270];
	[tilespmem:$0x210] =	vst v2;
	v2 =	vadd.s32 v0, v4  }
0x123: {  	v62 =	vld [tilespmem:$0x280];
	[tilespmem:$0x220] =	vst v2;
	v2 =	vadd.s32 v0, v5  }
0x124: {  	v63 =	vld [tilespmem:$0x290];
	[tilespmem:$0x230] =	vst v2;
	v2 =	vadd.s32 v0, v6  }
0x125: {  	[tilespmem:$0x240] =	vst v2;
	v2 =	vadd.s32 v0, v7  }
0x126: {  	[tilespmem:$0x250] =	vst v2;
	v2 =	vadd.s32 v0, v3  }
0x127: {  	[tilespmem:$0x260] =	vst v2;
	v2 =	vadd.s32 v0, v61  }
0x128: {  	[tilespmem:$0x270] =	vst v2;
	v2 =	vadd.s32 v0, v62  }
0x129: {  	[tilespmem:$0x280] =	vst v2;
	v2 =	vadd.s32 v0, v63  }
0x12a: {  	[tilespmem:$0x290] =	vst v2  }
0x12b: {  	[tilespmem:s16], [sflag:$0x5] =	stream.indirect.gather [hbm4b:s3+s21], $0x80, s11, s21, $0xb8;
	[tilespmem:$0x1E080] =	vst v63  }
0x12c: {  	_ =	swait.ge [sflag:s13], $0x5000  }
0x12d: {  	[sflag:s13] =	ssyncset.done $0x0  }
0x12e: {  	s11 =	simm.s32 $0x500;
	[sflag:s13] =	ssyncadd.s32 $0xFFFFB000  }
0x12f: {  	[spmem:s1] =	stream.indirect.scatter.add.f32 [tilespmem:s9], [sflag:$0x7], $0x80, s11, s21, $0xb8;
	[tilespmem:$0x1E080] =	vst v63  }
0x130: {  	_ =	swait.ge [sflag:s5], $0x5000  }
0x131: {  	[sflag:s5] =	ssyncset.done $0x0  }
0x132: {  	[sflag:s5] =	ssyncadd.s32 $0xFFFFB000  }
0x133: {  	_ =	swait.ge [sflag:s22], $0x5000  }
0x134: {  	[sflag:s22] =	ssyncset.done $0x0  }
0x135: {  	[sflag:s22] =	ssyncadd.s32 $0xFFFFB000  }
0x136: {  	[spmem:s1] =	stream.indirect.scatter.add.f32 [tilespmem:s16], [sflag:$0x7], $0x80, s15, s21, $0xb8;
	[tilespmem:$0x1E080] =	vst v63  }
.Ltmp4:
0x137: {  	_ =	swait.ge [sflag:s5], $0x5000;
	(pc) =	sbr.rel @!p2 .LBB2_7-.Ltmp4, $3  }
0x138: {  	[sflag:s5] =	ssyncset.done $0x0  }
0x139: {  	[sflag:s5] =	ssyncadd.s32 $0xFFFFB000  }
0x13a: {  	[bflag:$0x0] =	sbarrier.arrive $0xFFFF;
	_ =	sdelay $0x1  }
0x13b: {  	s4 =	sshrl.u32 s1, $0x3;
	s6 =	rddreg [dreg:$0xf];
	s7 =	simm.s32 $0x1C07  }
0x13c: {  	[hbm:s6], [sflag:s7] =	dma.local [spmem:s4], $0x2800  }
0x13d: {  	_ =	swait.ge [sflag:s5], $0x2800  }
0x13e: {  	[sflag:s5] =	ssyncset.done $0x0  }
0x13f: {  	[sflag:s5] =	ssyncadd.s32 $0xFFFFD800  }
0x140: {  	[bflag:$0x0] =	sbarrier.arrive $0xFFFF  }
.Ltmp5:
0x141: {  	s31 =	rddreg [dreg:$0x12];
	(pc) =	sbr.rel .LBB2_8-.Ltmp5, $4  }
0x142: {  	[spmem:s4], [sflag:s7] =	dma.local [hbm:s31], $0x2800  }
0x143: {  	_ =	swait.ge [sflag:s5], $0x2800  }
0x144: {  	[sflag:s5] =	ssyncset.done $0x0  }
0x145: {  	[sflag:s5] =	ssyncadd.s32 $0xFFFFD800  }
.LBB2_6:
0x146: {  	_ =	swait.ge [sflag:s13], $0x5000  }
0x147: {  	[sflag:s13] =	ssyncset.done $0x0  }
0x148: {  	s11 =	simm.s32 $0x500;
	[sflag:s13] =	ssyncadd.s32 $0xFFFFB000  }
0x149: {  	[spmem:s1] =	stream.indirect.scatter.add.f32 [tilespmem:s9], [sflag:$0x7], $0x80, s11, s21, $0xb8;
	[tilespmem:$0x1E080] =	vst v63  }
0x14a: {  	_ =	swait.ge [sflag:s5], $0x5000  }
0x14b: {  	[sflag:s5] =	ssyncset.done $0x0  }
0x14c: {  	[sflag:s5] =	ssyncadd.s32 $0xFFFFB000  }
0x14d: {  	[bflag:$0x0] =	sbarrier.arrive $0xFFFF  }
.LBB2_7:
0x14e: {  	s4 =	stileid.u32  }
0x14f: {  	s6 =	rddreg [dreg:$0x4];
	s4 =	sshll.u32 s4, $0x6  }
0x150: {  	s30 =	rddreg [dreg:$0xd];
	s7 =	sshrl.u32 s6, $0x3;
	s4 =	sor.u32 $0x1C07, s4  }
0x151: {  	[hbm:s30], [sflag:s4] =	dma.local [spmem:s7], $0x2700  }
0x152: {  	_ =	swait.ge [sflag:s5], $0x2700  }
0x153: {  	[sflag:s5] =	ssyncset.done $0x0  }
0x154: {  	[sflag:s5] =	ssyncadd.s32 $0xFFFFD900  }
0x155: {  	[bflag:$0x0] =	sbarrier.arrive $0xFFFF  }
0x156: {  	s31 =	rddreg [dreg:$0xe]  }
0x157: {  	[spmem:s7], [sflag:s4] =	dma.local [hbm:s31], $0x2700  }
0x158: {  	_ =	swait.ge [sflag:s5], $0x2700  }
0x159: {  	[sflag:s5] =	ssyncset.done $0x0  }
0x15a: {  	[sflag:s5] =	ssyncadd.s32 $0xFFFFD900  }
.LBB2_8:
0x15b: {  	[bflag:$0x0] =	sbarrier.arrive $0xFFFF  }
0x15c: {  	s25 =	simm.s32 $0x0;
	s4 =	rddreg [dreg:$0x7]  }
0x15d: {  	[tilespmem:s25], [sflag:$0x1] =	stream.linear.gather [hbm4b:s4+s25], $0xA0, $0x38;
	[tilespmem:$0x1E080] =	vst v63  }
0x15e: {  	s24 =	rddreg [dreg:$0x8]  }
0x15f: {  	[tilespmem:s0], [sflag:$0x1] =	stream.linear.gather [hbm4b:s24+s25], $0xA0, $0x38;
	[tilespmem:$0x1E080] =	vst v63  }
0x160: {  	s26 =	rddreg [dreg:$0x9]  }
0x161: {  	[tilespmem:s10], [sflag:$0x2] =	stream.linear.gather [hbm4b:s26+s25], $0xA0, $0x38;
	[tilespmem:$0x1E080] =	vst v63  }
0x162: {  	s31 =	rddreg [dreg:$0xa]  }
0x163: {  	[tilespmem:s11], [sflag:$0x2] =	stream.linear.gather [hbm4b:s31+s25], $0xA0, $0x38;
	[tilespmem:$0x1E080] =	vst v63  }
0x164: {  	_ =	swait.ge [sflag:s20], $0xA0  }
0x165: {  	[sflag:s20] =	ssyncset.done $0x0  }
0x166: {  	[sflag:s20] =	ssyncadd.s32 $0xFFFFFF60  }
0x167: {  	_ =	swait.ge [sflag:s20], $0xA0  }
0x168: {  	[sflag:s20] =	ssyncset.done $0x0  }
0x169: {  	[sflag:s20] =	ssyncadd.s32 $0xFFFFFF60  }
0x16a: {  	v2 =	vld [tilespmem:$0x0]  }
0x16b: {  	v3 =	vld [tilespmem:$0x10]  }
0x16c: {  	v4 =	vld [tilespmem:$0x20]  }
0x16d: {  	v5 =	vld [tilespmem:$0x30]  }
0x16e: {  	v6 =	vld [tilespmem:$0x40]  }
0x16f: {  	v7 =	vld [tilespmem:$0x50];
	v2 =	vadd.s32 v1, v2  }
0x170: {  	[tilespmem:$0x0] =	vst v2;
	v2 =	vadd.s32 v1, v3;
	v3 =	vld [tilespmem:$0x60]  }
0x171: {  	v61 =	vld [tilespmem:$0x70];
	[tilespmem:$0x10] =	vst v2;
	v2 =	vadd.s32 v1, v4  }
0x172: {  	v62 =	vld [tilespmem:$0x80];
	[tilespmem:$0x20] =	vst v2;
	v2 =	vadd.s32 v1, v5  }
0x173: {  	s7 =	rddreg [dreg:$0x16];
	v63 =	vld [tilespmem:$0x90];
	[tilespmem:$0x30] =	vst v2;
	v2 =	vadd.s32 v1, v6  }
0x174: {  	s24 =	rddreg [dreg:$0x14];
	[tilespmem:$0x40] =	vst v2;
	v2 =	vadd.s32 v1, v7  }
0x175: {  	s26 =	rddreg [dreg:$0x15];
	[tilespmem:$0x50] =	vst v2;
	v2 =	vadd.s32 v1, v3  }
0x176: {  	s28 =	rddreg [dreg:$0x17];
	[tilespmem:$0x60] =	vst v2;
	v2 =	vadd.s32 v1, v61  }
0x177: {  	s29 =	rddreg [dreg:$0x18];
	[tilespmem:$0x70] =	vst v2;
	v2 =	vadd.s32 v1, v62  }
0x178: {  	s30 =	rddreg [dreg:$0x19];
	[tilespmem:$0x80] =	vst v2;
	v2 =	vadd.s32 v1, v63  }
0x179: {  	s10 =	rddreg [dreg:$0x1a];
	[tilespmem:$0x90] =	vst v2  }
0x17a: {  	[tilespmem:s16], [sflag:$0x5] =	stream.indirect.gather [hbm4b:s3+s21], $0x80, s25, s21, $0xb8;
	[tilespmem:$0x1E080] =	vst v63  }
.LBB2_9:
0x17b: {  	s4 =	sadd.s32 s25, s10;
	s15 =	simm.s32 $0x200  }
0x17c: {  	[tilespmem:s15], [sflag:$0x3] =	stream.linear.gather [hbm4b:s4+s2], $0xA0, $0x38;
	[tilespmem:$0x1E080] =	vst v63  }
0x17d: {  	s17 =	sadd.s32 s25, s30;
	s6 =	simm.s32 $0x600  }
0x17e: {  	[tilespmem:s6], [sflag:$0x3] =	stream.linear.gather [hbm4b:s17+s2], $0xA0, $0x38;
	[tilespmem:$0x1E080] =	vst v63  }
0x17f: {  	_ =	swait.ge [sflag:s8], $0xA0  }
0x180: {  	[sflag:s8] =	ssyncset.done $0x0  }
0x181: {  	[sflag:s8] =	ssyncadd.s32 $0xFFFFFF60  }
0x182: {  	_ =	swait.ge [sflag:s8], $0xA0  }
0x183: {  	[sflag:s8] =	ssyncset.done $0x0  }
0x184: {  	[sflag:s8] =	ssyncadd.s32 $0xFFFFFF60  }
0x185: {  	v2 =	vld [tilespmem:$0x100]  }
0x186: {  	v3 =	vld [tilespmem:$0x110]  }
0x187: {  	v4 =	vld [tilespmem:$0x120]  }
0x188: {  	v5 =	vld [tilespmem:$0x130]  }
0x189: {  	v6 =	vld [tilespmem:$0x140]  }
0x18a: {  	v7 =	vld [tilespmem:$0x150];
	v2 =	vadd.s32 v1, v2  }
0x18b: {  	[tilespmem:$0x100] =	vst v2;
	v2 =	vadd.s32 v1, v3;
	v3 =	vld [tilespmem:$0x160]  }
0x18c: {  	v40 =	vld [tilespmem:$0x170];
	[tilespmem:$0x110] =	vst v2;
	v2 =	vadd.s32 v1, v4  }
0x18d: {  	v41 =	vld [tilespmem:$0x180];
	[tilespmem:$0x120] =	vst v2;
	v2 =	vadd.s32 v1, v5  }
0x18e: {  	v42 =	vld [tilespmem:$0x190];
	[tilespmem:$0x130] =	vst v2;
	v2 =	vadd.s32 v1, v6  }
0x18f: {  	[tilespmem:$0x140] =	vst v2;
	v2 =	vadd.s32 v1, v7  }
0x190: {  	[tilespmem:$0x150] =	vst v2;
	v2 =	vadd.s32 v1, v3  }
0x191: {  	[tilespmem:$0x160] =	vst v2;
	v2 =	vadd.s32 v1, v40  }
0x192: {  	[tilespmem:$0x170] =	vst v2;
	v2 =	vadd.s32 v1, v41  }
0x193: {  	[tilespmem:$0x180] =	vst v2;
	v2 =	vadd.s32 v1, v42  }
0x194: {  	s11 =	simm.s32 $0x100;
	[tilespmem:$0x190] =	vst v2  }
0x195: {  	[tilespmem:s9], [sflag:$0x6] =	stream.indirect.gather [hbm4b:s3+s21], $0x80, s11, s21, $0xb8;
	[tilespmem:$0x1E080] =	vst v63  }
0x196: {  	_ =	swait.ge [sflag:s22], $0x5000  }
0x197: {  	[sflag:s22] =	ssyncset.done $0x0  }
0x198: {  	s17 =	simm.s32 $0x400;
	[sflag:s22] =	ssyncadd.s32 $0xFFFFB000  }
0x199: {  	[spmem:s1] =	stream.indirect.scatter.add.f32 [tilespmem:s16], [sflag:$0x7], $0x80, s17, s21, $0xb8;
	[tilespmem:$0x1E080] =	vst v63  }
0x19a: {  	_ =	swait.ge [sflag:s5], $0x5000  }
0x19b: {  	[sflag:s5] =	ssyncset.done $0x0  }
0x19c: {  	s18 =	sadd.s32 s25, s29;
	s19 =	simm.s32 $0x300;
	[sflag:s5] =	ssyncadd.s32 $0xFFFFB000  }
0x19d: {  	[tilespmem:s19], [sflag:$0x4] =	stream.linear.gather [hbm4b:s18+s2], $0xA0, $0x38;
	[tilespmem:$0x1E080] =	vst v63  }
0x19e: {  	s31 =	sadd.s32 s25, s28;
	s0 =	simm.s32 $0x700  }
0x19f: {  	[tilespmem:s0], [sflag:$0x4] =	stream.linear.gather [hbm4b:s31+s2], $0xA0, $0x38;
	[tilespmem:$0x1E080] =	vst v63  }
0x1a0: {  	_ =	swait.ge [sflag:s12], $0xA0  }
0x1a1: {  	[sflag:s12] =	ssyncset.done $0x0  }
0x1a2: {  	[sflag:s12] =	ssyncadd.s32 $0xFFFFFF60  }
0x1a3: {  	_ =	swait.ge [sflag:s12], $0xA0  }
0x1a4: {  	[sflag:s12] =	ssyncset.done $0x0  }
0x1a5: {  	[sflag:s12] =	ssyncadd.s32 $0xFFFFFF60  }
0x1a6: {  	v2 =	vld [tilespmem:$0x200]  }
0x1a7: {  	v3 =	vld [tilespmem:$0x210]  }
0x1a8: {  	v43 =	vld [tilespmem:$0x220]  }
0x1a9: {  	v44 =	vld [tilespmem:$0x230]  }
0x1aa: {  	v45 =	vld [tilespmem:$0x240]  }
0x1ab: {  	v46 =	vld [tilespmem:$0x250];
	v2 =	vadd.s32 v1, v2  }
0x1ac: {  	[tilespmem:$0x200] =	vst v2;
	v2 =	vadd.s32 v1, v3;
	v3 =	vld [tilespmem:$0x260]  }
0x1ad: {  	v47 =	vld [tilespmem:$0x270];
	[tilespmem:$0x210] =	vst v2;
	v2 =	vadd.s32 v1, v43  }
0x1ae: {  	v48 =	vld [tilespmem:$0x280];
	[tilespmem:$0x220] =	vst v2;
	v2 =	vadd.s32 v1, v44  }
0x1af: {  	v49 =	vld [tilespmem:$0x290];
	[tilespmem:$0x230] =	vst v2;
	v2 =	vadd.s32 v1, v45  }
0x1b0: {  	[tilespmem:$0x240] =	vst v2;
	v2 =	vadd.s32 v1, v46  }
0x1b1: {  	[tilespmem:$0x250] =	vst v2;
	v2 =	vadd.s32 v1, v3  }
0x1b2: {  	[tilespmem:$0x260] =	vst v2;
	v2 =	vadd.s32 v1, v47  }
0x1b3: {  	[tilespmem:$0x270] =	vst v2;
	v2 =	vadd.s32 v1, v48  }
0x1b4: {  	[tilespmem:$0x280] =	vst v2;
	v2 =	vadd.s32 v1, v49  }
0x1b5: {  	[tilespmem:$0x290] =	vst v2  }
0x1b6: {  	[tilespmem:s16], [sflag:$0x5] =	stream.indirect.gather [hbm4b:s3+s21], $0x80, s15, s21, $0xb8;
	[tilespmem:$0x1E080] =	vst v63  }
0x1b7: {  	_ =	swait.ge [sflag:s13], $0x5000  }
0x1b8: {  	[sflag:s13] =	ssyncset.done $0x0  }
0x1b9: {  	s31 =	simm.s32 $0x500;
	[sflag:s13] =	ssyncadd.s32 $0xFFFFB000  }
0x1ba: {  	[spmem:s1] =	stream.indirect.scatter.add.f32 [tilespmem:s9], [sflag:$0x7], $0x80, s31, s21, $0xb8;
	[tilespmem:$0x1E080] =	vst v63  }
0x1bb: {  	_ =	swait.ge [sflag:s5], $0x5000  }
0x1bc: {  	s4 =	sshrl.u32 s7, $0x3;
	[sflag:s5] =	ssyncset.done $0x0;
	s18 =	rddreg [dreg:$0x3]  }
0x1bd: {  	[sflag:s5] =	ssyncadd.s32 $0xFFFFB000;
	s15 =	sadd.s32 s18, s4  }
0x1be: {  	[tilespmem:s2], [sflag:$0x1] =	stream.linear.gather [hbm4b:s15+s2], $0xA0, $0x38;
	[tilespmem:$0x1E080] =	vst v63  }
0x1bf: {  	s4 =	sadd.s32 s23, s4  }
0x1c0: {  	[tilespmem:s17], [sflag:$0x1] =	stream.linear.gather [hbm4b:s4+s2], $0xA0, $0x38;
	[tilespmem:$0x1E080] =	vst v63  }
0x1c1: {  	_ =	swait.ge [sflag:s14], $0xA0  }
0x1c2: {  	[sflag:s14] =	ssyncset.done $0x0  }
0x1c3: {  	[sflag:s14] =	ssyncadd.s32 $0xFFFFFF60  }
0x1c4: {  	_ =	swait.ge [sflag:s14], $0xA0  }
0x1c5: {  	[sflag:s14] =	ssyncset.done $0x0  }
0x1c6: {  	[sflag:s14] =	ssyncadd.s32 $0xFFFFFF60  }
0x1c7: {  	v2 =	vld [tilespmem:$0x300]  }
0x1c8: {  	v3 =	vld [tilespmem:$0x310]  }
0x1c9: {  	v50 =	vld [tilespmem:$0x320]  }
0x1ca: {  	v51 =	vld [tilespmem:$0x330]  }
0x1cb: {  	v52 =	vld [tilespmem:$0x340]  }
0x1cc: {  	v53 =	vld [tilespmem:$0x350];
	v2 =	vadd.s32 v1, v2  }
0x1cd: {  	[tilespmem:$0x300] =	vst v2;
	v2 =	vadd.s32 v1, v3;
	v3 =	vld [tilespmem:$0x360]  }
0x1ce: {  	v54 =	vld [tilespmem:$0x370];
	[tilespmem:$0x310] =	vst v2;
	v2 =	vadd.s32 v1, v50  }
0x1cf: {  	v55 =	vld [tilespmem:$0x380];
	[tilespmem:$0x320] =	vst v2;
	v2 =	vadd.s32 v1, v51  }
0x1d0: {  	v56 =	vld [tilespmem:$0x390];
	[tilespmem:$0x330] =	vst v2;
	v2 =	vadd.s32 v1, v52  }
0x1d1: {  	[tilespmem:$0x340] =	vst v2;
	v2 =	vadd.s32 v1, v53  }
0x1d2: {  	[tilespmem:$0x350] =	vst v2;
	v2 =	vadd.s32 v1, v3  }
0x1d3: {  	[tilespmem:$0x360] =	vst v2;
	v2 =	vadd.s32 v1, v54  }
0x1d4: {  	[tilespmem:$0x370] =	vst v2;
	v2 =	vadd.s32 v1, v55  }
0x1d5: {  	[tilespmem:$0x380] =	vst v2;
	v2 =	vadd.s32 v1, v56  }
0x1d6: {  	[tilespmem:$0x390] =	vst v2  }
0x1d7: {  	[tilespmem:s9], [sflag:$0x6] =	stream.indirect.gather [hbm4b:s3+s21], $0x80, s19, s21, $0xb8;
	[tilespmem:$0x1E080] =	vst v63  }
0x1d8: {  	_ =	swait.ge [sflag:s22], $0x5000  }
0x1d9: {  	[sflag:s22] =	ssyncset.done $0x0  }
0x1da: {  	[sflag:s22] =	ssyncadd.s32 $0xFFFFB000  }
0x1db: {  	[spmem:s1] =	stream.indirect.scatter.add.f32 [tilespmem:s16], [sflag:$0x7], $0x80, s6, s21, $0xb8;
	[tilespmem:$0x1E080] =	vst v63  }
0x1dc: {  	_ =	swait.ge [sflag:s5], $0x5000  }
0x1dd: {  	[sflag:s5] =	ssyncset.done $0x0  }
0x1de: {  	s15 =	sadd.s32 s25, s26;
	[sflag:s5] =	ssyncadd.s32 $0xFFFFB000  }
0x1df: {  	[tilespmem:s11], [sflag:$0x2] =	stream.linear.gather [hbm4b:s15+s2], $0xA0, $0x38;
	[tilespmem:$0x1E080] =	vst v63  }
0x1e0: {  	s19 =	sadd.s32 s25, s24  }
0x1e1: {  	[tilespmem:s31], [sflag:$0x2] =	stream.linear.gather [hbm4b:s19+s2], $0xA0, $0x38;
	[tilespmem:$0x1E080] =	vst v63  }
0x1e2: {  	_ =	swait.ge [sflag:s20], $0xA0  }
0x1e3: {  	[sflag:s20] =	ssyncset.done $0x0  }
0x1e4: {  	[sflag:s20] =	ssyncadd.s32 $0xFFFFFF60  }
0x1e5: {  	_ =	swait.ge [sflag:s20], $0xA0  }
0x1e6: {  	[sflag:s20] =	ssyncset.done $0x0  }
0x1e7: {  	[sflag:s20] =	ssyncadd.s32 $0xFFFFFF60  }
0x1e8: {  	v2 =	vld [tilespmem:$0x0]  }
0x1e9: {  	v3 =	vld [tilespmem:$0x10]  }
0x1ea: {  	v57 =	vld [tilespmem:$0x20]  }
0x1eb: {  	v58 =	vld [tilespmem:$0x30]  }
0x1ec: {  	v59 =	vld [tilespmem:$0x40]  }
0x1ed: {  	v60 =	vld [tilespmem:$0x50];
	v2 =	vadd.s32 v1, v2  }
0x1ee: {  	[tilespmem:$0x0] =	vst v2;
	v2 =	vadd.s32 v1, v3;
	v3 =	vld [tilespmem:$0x60]  }
0x1ef: {  	v61 =	vld [tilespmem:$0x70];
	[tilespmem:$0x10] =	vst v2;
	v2 =	vadd.s32 v1, v57  }
0x1f0: {  	v62 =	vld [tilespmem:$0x80];
	[tilespmem:$0x20] =	vst v2;
	v2 =	vadd.s32 v1, v58  }
0x1f1: {  	v63 =	vld [tilespmem:$0x90];
	[tilespmem:$0x30] =	vst v2;
	v2 =	vadd.s32 v1, v59  }
0x1f2: {  	[tilespmem:$0x40] =	vst v2;
	v2 =	vadd.s32 v1, v60  }
0x1f3: {  	[tilespmem:$0x50] =	vst v2;
	v2 =	vadd.s32 v1, v3  }
0x1f4: {  	[tilespmem:$0x60] =	vst v2;
	v2 =	vadd.s32 v1, v61  }
0x1f5: {  	[tilespmem:$0x70] =	vst v2;
	v2 =	vadd.s32 v1, v62  }
0x1f6: {  	[tilespmem:$0x80] =	vst v2;
	v2 =	vadd.s32 v1, v63  }
0x1f7: {  	[tilespmem:$0x90] =	vst v2  }
0x1f8: {  	[tilespmem:s16], [sflag:$0x5] =	stream.indirect.gather [hbm4b:s3+s21], $0x80, s2, s21, $0xb8;
	[tilespmem:$0x1E080] =	vst v63  }
0x1f9: {  	_ =	swait.ge [sflag:s13], $0x5000  }
0x1fa: {  	p3 =	sne.s32 s25, $0x460;
	[sflag:s13] =	ssyncset.done $0x0  }
.Ltmp6:
0x1fb: {  	[sflag:s13] =	ssyncadd.s32 $0xFFFFB000;
	(pc) =	sbr.rel @p3 .LBB2_9-.Ltmp6, $4  }
0x1fc: {  	[spmem:s1] =	stream.indirect.scatter.add.f32 [tilespmem:s9], [sflag:$0x7], $0x80, s0, s21, $0xb8;
	[tilespmem:$0x1E080] =	vst v63  }
0x1fd: {  	_ =	swait.ge [sflag:s5], $0x5000  }
0x1fe: {  	s7 =	sadd.s32 $0x280, s7;
	s18 =	simm.s32 $0x400;
	[sflag:s5] =	ssyncset.done $0x0  }
0x1ff: {  	s17 =	simm.s32 $0x100;
	s25 =	sadd.s32 $0x50, s25;
	[sflag:s5] =	ssyncadd.s32 $0xFFFFB000  }
0x200: {  	s4 =	simm.s32 @!p1 $0x0;
	s7 =	simm.s32 @!p1 $0x200;
	s6 =	rddreg [dreg:$0xb]  }
0x201: {  	[tilespmem:s7], [sflag:$0x3] =	stream.linear.gather @!p1 [hbm4b:s6+s4], $0xA0, $0x38;
	[tilespmem:$0x1E080] =	vst v63  }
0x202: {  	s7 =	simm.s32 @!p1 $0x600;
	s6 =	rddreg [dreg:$0xc]  }
0x203: {  	[tilespmem:s7], [sflag:$0x3] =	stream.linear.gather @!p1 [hbm4b:s6+s4], $0xA0, $0x38;
	[tilespmem:$0x1E080] =	vst v63  }
0x204: {  	_ =	swait.ge [sflag:s8], $0xA0  }
0x205: {  	[sflag:s8] =	ssyncset.done $0x0  }
0x206: {  	[sflag:s8] =	ssyncadd.s32 $0xFFFFFF60  }
0x207: {  	_ =	swait.ge [sflag:s8], $0xA0  }
0x208: {  	[sflag:s8] =	ssyncset.done $0x0  }
0x209: {  	[sflag:s8] =	ssyncadd.s32 $0xFFFFFF60  }
0x20a: {  	v2 =	vld [tilespmem:$0x100]  }
0x20b: {  	v3 =	vld [tilespmem:$0x110]  }
0x20c: {  	v4 =	vld [tilespmem:$0x120]  }
0x20d: {  	v5 =	vld [tilespmem:$0x130]  }
0x20e: {  	v6 =	vld [tilespmem:$0x140]  }
0x20f: {  	v7 =	vld [tilespmem:$0x150];
	v2 =	vadd.s32 v1, v2  }
0x210: {  	[tilespmem:$0x100] =	vst v2;
	v2 =	vadd.s32 v1, v3;
	v3 =	vld [tilespmem:$0x160]  }
0x211: {  	v61 =	vld [tilespmem:$0x170];
	[tilespmem:$0x110] =	vst v2;
	v2 =	vadd.s32 v1, v4  }
0x212: {  	v62 =	vld [tilespmem:$0x180];
	[tilespmem:$0x120] =	vst v2;
	v2 =	vadd.s32 v1, v5  }
0x213: {  	v63 =	vld [tilespmem:$0x190];
	[tilespmem:$0x130] =	vst v2;
	v2 =	vadd.s32 v1, v6  }
0x214: {  	[tilespmem:$0x140] =	vst v2;
	v2 =	vadd.s32 v1, v7  }
0x215: {  	[tilespmem:$0x150] =	vst v2;
	v2 =	vadd.s32 v1, v3  }
0x216: {  	[tilespmem:$0x160] =	vst v2;
	v2 =	vadd.s32 v1, v61  }
0x217: {  	[tilespmem:$0x170] =	vst v2;
	v2 =	vadd.s32 v1, v62  }
0x218: {  	[tilespmem:$0x180] =	vst v2;
	v2 =	vadd.s32 v1, v63  }
0x219: {  	[tilespmem:$0x190] =	vst v2  }
0x21a: {  	[tilespmem:s9], [sflag:$0x6] =	stream.indirect.gather [hbm4b:s3+s21], $0x80, s17, s21, $0xb8;
	[tilespmem:$0x1E080] =	vst v63  }
0x21b: {  	_ =	swait.ge [sflag:s22], $0x5000  }
0x21c: {  	[sflag:s22] =	ssyncset.done $0x0  }
.Ltmp7:
0x21d: {  	[sflag:s22] =	ssyncadd.s32 $0xFFFFB000;
	(pc) =	sbr.rel @p1 .LBB2_13-.Ltmp7, $4  }
0x21e: {  	[spmem:s1] =	stream.indirect.scatter.add.f32 [tilespmem:s16], [sflag:$0x7], $0x80, s18, s21, $0xb8;
	[tilespmem:$0x1E080] =	vst v63  }
0x21f: {  	_ =	swait.ge [sflag:s5], $0x5000  }
0x220: {  	s15 =	smov.u32 s23;
	[sflag:s5] =	ssyncset.done $0x0  }
0x221: {  	s0 =	simm.s32 $0x400;
	s11 =	simm.s32 $0x100;
	[sflag:s5] =	ssyncadd.s32 $0xFFFFB000  }
0x222: {  	_ =	swait.ge [sflag:s12], $0xA0  }
0x223: {  	[sflag:s12] =	ssyncset.done $0x0  }
0x224: {  	[sflag:s12] =	ssyncadd.s32 $0xFFFFFF60  }
0x225: {  	_ =	swait.ge [sflag:s12], $0xA0  }
0x226: {  	[sflag:s12] =	ssyncset.done $0x0  }
0x227: {  	[sflag:s12] =	ssyncadd.s32 $0xFFFFFF60  }
0x228: {  	v2 =	vld [tilespmem:$0x200]  }
0x229: {  	v3 =	vld [tilespmem:$0x210]  }
0x22a: {  	v4 =	vld [tilespmem:$0x220]  }
0x22b: {  	v5 =	vld [tilespmem:$0x230]  }
0x22c: {  	v6 =	vld [tilespmem:$0x240]  }
0x22d: {  	v7 =	vld [tilespmem:$0x250];
	v2 =	vadd.s32 v1, v2  }
0x22e: {  	[tilespmem:$0x200] =	vst v2;
	v2 =	vadd.s32 v1, v3;
	v3 =	vld [tilespmem:$0x260]  }
0x22f: {  	v61 =	vld [tilespmem:$0x270];
	[tilespmem:$0x210] =	vst v2;
	v2 =	vadd.s32 v1, v4  }
0x230: {  	v62 =	vld [tilespmem:$0x280];
	[tilespmem:$0x220] =	vst v2;
	v2 =	vadd.s32 v1, v5  }
0x231: {  	v63 =	vld [tilespmem:$0x290];
	[tilespmem:$0x230] =	vst v2;
	v2 =	vadd.s32 v1, v6  }
0x232: {  	[tilespmem:$0x240] =	vst v2;
	v2 =	vadd.s32 v1, v7  }
0x233: {  	[tilespmem:$0x250] =	vst v2;
	v2 =	vadd.s32 v1, v3  }
0x234: {  	[tilespmem:$0x260] =	vst v2;
	v2 =	vadd.s32 v1, v61  }
0x235: {  	[tilespmem:$0x270] =	vst v2;
	v2 =	vadd.s32 v1, v62  }
0x236: {  	[tilespmem:$0x280] =	vst v2;
	v2 =	vadd.s32 v1, v63  }
0x237: {  	s4 =	simm.s32 $0x200;
	[tilespmem:$0x290] =	vst v2  }
0x238: {  	[tilespmem:s16], [sflag:$0x5] =	stream.indirect.gather [hbm4b:s3+s21], $0x80, s4, s21, $0xb8;
	[tilespmem:$0x1E080] =	vst v63  }
0x239: {  	_ =	swait.ge [sflag:s13], $0x5000  }
0x23a: {  	[sflag:s13] =	ssyncset.done $0x0  }
0x23b: {  	s17 =	simm.s32 $0x500;
	[sflag:s13] =	ssyncadd.s32 $0xFFFFB000  }
0x23c: {  	[spmem:s1] =	stream.indirect.scatter.add.f32 [tilespmem:s9], [sflag:$0x7], $0x80, s17, s21, $0xb8;
	[tilespmem:$0x1E080] =	vst v63  }
0x23d: {  	_ =	swait.ge [sflag:s5], $0x5000  }
0x23e: {  	[sflag:s5] =	ssyncset.done $0x0  }
0x23f: {  	[sflag:s5] =	ssyncadd.s32 $0xFFFFB000  }
0x240: {  	_ =	swait.ge [sflag:s22], $0x5000  }
0x241: {  	[sflag:s22] =	ssyncset.done $0x0  }
0x242: {  	s31 =	simm.s32 $0x600;
	[sflag:s22] =	ssyncadd.s32 $0xFFFFB000  }
0x243: {  	[spmem:s1] =	stream.indirect.scatter.add.f32 [tilespmem:s16], [sflag:$0x7], $0x80, s31, s21, $0xb8;
	[tilespmem:$0x1E080] =	vst v63  }
0x244: {  	_ =	swait.ge [sflag:s5], $0x5000  }
0x245: {  	[sflag:s5] =	ssyncset.done $0x0  }
0x246: {  	[sflag:s5] =	ssyncadd.s32 $0xFFFFB000  }
0x247: {  	[bflag:$0x0] =	sbarrier.arrive $0xFFFF  }
0x248: {  	s24 =	rddreg [dreg:$0x14]  }
.Ltmp8:
0x249: {  	s26 =	rddreg [dreg:$0x15];
	(pc) =	sbr.rel @!p2 .LBB2_14-.Ltmp8, $4  }
0x24a: {  	s28 =	rddreg [dreg:$0x17]  }
0x24b: {  	s29 =	rddreg [dreg:$0x18]  }
0x24c: {  	s30 =	rddreg [dreg:$0x19]  }
0x24d: {  	s10 =	rddreg [dreg:$0x1a]  }
0x24e: {  	s4 =	sshrl.u32 s1, $0x3  }
.Ltmp9:
0x24f: {  	s6 =	rddreg [dreg:$0x11];
	s7 =	simm.s32 $0x1C07;
	(pc) =	sbr.rel .LBB2_15-.Ltmp9, $4  }
0x250: {  	[hbm:s6], [sflag:s7] =	dma.local [spmem:s4], $0x2800  }
0x251: {  	_ =	swait.ge [sflag:s5], $0x2800  }
0x252: {  	[sflag:s5] =	ssyncset.done $0x0  }
0x253: {  	s7 =	rddreg [dreg:$0x1b];
	[sflag:s5] =	ssyncadd.s32 $0xFFFFD800  }
.LBB2_16:
0x254: {  	_ =	sfence.sel $0x180000  }
0x255: {  	[bflag:$0x0] =	sbarrier.arrive $0xFFFF  }
0x256: {  	_ =	strace $0x9000004D  }
0x257: {  	[bflag:$0x2] =	sbarrier.arrive $0xFFFF  }
0x258: {  	s0 =	rddreg [dreg:$0x2]  }
0x259: {  	s0 =	sadd.s32 @!p0 $0x100000, s0  }
0x25a: {  	[sflag:s0] =	ssyncadd.tile.s32 @!p0 $0x1;
	_ =	shalt  }
.Lfunc_end2:
_tile_overlayer_lowered:
.L_overlay_start_2:
0x25b: {  	(tag) =	ssettag $0x2  }
0x25c: {  	s0 =	rddreg [dreg:$0x0];
	s2 =	stileid.u32  }
0x25d: {  	s1 =	rddreg [dreg:$0x1];
	p0 =	sne.s32 s2, $0x0  }
0x25e: {  	s3 =	rddreg [dreg:$0x2];
	[bflag:$0x3] =	sbarrier.arrive $0xFFFF;
	s2 =	simm.s32 @!p0 $0x1C07  }
0x25f: {  	[timem:s3], [sflag:s2] =	dma.local @!p0 [hbm:s0], s1  }
0x260: {  	s0 =	simm.s32 @!p0 $0x7  }
0x261: {  	_ =	swait.ge @!p0 [sflag:s0], s1  }
0x262: {  	s1 =	ssub.s32 @!p0 $0x0, s1;
	[sflag:s0] =	ssyncset.done @!p0 $0x0  }
0x263: {  	[sflag:s0] =	ssyncadd.s32 @!p0 s1  }
0x264: {  	[bflag:$0x3] =	sbarrier.arrive $0xFFFF  }
0x265: {  	_ =	shalt  }

// kernel: kernel.20.cloned.1.call-start
scs
__scs_entry_jumppad:
0x0: {  	(pc) =	sbr.rel $0x88, $3  }
0x1: {  	(tag) =	ssettag $0x0;
	lr =	simm.s32 $0x1  }
0x2: {  	[smem:$0x3F99] =	sst lr;
	_ =	strace $0xD0000000  }
0x3: {  	_ = 	snop  }
0x4: {  	_ = 	snop  }
0x5: {  	_ = 	snop  }
0x6: {  	_ = 	snop  }
0x7: {  	_ = 	snop  }
__scs_overlays_trampoline_lowered:
0x8: {  	[smem:$0x3FA8] =	sst s0  }
0x9: {  	[smem:$0x3FA9] =	sst s1  }
0xa: {  	[smem:$0x3FAA] =	sst s2  }
0xb: {  	[smem:$0x3FAB] =	sst s3  }
0xc: {  	[smem:$0x3FAC] =	sst s4  }
0xd: {  	[smem:$0x3FAD] =	sst s5  }
0xe: {  	[smem:$0x3FAE] =	sst s6  }
0xf: {  	[smem:$0x3FAF] =	sst s7  }
0x10: {  	[smem:$0x3FB0] =	sst s8  }
0x11: {  	[smem:$0x3FB1] =	sst s9;
	s0 =	simm.s32 @!p0 $0x0  }
0x12: {  	s1 =	sld [smem:$0x3F97];
	s0 =	simm.s32 @p0 $0x1  }
0x13: {  	[smem:$0x3FB2] =	sst s0;
	s0 =	simm.s32 @!p1 $0x0  }
0x14: {  	s2 =	sld [smem:$0x3F96];
	s0 =	simm.s32 @p1 $0x1  }
0x15: {  	[smem:$0x3FB3] =	sst s0;
	s0 =	simm.s32 @!p2 $0x0  }
0x16: {  	s3 =	sld [smem:$0x3FDB];
	s0 =	simm.s32 @p2 $0x1  }
0x17: {  	s4 =	simm.s32 $0x1BF5;
	[smem:$0x3FB5] =	sst s0  }
0x18: {  	s0 =	sld [smem:$0x3F98];
	_ =	swait.ge [sflag:s4], $0x0  }
0x19: {  	s7 =	sld [smem:$0x3F99]  }
0x1a: {  	s8 =	sadd.s32 $0xFFFFE003, lr  }
0x1b: {  	s9 =	sadd.s32 $0xFFFFFEF7, lr;
	s5 =	simm.s32 $0xFFFFFFFF;
	p2 =	slt.u32 s8, $0xFFFFF086  }
0x1c: {  	p1 =	slt.u32 s9, $0xF7A;
	s5 =	simm.s32 @!p2 $0x0  }
0x1d: {  	s5 =	simm.s32 @p1 $0x1;
	p0 =	seq.s32 s7, s2  }
0x1e: {  	s7 =	smul.u32 @!p0 $0xF7A, s2;
	p2 =	seq.s32 @!p0 s5, $0x0  }
0x1f: {  	s9 =	smul.u32 $0xF7A, s1;
	s8 =	simm.s32 @!p0 $0x1BF5;
	p2 =	por !p2, p0  }
0x20: {  	[sflag:s8] =	ssyncset.s32 @!p0 $0xFFFFF086;
	s6 =	sadd.s32 @!p0 s3, s7;
	s7 =	simm.s32 @!p0 $0x108  }
0x21: {  	s3 =	sadd.s32 s3, s9;
	s6 =	sadd.s32 @!p0 $0x88, s6;
	s7 =	simm.s32 @p2 $0x1082  }
0x22: {  	[simem:s7], [sflag:s8] =	dma.local @!p0 [hbm:s6], $0xF7A  }
0x23: {  	s9 =	sor.u32 $0xD0000000, s2;
	s6 =	simm.s32 $0x108;
	_ =	swait.ge @!p0 [sflag:s8], $0x0  }
0x24: {  	s3 =	sadd.s32 $0x88, s3;
	s6 =	simm.s32 @!p1 $0x1082;
	[sflag:s4] =	ssyncset.s32 $0xFFFFF086  }
0x25: {  	[simem:s6], [sflag:s4] =	dma.local [hbm:s3], $0xF7A  }
0x26: {  	[smem:$0x3F99] =	sst s1;
	(tag) =	ssettag s2;
	_ =	strace s9  }
0x27: {  	s1 =	sld [smem:$0x3FA9]  }
0x28: {  	s2 =	sld [smem:$0x3FAA]  }
0x29: {  	s4 =	sld [smem:$0x3FAC]  }
0x2a: {  	p0 =	seq.s32 s5, $0x0;
	s5 =	sld [smem:$0x3FAD]  }
0x2b: {  	s6 =	sld [smem:$0x3FAE]  }
0x2c: {  	s7 =	sld [smem:$0x3FAF]  }
0x2d: {  	s3 =	simm.s32 $0x108;
	s8 =	sld [smem:$0x3FB0]  }
0x2e: {  	s3 =	simm.s32 @!p0 $0x1082;
	s9 =	sld [smem:$0x3FB1]  }
0x2f: {  	lr =	sadd.s32 s0, s3;
	s0 =	sld [smem:$0x3FA8]  }
0x30: {  	s3 =	sld [smem:$0x3FAB]  }
0x31: {  	[smem:$0x3FB4] =	sst s10  }
0x32: {  	s10 =	sld [smem:$0x3FB2];
	_ =	sdelay $0x3  }
0x33: {  	p0 =	seq.s32 s10, $0x1;
	s10 =	sld [smem:$0x3FB4];
	_ =	sdelay $0x3  }
0x34: {  	[smem:$0x3FB4] =	sst s10  }
0x35: {  	s10 =	sld [smem:$0x3FB3];
	_ =	sdelay $0x3  }
0x36: {  	p1 =	seq.s32 s10, $0x1;
	s10 =	sld [smem:$0x3FB4];
	_ =	sdelay $0x3  }
0x37: {  	[smem:$0x3FB4] =	sst s10  }
0x38: {  	s10 =	sld [smem:$0x3FB5]  }
0x39: {  	_ = 	snop;
	(pc) =	sbr.ind lr, $3  }
0x3a: {  	_ = 	snop  }
0x3b: {  	_ = 	snop  }
0x3c: {  	p2 =	seq.s32 s10, $0x1;
	s10 =	sld [smem:$0x3FB4]  }
0x3d: {  	_ =	shalt  }
0x3e: {  	_ =	shalt  }
0x3f: {  	_ =	shalt  }
0x40: {  	_ =	shalt  }
0x41: {  	_ =	shalt  }
0x42: {  	_ =	shalt  }
0x43: {  	_ =	shalt  }
0x44: {  	_ =	shalt  }
0x45: {  	_ =	shalt  }
0x46: {  	_ =	shalt  }
0x47: {  	_ =	shalt  }
0x48: {  	_ =	shalt  }
0x49: {  	_ =	shalt  }
0x4a: {  	_ =	shalt  }
0x4b: {  	_ =	shalt  }
0x4c: {  	_ =	shalt  }
0x4d: {  	_ =	shalt  }
0x4e: {  	_ =	shalt  }
0x4f: {  	_ =	shalt  }
0x50: {  	_ =	shalt  }
0x51: {  	_ =	shalt  }
0x52: {  	_ =	shalt  }
0x53: {  	_ =	shalt  }
0x54: {  	_ =	shalt  }
0x55: {  	_ =	shalt  }
0x56: {  	_ =	shalt  }
0x57: {  	_ =	shalt  }
0x58: {  	_ =	shalt  }
0x59: {  	_ =	shalt  }
0x5a: {  	_ =	shalt  }
0x5b: {  	_ =	shalt  }
0x5c: {  	_ =	shalt  }
0x5d: {  	_ =	shalt  }
0x5e: {  	_ =	shalt  }
0x5f: {  	_ =	shalt  }
0x60: {  	_ =	shalt  }
0x61: {  	_ =	shalt  }
0x62: {  	_ =	shalt  }
0x63: {  	_ =	shalt  }
0x64: {  	_ =	shalt  }
0x65: {  	_ =	shalt  }
0x66: {  	_ =	shalt  }
0x67: {  	_ =	shalt  }
0x68: {  	_ =	shalt  }
0x69: {  	_ =	shalt  }
0x6a: {  	_ =	shalt  }
0x6b: {  	_ =	shalt  }
0x6c: {  	_ =	shalt  }
0x6d: {  	_ =	shalt  }
0x6e: {  	_ =	shalt  }
0x6f: {  	_ =	shalt  }
0x70: {  	_ =	shalt  }
0x71: {  	_ =	shalt  }
0x72: {  	_ =	shalt  }
0x73: {  	_ =	shalt  }
0x74: {  	_ =	shalt  }
0x75: {  	_ =	shalt  }
0x76: {  	_ =	shalt  }
0x77: {  	_ =	shalt  }
0x78: {  	_ =	shalt  }
0x79: {  	_ =	shalt  }
0x7a: {  	_ =	shalt  }
0x7b: {  	_ =	shalt  }
0x7c: {  	_ =	shalt  }
0x7d: {  	_ =	shalt  }
0x7e: {  	_ =	shalt  }
0x7f: {  	_ =	shalt  }
0x80: {  	_ =	shalt  }
0x81: {  	_ =	shalt  }
0x82: {  	_ =	shalt  }
0x83: {  	_ =	shalt  }
0x84: {  	_ =	shalt  }
0x85: {  	_ =	shalt  }
0x86: {  	_ =	shalt  }
0x87: {  	_ =	shalt  }
.Lfunc_end0:
.L_simem_size_0:
called_computation.3_lowered:
.L_overlay_start_0:
0x88: {  	s2 =	sld [smem:$0x3FD9]  }
0x89: {  	s3 =	sld [smem:$0x3FFE];
	_ =	sdelay $0x1  }
0x8a: {  	s1 =	srdreg.scid  }
0x8b: {  	s0 =	sand.u32 $0x1, s1  }
0x8c: {  	s17 =	sshll.u32 s0, $0xA;
	s2 =	sadd.s32 s3, s2  }
0x8d: {  	s2 =	sadd.s32 s2, s17  }
0x8e: {  	[smem:$0x3FC0] =	sst s2  }
0x8f: {  	_ = 	snop  }
0x90: {  	s2 =	sld [smem:$0x3FD0];
	(tm) =	ssettm $0x1  }
0x91: {  	s18 =	sld [smem:$0x3FFB];
	_ =	sdelay $0x3  }
0x92: {  	_ =	strace s18  }
0x93: {  	s3 =	sld [smem:$0x3FFC];
	_ =	sdelay $0x3  }
0x94: {  	_ =	strace s3  }
0x95: {  	s3 =	sld [smem:$0x3FFD];
	_ =	sdelay $0x3  }
0x96: {  	_ =	strace s3  }
0x97: {  	_ =	strace $0x8FFFFFFF  }
0x98: {  	s19 =	sld [smem:$0x3FDB];
	_ =	sdelay $0x1  }
0x99: {  	s4 =	simm.s32 $_scs_section_size  }
0x9a: {  	s5 =	simm.s32 $_size__tile_overlayer_lowered;
	s6 =	simm.s32 $_tile_overlayer_lowered  }
0x9b: {  	s22 =	simm.s32 $0x1BFF;
	s21 =	sshll.u32 s6, $0x1;
	s3 =	sadd.s32 s4, s19  }
0x9c: {  	s7 =	simm.s32 $0x0;
	s20 =	sshll.u32 s5, $0x1;
	s5 =	sadd.s32 s21, s3  }
0x9d: {  	[timem:s7], [sflag:s22] =	dma.local [hbm:s5], s20  }
0x9e: {  	_ =	swait.ge [sflag:s22], s20  }
0x9f: {  	s4 =	ssub.s32 $0x0, s20;
	[sflag:s22] =	ssyncset.done $0x0  }
0xa0: {  	[sflag:s22] =	ssyncadd.s32 s4;
	_ =	sdelay $0x1  }
0xa1: {  	s23 =	simm.s32 $0x1B8B  }
0xa2: {  	_ =	swait.ge [sflag:s23], $0x1  }
0xa3: {  	[sflag:s23] =	ssyncset.done $0x0  }
0xa4: {  	s25 =	simm.s32 $0x1B8E;
	s24 =	sld [smem:$0x3FFE];
	[sflag:s23] =	ssyncadd.s32 $0xFFFFFFFF  }
0xa5: {  	s26 =	simm.s32 $execute0_lowered;
	[smem:$0x3FD2] =	sst s25  }
0xa6: {  	s5 =	sshll.u32 s26, $0x1;
	_ =	strace $0x8000004F;
	[dreg:$0x1] =	wrdreg $0xFFFFFFFF  }
0xa7: {  	s28 =	simm.s32 $_size_execute0_lowered;
	s3 =	sadd.s32 s3, s5;
	[dreg:$0x0] =	wrdreg $0x0  }
0xa8: {  	s5 =	sshll.u32 s28, $0x1;
	[dreg:$0x2] =	wrdreg s3  }
0xa9: {  	[dreg:$0x3] =	wrdreg s5  }
0xaa: {  	[dreg:$0x4] =	wrdreg $0xC0  }
0xab: {  	_ =	task [dreg:s7], $0x5FFFF  }
0xac: {  	[dreg:$0x1] =	wrdreg $0xFFFFFFFF  }
0xad: {  	[dreg:$0x0] =	wrdreg $0x60  }
0xae: {  	[dreg:$0x2] =	wrdreg s2  }
0xaf: {  	[dreg:$0x3] =	wrdreg s24  }
0xb0: {  	[dreg:$0x4] =	wrdreg $0xA8000  }
0xb1: {  	[dreg:$0x5] =	wrdreg $0x9  }
0xb2: {  	_ =	task.clear_ibuf [dreg:s7], $0x6FFFF;
	_ =	strace $0x9000004F  }
0xb3: {  	s29 =	simm.s32 $0x9;
	_ =	strace $0x80000051  }
0xb4: {  	_ =	swait.ge [sflag:s29], $0x1  }
0xb5: {  	[sflag:s29] =	ssyncadd.s32 $0xFFFFFFFF  }
0xb6: {  	_ =	strace $0x90000051  }
0xb7: {  	_ =	sfence  }
0xb8: {  	s30 =	sld [smem:$0x0];
	_ =	sdelay $0x2  }
0xb9: {  	s31 =	sshll.u32 s1, $0xD;
	s1 =	sshrl.u32 s1, $0x2  }
0xba: {  	s3 =	sand.u32 $0x4000, s31;
	s1 =	sadd.s32 s1, s30  }
0xbb: {  	s0 =	sor.u32 s3, s0;
	s1 =	sshll.u32 s1, $0x11  }
0xbc: {  	s0 =	sor.u32 s1, s0  }
0xbd: {  	s0 =	sadd.s32 $0x8F2B, s0  }
0xbe: {  	[sflag:s0] =	ssyncadd.remote.s32 $0x1  }
0xbf: {  	_ =	sfence.sel $0xFFFF  }
0xc0: {  	[dreg:$0x0] =	wrdreg $0xFFFFFFFF;
	(pc) =	sbr.abs _section_cstart, $3  }
0xc1: {  	[dreg:$0x1] =	wrdreg $0xFFFFFFFF  }
0xc2: {  	_ =	task.clear_ibuf [dreg:s7], $0x2FFFF;
	_ =	strace $0x9FFFFFFF  }
0xc3: {  	(tm) =	ssettm $0x7FFFFFFF  }
tec
execute0_lowered:
.L_overlay_start_1:
0x0: {  	(tag) =	ssettag $0x1  }
0x1: {  	s1 =	rddreg [dreg:$0x0]  }
0x2: {  	s0 =	rddreg [dreg:$0x1]  }
0x3: {  	s2 =	rddreg [dreg:$0x2];
	s3 =	simm.s32 $0x0  }
0x4: {  	s17 =	stileid.u32;
	s4 =	srdreg.scid;
	s28 =	simm.s32 $0x600  }
0x5: {  	s29 =	simm.s32 $0x2;
	s30 =	simm.s32 $0x5800;
	s7 =	smul.u32 $0x3F, s17  }
0x6: {  	s31 =	simm.s32 $0x5;
	[smem:$0x7FF] =	sst s3;
	s8 =	smul.u32 $0x3E, s17  }
0x7: {  	s5 =	sadd.s32 $0x1C00, s0;
	s6 =	sadd.s32 $0x6C00, s0;
	s11 =	smul.u32 $0x270, s17  }
0x8: {  	s4 =	sand.u32 $0x1, s4;
	s0 =	sadd.s32 $0xBC00, s0;
	s22 =	smul.u32 $0x26C0, s17  }
0x9: {  	p0 =	slt.u32 s17, $0x8;
	s13 =	smin.u32 s17, $0x8;
	s9 =	smul.u32 $0x2710, s4  }
0xa: {  	p1 =	sgt.u32 s17, $0x7;
	s10 =	ssub.s32 $0x2, s4;
	s4 =	smul.u32 $0x27100, s4  }
0xb: {  	p2 =	seq.s32 s17, $0x0;
	_ =	strace $0x80000050;
	s13 =	smul.u32 $0xA0, s13  }
0xc: {  	s12 =	sshrl.u32 s10, $0x1;
	s8 =	sadd.s32 $0x8, s8;
	s11 =	sadd.s32 $0x10, s11  }
0xd: {  	s8 =	smov.u32 @p0 s7;
	s10 =	ssub.s32 s10, s12;
	s21 =	sshll.u32 s11, $0x7  }
0xe: {  	s11 =	sadd.s32 s9, s11;
	s23 =	sadd.s32 s1, s4;
	s12 =	sadd.s32 s13, s22  }
0xf: {  	p0 =	sne.s32 s17, $0x0;
	s17 =	simm.s32 $0x300;
	v0 =	vmov s9;
	s9 =	simm.s32 $0x4  }
0x10: {  	s8 =	smul.u32 $0xA0, s8;
	s7 =	sadd.s32 s21, s2;
	s11 =	sshll.u32 s11, $0x4  }
0x11: {  	[dreg:$0xb] =	wrdreg s23;
	s16 =	sadd.s32 $0x320, s12;
	s19 =	sadd.s32 $0x1E0, s12  }
0x12: {  	s22 =	sadd.s32 $0x140, s12;
	s14 =	sadd.s32 s1, s11;
	s16 =	sshrl.u32 s16, $0x3  }
0x13: {  	s11 =	sadd.s32 s0, s11;
	s20 =	sshrl.u32 s19, $0x3;
	[dreg:$0xa] =	wrdreg s14  }
0x14: {  	s0 =	sadd.s32 s0, s4;
	s4 =	simm.s32 $0x3;
	[dreg:$0x11] =	wrdreg s11  }
0x15: {  	s8 =	sshrl.u32 s8, $0x3;
	s18 =	sadd.s32 s16, s6;
	[dreg:$0x12] =	wrdreg s0  }
0x16: {  	s21 =	sadd.s32 s20, s6;
	s23 =	sadd.s32 s20, s5;
	[dreg:$0x4] =	wrdreg s18  }
0x17: {  	s11 =	sadd.s32 $0x280, s12;
	s20 =	simm.s32 $0x400;
	[dreg:$0x6] =	wrdreg s21  }
0x18: {  	s0 =	simm.s32 $0x7;
	s24 =	sadd.s32 s5, s8;
	[dreg:$0x7] =	wrdreg s23  }
0x19: {  	s25 =	sadd.s32 $0x14, s8;
	s15 =	sadd.s32 s6, s8;
	[dreg:$0xc] =	wrdreg s24  }
0x1a: {  	s8 =	sadd.s32 $0x4D8, s8;
	[dreg:$0xd] =	wrdreg s15;
	s26 =	sadd.s32 s5, s25  }
0x1b: {  	s18 =	smax.u32 s10, $0x1;
	s14 =	sadd.s32 s6, s25;
	[dreg:$0xe] =	wrdreg s26  }
0x1c: {  	s21 =	simm.s32 $0x100;
	s15 =	sadd.s32 s5, s8;
	[dreg:$0xf] =	wrdreg s14  }
0x1d: {  	s23 =	simm.s32 $0x1;
	s24 =	sshrl.u32 s22, $0x3;
	[dreg:$0x10] =	wrdreg s15  }
.Ltmp0:
0x1e: {  	s15 =	sadd.s32 s6, s8;
	s8 =	sadd.s32 s16, s5;
	(pc) =	sbr.rel .LBB2_1-.Ltmp0, $4  }
0x1f: {  	s10 =	simm.s32 $0x0;
	s25 =	sadd.s32 s24, s6;
	[dreg:$0x5] =	wrdreg s8  }
0x20: {  	s22 =	simm.s32 $0x500;
	s26 =	sadd.s32 s24, s5;
	[dreg:$0x8] =	wrdreg s25  }
0x21: {  	s24 =	simm.s32 $0xA0;
	s16 =	simm.s32 $0x700;
	[dreg:$0x9] =	wrdreg s26  }
0x22: {  	s25 =	simm.s32 $0x800;
	s26 =	simm.s32 $0x200;
	s8 =	simm.s32 $0x6  }
.LBB2_6:
0x23: {  	_ =	swait.ge [sflag:s8], $0x5000  }
0x24: {  	[sflag:s8] =	ssyncset.done $0x0  }
0x25: {  	[sflag:s8] =	ssyncadd.s32 $0xFFFFB000  }
0x26: {  	[spmem:s2] =	stream.indirect.scatter.add.f32 [tilespmem:s30], [sflag:$0x7], $0x80, s22, s24, $0xb8;
	[tilespmem:$0x1E080] =	vst v63  }
0x27: {  	_ =	swait.ge [sflag:s0], $0x5000  }
0x28: {  	[sflag:s0] =	ssyncset.done $0x0  }
0x29: {  	[sflag:s0] =	ssyncadd.s32 $0xFFFFB000  }
0x2a: {  	[bflag:$0x0] =	sbarrier.arrive $0xFFFF  }
.LBB2_7:
0x2b: {  	s12 =	stileid.u32  }
0x2c: {  	s12 =	sshll.u32 s12, $0x6  }
0x2d: {  	s13 =	sshrl.u32 s7, $0x3;
	s14 =	rddreg [dreg:$0x11];
	s12 =	sor.u32 $0x1C07, s12  }
0x2e: {  	[hbm:s14], [sflag:s12] =	dma.local [spmem:s13], $0x2700  }
0x2f: {  	_ =	swait.ge [sflag:s0], $0x2700  }
0x30: {  	[sflag:s0] =	ssyncset.done $0x0  }
0x31: {  	[sflag:s0] =	ssyncadd.s32 $0xFFFFD900  }
.LBB2_8:
0x32: {  	s10 =	sadd.s32 $0x1, s10  }
0x33: {  	p3 =	sne.s32 s10, s18  }
.Ltmp1:
0x34: {  	_ = 	snop;
	(pc) =	sbr.rel @!p3 .LBB2_9-.Ltmp1, $2  }
0x35: {  	_ =	sdelay $0x1  }
0x36: {  	[bflag:$0x0] =	sbarrier.arrive $0xFFFF;
	_ =	sdelay $0x1  }
.LBB2_1:
0x37: {  	s12 =	stileid.u32  }
0x38: {  	s12 =	sshll.u32 @p0 s12, $0x6  }
0x39: {  	s19 =	sshrl.u32 @p0 s7, $0x3;
	s13 =	rddreg [dreg:$0xa];
	s12 =	sor.u32 @p0 $0x1C07, s12  }
0x3a: {  	[spmem:s19], [sflag:s12] =	dma.local @p0 [hbm:s13], $0x2700  }
0x3b: {  	s12 =	simm.s32 @p0 $0x7  }
0x3c: {  	_ =	swait.ge @p0 [sflag:s12], $0x2700  }
0x3d: {  	s19 =	simm.s32 @!p0 $0x1C07;
	[sflag:s12] =	ssyncset.done @p0 $0x0  }
0x3e: {  	s13 =	rddreg [dreg:$0xb];
	[sflag:s12] =	ssyncadd.s32 @p0 $0xFFFFD900;
	s12 =	sshrl.u32 @!p0 s2, $0x3  }
0x3f: {  	[spmem:s12], [sflag:s19] =	dma.local @!p0 [hbm:s13], $0x2800  }
0x40: {  	s12 =	simm.s32 @!p0 $0x7  }
0x41: {  	_ =	swait.ge @!p0 [sflag:s12], $0x2800  }
0x42: {  	[sflag:s12] =	ssyncset.done @!p0 $0x0  }
0x43: {  	[sflag:s12] =	ssyncadd.s32 @!p0 $0xFFFFD800  }
0x44: {  	[bflag:$0x0] =	sbarrier.arrive $0xFFFF  }
0x45: {  	s19 =	rddreg [dreg:$0xc]  }
0x46: {  	[tilespmem:s3], [sflag:$0x1] =	stream.linear.gather [hbm4b:s19+s3], $0xA0, $0x38;
	[tilespmem:$0x1E080] =	vst v63  }
0x47: {  	s13 =	rddreg [dreg:$0xd]  }
0x48: {  	[tilespmem:s20], [sflag:$0x1] =	stream.linear.gather [hbm4b:s13+s3], $0xA0, $0x38;
	[tilespmem:$0x1E080] =	vst v63  }
0x49: {  	s14 =	rddreg [dreg:$0xe]  }
0x4a: {  	[tilespmem:s21], [sflag:$0x2] =	stream.linear.gather [hbm4b:s14+s3], $0xA0, $0x38;
	[tilespmem:$0x1E080] =	vst v63  }
0x4b: {  	s19 =	rddreg [dreg:$0xf]  }
0x4c: {  	[tilespmem:s22], [sflag:$0x2] =	stream.linear.gather [hbm4b:s19+s3], $0xA0, $0x38;
	[tilespmem:$0x1E080] =	vst v63  }
0x4d: {  	_ =	swait.ge [sflag:s23], $0xA0  }
0x4e: {  	[sflag:s23] =	ssyncset.done $0x0  }
0x4f: {  	[sflag:s23] =	ssyncadd.s32 $0xFFFFFF60  }
0x50: {  	_ =	swait.ge [sflag:s23], $0xA0  }
0x51: {  	[sflag:s23] =	ssyncset.done $0x0  }
0x52: {  	[sflag:s23] =	ssyncadd.s32 $0xFFFFFF60  }
0x53: {  	v1 =	vld [tilespmem:$0x0]  }
0x54: {  	v2 =	vld [tilespmem:$0x10]  }
0x55: {  	v3 =	vld [tilespmem:$0x20]  }
0x56: {  	v4 =	vld [tilespmem:$0x30]  }
0x57: {  	v5 =	vld [tilespmem:$0x40]  }
0x58: {  	v6 =	vld [tilespmem:$0x50];
	v1 =	vadd.s32 v0, v1  }
0x59: {  	[tilespmem:$0x0] =	vst v1;
	v1 =	vadd.s32 v0, v2;
	v2 =	vld [tilespmem:$0x60]  }
0x5a: {  	[tilespmem:$0x10] =	vst v1;
	v1 =	vadd.s32 v0, v3;
	v3 =	vld [tilespmem:$0x70]  }
0x5b: {  	v62 =	vld [tilespmem:$0x80];
	[tilespmem:$0x20] =	vst v1;
	v1 =	vadd.s32 v0, v4  }
0x5c: {  	v63 =	vld [tilespmem:$0x90];
	[tilespmem:$0x30] =	vst v1;
	v1 =	vadd.s32 v0, v5  }
0x5d: {  	[tilespmem:$0x40] =	vst v1;
	v1 =	vadd.s32 v0, v6  }
0x5e: {  	[tilespmem:$0x50] =	vst v1;
	v1 =	vadd.s32 v0, v2  }
0x5f: {  	[tilespmem:$0x60] =	vst v1;
	v1 =	vadd.s32 v0, v3  }
0x60: {  	[tilespmem:$0x70] =	vst v1;
	v1 =	vadd.s32 v0, v62  }
0x61: {  	[tilespmem:$0x80] =	vst v1;
	v1 =	vadd.s32 v0, v63  }
0x62: {  	s12 =	simm.s32 $0x0;
	s19 =	smov.u32 s11;
	[tilespmem:$0x90] =	vst v1  }
0x63: {  	[tilespmem:s25], [sflag:$0x5] =	stream.indirect.gather [hbm4b:s1+s24], $0x80, s3, s24, $0xb8;
	[tilespmem:$0x1E080] =	vst v63  }
.LBB2_2:
0x64: {  	s13 =	rddreg [dreg:$0x9]  }
0x65: {  	s14 =	rddreg [dreg:$0x8];
	s13 =	sadd.s32 s12, s13  }
0x66: {  	[tilespmem:s26], [sflag:$0x3] =	stream.linear.gather [hbm4b:s13+s3], $0xA0, $0x38;
	[tilespmem:$0x1E080] =	vst v63  }
0x67: {  	s14 =	sadd.s32 s12, s14  }
0x68: {  	[tilespmem:s28], [sflag:$0x3] =	stream.linear.gather [hbm4b:s14+s3], $0xA0, $0x38;
	[tilespmem:$0x1E080] =	vst v63  }
0x69: {  	_ =	swait.ge [sflag:s29], $0xA0  }
0x6a: {  	[sflag:s29] =	ssyncset.done $0x0  }
0x6b: {  	[sflag:s29] =	ssyncadd.s32 $0xFFFFFF60  }
0x6c: {  	_ =	swait.ge [sflag:s29], $0xA0  }
0x6d: {  	[sflag:s29] =	ssyncset.done $0x0  }
0x6e: {  	[sflag:s29] =	ssyncadd.s32 $0xFFFFFF60  }
0x6f: {  	v1 =	vld [tilespmem:$0x100]  }
0x70: {  	v2 =	vld [tilespmem:$0x110]  }
0x71: {  	v3 =	vld [tilespmem:$0x120]  }
0x72: {  	v4 =	vld [tilespmem:$0x130]  }
0x73: {  	v5 =	vld [tilespmem:$0x140]  }
0x74: {  	v6 =	vld [tilespmem:$0x150];
	v1 =	vadd.s32 v0, v1  }
0x75: {  	[tilespmem:$0x100] =	vst v1;
	v1 =	vadd.s32 v0, v2;
	v2 =	vld [tilespmem:$0x160]  }
0x76: {  	[tilespmem:$0x110] =	vst v1;
	v1 =	vadd.s32 v0, v3;
	v3 =	vld [tilespmem:$0x170]  }
0x77: {  	v47 =	vld [tilespmem:$0x180];
	[tilespmem:$0x120] =	vst v1;
	v1 =	vadd.s32 v0, v4  }
0x78: {  	v48 =	vld [tilespmem:$0x190];
	[tilespmem:$0x130] =	vst v1;
	v1 =	vadd.s32 v0, v5  }
0x79: {  	[tilespmem:$0x140] =	vst v1;
	v1 =	vadd.s32 v0, v6  }
0x7a: {  	[tilespmem:$0x150] =	vst v1;
	v1 =	vadd.s32 v0, v2  }
0x7b: {  	[tilespmem:$0x160] =	vst v1;
	v1 =	vadd.s32 v0, v3  }
0x7c: {  	[tilespmem:$0x170] =	vst v1;
	v1 =	vadd.s32 v0, v47  }
0x7d: {  	[tilespmem:$0x180] =	vst v1;
	v1 =	vadd.s32 v0, v48  }
0x7e: {  	[tilespmem:$0x190] =	vst v1  }
0x7f: {  	[tilespmem:s30], [sflag:$0x6] =	stream.indirect.gather [hbm4b:s1+s24], $0x80, s21, s24, $0xb8;
	[tilespmem:$0x1E080] =	vst v63  }
0x80: {  	_ =	swait.ge [sflag:s31], $0x5000  }
0x81: {  	[sflag:s31] =	ssyncset.done $0x0  }
0x82: {  	[sflag:s31] =	ssyncadd.s32 $0xFFFFB000  }
0x83: {  	[spmem:s2] =	stream.indirect.scatter.add.f32 [tilespmem:s25], [sflag:$0x7], $0x80, s20, s24, $0xb8;
	[tilespmem:$0x1E080] =	vst v63  }
0x84: {  	_ =	swait.ge [sflag:s0], $0x5000  }
0x85: {  	s13 =	rddreg [dreg:$0x7];
	[sflag:s0] =	ssyncset.done $0x0  }
0x86: {  	s14 =	rddreg [dreg:$0x6];
	[sflag:s0] =	ssyncadd.s32 $0xFFFFB000;
	s13 =	sadd.s32 s12, s13  }
0x87: {  	[tilespmem:s17], [sflag:$0x4] =	stream.linear.gather [hbm4b:s13+s3], $0xA0, $0x38;
	[tilespmem:$0x1E080] =	vst v63  }
0x88: {  	s14 =	sadd.s32 s12, s14  }
0x89: {  	[tilespmem:s16], [sflag:$0x4] =	stream.linear.gather [hbm4b:s14+s3], $0xA0, $0x38;
	[tilespmem:$0x1E080] =	vst v63  }
0x8a: {  	_ =	swait.ge [sflag:s4], $0xA0  }
0x8b: {  	[sflag:s4] =	ssyncset.done $0x0  }
0x8c: {  	[sflag:s4] =	ssyncadd.s32 $0xFFFFFF60  }
0x8d: {  	_ =	swait.ge [sflag:s4], $0xA0  }
0x8e: {  	[sflag:s4] =	ssyncset.done $0x0  }
0x8f: {  	[sflag:s4] =	ssyncadd.s32 $0xFFFFFF60  }
0x90: {  	v1 =	vld [tilespmem:$0x200]  }
0x91: {  	v2 =	vld [tilespmem:$0x210]  }
0x92: {  	v3 =	vld [tilespmem:$0x220]  }
0x93: {  	v49 =	vld [tilespmem:$0x230]  }
0x94: {  	v50 =	vld [tilespmem:$0x240]  }
0x95: {  	v51 =	vld [tilespmem:$0x250];
	v1 =	vadd.s32 v0, v1  }
0x96: {  	[tilespmem:$0x200] =	vst v1;
	v1 =	vadd.s32 v0, v2;
	v2 =	vld [tilespmem:$0x260]  }
0x97: {  	[tilespmem:$0x210] =	vst v1;
	v1 =	vadd.s32 v0, v3;
	v3 =	vld [tilespmem:$0x270]  }
0x98: {  	v52 =	vld [tilespmem:$0x280];
	[tilespmem:$0x220] =	vst v1;
	v1 =	vadd.s32 v0, v49  }
0x99: {  	v53 =	vld [tilespmem:$0x290];
	[tilespmem:$0x230] =	vst v1;
	v1 =	vadd.s32 v0, v50  }
0x9a: {  	[tilespmem:$0x240] =	vst v1;
	v1 =	vadd.s32 v0, v51  }
0x9b: {  	[tilespmem:$0x250] =	vst v1;
	v1 =	vadd.s32 v0, v2  }
0x9c: {  	[tilespmem:$0x260] =	vst v1;
	v1 =	vadd.s32 v0, v3  }
0x9d: {  	[tilespmem:$0x270] =	vst v1;
	v1 =	vadd.s32 v0, v52  }
0x9e: {  	[tilespmem:$0x280] =	vst v1;
	v1 =	vadd.s32 v0, v53  }
0x9f: {  	[tilespmem:$0x290] =	vst v1  }
0xa0: {  	[tilespmem:s25], [sflag:$0x5] =	stream.indirect.gather [hbm4b:s1+s24], $0x80, s26, s24, $0xb8;
	[tilespmem:$0x1E080] =	vst v63  }
0xa1: {  	_ =	swait.ge [sflag:s8], $0x5000  }
0xa2: {  	[sflag:s8] =	ssyncset.done $0x0  }
0xa3: {  	[sflag:s8] =	ssyncadd.s32 $0xFFFFB000  }
0xa4: {  	[spmem:s2] =	stream.indirect.scatter.add.f32 [tilespmem:s30], [sflag:$0x7], $0x80, s22, s24, $0xb8;
	[tilespmem:$0x1E080] =	vst v63  }
0xa5: {  	_ =	swait.ge [sflag:s0], $0x5000  }
0xa6: {  	s13 =	sshrl.u32 s19, $0x3;
	[sflag:s0] =	ssyncset.done $0x0  }
0xa7: {  	s14 =	sadd.s32 s5, s13;
	[sflag:s0] =	ssyncadd.s32 $0xFFFFB000  }
0xa8: {  	[tilespmem:s3], [sflag:$0x1] =	stream.linear.gather [hbm4b:s14+s3], $0xA0, $0x38;
	[tilespmem:$0x1E080] =	vst v63  }
0xa9: {  	s13 =	sadd.s32 s6, s13  }
0xaa: {  	[tilespmem:s20], [sflag:$0x1] =	stream.linear.gather [hbm4b:s13+s3], $0xA0, $0x38;
	[tilespmem:$0x1E080] =	vst v63  }
0xab: {  	_ =	swait.ge [sflag:s9], $0xA0  }
0xac: {  	[sflag:s9] =	ssyncset.done $0x0  }
0xad: {  	[sflag:s9] =	ssyncadd.s32 $0xFFFFFF60  }
0xae: {  	_ =	swait.ge [sflag:s9], $0xA0  }
0xaf: {  	[sflag:s9] =	ssyncset.done $0x0  }
0xb0: {  	[sflag:s9] =	ssyncadd.s32 $0xFFFFFF60  }
0xb1: {  	v1 =	vld [tilespmem:$0x300]  }
0xb2: {  	v2 =	vld [tilespmem:$0x310]  }
0xb3: {  	v3 =	vld [tilespmem:$0x320]  }
0xb4: {  	v54 =	vld [tilespmem:$0x330]  }
0xb5: {  	v55 =	vld [tilespmem:$0x340]  }
0xb6: {  	v56 =	vld [tilespmem:$0x350];
	v1 =	vadd.s32 v0, v1  }
0xb7: {  	[tilespmem:$0x300] =	vst v1;
	v1 =	vadd.s32 v0, v2;
	v2 =	vld [tilespmem:$0x360]  }
0xb8: {  	[tilespmem:$0x310] =	vst v1;
	v1 =	vadd.s32 v0, v3;
	v3 =	vld [tilespmem:$0x370]  }
0xb9: {  	v57 =	vld [tilespmem:$0x380];
	[tilespmem:$0x320] =	vst v1;
	v1 =	vadd.s32 v0, v54  }
0xba: {  	v58 =	vld [tilespmem:$0x390];
	[tilespmem:$0x330] =	vst v1;
	v1 =	vadd.s32 v0, v55  }
0xbb: {  	[tilespmem:$0x340] =	vst v1;
	v1 =	vadd.s32 v0, v56  }
0xbc: {  	[tilespmem:$0x350] =	vst v1;
	v1 =	vadd.s32 v0, v2  }
0xbd: {  	[tilespmem:$0x360] =	vst v1;
	v1 =	vadd.s32 v0, v3  }
0xbe: {  	[tilespmem:$0x370] =	vst v1;
	v1 =	vadd.s32 v0, v57  }
0xbf: {  	[tilespmem:$0x380] =	vst v1;
	v1 =	vadd.s32 v0, v58  }
0xc0: {  	[tilespmem:$0x390] =	vst v1  }
0xc1: {  	[tilespmem:s30], [sflag:$0x6] =	stream.indirect.gather [hbm4b:s1+s24], $0x80, s17, s24, $0xb8;
	[tilespmem:$0x1E080] =	vst v63  }
0xc2: {  	_ =	swait.ge [sflag:s31], $0x5000  }
0xc3: {  	[sflag:s31] =	ssyncset.done $0x0  }
0xc4: {  	[sflag:s31] =	ssyncadd.s32 $0xFFFFB000  }
0xc5: {  	[spmem:s2] =	stream.indirect.scatter.add.f32 [tilespmem:s25], [sflag:$0x7], $0x80, s28, s24, $0xb8;
	[tilespmem:$0x1E080] =	vst v63  }
0xc6: {  	_ =	swait.ge [sflag:s0], $0x5000  }
0xc7: {  	s13 =	rddreg [dreg:$0x5];
	[sflag:s0] =	ssyncset.done $0x0  }
0xc8: {  	s14 =	rddreg [dreg:$0x4];
	[sflag:s0] =	ssyncadd.s32 $0xFFFFB000;
	s13 =	sadd.s32 s12, s13  }
0xc9: {  	[tilespmem:s21], [sflag:$0x2] =	stream.linear.gather [hbm4b:s13+s3], $0xA0, $0x38;
	[tilespmem:$0x1E080] =	vst v63  }
0xca: {  	s14 =	sadd.s32 s12, s14  }
0xcb: {  	[tilespmem:s22], [sflag:$0x2] =	stream.linear.gather [hbm4b:s14+s3], $0xA0, $0x38;
	[tilespmem:$0x1E080] =	vst v63  }
0xcc: {  	_ =	swait.ge [sflag:s23], $0xA0  }
0xcd: {  	[sflag:s23] =	ssyncset.done $0x0  }
0xce: {  	[sflag:s23] =	ssyncadd.s32 $0xFFFFFF60  }
0xcf: {  	_ =	swait.ge [sflag:s23], $0xA0  }
0xd0: {  	[sflag:s23] =	ssyncset.done $0x0  }
0xd1: {  	[sflag:s23] =	ssyncadd.s32 $0xFFFFFF60  }
0xd2: {  	v1 =	vld [tilespmem:$0x0]  }
0xd3: {  	v2 =	vld [tilespmem:$0x10]  }
0xd4: {  	v3 =	vld [tilespmem:$0x20]  }
0xd5: {  	v59 =	vld [tilespmem:$0x30]  }
0xd6: {  	v60 =	vld [tilespmem:$0x40]  }
0xd7: {  	v61 =	vld [tilespmem:$0x50];
	v1 =	vadd.s32 v0, v1  }
0xd8: {  	[tilespmem:$0x0] =	vst v1;
	v1 =	vadd.s32 v0, v2;
	v2 =	vld [tilespmem:$0x60]  }
0xd9: {  	[tilespmem:$0x10] =	vst v1;
	v1 =	vadd.s32 v0, v3;
	v3 =	vld [tilespmem:$0x70]  }
0xda: {  	v62 =	vld [tilespmem:$0x80];
	[tilespmem:$0x20] =	vst v1;
	v1 =	vadd.s32 v0, v59  }
0xdb: {  	v63 =	vld [tilespmem:$0x90];
	[tilespmem:$0x30] =	vst v1;
	v1 =	vadd.s32 v0, v60  }
0xdc: {  	[tilespmem:$0x40] =	vst v1;
	v1 =	vadd.s32 v0, v61  }
0xdd: {  	[tilespmem:$0x50] =	vst v1;
	v1 =	vadd.s32 v0, v2  }
0xde: {  	[tilespmem:$0x60] =	vst v1;
	v1 =	vadd.s32 v0, v3  }
0xdf: {  	[tilespmem:$0x70] =	vst v1;
	v1 =	vadd.s32 v0, v62  }
0xe0: {  	[tilespmem:$0x80] =	vst v1;
	v1 =	vadd.s32 v0, v63  }
0xe1: {  	[tilespmem:$0x90] =	vst v1  }
0xe2: {  	[tilespmem:s25], [sflag:$0x5] =	stream.indirect.gather [hbm4b:s1+s24], $0x80, s3, s24, $0xb8;
	[tilespmem:$0x1E080] =	vst v63  }
0xe3: {  	_ =	swait.ge [sflag:s8], $0x5000  }
0xe4: {  	p3 =	sne.s32 s12, $0x460;
	[sflag:s8] =	ssyncset.done $0x0  }
.Ltmp2:
0xe5: {  	[sflag:s8] =	ssyncadd.s32 $0xFFFFB000;
	(pc) =	sbr.rel @p3 .LBB2_2-.Ltmp2, $4  }
0xe6: {  	[spmem:s2] =	stream.indirect.scatter.add.f32 [tilespmem:s30], [sflag:$0x7], $0x80, s16, s24, $0xb8;
	[tilespmem:$0x1E080] =	vst v63  }
0xe7: {  	_ =	swait.ge [sflag:s0], $0x5000  }
0xe8: {  	[sflag:s0] =	ssyncset.done $0x0  }
0xe9: {  	s19 =	sadd.s32 $0x280, s19;
	s12 =	sadd.s32 $0x50, s12;
	[sflag:s0] =	ssyncadd.s32 $0xFFFFB000  }
0xea: {  	s12 =	simm.s32 @!p1 $0x0;
	s13 =	simm.s32 @!p1 $0x200;
	s14 =	rddreg [dreg:$0x10]  }
0xeb: {  	[tilespmem:s13], [sflag:$0x3] =	stream.linear.gather @!p1 [hbm4b:s14+s12], $0xA0, $0x38;
	[tilespmem:$0x1E080] =	vst v63  }
0xec: {  	s13 =	simm.s32 @!p1 $0x600  }
0xed: {  	[tilespmem:s13], [sflag:$0x3] =	stream.linear.gather @!p1 [hbm4b:s15+s12], $0xA0, $0x38;
	[tilespmem:$0x1E080] =	vst v63  }
0xee: {  	_ =	swait.ge [sflag:s29], $0xA0  }
0xef: {  	[sflag:s29] =	ssyncset.done $0x0  }
0xf0: {  	[sflag:s29] =	ssyncadd.s32 $0xFFFFFF60  }
0xf1: {  	_ =	swait.ge [sflag:s29], $0xA0  }
0xf2: {  	[sflag:s29] =	ssyncset.done $0x0  }
0xf3: {  	[sflag:s29] =	ssyncadd.s32 $0xFFFFFF60  }
0xf4: {  	v1 =	vld [tilespmem:$0x100]  }
0xf5: {  	v2 =	vld [tilespmem:$0x110]  }
0xf6: {  	v3 =	vld [tilespmem:$0x120]  }
0xf7: {  	v4 =	vld [tilespmem:$0x130]  }
0xf8: {  	v5 =	vld [tilespmem:$0x140]  }
0xf9: {  	v6 =	vld [tilespmem:$0x150];
	v1 =	vadd.s32 v0, v1  }
0xfa: {  	[tilespmem:$0x100] =	vst v1;
	v1 =	vadd.s32 v0, v2;
	v2 =	vld [tilespmem:$0x160]  }
0xfb: {  	[tilespmem:$0x110] =	vst v1;
	v1 =	vadd.s32 v0, v3;
	v3 =	vld [tilespmem:$0x170]  }
0xfc: {  	v62 =	vld [tilespmem:$0x180];
	[tilespmem:$0x120] =	vst v1;
	v1 =	vadd.s32 v0, v4  }
0xfd: {  	v63 =	vld [tilespmem:$0x190];
	[tilespmem:$0x130] =	vst v1;
	v1 =	vadd.s32 v0, v5  }
0xfe: {  	[tilespmem:$0x140] =	vst v1;
	v1 =	vadd.s32 v0, v6  }
0xff: {  	[tilespmem:$0x150] =	vst v1;
	v1 =	vadd.s32 v0, v2  }
0x100: {  	[tilespmem:$0x160] =	vst v1;
	v1 =	vadd.s32 v0, v3  }
0x101: {  	[tilespmem:$0x170] =	vst v1;
	v1 =	vadd.s32 v0, v62  }
0x102: {  	[tilespmem:$0x180] =	vst v1;
	v1 =	vadd.s32 v0, v63  }
0x103: {  	[tilespmem:$0x190] =	vst v1  }
0x104: {  	[tilespmem:s30], [sflag:$0x6] =	stream.indirect.gather [hbm4b:s1+s24], $0x80, s21, s24, $0xb8;
	[tilespmem:$0x1E080] =	vst v63  }
0x105: {  	_ =	swait.ge [sflag:s31], $0x5000  }
0x106: {  	[sflag:s31] =	ssyncset.done $0x0  }
.Ltmp3:
0x107: {  	[sflag:s31] =	ssyncadd.s32 $0xFFFFB000;
	(pc) =	sbr.rel @p1 .LBB2_6-.Ltmp3, $4  }
0x108: {  	[spmem:s2] =	stream.indirect.scatter.add.f32 [tilespmem:s25], [sflag:$0x7], $0x80, s20, s24, $0xb8;
	[tilespmem:$0x1E080] =	vst v63  }
0x109: {  	_ =	swait.ge [sflag:s0], $0x5000  }
0x10a: {  	[sflag:s0] =	ssyncset.done $0x0  }
0x10b: {  	[sflag:s0] =	ssyncadd.s32 $0xFFFFB000  }
0x10c: {  	_ =	swait.ge [sflag:s4], $0xA0  }
0x10d: {  	[sflag:s4] =	ssyncset.done $0x0  }
0x10e: {  	[sflag:s4] =	ssyncadd.s32 $0xFFFFFF60  }
0x10f: {  	_ =	swait.ge [sflag:s4], $0xA0  }
0x110: {  	[sflag:s4] =	ssyncset.done $0x0  }
0x111: {  	[sflag:s4] =	ssyncadd.s32 $0xFFFFFF60  }
0x112: {  	v1 =	vld [tilespmem:$0x200]  }
0x113: {  	v2 =	vld [tilespmem:$0x210]  }
0x114: {  	v3 =	vld [tilespmem:$0x220]  }
0x115: {  	v4 =	vld [tilespmem:$0x230]  }
0x116: {  	v5 =	vld [tilespmem:$0x240]  }
0x117: {  	v6 =	vld [tilespmem:$0x250];
	v1 =	vadd.s32 v0, v1  }
0x118: {  	[tilespmem:$0x200] =	vst v1;
	v1 =	vadd.s32 v0, v2;
	v2 =	vld [tilespmem:$0x260]  }
0x119: {  	[tilespmem:$0x210] =	vst v1;
	v1 =	vadd.s32 v0, v3;
	v3 =	vld [tilespmem:$0x270]  }
0x11a: {  	v62 =	vld [tilespmem:$0x280];
	[tilespmem:$0x220] =	vst v1;
	v1 =	vadd.s32 v0, v4  }
0x11b: {  	v63 =	vld [tilespmem:$0x290];
	[tilespmem:$0x230] =	vst v1;
	v1 =	vadd.s32 v0, v5  }
0x11c: {  	[tilespmem:$0x240] =	vst v1;
	v1 =	vadd.s32 v0, v6  }
0x11d: {  	[tilespmem:$0x250] =	vst v1;
	v1 =	vadd.s32 v0, v2  }
0x11e: {  	[tilespmem:$0x260] =	vst v1;
	v1 =	vadd.s32 v0, v3  }
0x11f: {  	[tilespmem:$0x270] =	vst v1;
	v1 =	vadd.s32 v0, v62  }
0x120: {  	[tilespmem:$0x280] =	vst v1;
	v1 =	vadd.s32 v0, v63  }
0x121: {  	[tilespmem:$0x290] =	vst v1  }
0x122: {  	[tilespmem:s25], [sflag:$0x5] =	stream.indirect.gather [hbm4b:s1+s24], $0x80, s26, s24, $0xb8;
	[tilespmem:$0x1E080] =	vst v63  }
0x123: {  	_ =	swait.ge [sflag:s8], $0x5000  }
0x124: {  	[sflag:s8] =	ssyncset.done $0x0  }
0x125: {  	[sflag:s8] =	ssyncadd.s32 $0xFFFFB000  }
0x126: {  	[spmem:s2] =	stream.indirect.scatter.add.f32 [tilespmem:s30], [sflag:$0x7], $0x80, s22, s24, $0xb8;
	[tilespmem:$0x1E080] =	vst v63  }
0x127: {  	_ =	swait.ge [sflag:s0], $0x5000  }
0x128: {  	[sflag:s0] =	ssyncset.done $0x0  }
0x129: {  	[sflag:s0] =	ssyncadd.s32 $0xFFFFB000  }
0x12a: {  	_ =	swait.ge [sflag:s31], $0x5000  }
0x12b: {  	[sflag:s31] =	ssyncset.done $0x0  }
0x12c: {  	[sflag:s31] =	ssyncadd.s32 $0xFFFFB000  }
0x12d: {  	[spmem:s2] =	stream.indirect.scatter.add.f32 [tilespmem:s25], [sflag:$0x7], $0x80, s28, s24, $0xb8;
	[tilespmem:$0x1E080] =	vst v63  }
.Ltmp4:
0x12e: {  	_ =	swait.ge [sflag:s0], $0x5000;
	(pc) =	sbr.rel @!p2 .LBB2_7-.Ltmp4, $3  }
0x12f: {  	[sflag:s0] =	ssyncset.done $0x0  }
0x130: {  	[sflag:s0] =	ssyncadd.s32 $0xFFFFB000  }
0x131: {  	[bflag:$0x0] =	sbarrier.arrive $0xFFFF;
	_ =	sdelay $0x1  }
0x132: {  	s12 =	sshrl.u32 s2, $0x3  }
.Ltmp5:
0x133: {  	s13 =	rddreg [dreg:$0x12];
	s14 =	simm.s32 $0x1C07;
	(pc) =	sbr.rel .LBB2_8-.Ltmp5, $4  }
0x134: {  	[hbm:s13], [sflag:s14] =	dma.local [spmem:s12], $0x2800  }
0x135: {  	_ =	swait.ge [sflag:s0], $0x2800  }
0x136: {  	[sflag:s0] =	ssyncset.done $0x0  }
0x137: {  	[sflag:s0] =	ssyncadd.s32 $0xFFFFD800  }
.LBB2_9:
0x138: {  	_ =	sfence.sel $0x180000  }
0x139: {  	[bflag:$0x0] =	sbarrier.arrive $0xFFFF  }
0x13a: {  	_ =	strace $0x90000050  }
0x13b: {  	[bflag:$0x2] =	sbarrier.arrive $0xFFFF  }
0x13c: {  	s0 =	rddreg [dreg:$0x3]  }
0x13d: {  	s0 =	sadd.s32 @!p0 $0x100000, s0  }
0x13e: {  	[sflag:s0] =	ssyncadd.tile.s32 @!p0 $0x1;
	_ =	shalt  }
.Lfunc_end2:
_tile_overlayer_lowered:
.L_overlay_start_2:
0x13f: {  	(tag) =	ssettag $0x2  }
0x140: {  	s0 =	rddreg [dreg:$0x0];
	s2 =	stileid.u32  }
0x141: {  	s1 =	rddreg [dreg:$0x1];
	p0 =	sne.s32 s2, $0x0  }
0x142: {  	s3 =	rddreg [dreg:$0x2];
	[bflag:$0x3] =	sbarrier.arrive $0xFFFF;
	s2 =	simm.s32 @!p0 $0x1C07  }
0x143: {  	[timem:s3], [sflag:s2] =	dma.local @!p0 [hbm:s0], s1  }
0x144: {  	s0 =	simm.s32 @!p0 $0x7  }
0x145: {  	_ =	swait.ge @!p0 [sflag:s0], s1  }
0x146: {  	s1 =	ssub.s32 @!p0 $0x0, s1;
	[sflag:s0] =	ssyncset.done @!p0 $0x0  }
0x147: {  	[sflag:s0] =	ssyncadd.s32 @!p0 s1  }
0x148: {  	[bflag:$0x3] =	sbarrier.arrive $0xFFFF  }
0x149: {  	_ =	shalt  }

</sc_bundles>
